<compile_context>
chip_gen: v7x
topology: tpu7x:2x2x1
jax: 0.10.2.dev20260603
libtpu: 0.0.44.dev20260713+nightly
codegen_flags: <defaults>
</compile_context>

<pallas_src>
import functools

import jax
import jax.numpy as jnp
from jax import lax
from jax.experimental import pallas as pl
from jax.experimental.pallas import tpu as pltpu
from jax.experimental.pallas import tpu_sc as plsc

_KEY_HI = 0
_KEY_LO = 42
_INV_KPROB = 2.0

_TC_BLOCK = 131072
_TC_CHUNK = 8192

_NW = 32
_SC_CHUNK = 4096
_SC_TOTAL = 786432

_ROT_A = (13, 15, 26, 6)
_ROT_B = (17, 29, 16, 24)


def _threefry_keep(idx):
    ks0 = jnp.uint32(_KEY_HI)
    ks1 = jnp.uint32(_KEY_LO)
    ks2 = jnp.uint32(_KEY_HI ^ _KEY_LO ^ 0x1BD11BDA)

    x0 = jnp.zeros(idx.shape, jnp.uint32) + ks0
    x1 = idx + ks1

    def rotl(x, d):
        return (x << jnp.uint32(d)) | (x >> jnp.uint32(32 - d))

    injections = ((ks1, ks2), (ks2, ks0), (ks0, ks1), (ks1, ks2), (ks2, ks0))
    for i, (a, b) in enumerate(injections):
        for r in _ROT_A if i % 2 == 0 else _ROT_B:
            x0 = x0 + x1
            x1 = rotl(x1, r)
            x1 = x1 ^ x0
        x0 = x0 + a
        x1 = x1 + b + jnp.uint32(i + 1)

    bits = x0 ^ x1
    return (bits >> jnp.uint32(31)) == jnp.uint32(1)


def _tc_block_body(values_ref, out_ref):
    j = pl.program_id(0) + _SC_TOTAL // _TC_BLOCK
    rows = _TC_CHUNK // 8
    for c in range(_TC_BLOCK // _TC_CHUNK):
        base = (j * _TC_BLOCK + c * _TC_CHUNK).astype(jnp.uint32)
        idx = (
            base
            + jax.lax.broadcasted_iota(jnp.uint32, (8, rows), 0) * rows
            + jax.lax.broadcasted_iota(jnp.uint32, (8, rows), 1)
        )
        keep = _threefry_keep(idx)
        v = values_ref[c * _TC_CHUNK : (c + 1) * _TC_CHUNK].reshape(8, rows)
        out = jnp.where(keep, v * _INV_KPROB, 0.0)
        out_ref[c * _TC_CHUNK : (c + 1) * _TC_CHUNK] = out.reshape(_TC_CHUNK)


def _tc_dropout(values):
    nnz = values.shape[0]
    tail = nnz - _SC_TOTAL
    skip = _SC_TOTAL // _TC_BLOCK
    grid = pl.cdiv(tail, _TC_BLOCK)
    return pl.pallas_call(
        _tc_block_body,
        grid=(grid,),
        in_specs=[pl.BlockSpec((_TC_BLOCK,), lambda j: (j + skip,))],
        out_specs=pl.BlockSpec((_TC_BLOCK,), lambda j: (j,)),
        out_shape=jax.ShapeDtypeStruct((tail,), values.dtype),
    )(values)


def _sc_dropout(values):
    per_w = _SC_TOTAL // _NW
    n_chunks = per_w // _SC_CHUNK
    mesh = plsc.VectorSubcoreMesh(core_axis_name="c", subcore_axis_name="s")

    @functools.partial(
        pl.kernel,
        mesh=mesh,
        out_type=jax.ShapeDtypeStruct((_SC_TOTAL,), jnp.float32),
        scratch_types=[
            pltpu.VMEM((2, _SC_CHUNK), jnp.float32),
            pltpu.VMEM((2, _SC_CHUNK), jnp.float32),
            pltpu.SemaphoreType.DMA,
            pltpu.SemaphoreType.DMA,
            pltpu.SemaphoreType.DMA,
            pltpu.SemaphoreType.DMA,
        ],
    )
    def k(values_hbm, out_hbm, vin, vout, sin0, sin1, sout0, sout1):
        wid = lax.axis_index("s") * 2 + lax.axis_index("c")
        base = wid * per_w
        sins = (sin0, sin1)
        souts = (sout0, sout1)

        def get_in(c, buf):
            return pltpu.make_async_copy(
                values_hbm.at[pl.ds(base + c * _SC_CHUNK, _SC_CHUNK)],
                vin.at[buf],
                sins[buf],
            )

        def put_out(c, buf):
            return pltpu.make_async_copy(
                vout.at[buf],
                out_hbm.at[pl.ds(base + c * _SC_CHUNK, _SC_CHUNK)],
                souts[buf],
            )

        get_in(0, 0).start()
        get_in(1, 1).start()
        lane = lax.iota(jnp.uint32, 16)

        def chunk_body(c, buf):
            get_in(c, buf).wait()

            @pl.when(c >= 2)
            def _():
                put_out(c - 2, buf).wait()

            cbase = (base + c * _SC_CHUNK).astype(jnp.uint32)

            def vec_body(q, _):
                idx = cbase + (q * 16).astype(jnp.uint32) + lane
                keep = _threefry_keep(idx)
                v = vin[buf, pl.ds(q * 16, 16)]
                vout[buf, pl.ds(q * 16, 16)] = jnp.where(keep, v * _INV_KPROB, 0.0)
                return ()

            lax.fori_loop(0, _SC_CHUNK // 16, vec_body, (), unroll=2)
            put_out(c, buf).start()

            @pl.when(c + 2 < n_chunks)
            def _():
                get_in(c + 2, buf).start()

        def pair_body(p, _):
            c = p * 2
            chunk_body(c, 0)
            chunk_body(c + 1, 1)
            return ()

        lax.fori_loop(0, n_chunks // 2, pair_body, ())
        put_out(n_chunks - 2, 0).wait()
        put_out(n_chunks - 1, 1).wait()

    return k(values)


@jax.jit
def _sparse_dropout(values):
    head = _sc_dropout(values)
    tail = _tc_dropout(values)
    return jnp.concatenate([head, tail])


def kernel(indices, values):
    return indices, _sparse_dropout(values)

# --- scband reference (transcript-rebuilt; emitter-appended) ---
"""Pipeline reference for scband-sparse-dropout-2714419331141 (READ-ONLY COPY).

The authoritative reference and input builder live on the scoring server;
editing this copy changes nothing except your own understanding.
"""

import jax, jax.numpy as jnp
import numpy as np

NNZ = 2684354
N = 16384
KPROB = 0.5

def setup_inputs(seed: int = 0) -> dict:
    key = jax.random.key(seed)
    k1, k2 = jax.random.split(key)
    indices = jax.random.randint(k1, (2, NNZ), 0, N).astype(jnp.int64)
    values = jax.random.normal(k2, (NNZ,), dtype=jnp.float32)
    return {"indices": indices, "values": values}

def reference(indices, values):
    # Faithful port of SparseDropout.forward in training mode.
    # torch: mask = (rand(nnz) + kprob).floor().bool(); keep masked entries,
    # scale kept values by 1/kprob. Dropping an entry from a sparse tensor is
    # mathematically identical to zeroing its value, so we keep static shapes
    # by zeroing dropped values (COO indices unchanged).
    mkey = jax.random.key(42)
    mask = jnp.floor(jax.random.uniform(mkey, values.shape, dtype=jnp.float32) + KPROB).astype(bool)
    new_values = jnp.where(mask, values * (1.0 / KPROB), jnp.zeros_like(values))
    return indices, new_values

if __name__ == "__main__":
    import jax
    _d = setup_inputs()
    print(jax.jit(kernel)(*tuple(_d.values())))

</pallas_src>

<mosaic_0001>
#map = affine_map<(d0, d1) -> (0)>
module attributes {stable_mosaic.version = 14 : i64} {
  func.func @k(%arg0: i32, %arg1: i32, %arg2: memref<2684354xf32, #tpu.memory_space<hbm>>, %arg3: memref<786432xf32, #tpu.memory_space<hbm>>, %arg4: memref<2x4096xf32, #tpu.memory_space<vmem>>, %arg5: memref<2x4096xf32, #tpu.memory_space<vmem>>, %arg6: memref<!tpu.dma_semaphore, #tpu.memory_space<semaphore_mem>>, %arg7: memref<!tpu.dma_semaphore, #tpu.memory_space<semaphore_mem>>, %arg8: memref<!tpu.dma_semaphore, #tpu.memory_space<semaphore_mem>>, %arg9: memref<!tpu.dma_semaphore, #tpu.memory_space<semaphore_mem>>) attributes {dimension_semantics = [#tpu.dimension_semantics<core_parallel>, #tpu.dimension_semantics<subcore_parallel>], iteration_bounds = array<i64: 2, 16>, scalar_prefetch = 0 : i64, scratch_operands = 6 : i64, tpu.core_type = #tpu.core_type<sc_vector_subcore>, window_params = [{transform_indices = #map}, {transform_indices = #map}]} {
    %mul3A = arith.constant 2 : i32
    %mul3A_0 = arith.muli %arg1, %mul3A : i32
    %add3A = arith.addi %mul3A_0, %arg0 : i32
    %mul3A_1 = arith.constant 24576 : i32
    %mul3A_2 = arith.muli %add3A, %mul3A_1 : i32
    %add3A_3 = arith.constant 0 : i32
    %add3A_4 = arith.addi %mul3A_2, %add3A_3 : i32
    %dma_start3A = arith.constant 0 : i32
    %dma_start3A_5 = arith.constant 0 : i32
    %dma_start3A_6 = tpu.memref_slice %arg4[%dma_start3A, %dma_start3A_5] : memref<2x4096xf32, #tpu.memory_space<vmem>> -> memref<1x4096xf32, #tpu.memory_space<vmem>>
    %dma_start3A_7 = tpu.memref_squeeze %dma_start3A_6 : memref<1x4096xf32, #tpu.memory_space<vmem>> -> memref<4096xf32, #tpu.memory_space<vmem>>
    %dma_start3A_8 = tpu.memref_slice %arg2[%add3A_4] : memref<2684354xf32, #tpu.memory_space<hbm>> -> memref<4096xf32, #tpu.memory_space<hbm>>
    %dma_start3A_9 = arith.constant 0 : i32
    %dma_start3A_10 = tpu.memref_slice %arg4[%dma_start3A, %dma_start3A_9] : memref<2x4096xf32, #tpu.memory_space<vmem>> -> memref<1x4096xf32, #tpu.memory_space<vmem>>
    %dma_start3A_11 = tpu.memref_squeeze %dma_start3A_10 : memref<1x4096xf32, #tpu.memory_space<vmem>> -> memref<4096xf32, #tpu.memory_space<vmem>>
    %dma_start3A_12 = tpu.memref_slice %arg2[%add3A_4] : memref<2684354xf32, #tpu.memory_space<hbm>> -> memref<4096xf32, #tpu.memory_space<hbm>>
    tpu.enqueue_dma source(%dma_start3A_12 : memref<4096xf32, #tpu.memory_space<hbm>>) target(%dma_start3A_11 : memref<4096xf32, #tpu.memory_space<vmem>>) target_semaphore(%arg6 : memref<!tpu.dma_semaphore, #tpu.memory_space<semaphore_mem>>)
    %add3A_13 = arith.constant 4096 : i32
    %add3A_14 = arith.addi %mul3A_2, %add3A_13 : i32
    %dma_start3A_15 = arith.constant 1 : i32
    %dma_start3A_16 = arith.constant 0 : i32
    %dma_start3A_17 = tpu.memref_slice %arg4[%dma_start3A_15, %dma_start3A_16] : memref<2x4096xf32, #tpu.memory_space<vmem>> -> memref<1x4096xf32, #tpu.memory_space<vmem>>
    %dma_start3A_18 = tpu.memref_squeeze %dma_start3A_17 : memref<1x4096xf32, #tpu.memory_space<vmem>> -> memref<4096xf32, #tpu.memory_space<vmem>>
    %dma_start3A_19 = tpu.memref_slice %arg2[%add3A_14] : memref<2684354xf32, #tpu.memory_space<hbm>> -> memref<4096xf32, #tpu.memory_space<hbm>>
    %dma_start3A_20 = arith.constant 0 : i32
    %dma_start3A_21 = tpu.memref_slice %arg4[%dma_start3A_15, %dma_start3A_20] : memref<2x4096xf32, #tpu.memory_space<vmem>> -> memref<1x4096xf32, #tpu.memory_space<vmem>>
    %dma_start3A_22 = tpu.memref_squeeze %dma_start3A_21 : memref<1x4096xf32, #tpu.memory_space<vmem>> -> memref<4096xf32, #tpu.memory_space<vmem>>
    %dma_start3A_23 = tpu.memref_slice %arg2[%add3A_14] : memref<2684354xf32, #tpu.memory_space<hbm>> -> memref<4096xf32, #tpu.memory_space<hbm>>
    tpu.enqueue_dma source(%dma_start3A_23 : memref<4096xf32, #tpu.memory_space<hbm>>) target(%dma_start3A_22 : memref<4096xf32, #tpu.memory_space<vmem>>) target_semaphore(%arg7 : memref<!tpu.dma_semaphore, #tpu.memory_space<semaphore_mem>>)
    %iota3A = tpu.iota {dimensions = array<i32: 0>} : vector<16xi32>
    %scan3A = arith.constant 0 : i32
    %scan3A_24 = arith.constant 3 : i32
    %scan3A_25 = arith.addi %scan3A, %scan3A_24 : i32
    %scan3A_26 = arith.constant 1 : i32
    scf.for %scan3A_49 = %scan3A to %scan3A_25 step %scan3A_26  : i32 {
      %mul3A_50 = arith.constant 2 : i32
      %mul3A_51 = arith.muli %scan3A_49, %mul3A_50 : i32
      %mul3A_52 = arith.constant 4096 : i32
      %mul3A_53 = arith.muli %mul3A_51, %mul3A_52 : i32
      %add3A_54 = arith.addi %mul3A_2, %mul3A_53 : i32
      %dma_wait3A_55 = arith.constant 0 : i32
      %dma_wait3A_56 = arith.constant 0 : i32
      %dma_wait3A_57 = tpu.memref_slice %arg4[%dma_wait3A_55, %dma_wait3A_56] : memref<2x4096xf32, #tpu.memory_space<vmem>> -> memref<1x4096xf32, #tpu.memory_space<vmem>>
      %dma_wait3A_58 = tpu.memref_squeeze %dma_wait3A_57 : memref<1x4096xf32, #tpu.memory_space<vmem>> -> memref<4096xf32, #tpu.memory_space<vmem>>
      %dma_wait3A_59 = tpu.memref_slice %arg2[%add3A_54] : memref<2684354xf32, #tpu.memory_space<hbm>> -> memref<4096xf32, #tpu.memory_space<hbm>>
      %dma_wait3A_60 = arith.constant 0 : i32
      %dma_wait3A_61 = tpu.memref_slice %arg4[%dma_wait3A_55, %dma_wait3A_60] : memref<2x4096xf32, #tpu.memory_space<vmem>> -> memref<1x4096xf32, #tpu.memory_space<vmem>>
      %dma_wait3A_62 = tpu.memref_squeeze %dma_wait3A_61 : memref<1x4096xf32, #tpu.memory_space<vmem>> -> memref<4096xf32, #tpu.memory_space<vmem>>
      %dma_wait3A_63 = tpu.memref_slice %arg2[%add3A_54] : memref<2684354xf32, #tpu.memory_space<hbm>> -> memref<4096xf32, #tpu.memory_space<hbm>>
      tpu.wait_dma2 semaphore(%arg6 : memref<!tpu.dma_semaphore, #tpu.memory_space<semaphore_mem>>) src(%dma_wait3A_63 : memref<4096xf32, #tpu.memory_space<hbm>>) dst(%dma_wait3A_62 : memref<4096xf32, #tpu.memory_space<vmem>>)
      %ge3A = arith.constant 2 : i32
      %ge3A_64 = arith.cmpi sge, %mul3A_51, %ge3A : i32
      %convert_element_type3A = arith.extui %ge3A_64 : i1 to i32
      %cond3A = arith.constant 0 : i32
      %cond3A_65 = arith.cmpi ne, %convert_element_type3A, %cond3A : i32
      scf.if %cond3A_65 {
        %sub3A = arith.constant 2 : i32
        %sub3A_138 = arith.subi %mul3A_51, %sub3A : i32
        %mul3A_139 = arith.constant 4096 : i32
        %mul3A_140 = arith.muli %sub3A_138, %mul3A_139 : i32
        %add3A_141 = arith.addi %mul3A_2, %mul3A_140 : i32
        %dma_wait3A_142 = arith.constant 0 : i32
        %dma_wait3A_143 = arith.constant 0 : i32
        %dma_wait3A_144 = tpu.memref_slice %arg5[%dma_wait3A_142, %dma_wait3A_143] : memref<2x4096xf32, #tpu.memory_space<vmem>> -> memref<1x4096xf32, #tpu.memory_space<vmem>>
        %dma_wait3A_145 = tpu.memref_squeeze %dma_wait3A_144 : memref<1x4096xf32, #tpu.memory_space<vmem>> -> memref<4096xf32, #tpu.memory_space<vmem>>
        %dma_wait3A_146 = tpu.memref_slice %arg3[%add3A_141] : memref<786432xf32, #tpu.memory_space<hbm>> -> memref<4096xf32, #tpu.memory_space<hbm>>
        %dma_wait3A_147 = tpu.memref_slice %arg3[%add3A_141] : memref<786432xf32, #tpu.memory_space<hbm>> -> memref<4096xf32, #tpu.memory_space<hbm>>
        %dma_wait3A_148 = arith.constant 0 : i32
        %dma_wait3A_149 = tpu.memref_slice %arg5[%dma_wait3A_142, %dma_wait3A_148] : memref<2x4096xf32, #tpu.memory_space<vmem>> -> memref<1x4096xf32, #tpu.memory_space<vmem>>
        %dma_wait3A_150 = tpu.memref_squeeze %dma_wait3A_149 : memref<1x4096xf32, #tpu.memory_space<vmem>> -> memref<4096xf32, #tpu.memory_space<vmem>>
        tpu.wait_dma2 semaphore(%arg8 : memref<!tpu.dma_semaphore, #tpu.memory_space<semaphore_mem>>) src(%dma_wait3A_150 : memref<4096xf32, #tpu.memory_space<vmem>>) dst(%dma_wait3A_147 : memref<4096xf32, #tpu.memory_space<hbm>>)
      } else {
      }
      %mul3A_66 = arith.constant 4096 : i32
      %mul3A_67 = arith.muli %mul3A_51, %mul3A_66 : i32
      %add3A_68 = arith.addi %mul3A_2, %mul3A_67 : i32
      %scan3A_69 = arith.constant 0 : i32
      %scan3A_70 = arith.constant 256 : i32
      %scan3A_71 = arith.addi %scan3A_69, %scan3A_70 : i32
      %scan3A_72 = arith.constant 2 : i32
      scf.for %scan3A_138 = %scan3A_69 to %scan3A_71 step %scan3A_72  : i32 {
        %mul3A_139 = arith.constant 16 : i32
        %mul3A_140 = arith.muli %scan3A_138, %mul3A_139 : i32
        %add3A_141 = arith.addi %add3A_68, %mul3A_140 : i32
        %add3A_142 = vector.broadcast %add3A_141 : i32 to vector<16xi32>
        %add3A_143 = arith.addi %add3A_142, %iota3A : vector<16xi32>
        %broadcast_in_dim3A = arith.constant 0 : i32
        %broadcast_in_dim3A_144 = vector.broadcast %broadcast_in_dim3A : i32 to vector<16xi32>
        %add3A_145 = arith.constant 0 : i32
        %add3A_146 = vector.broadcast %add3A_145 : i32 to vector<16xi32>
        %add3A_147 = arith.addi %broadcast_in_dim3A_144, %add3A_146 : vector<16xi32>
        %add3A_148 = arith.constant 42 : i32
        %add3A_149 = vector.broadcast %add3A_148 : i32 to vector<16xi32>
        %add3A_150 = arith.addi %add3A_143, %add3A_149 : vector<16xi32>
        %add3A_151 = arith.addi %add3A_147, %add3A_150 : vector<16xi32>
        %shift_left3A = arith.constant 13 : i32
        %shift_left3A_152 = vector.broadcast %shift_left3A : i32 to vector<16xi32>
        %shift_left3A_153 = arith.shli %add3A_150, %shift_left3A_152 : vector<16xi32>
        %shift_right_logical3A = arith.constant 19 : i32
        %shift_right_logical3A_154 = vector.broadcast %shift_right_logical3A : i32 to vector<16xi32>
        %shift_right_logical3A_155 = arith.shrui %add3A_150, %shift_right_logical3A_154 : vector<16xi32>
        %or3A = arith.ori %shift_left3A_153, %shift_right_logical3A_155 : vector<16xi32>
        %xor3A = arith.xori %or3A, %add3A_151 : vector<16xi32>
        %add3A_156 = arith.addi %add3A_151, %xor3A : vector<16xi32>
        %shift_left3A_157 = arith.constant 15 : i32
        %shift_left3A_158 = vector.broadcast %shift_left3A_157 : i32 to vector<16xi32>
        %shift_left3A_159 = arith.shli %xor3A, %shift_left3A_158 : vector<16xi32>
        %shift_right_logical3A_160 = arith.constant 17 : i32
        %shift_right_logical3A_161 = vector.broadcast %shift_right_logical3A_160 : i32 to vector<16xi32>
        %shift_right_logical3A_162 = arith.shrui %xor3A, %shift_right_logical3A_161 : vector<16xi32>
        %or3A_163 = arith.ori %shift_left3A_159, %shift_right_logical3A_162 : vector<16xi32>
        %xor3A_164 = arith.xori %or3A_163, %add3A_156 : vector<16xi32>
        %add3A_165 = arith.addi %add3A_156, %xor3A_164 : vector<16xi32>
        %shift_left3A_166 = arith.constant 26 : i32
        %shift_left3A_167 = vector.broadcast %shift_left3A_166 : i32 to vector<16xi32>
        %shift_left3A_168 = arith.shli %xor3A_164, %shift_left3A_167 : vector<16xi32>
        %shift_right_logical3A_169 = arith.constant 6 : i32
        %shift_right_logical3A_170 = vector.broadcast %shift_right_logical3A_169 : i32 to vector<16xi32>
        %shift_right_logical3A_171 = arith.shrui %xor3A_164, %shift_right_logical3A_170 : vector<16xi32>
        %or3A_172 = arith.ori %shift_left3A_168, %shift_right_logical3A_171 : vector<16xi32>
        %xor3A_173 = arith.xori %or3A_172, %add3A_165 : vector<16xi32>
        %add3A_174 = arith.addi %add3A_165, %xor3A_173 : vector<16xi32>
        %shift_left3A_175 = arith.constant 6 : i32
        %shift_left3A_176 = vector.broadcast %shift_left3A_175 : i32 to vector<16xi32>
        %shift_left3A_177 = arith.shli %xor3A_173, %shift_left3A_176 : vector<16xi32>
        %shift_right_logical3A_178 = arith.constant 26 : i32
        %shift_right_logical3A_179 = vector.broadcast %shift_right_logical3A_178 : i32 to vector<16xi32>
        %shift_right_logical3A_180 = arith.shrui %xor3A_173, %shift_right_logical3A_179 : vector<16xi32>
        %or3A_181 = arith.ori %shift_left3A_177, %shift_right_logical3A_180 : vector<16xi32>
        %xor3A_182 = arith.xori %or3A_181, %add3A_174 : vector<16xi32>
        %add3A_183 = arith.constant 42 : i32
        %add3A_184 = vector.broadcast %add3A_183 : i32 to vector<16xi32>
        %add3A_185 = arith.addi %add3A_174, %add3A_184 : vector<16xi32>
        %add3A_186 = arith.constant 466689008 : i32
        %add3A_187 = vector.broadcast %add3A_186 : i32 to vector<16xi32>
        %add3A_188 = arith.addi %xor3A_182, %add3A_187 : vector<16xi32>
        %add3A_189 = arith.constant 1 : i32
        %add3A_190 = vector.broadcast %add3A_189 : i32 to vector<16xi32>
        %add3A_191 = arith.addi %add3A_188, %add3A_190 : vector<16xi32>
        %add3A_192 = arith.addi %add3A_185, %add3A_191 : vector<16xi32>
        %shift_left3A_193 = arith.constant 17 : i32
        %shift_left3A_194 = vector.broadcast %shift_left3A_193 : i32 to vector<16xi32>
        %shift_left3A_195 = arith.shli %add3A_191, %shift_left3A_194 : vector<16xi32>
        %shift_right_logical3A_196 = arith.constant 15 : i32
        %shift_right_logical3A_197 = vector.broadcast %shift_right_logical3A_196 : i32 to vector<16xi32>
        %shift_right_logical3A_198 = arith.shrui %add3A_191, %shift_right_logical3A_197 : vector<16xi32>
        %or3A_199 = arith.ori %shift_left3A_195, %shift_right_logical3A_198 : vector<16xi32>
        %xor3A_200 = arith.xori %or3A_199, %add3A_192 : vector<16xi32>
        %add3A_201 = arith.addi %add3A_192, %xor3A_200 : vector<16xi32>
        %shift_left3A_202 = arith.constant 29 : i32
        %shift_left3A_203 = vector.broadcast %shift_left3A_202 : i32 to vector<16xi32>
        %shift_left3A_204 = arith.shli %xor3A_200, %shift_left3A_203 : vector<16xi32>
        %shift_right_logical3A_205 = arith.constant 3 : i32
        %shift_right_logical3A_206 = vector.broadcast %shift_right_logical3A_205 : i32 to vector<16xi32>
        %shift_right_logical3A_207 = arith.shrui %xor3A_200, %shift_right_logical3A_206 : vector<16xi32>
        %or3A_208 = arith.ori %shift_left3A_204, %shift_right_logical3A_207 : vector<16xi32>
        %xor3A_209 = arith.xori %or3A_208, %add3A_201 : vector<16xi32>
        %add3A_210 = arith.addi %add3A_201, %xor3A_209 : vector<16xi32>
        %shift_left3A_211 = arith.constant 16 : i32
        %shift_left3A_212 = vector.broadcast %shift_left3A_211 : i32 to vector<16xi32>
        %shift_left3A_213 = arith.shli %xor3A_209, %shift_left3A_212 : vector<16xi32>
        %shift_right_logical3A_214 = arith.constant 16 : i32
        %shift_right_logical3A_215 = vector.broadcast %shift_right_logical3A_214 : i32 to vector<16xi32>
        %shift_right_logical3A_216 = arith.shrui %xor3A_209, %shift_right_logical3A_215 : vector<16xi32>
        %or3A_217 = arith.ori %shift_left3A_213, %shift_right_logical3A_216 : vector<16xi32>
        %xor3A_218 = arith.xori %or3A_217, %add3A_210 : vector<16xi32>
        %add3A_219 = arith.addi %add3A_210, %xor3A_218 : vector<16xi32>
        %shift_left3A_220 = arith.constant 24 : i32
        %shift_left3A_221 = vector.broadcast %shift_left3A_220 : i32 to vector<16xi32>
        %shift_left3A_222 = arith.shli %xor3A_218, %shift_left3A_221 : vector<16xi32>
        %shift_right_logical3A_223 = arith.constant 8 : i32
        %shift_right_logical3A_224 = vector.broadcast %shift_right_logical3A_223 : i32 to vector<16xi32>
        %shift_right_logical3A_225 = arith.shrui %xor3A_218, %shift_right_logical3A_224 : vector<16xi32>
        %or3A_226 = arith.ori %shift_left3A_222, %shift_right_logical3A_225 : vector<16xi32>
        %xor3A_227 = arith.xori %or3A_226, %add3A_219 : vector<16xi32>
        %add3A_228 = arith.constant 466689008 : i32
        %add3A_229 = vector.broadcast %add3A_228 : i32 to vector<16xi32>
        %add3A_230 = arith.addi %add3A_219, %add3A_229 : vector<16xi32>
        %add3A_231 = arith.constant 0 : i32
        %add3A_232 = vector.broadcast %add3A_231 : i32 to vector<16xi32>
        %add3A_233 = arith.addi %xor3A_227, %add3A_232 : vector<16xi32>
        %add3A_234 = arith.constant 2 : i32
        %add3A_235 = vector.broadcast %add3A_234 : i32 to vector<16xi32>
        %add3A_236 = arith.addi %add3A_233, %add3A_235 : vector<16xi32>
        %add3A_237 = arith.addi %add3A_230, %add3A_236 : vector<16xi32>
        %shift_left3A_238 = arith.constant 13 : i32
        %shift_left3A_239 = vector.broadcast %shift_left3A_238 : i32 to vector<16xi32>
        %shift_left3A_240 = arith.shli %add3A_236, %shift_left3A_239 : vector<16xi32>
        %shift_right_logical3A_241 = arith.constant 19 : i32
        %shift_right_logical3A_242 = vector.broadcast %shift_right_logical3A_241 : i32 to vector<16xi32>
        %shift_right_logical3A_243 = arith.shrui %add3A_236, %shift_right_logical3A_242 : vector<16xi32>
        %or3A_244 = arith.ori %shift_left3A_240, %shift_right_logical3A_243 : vector<16xi32>
        %xor3A_245 = arith.xori %or3A_244, %add3A_237 : vector<16xi32>
        %add3A_246 = arith.addi %add3A_237, %xor3A_245 : vector<16xi32>
        %shift_left3A_247 = arith.constant 15 : i32
        %shift_left3A_248 = vector.broadcast %shift_left3A_247 : i32 to vector<16xi32>
        %shift_left3A_249 = arith.shli %xor3A_245, %shift_left3A_248 : vector<16xi32>
        %shift_right_logical3A_250 = arith.constant 17 : i32
        %shift_right_logical3A_251 = vector.broadcast %shift_right_logical3A_250 : i32 to vector<16xi32>
        %shift_right_logical3A_252 = arith.shrui %xor3A_245, %shift_right_logical3A_251 : vector<16xi32>
        %or3A_253 = arith.ori %shift_left3A_249, %shift_right_logical3A_252 : vector<16xi32>
        %xor3A_254 = arith.xori %or3A_253, %add3A_246 : vector<16xi32>
        %add3A_255 = arith.addi %add3A_246, %xor3A_254 : vector<16xi32>
        %shift_left3A_256 = arith.constant 26 : i32
        %shift_left3A_257 = vector.broadcast %shift_left3A_256 : i32 to vector<16xi32>
        %shift_left3A_258 = arith.shli %xor3A_254, %shift_left3A_257 : vector<16xi32>
        %shift_right_logical3A_259 = arith.constant 6 : i32
        %shift_right_logical3A_260 = vector.broadcast %shift_right_logical3A_259 : i32 to vector<16xi32>
        %shift_right_logical3A_261 = arith.shrui %xor3A_254, %shift_right_logical3A_260 : vector<16xi32>
        %or3A_262 = arith.ori %shift_left3A_258, %shift_right_logical3A_261 : vector<16xi32>
        %xor3A_263 = arith.xori %or3A_262, %add3A_255 : vector<16xi32>
        %add3A_264 = arith.addi %add3A_255, %xor3A_263 : vector<16xi32>
        %shift_left3A_265 = arith.constant 6 : i32
        %shift_left3A_266 = vector.broadcast %shift_left3A_265 : i32 to vector<16xi32>
        %shift_left3A_267 = arith.shli %xor3A_263, %shift_left3A_266 : vector<16xi32>
        %shift_right_logical3A_268 = arith.constant 26 : i32
        %shift_right_logical3A_269 = vector.broadcast %shift_right_logical3A_268 : i32 to vector<16xi32>
        %shift_right_logical3A_270 = arith.shrui %xor3A_263, %shift_right_logical3A_269 : vector<16xi32>
        %or3A_271 = arith.ori %shift_left3A_267, %shift_right_logical3A_270 : vector<16xi32>
        %xor3A_272 = arith.xori %or3A_271, %add3A_264 : vector<16xi32>
        %add3A_273 = arith.constant 0 : i32
        %add3A_274 = vector.broadcast %add3A_273 : i32 to vector<16xi32>
        %add3A_275 = arith.addi %add3A_264, %add3A_274 : vector<16xi32>
        %add3A_276 = arith.constant 42 : i32
        %add3A_277 = vector.broadcast %add3A_276 : i32 to vector<16xi32>
        %add3A_278 = arith.addi %xor3A_272, %add3A_277 : vector<16xi32>
        %add3A_279 = arith.constant 3 : i32
        %add3A_280 = vector.broadcast %add3A_279 : i32 to vector<16xi32>
        %add3A_281 = arith.addi %add3A_278, %add3A_280 : vector<16xi32>
        %add3A_282 = arith.addi %add3A_275, %add3A_281 : vector<16xi32>
        %shift_left3A_283 = arith.constant 17 : i32
        %shift_left3A_284 = vector.broadcast %shift_left3A_283 : i32 to vector<16xi32>
        %shift_left3A_285 = arith.shli %add3A_281, %shift_left3A_284 : vector<16xi32>
        %shift_right_logical3A_286 = arith.constant 15 : i32
        %shift_right_logical3A_287 = vector.broadcast %shift_right_logical3A_286 : i32 to vector<16xi32>
        %shift_right_logical3A_288 = arith.shrui %add3A_281, %shift_right_logical3A_287 : vector<16xi32>
        %or3A_289 = arith.ori %shift_left3A_285, %shift_right_logical3A_288 : vector<16xi32>
        %xor3A_290 = arith.xori %or3A_289, %add3A_282 : vector<16xi32>
        %add3A_291 = arith.addi %add3A_282, %xor3A_290 : vector<16xi32>
        %shift_left3A_292 = arith.constant 29 : i32
        %shift_left3A_293 = vector.broadcast %shift_left3A_292 : i32 to vector<16xi32>
        %shift_left3A_294 = arith.shli %xor3A_290, %shift_left3A_293 : vector<16xi32>
        %shift_right_logical3A_295 = arith.constant 3 : i32
        %shift_right_logical3A_296 = vector.broadcast %shift_right_logical3A_295 : i32 to vector<16xi32>
        %shift_right_logical3A_297 = arith.shrui %xor3A_290, %shift_right_logical3A_296 : vector<16xi32>
        %or3A_298 = arith.ori %shift_left3A_294, %shift_right_logical3A_297 : vector<16xi32>
        %xor3A_299 = arith.xori %or3A_298, %add3A_291 : vector<16xi32>
        %add3A_300 = arith.addi %add3A_291, %xor3A_299 : vector<16xi32>
        %shift_left3A_301 = arith.constant 16 : i32
        %shift_left3A_302 = vector.broadcast %shift_left3A_301 : i32 to vector<16xi32>
        %shift_left3A_303 = arith.shli %xor3A_299, %shift_left3A_302 : vector<16xi32>
        %shift_right_logical3A_304 = arith.constant 16 : i32
        %shift_right_logical3A_305 = vector.broadcast %shift_right_logical3A_304 : i32 to vector<16xi32>
        %shift_right_logical3A_306 = arith.shrui %xor3A_299, %shift_right_logical3A_305 : vector<16xi32>
        %or3A_307 = arith.ori %shift_left3A_303, %shift_right_logical3A_306 : vector<16xi32>
        %xor3A_308 = arith.xori %or3A_307, %add3A_300 : vector<16xi32>
        %add3A_309 = arith.addi %add3A_300, %xor3A_308 : vector<16xi32>
        %shift_left3A_310 = arith.constant 24 : i32
        %shift_left3A_311 = vector.broadcast %shift_left3A_310 : i32 to vector<16xi32>
        %shift_left3A_312 = arith.shli %xor3A_308, %shift_left3A_311 : vector<16xi32>
        %shift_right_logical3A_313 = arith.constant 8 : i32
        %shift_right_logical3A_314 = vector.broadcast %shift_right_logical3A_313 : i32 to vector<16xi32>
        %shift_right_logical3A_315 = arith.shrui %xor3A_308, %shift_right_logical3A_314 : vector<16xi32>
        %or3A_316 = arith.ori %shift_left3A_312, %shift_right_logical3A_315 : vector<16xi32>
        %xor3A_317 = arith.xori %or3A_316, %add3A_309 : vector<16xi32>
        %add3A_318 = arith.constant 42 : i32
        %add3A_319 = vector.broadcast %add3A_318 : i32 to vector<16xi32>
        %add3A_320 = arith.addi %add3A_309, %add3A_319 : vector<16xi32>
        %add3A_321 = arith.constant 466689008 : i32
        %add3A_322 = vector.broadcast %add3A_321 : i32 to vector<16xi32>
        %add3A_323 = arith.addi %xor3A_317, %add3A_322 : vector<16xi32>
        %add3A_324 = arith.constant 4 : i32
        %add3A_325 = vector.broadcast %add3A_324 : i32 to vector<16xi32>
        %add3A_326 = arith.addi %add3A_323, %add3A_325 : vector<16xi32>
        %add3A_327 = arith.addi %add3A_320, %add3A_326 : vector<16xi32>
        %shift_left3A_328 = arith.constant 13 : i32
        %shift_left3A_329 = vector.broadcast %shift_left3A_328 : i32 to vector<16xi32>
        %shift_left3A_330 = arith.shli %add3A_326, %shift_left3A_329 : vector<16xi32>
        %shift_right_logical3A_331 = arith.constant 19 : i32
        %shift_right_logical3A_332 = vector.broadcast %shift_right_logical3A_331 : i32 to vector<16xi32>
        %shift_right_logical3A_333 = arith.shrui %add3A_326, %shift_right_logical3A_332 : vector<16xi32>
        %or3A_334 = arith.ori %shift_left3A_330, %shift_right_logical3A_333 : vector<16xi32>
        %xor3A_335 = arith.xori %or3A_334, %add3A_327 : vector<16xi32>
        %add3A_336 = arith.addi %add3A_327, %xor3A_335 : vector<16xi32>
        %shift_left3A_337 = arith.constant 15 : i32
        %shift_left3A_338 = vector.broadcast %shift_left3A_337 : i32 to vector<16xi32>
        %shift_left3A_339 = arith.shli %xor3A_335, %shift_left3A_338 : vector<16xi32>
        %shift_right_logical3A_340 = arith.constant 17 : i32
        %shift_right_logical3A_341 = vector.broadcast %shift_right_logical3A_340 : i32 to vector<16xi32>
        %shift_right_logical3A_342 = arith.shrui %xor3A_335, %shift_right_logical3A_341 : vector<16xi32>
        %or3A_343 = arith.ori %shift_left3A_339, %shift_right_logical3A_342 : vector<16xi32>
        %xor3A_344 = arith.xori %or3A_343, %add3A_336 : vector<16xi32>
        %add3A_345 = arith.addi %add3A_336, %xor3A_344 : vector<16xi32>
        %shift_left3A_346 = arith.constant 26 : i32
        %shift_left3A_347 = vector.broadcast %shift_left3A_346 : i32 to vector<16xi32>
        %shift_left3A_348 = arith.shli %xor3A_344, %shift_left3A_347 : vector<16xi32>
        %shift_right_logical3A_349 = arith.constant 6 : i32
        %shift_right_logical3A_350 = vector.broadcast %shift_right_logical3A_349 : i32 to vector<16xi32>
        %shift_right_logical3A_351 = arith.shrui %xor3A_344, %shift_right_logical3A_350 : vector<16xi32>
        %or3A_352 = arith.ori %shift_left3A_348, %shift_right_logical3A_351 : vector<16xi32>
        %xor3A_353 = arith.xori %or3A_352, %add3A_345 : vector<16xi32>
        %add3A_354 = arith.addi %add3A_345, %xor3A_353 : vector<16xi32>
        %shift_left3A_355 = arith.constant 6 : i32
        %shift_left3A_356 = vector.broadcast %shift_left3A_355 : i32 to vector<16xi32>
        %shift_left3A_357 = arith.shli %xor3A_353, %shift_left3A_356 : vector<16xi32>
        %shift_right_logical3A_358 = arith.constant 26 : i32
        %shift_right_logical3A_359 = vector.broadcast %shift_right_logical3A_358 : i32 to vector<16xi32>
        %shift_right_logical3A_360 = arith.shrui %xor3A_353, %shift_right_logical3A_359 : vector<16xi32>
        %or3A_361 = arith.ori %shift_left3A_357, %shift_right_logical3A_360 : vector<16xi32>
        %xor3A_362 = arith.xori %or3A_361, %add3A_354 : vector<16xi32>
        %add3A_363 = arith.constant 466689008 : i32
        %add3A_364 = vector.broadcast %add3A_363 : i32 to vector<16xi32>
        %add3A_365 = arith.addi %add3A_354, %add3A_364 : vector<16xi32>
        %add3A_366 = arith.constant 0 : i32
        %add3A_367 = vector.broadcast %add3A_366 : i32 to vector<16xi32>
        %add3A_368 = arith.addi %xor3A_362, %add3A_367 : vector<16xi32>
        %add3A_369 = arith.constant 5 : i32
        %add3A_370 = vector.broadcast %add3A_369 : i32 to vector<16xi32>
        %add3A_371 = arith.addi %add3A_368, %add3A_370 : vector<16xi32>
        %xor3A_372 = arith.xori %add3A_365, %add3A_371 : vector<16xi32>
        %shift_right_logical3A_373 = arith.constant 31 : i32
        %shift_right_logical3A_374 = vector.broadcast %shift_right_logical3A_373 : i32 to vector<16xi32>
        %shift_right_logical3A_375 = arith.shrui %xor3A_372, %shift_right_logical3A_374 : vector<16xi32>
        %eq3A = arith.constant 1 : i32
        %eq3A_376 = vector.broadcast %eq3A : i32 to vector<16xi32>
        %eq3A_377 = arith.cmpi eq, %shift_right_logical3A_375, %eq3A_376 : vector<16xi32>
        %mul3A_378 = arith.constant 16 : i32
        %mul3A_379 = arith.muli %scan3A_138, %mul3A_378 : i32
        %get3A = arith.constant 0 : i32
        %get3A_380 = arith.index_cast %get3A : i32 to index
        %get3A_381 = arith.index_cast %mul3A_379 : i32 to index
        %get3A_382 = tpu.vector_load %arg4[%get3A_380, %get3A_381] {strides = array<i32>} : memref<2x4096xf32, #tpu.memory_space<vmem>>, vector<1x16xf32>,
        %get3A_383 = vector.shape_cast %get3A_382 : vector<1x16xf32> to vector<16xf32>
        %mul3A_384 = arith.constant 2.000000e+00 : f32
        %mul3A_385 = vector.broadcast %mul3A_384 : f32 to vector<16xf32>
        %mul3A_386 = arith.mulf %get3A_383, %mul3A_385 : vector<16xf32>
        %jit3A = arith.constant 0.000000e+00 : f32
        %broadcast_in_dim3A_387 = vector.broadcast %jit3A : f32 to vector<16xf32>
        %select_n3A = arith.select %eq3A_377, %mul3A_386, %broadcast_in_dim3A_387 : vector<16xi1>, vector<16xf32>
        %mul3A_388 = arith.constant 16 : i32
        %mul3A_389 = arith.muli %scan3A_138, %mul3A_388 : i32
        %swap3A = arith.constant 0 : i32
        %swap3A_390 = arith.index_cast %swap3A : i32 to index
        %swap3A_391 = arith.index_cast %mul3A_389 : i32 to index
        %swap3A_392 = tpu.vector_load %arg5[%swap3A_390, %swap3A_391] {strides = array<i32>} : memref<2x4096xf32, #tpu.memory_space<vmem>>, vector<1x16xf32>,
        %swap3A_393 = vector.shape_cast %swap3A_392 : vector<1x16xf32> to vector<16xf32>
        %swap3A_394 = vector.shape_cast %select_n3A : vector<16xf32> to vector<1x16xf32>
        tpu.vector_store %arg5[%swap3A_390, %swap3A_391], %swap3A_394 {strides = array<i32>} : memref<2x4096xf32, #tpu.memory_space<vmem>>, vector<1x16xf32>,
        %scan3A_395 = arith.constant 1 : i32
        %scan3A_396 = arith.addi %scan3A_138, %scan3A_395 : i32
        %mul3A_397 = arith.constant 16 : i32
        %mul3A_398 = arith.muli %scan3A_396, %mul3A_397 : i32
        %add3A_399 = arith.addi %add3A_68, %mul3A_398 : i32
        %add3A_400 = vector.broadcast %add3A_399 : i32 to vector<16xi32>
        %add3A_401 = arith.addi %add3A_400, %iota3A : vector<16xi32>
        %broadcast_in_dim3A_402 = arith.constant 0 : i32
        %broadcast_in_dim3A_403 = vector.broadcast %broadcast_in_dim3A_402 : i32 to vector<16xi32>
        %add3A_404 = arith.constant 0 : i32
        %add3A_405 = vector.broadcast %add3A_404 : i32 to vector<16xi32>
        %add3A_406 = arith.addi %broadcast_in_dim3A_403, %add3A_405 : vector<16xi32>
        %add3A_407 = arith.constant 42 : i32
        %add3A_408 = vector.broadcast %add3A_407 : i32 to vector<16xi32>
        %add3A_409 = arith.addi %add3A_401, %add3A_408 : vector<16xi32>
        %add3A_410 = arith.addi %add3A_406, %add3A_409 : vector<16xi32>
        %shift_left3A_411 = arith.constant 13 : i32
        %shift_left3A_412 = vector.broadcast %shift_left3A_411 : i32 to vector<16xi32>
        %shift_left3A_413 = arith.shli %add3A_409, %shift_left3A_412 : vector<16xi32>
        %shift_right_logical3A_414 = arith.constant 19 : i32
        %shift_right_logical3A_415 = vector.broadcast %shift_right_logical3A_414 : i32 to vector<16xi32>
        %shift_right_logical3A_416 = arith.shrui %add3A_409, %shift_right_logical3A_415 : vector<16xi32>
        %or3A_417 = arith.ori %shift_left3A_413, %shift_right_logical3A_416 : vector<16xi32>
        %xor3A_418 = arith.xori %or3A_417, %add3A_410 : vector<16xi32>
        %add3A_419 = arith.addi %add3A_410, %xor3A_418 : vector<16xi32>
        %shift_left3A_420 = arith.constant 15 : i32
        %shift_left3A_421 = vector.broadcast %shift_left3A_420 : i32 to vector<16xi32>
        %shift_left3A_422 = arith.shli %xor3A_418, %shift_left3A_421 : vector<16xi32>
        %shift_right_logical3A_423 = arith.constant 17 : i32
        %shift_right_logical3A_424 = vector.broadcast %shift_right_logical3A_423 : i32 to vector<16xi32>
        %shift_right_logical3A_425 = arith.shrui %xor3A_418, %shift_right_logical3A_424 : vector<16xi32>
        %or3A_426 = arith.ori %shift_left3A_422, %shift_right_logical3A_425 : vector<16xi32>
        %xor3A_427 = arith.xori %or3A_426, %add3A_419 : vector<16xi32>
        %add3A_428 = arith.addi %add3A_419, %xor3A_427 : vector<16xi32>
        %shift_left3A_429 = arith.constant 26 : i32
        %shift_left3A_430 = vector.broadcast %shift_left3A_429 : i32 to vector<16xi32>
        %shift_left3A_431 = arith.shli %xor3A_427, %shift_left3A_430 : vector<16xi32>
        %shift_right_logical3A_432 = arith.constant 6 : i32
        %shift_right_logical3A_433 = vector.broadcast %shift_right_logical3A_432 : i32 to vector<16xi32>
        %shift_right_logical3A_434 = arith.shrui %xor3A_427, %shift_right_logical3A_433 : vector<16xi32>
        %or3A_435 = arith.ori %shift_left3A_431, %shift_right_logical3A_434 : vector<16xi32>
        %xor3A_436 = arith.xori %or3A_435, %add3A_428 : vector<16xi32>
        %add3A_437 = arith.addi %add3A_428, %xor3A_436 : vector<16xi32>
        %shift_left3A_438 = arith.constant 6 : i32
        %shift_left3A_439 = vector.broadcast %shift_left3A_438 : i32 to vector<16xi32>
        %shift_left3A_440 = arith.shli %xor3A_436, %shift_left3A_439 : vector<16xi32>
        %shift_right_logical3A_441 = arith.constant 26 : i32
        %shift_right_logical3A_442 = vector.broadcast %shift_right_logical3A_441 : i32 to vector<16xi32>
        %shift_right_logical3A_443 = arith.shrui %xor3A_436, %shift_right_logical3A_442 : vector<16xi32>
        %or3A_444 = arith.ori %shift_left3A_440, %shift_right_logical3A_443 : vector<16xi32>
        %xor3A_445 = arith.xori %or3A_444, %add3A_437 : vector<16xi32>
        %add3A_446 = arith.constant 42 : i32
        %add3A_447 = vector.broadcast %add3A_446 : i32 to vector<16xi32>
        %add3A_448 = arith.addi %add3A_437, %add3A_447 : vector<16xi32>
        %add3A_449 = arith.constant 466689008 : i32
        %add3A_450 = vector.broadcast %add3A_449 : i32 to vector<16xi32>
        %add3A_451 = arith.addi %xor3A_445, %add3A_450 : vector<16xi32>
        %add3A_452 = arith.constant 1 : i32
        %add3A_453 = vector.broadcast %add3A_452 : i32 to vector<16xi32>
        %add3A_454 = arith.addi %add3A_451, %add3A_453 : vector<16xi32>
        %add3A_455 = arith.addi %add3A_448, %add3A_454 : vector<16xi32>
        %shift_left3A_456 = arith.constant 17 : i32
        %shift_left3A_457 = vector.broadcast %shift_left3A_456 : i32 to vector<16xi32>
        %shift_left3A_458 = arith.shli %add3A_454, %shift_left3A_457 : vector<16xi32>
        %shift_right_logical3A_459 = arith.constant 15 : i32
        %shift_right_logical3A_460 = vector.broadcast %shift_right_logical3A_459 : i32 to vector<16xi32>
        %shift_right_logical3A_461 = arith.shrui %add3A_454, %shift_right_logical3A_460 : vector<16xi32>
        %or3A_462 = arith.ori %shift_left3A_458, %shift_right_logical3A_461 : vector<16xi32>
        %xor3A_463 = arith.xori %or3A_462, %add3A_455 : vector<16xi32>
        %add3A_464 = arith.addi %add3A_455, %xor3A_463 : vector<16xi32>
        %shift_left3A_465 = arith.constant 29 : i32
        %shift_left3A_466 = vector.broadcast %shift_left3A_465 : i32 to vector<16xi32>
        %shift_left3A_467 = arith.shli %xor3A_463, %shift_left3A_466 : vector<16xi32>
        %shift_right_logical3A_468 = arith.constant 3 : i32
        %shift_right_logical3A_469 = vector.broadcast %shift_right_logical3A_468 : i32 to vector<16xi32>
        %shift_right_logical3A_470 = arith.shrui %xor3A_463, %shift_right_logical3A_469 : vector<16xi32>
        %or3A_471 = arith.ori %shift_left3A_467, %shift_right_logical3A_470 : vector<16xi32>
        %xor3A_472 = arith.xori %or3A_471, %add3A_464 : vector<16xi32>
        %add3A_473 = arith.addi %add3A_464, %xor3A_472 : vector<16xi32>
        %shift_left3A_474 = arith.constant 16 : i32
        %shift_left3A_475 = vector.broadcast %shift_left3A_474 : i32 to vector<16xi32>
        %shift_left3A_476 = arith.shli %xor3A_472, %shift_left3A_475 : vector<16xi32>
        %shift_right_logical3A_477 = arith.constant 16 : i32
        %shift_right_logical3A_478 = vector.broadcast %shift_right_logical3A_477 : i32 to vector<16xi32>
        %shift_right_logical3A_479 = arith.shrui %xor3A_472, %shift_right_logical3A_478 : vector<16xi32>
        %or3A_480 = arith.ori %shift_left3A_476, %shift_right_logical3A_479 : vector<16xi32>
        %xor3A_481 = arith.xori %or3A_480, %add3A_473 : vector<16xi32>
        %add3A_482 = arith.addi %add3A_473, %xor3A_481 : vector<16xi32>
        %shift_left3A_483 = arith.constant 24 : i32
        %shift_left3A_484 = vector.broadcast %shift_left3A_483 : i32 to vector<16xi32>
        %shift_left3A_485 = arith.shli %xor3A_481, %shift_left3A_484 : vector<16xi32>
        %shift_right_logical3A_486 = arith.constant 8 : i32
        %shift_right_logical3A_487 = vector.broadcast %shift_right_logical3A_486 : i32 to vector<16xi32>
        %shift_right_logical3A_488 = arith.shrui %xor3A_481, %shift_right_logical3A_487 : vector<16xi32>
        %or3A_489 = arith.ori %shift_left3A_485, %shift_right_logical3A_488 : vector<16xi32>
        %xor3A_490 = arith.xori %or3A_489, %add3A_482 : vector<16xi32>
        %add3A_491 = arith.constant 466689008 : i32
        %add3A_492 = vector.broadcast %add3A_491 : i32 to vector<16xi32>
        %add3A_493 = arith.addi %add3A_482, %add3A_492 : vector<16xi32>
        %add3A_494 = arith.constant 0 : i32
        %add3A_495 = vector.broadcast %add3A_494 : i32 to vector<16xi32>
        %add3A_496 = arith.addi %xor3A_490, %add3A_495 : vector<16xi32>
        %add3A_497 = arith.constant 2 : i32
        %add3A_498 = vector.broadcast %add3A_497 : i32 to vector<16xi32>
        %add3A_499 = arith.addi %add3A_496, %add3A_498 : vector<16xi32>
        %add3A_500 = arith.addi %add3A_493, %add3A_499 : vector<16xi32>
        %shift_left3A_501 = arith.constant 13 : i32
        %shift_left3A_502 = vector.broadcast %shift_left3A_501 : i32 to vector<16xi32>
        %shift_left3A_503 = arith.shli %add3A_499, %shift_left3A_502 : vector<16xi32>
        %shift_right_logical3A_504 = arith.constant 19 : i32
        %shift_right_logical3A_505 = vector.broadcast %shift_right_logical3A_504 : i32 to vector<16xi32>
        %shift_right_logical3A_506 = arith.shrui %add3A_499, %shift_right_logical3A_505 : vector<16xi32>
        %or3A_507 = arith.ori %shift_left3A_503, %shift_right_logical3A_506 : vector<16xi32>
        %xor3A_508 = arith.xori %or3A_507, %add3A_500 : vector<16xi32>
        %add3A_509 = arith.addi %add3A_500, %xor3A_508 : vector<16xi32>
        %shift_left3A_510 = arith.constant 15 : i32
        %shift_left3A_511 = vector.broadcast %shift_left3A_510 : i32 to vector<16xi32>
        %shift_left3A_512 = arith.shli %xor3A_508, %shift_left3A_511 : vector<16xi32>
        %shift_right_logical3A_513 = arith.constant 17 : i32
        %shift_right_logical3A_514 = vector.broadcast %shift_right_logical3A_513 : i32 to vector<16xi32>
        %shift_right_logical3A_515 = arith.shrui %xor3A_508, %shift_right_logical3A_514 : vector<16xi32>
        %or3A_516 = arith.ori %shift_left3A_512, %shift_right_logical3A_515 : vector<16xi32>
        %xor3A_517 = arith.xori %or3A_516, %add3A_509 : vector<16xi32>
        %add3A_518 = arith.addi %add3A_509, %xor3A_517 : vector<16xi32>
        %shift_left3A_519 = arith.constant 26 : i32
        %shift_left3A_520 = vector.broadcast %shift_left3A_519 : i32 to vector<16xi32>
        %shift_left3A_521 = arith.shli %xor3A_517, %shift_left3A_520 : vector<16xi32>
        %shift_right_logical3A_522 = arith.constant 6 : i32
        %shift_right_logical3A_523 = vector.broadcast %shift_right_logical3A_522 : i32 to vector<16xi32>
        %shift_right_logical3A_524 = arith.shrui %xor3A_517, %shift_right_logical3A_523 : vector<16xi32>
        %or3A_525 = arith.ori %shift_left3A_521, %shift_right_logical3A_524 : vector<16xi32>
        %xor3A_526 = arith.xori %or3A_525, %add3A_518 : vector<16xi32>
        %add3A_527 = arith.addi %add3A_518, %xor3A_526 : vector<16xi32>
        %shift_left3A_528 = arith.constant 6 : i32
        %shift_left3A_529 = vector.broadcast %shift_left3A_528 : i32 to vector<16xi32>
        %shift_left3A_530 = arith.shli %xor3A_526, %shift_left3A_529 : vector<16xi32>
        %shift_right_logical3A_531 = arith.constant 26 : i32
        %shift_right_logical3A_532 = vector.broadcast %shift_right_logical3A_531 : i32 to vector<16xi32>
        %shift_right_logical3A_533 = arith.shrui %xor3A_526, %shift_right_logical3A_532 : vector<16xi32>
        %or3A_534 = arith.ori %shift_left3A_530, %shift_right_logical3A_533 : vector<16xi32>
        %xor3A_535 = arith.xori %or3A_534, %add3A_527 : vector<16xi32>
        %add3A_536 = arith.constant 0 : i32
        %add3A_537 = vector.broadcast %add3A_536 : i32 to vector<16xi32>
        %add3A_538 = arith.addi %add3A_527, %add3A_537 : vector<16xi32>
        %add3A_539 = arith.constant 42 : i32
        %add3A_540 = vector.broadcast %add3A_539 : i32 to vector<16xi32>
        %add3A_541 = arith.addi %xor3A_535, %add3A_540 : vector<16xi32>
        %add3A_542 = arith.constant 3 : i32
        %add3A_543 = vector.broadcast %add3A_542 : i32 to vector<16xi32>
        %add3A_544 = arith.addi %add3A_541, %add3A_543 : vector<16xi32>
        %add3A_545 = arith.addi %add3A_538, %add3A_544 : vector<16xi32>
        %shift_left3A_546 = arith.constant 17 : i32
        %shift_left3A_547 = vector.broadcast %shift_left3A_546 : i32 to vector<16xi32>
        %shift_left3A_548 = arith.shli %add3A_544, %shift_left3A_547 : vector<16xi32>
        %shift_right_logical3A_549 = arith.constant 15 : i32
        %shift_right_logical3A_550 = vector.broadcast %shift_right_logical3A_549 : i32 to vector<16xi32>
        %shift_right_logical3A_551 = arith.shrui %add3A_544, %shift_right_logical3A_550 : vector<16xi32>
        %or3A_552 = arith.ori %shift_left3A_548, %shift_right_logical3A_551 : vector<16xi32>
        %xor3A_553 = arith.xori %or3A_552, %add3A_545 : vector<16xi32>
        %add3A_554 = arith.addi %add3A_545, %xor3A_553 : vector<16xi32>
        %shift_left3A_555 = arith.constant 29 : i32
        %shift_left3A_556 = vector.broadcast %shift_left3A_555 : i32 to vector<16xi32>
        %shift_left3A_557 = arith.shli %xor3A_553, %shift_left3A_556 : vector<16xi32>
        %shift_right_logical3A_558 = arith.constant 3 : i32
        %shift_right_logical3A_559 = vector.broadcast %shift_right_logical3A_558 : i32 to vector<16xi32>
        %shift_right_logical3A_560 = arith.shrui %xor3A_553, %shift_right_logical3A_559 : vector<16xi32>
        %or3A_561 = arith.ori %shift_left3A_557, %shift_right_logical3A_560 : vector<16xi32>
        %xor3A_562 = arith.xori %or3A_561, %add3A_554 : vector<16xi32>
        %add3A_563 = arith.addi %add3A_554, %xor3A_562 : vector<16xi32>
        %shift_left3A_564 = arith.constant 16 : i32
        %shift_left3A_565 = vector.broadcast %shift_left3A_564 : i32 to vector<16xi32>
        %shift_left3A_566 = arith.shli %xor3A_562, %shift_left3A_565 : vector<16xi32>
        %shift_right_logical3A_567 = arith.constant 16 : i32
        %shift_right_logical3A_568 = vector.broadcast %shift_right_logical3A_567 : i32 to vector<16xi32>
        %shift_right_logical3A_569 = arith.shrui %xor3A_562, %shift_right_logical3A_568 : vector<16xi32>
        %or3A_570 = arith.ori %shift_left3A_566, %shift_right_logical3A_569 : vector<16xi32>
        %xor3A_571 = arith.xori %or3A_570, %add3A_563 : vector<16xi32>
        %add3A_572 = arith.addi %add3A_563, %xor3A_571 : vector<16xi32>
        %shift_left3A_573 = arith.constant 24 : i32
        %shift_left3A_574 = vector.broadcast %shift_left3A_573 : i32 to vector<16xi32>
        %shift_left3A_575 = arith.shli %xor3A_571, %shift_left3A_574 : vector<16xi32>
        %shift_right_logical3A_576 = arith.constant 8 : i32
        %shift_right_logical3A_577 = vector.broadcast %shift_right_logical3A_576 : i32 to vector<16xi32>
        %shift_right_logical3A_578 = arith.shrui %xor3A_571, %shift_right_logical3A_577 : vector<16xi32>
        %or3A_579 = arith.ori %shift_left3A_575, %shift_right_logical3A_578 : vector<16xi32>
        %xor3A_580 = arith.xori %or3A_579, %add3A_572 : vector<16xi32>
        %add3A_581 = arith.constant 42 : i32
        %add3A_582 = vector.broadcast %add3A_581 : i32 to vector<16xi32>
        %add3A_583 = arith.addi %add3A_572, %add3A_582 : vector<16xi32>
        %add3A_584 = arith.constant 466689008 : i32
        %add3A_585 = vector.broadcast %add3A_584 : i32 to vector<16xi32>
        %add3A_586 = arith.addi %xor3A_580, %add3A_585 : vector<16xi32>
        %add3A_587 = arith.constant 4 : i32
        %add3A_588 = vector.broadcast %add3A_587 : i32 to vector<16xi32>
        %add3A_589 = arith.addi %add3A_586, %add3A_588 : vector<16xi32>
        %add3A_590 = arith.addi %add3A_583, %add3A_589 : vector<16xi32>
        %shift_left3A_591 = arith.constant 13 : i32
        %shift_left3A_592 = vector.broadcast %shift_left3A_591 : i32 to vector<16xi32>
        %shift_left3A_593 = arith.shli %add3A_589, %shift_left3A_592 : vector<16xi32>
        %shift_right_logical3A_594 = arith.constant 19 : i32
        %shift_right_logical3A_595 = vector.broadcast %shift_right_logical3A_594 : i32 to vector<16xi32>
        %shift_right_logical3A_596 = arith.shrui %add3A_589, %shift_right_logical3A_595 : vector<16xi32>
        %or3A_597 = arith.ori %shift_left3A_593, %shift_right_logical3A_596 : vector<16xi32>
        %xor3A_598 = arith.xori %or3A_597, %add3A_590 : vector<16xi32>
        %add3A_599 = arith.addi %add3A_590, %xor3A_598 : vector<16xi32>
        %shift_left3A_600 = arith.constant 15 : i32
        %shift_left3A_601 = vector.broadcast %shift_left3A_600 : i32 to vector<16xi32>
        %shift_left3A_602 = arith.shli %xor3A_598, %shift_left3A_601 : vector<16xi32>
        %shift_right_logical3A_603 = arith.constant 17 : i32
        %shift_right_logical3A_604 = vector.broadcast %shift_right_logical3A_603 : i32 to vector<16xi32>
        %shift_right_logical3A_605 = arith.shrui %xor3A_598, %shift_right_logical3A_604 : vector<16xi32>
        %or3A_606 = arith.ori %shift_left3A_602, %shift_right_logical3A_605 : vector<16xi32>
        %xor3A_607 = arith.xori %or3A_606, %add3A_599 : vector<16xi32>
        %add3A_608 = arith.addi %add3A_599, %xor3A_607 : vector<16xi32>
        %shift_left3A_609 = arith.constant 26 : i32
        %shift_left3A_610 = vector.broadcast %shift_left3A_609 : i32 to vector<16xi32>
        %shift_left3A_611 = arith.shli %xor3A_607, %shift_left3A_610 : vector<16xi32>
        %shift_right_logical3A_612 = arith.constant 6 : i32
        %shift_right_logical3A_613 = vector.broadcast %shift_right_logical3A_612 : i32 to vector<16xi32>
        %shift_right_logical3A_614 = arith.shrui %xor3A_607, %shift_right_logical3A_613 : vector<16xi32>
        %or3A_615 = arith.ori %shift_left3A_611, %shift_right_logical3A_614 : vector<16xi32>
        %xor3A_616 = arith.xori %or3A_615, %add3A_608 : vector<16xi32>
        %add3A_617 = arith.addi %add3A_608, %xor3A_616 : vector<16xi32>
        %shift_left3A_618 = arith.constant 6 : i32
        %shift_left3A_619 = vector.broadcast %shift_left3A_618 : i32 to vector<16xi32>
        %shift_left3A_620 = arith.shli %xor3A_616, %shift_left3A_619 : vector<16xi32>
        %shift_right_logical3A_621 = arith.constant 26 : i32
        %shift_right_logical3A_622 = vector.broadcast %shift_right_logical3A_621 : i32 to vector<16xi32>
        %shift_right_logical3A_623 = arith.shrui %xor3A_616, %shift_right_logical3A_622 : vector<16xi32>
        %or3A_624 = arith.ori %shift_left3A_620, %shift_right_logical3A_623 : vector<16xi32>
        %xor3A_625 = arith.xori %or3A_624, %add3A_617 : vector<16xi32>
        %add3A_626 = arith.constant 466689008 : i32
        %add3A_627 = vector.broadcast %add3A_626 : i32 to vector<16xi32>
        %add3A_628 = arith.addi %add3A_617, %add3A_627 : vector<16xi32>
        %add3A_629 = arith.constant 0 : i32
        %add3A_630 = vector.broadcast %add3A_629 : i32 to vector<16xi32>
        %add3A_631 = arith.addi %xor3A_625, %add3A_630 : vector<16xi32>
        %add3A_632 = arith.constant 5 : i32
        %add3A_633 = vector.broadcast %add3A_632 : i32 to vector<16xi32>
        %add3A_634 = arith.addi %add3A_631, %add3A_633 : vector<16xi32>
        %xor3A_635 = arith.xori %add3A_628, %add3A_634 : vector<16xi32>
        %shift_right_logical3A_636 = arith.constant 31 : i32
        %shift_right_logical3A_637 = vector.broadcast %shift_right_logical3A_636 : i32 to vector<16xi32>
        %shift_right_logical3A_638 = arith.shrui %xor3A_635, %shift_right_logical3A_637 : vector<16xi32>
        %eq3A_639 = arith.constant 1 : i32
        %eq3A_640 = vector.broadcast %eq3A_639 : i32 to vector<16xi32>
        %eq3A_641 = arith.cmpi eq, %shift_right_logical3A_638, %eq3A_640 : vector<16xi32>
        %mul3A_642 = arith.constant 16 : i32
        %mul3A_643 = arith.muli %scan3A_396, %mul3A_642 : i32
        %get3A_644 = arith.constant 0 : i32
        %get3A_645 = arith.index_cast %get3A_644 : i32 to index
        %get3A_646 = arith.index_cast %mul3A_643 : i32 to index
        %get3A_647 = tpu.vector_load %arg4[%get3A_645, %get3A_646] {strides = array<i32>} : memref<2x4096xf32, #tpu.memory_space<vmem>>, vector<1x16xf32>,
        %get3A_648 = vector.shape_cast %get3A_647 : vector<1x16xf32> to vector<16xf32>
        %mul3A_649 = arith.constant 2.000000e+00 : f32
        %mul3A_650 = vector.broadcast %mul3A_649 : f32 to vector<16xf32>
        %mul3A_651 = arith.mulf %get3A_648, %mul3A_650 : vector<16xf32>
        %jit3A_652 = arith.constant 0.000000e+00 : f32
        %broadcast_in_dim3A_653 = vector.broadcast %jit3A_652 : f32 to vector<16xf32>
        %select_n3A_654 = arith.select %eq3A_641, %mul3A_651, %broadcast_in_dim3A_653 : vector<16xi1>, vector<16xf32>
        %mul3A_655 = arith.constant 16 : i32
        %mul3A_656 = arith.muli %scan3A_396, %mul3A_655 : i32
        %swap3A_657 = arith.constant 0 : i32
        %swap3A_658 = arith.index_cast %swap3A_657 : i32 to index
        %swap3A_659 = arith.index_cast %mul3A_656 : i32 to index
        %swap3A_660 = tpu.vector_load %arg5[%swap3A_658, %swap3A_659] {strides = array<i32>} : memref<2x4096xf32, #tpu.memory_space<vmem>>, vector<1x16xf32>,
        %swap3A_661 = vector.shape_cast %swap3A_660 : vector<1x16xf32> to vector<16xf32>
        %swap3A_662 = vector.shape_cast %select_n3A_654 : vector<16xf32> to vector<1x16xf32>
        tpu.vector_store %arg5[%swap3A_658, %swap3A_659], %swap3A_662 {strides = array<i32>} : memref<2x4096xf32, #tpu.memory_space<vmem>>, vector<1x16xf32>,
      }
      %scan3A_73 = arith.constant 256 : i32
      %mul3A_74 = arith.constant 4096 : i32
      %mul3A_75 = arith.muli %mul3A_51, %mul3A_74 : i32
      %add3A_76 = arith.addi %mul3A_2, %mul3A_75 : i32
      %dma_start3A_77 = arith.constant 0 : i32
      %dma_start3A_78 = arith.constant 0 : i32
      %dma_start3A_79 = tpu.memref_slice %arg5[%dma_start3A_77, %dma_start3A_78] : memref<2x4096xf32, #tpu.memory_space<vmem>> -> memref<1x4096xf32, #tpu.memory_space<vmem>>
      %dma_start3A_80 = tpu.memref_squeeze %dma_start3A_79 : memref<1x4096xf32, #tpu.memory_space<vmem>> -> memref<4096xf32, #tpu.memory_space<vmem>>
      %dma_start3A_81 = tpu.memref_slice %arg3[%add3A_76] : memref<786432xf32, #tpu.memory_space<hbm>> -> memref<4096xf32, #tpu.memory_space<hbm>>
      %dma_start3A_82 = tpu.memref_slice %arg3[%add3A_76] : memref<786432xf32, #tpu.memory_space<hbm>> -> memref<4096xf32, #tpu.memory_space<hbm>>
      %dma_start3A_83 = arith.constant 0 : i32
      %dma_start3A_84 = tpu.memref_slice %arg5[%dma_start3A_77, %dma_start3A_83] : memref<2x4096xf32, #tpu.memory_space<vmem>> -> memref<1x4096xf32, #tpu.memory_space<vmem>>
      %dma_start3A_85 = tpu.memref_squeeze %dma_start3A_84 : memref<1x4096xf32, #tpu.memory_space<vmem>> -> memref<4096xf32, #tpu.memory_space<vmem>>
      tpu.enqueue_dma source(%dma_start3A_85 : memref<4096xf32, #tpu.memory_space<vmem>>) target(%dma_start3A_82 : memref<4096xf32, #tpu.memory_space<hbm>>) target_semaphore(%arg8 : memref<!tpu.dma_semaphore, #tpu.memory_space<semaphore_mem>>)
      %add3A_86 = arith.constant 2 : i32
      %add3A_87 = arith.addi %mul3A_51, %add3A_86 : i32
      %lt3A = arith.constant 6 : i32
      %lt3A_88 = arith.cmpi slt, %add3A_87, %lt3A : i32
      %convert_element_type3A_89 = arith.extui %lt3A_88 : i1 to i32
      %cond3A_90 = arith.constant 0 : i32
      %cond3A_91 = arith.cmpi ne, %convert_element_type3A_89, %cond3A_90 : i32
      scf.if %cond3A_91 {
        %add3A_138 = arith.constant 2 : i32
        %add3A_139 = arith.addi %mul3A_51, %add3A_138 : i32
        %mul3A_140 = arith.constant 4096 : i32
        %mul3A_141 = arith.muli %add3A_139, %mul3A_140 : i32
        %add3A_142 = arith.addi %mul3A_2, %mul3A_141 : i32
        %dma_start3A_143 = arith.constant 0 : i32
        %dma_start3A_144 = arith.constant 0 : i32
        %dma_start3A_145 = tpu.memref_slice %arg4[%dma_start3A_143, %dma_start3A_144] : memref<2x4096xf32, #tpu.memory_space<vmem>> -> memref<1x4096xf32, #tpu.memory_space<vmem>>
        %dma_start3A_146 = tpu.memref_squeeze %dma_start3A_145 : memref<1x4096xf32, #tpu.memory_space<vmem>> -> memref<4096xf32, #tpu.memory_space<vmem>>
        %dma_start3A_147 = tpu.memref_slice %arg2[%add3A_142] : memref<2684354xf32, #tpu.memory_space<hbm>> -> memref<4096xf32, #tpu.memory_space<hbm>>
        %dma_start3A_148 = arith.constant 0 : i32
        %dma_start3A_149 = tpu.memref_slice %arg4[%dma_start3A_143, %dma_start3A_148] : memref<2x4096xf32, #tpu.memory_space<vmem>> -> memref<1x4096xf32, #tpu.memory_space<vmem>>
        %dma_start3A_150 = tpu.memref_squeeze %dma_start3A_149 : memref<1x4096xf32, #tpu.memory_space<vmem>> -> memref<4096xf32, #tpu.memory_space<vmem>>
        %dma_start3A_151 = tpu.memref_slice %arg2[%add3A_142] : memref<2684354xf32, #tpu.memory_space<hbm>> -> memref<4096xf32, #tpu.memory_space<hbm>>
        tpu.enqueue_dma source(%dma_start3A_151 : memref<4096xf32, #tpu.memory_space<hbm>>) target(%dma_start3A_150 : memref<4096xf32, #tpu.memory_space<vmem>>) target_semaphore(%arg6 : memref<!tpu.dma_semaphore, #tpu.memory_space<semaphore_mem>>)
      } else {
      }
      %add3A_92 = arith.constant 1 : i32
      %add3A_93 = arith.addi %mul3A_51, %add3A_92 : i32
      %mul3A_94 = arith.constant 4096 : i32
      %mul3A_95 = arith.muli %add3A_93, %mul3A_94 : i32
      %add3A_96 = arith.addi %mul3A_2, %mul3A_95 : i32
      %dma_wait3A_97 = arith.constant 1 : i32
      %dma_wait3A_98 = arith.constant 0 : i32
      %dma_wait3A_99 = tpu.memref_slice %arg4[%dma_wait3A_97, %dma_wait3A_98] : memref<2x4096xf32, #tpu.memory_space<vmem>> -> memref<1x4096xf32, #tpu.memory_space<vmem>>
      %dma_wait3A_100 = tpu.memref_squeeze %dma_wait3A_99 : memref<1x4096xf32, #tpu.memory_space<vmem>> -> memref<4096xf32, #tpu.memory_space<vmem>>
      %dma_wait3A_101 = tpu.memref_slice %arg2[%add3A_96] : memref<2684354xf32, #tpu.memory_space<hbm>> -> memref<4096xf32, #tpu.memory_space<hbm>>
      %dma_wait3A_102 = arith.constant 0 : i32
      %dma_wait3A_103 = tpu.memref_slice %arg4[%dma_wait3A_97, %dma_wait3A_102] : memref<2x4096xf32, #tpu.memory_space<vmem>> -> memref<1x4096xf32, #tpu.memory_space<vmem>>
      %dma_wait3A_104 = tpu.memref_squeeze %dma_wait3A_103 : memref<1x4096xf32, #tpu.memory_space<vmem>> -> memref<4096xf32, #tpu.memory_space<vmem>>
      %dma_wait3A_105 = tpu.memref_slice %arg2[%add3A_96] : memref<2684354xf32, #tpu.memory_space<hbm>> -> memref<4096xf32, #tpu.memory_space<hbm>>
      tpu.wait_dma2 semaphore(%arg7 : memref<!tpu.dma_semaphore, #tpu.memory_space<semaphore_mem>>) src(%dma_wait3A_105 : memref<4096xf32, #tpu.memory_space<hbm>>) dst(%dma_wait3A_104 : memref<4096xf32, #tpu.memory_space<vmem>>)
      %ge3A_106 = arith.constant 2 : i32
      %ge3A_107 = arith.cmpi sge, %add3A_93, %ge3A_106 : i32
      %convert_element_type3A_108 = arith.extui %ge3A_107 : i1 to i32
      %cond3A_109 = arith.constant 0 : i32
      %cond3A_110 = arith.cmpi ne, %convert_element_type3A_108, %cond3A_109 : i32
      scf.if %cond3A_110 {
        %sub3A = arith.constant 2 : i32
        %sub3A_138 = arith.subi %add3A_93, %sub3A : i32
        %mul3A_139 = arith.constant 4096 : i32
        %mul3A_140 = arith.muli %sub3A_138, %mul3A_139 : i32
        %add3A_141 = arith.addi %mul3A_2, %mul3A_140 : i32
        %dma_wait3A_142 = arith.constant 1 : i32
        %dma_wait3A_143 = arith.constant 0 : i32
        %dma_wait3A_144 = tpu.memref_slice %arg5[%dma_wait3A_142, %dma_wait3A_143] : memref<2x4096xf32, #tpu.memory_space<vmem>> -> memref<1x4096xf32, #tpu.memory_space<vmem>>
        %dma_wait3A_145 = tpu.memref_squeeze %dma_wait3A_144 : memref<1x4096xf32, #tpu.memory_space<vmem>> -> memref<4096xf32, #tpu.memory_space<vmem>>
        %dma_wait3A_146 = tpu.memref_slice %arg3[%add3A_141] : memref<786432xf32, #tpu.memory_space<hbm>> -> memref<4096xf32, #tpu.memory_space<hbm>>
        %dma_wait3A_147 = tpu.memref_slice %arg3[%add3A_141] : memref<786432xf32, #tpu.memory_space<hbm>> -> memref<4096xf32, #tpu.memory_space<hbm>>
        %dma_wait3A_148 = arith.constant 0 : i32
        %dma_wait3A_149 = tpu.memref_slice %arg5[%dma_wait3A_142, %dma_wait3A_148] : memref<2x4096xf32, #tpu.memory_space<vmem>> -> memref<1x4096xf32, #tpu.memory_space<vmem>>
        %dma_wait3A_150 = tpu.memref_squeeze %dma_wait3A_149 : memref<1x4096xf32, #tpu.memory_space<vmem>> -> memref<4096xf32, #tpu.memory_space<vmem>>
        tpu.wait_dma2 semaphore(%arg9 : memref<!tpu.dma_semaphore, #tpu.memory_space<semaphore_mem>>) src(%dma_wait3A_150 : memref<4096xf32, #tpu.memory_space<vmem>>) dst(%dma_wait3A_147 : memref<4096xf32, #tpu.memory_space<hbm>>)
      } else {
      }
      %mul3A_111 = arith.constant 4096 : i32
      %mul3A_112 = arith.muli %add3A_93, %mul3A_111 : i32
      %add3A_113 = arith.addi %mul3A_2, %mul3A_112 : i32
      %scan3A_114 = arith.constant 0 : i32
      %scan3A_115 = arith.constant 256 : i32
      %scan3A_116 = arith.addi %scan3A_114, %scan3A_115 : i32
      %scan3A_117 = arith.constant 2 : i32
      scf.for %scan3A_138 = %scan3A_114 to %scan3A_116 step %scan3A_117  : i32 {
        %mul3A_139 = arith.constant 16 : i32
        %mul3A_140 = arith.muli %scan3A_138, %mul3A_139 : i32
        %add3A_141 = arith.addi %add3A_113, %mul3A_140 : i32
        %add3A_142 = vector.broadcast %add3A_141 : i32 to vector<16xi32>
        %add3A_143 = arith.addi %add3A_142, %iota3A : vector<16xi32>
        %broadcast_in_dim3A = arith.constant 0 : i32
        %broadcast_in_dim3A_144 = vector.broadcast %broadcast_in_dim3A : i32 to vector<16xi32>
        %add3A_145 = arith.constant 0 : i32
        %add3A_146 = vector.broadcast %add3A_145 : i32 to vector<16xi32>
        %add3A_147 = arith.addi %broadcast_in_dim3A_144, %add3A_146 : vector<16xi32>
        %add3A_148 = arith.constant 42 : i32
        %add3A_149 = vector.broadcast %add3A_148 : i32 to vector<16xi32>
        %add3A_150 = arith.addi %add3A_143, %add3A_149 : vector<16xi32>
        %add3A_151 = arith.addi %add3A_147, %add3A_150 : vector<16xi32>
        %shift_left3A = arith.constant 13 : i32
        %shift_left3A_152 = vector.broadcast %shift_left3A : i32 to vector<16xi32>
        %shift_left3A_153 = arith.shli %add3A_150, %shift_left3A_152 : vector<16xi32>
        %shift_right_logical3A = arith.constant 19 : i32
        %shift_right_logical3A_154 = vector.broadcast %shift_right_logical3A : i32 to vector<16xi32>
        %shift_right_logical3A_155 = arith.shrui %add3A_150, %shift_right_logical3A_154 : vector<16xi32>
        %or3A = arith.ori %shift_left3A_153, %shift_right_logical3A_155 : vector<16xi32>
        %xor3A = arith.xori %or3A, %add3A_151 : vector<16xi32>
        %add3A_156 = arith.addi %add3A_151, %xor3A : vector<16xi32>
        %shift_left3A_157 = arith.constant 15 : i32
        %shift_left3A_158 = vector.broadcast %shift_left3A_157 : i32 to vector<16xi32>
        %shift_left3A_159 = arith.shli %xor3A, %shift_left3A_158 : vector<16xi32>
        %shift_right_logical3A_160 = arith.constant 17 : i32
        %shift_right_logical3A_161 = vector.broadcast %shift_right_logical3A_160 : i32 to vector<16xi32>
        %shift_right_logical3A_162 = arith.shrui %xor3A, %shift_right_logical3A_161 : vector<16xi32>
        %or3A_163 = arith.ori %shift_left3A_159, %shift_right_logical3A_162 : vector<16xi32>
        %xor3A_164 = arith.xori %or3A_163, %add3A_156 : vector<16xi32>
        %add3A_165 = arith.addi %add3A_156, %xor3A_164 : vector<16xi32>
        %shift_left3A_166 = arith.constant 26 : i32
        %shift_left3A_167 = vector.broadcast %shift_left3A_166 : i32 to vector<16xi32>
        %shift_left3A_168 = arith.shli %xor3A_164, %shift_left3A_167 : vector<16xi32>
        %shift_right_logical3A_169 = arith.constant 6 : i32
        %shift_right_logical3A_170 = vector.broadcast %shift_right_logical3A_169 : i32 to vector<16xi32>
        %shift_right_logical3A_171 = arith.shrui %xor3A_164, %shift_right_logical3A_170 : vector<16xi32>
        %or3A_172 = arith.ori %shift_left3A_168, %shift_right_logical3A_171 : vector<16xi32>
        %xor3A_173 = arith.xori %or3A_172, %add3A_165 : vector<16xi32>
        %add3A_174 = arith.addi %add3A_165, %xor3A_173 : vector<16xi32>
        %shift_left3A_175 = arith.constant 6 : i32
        %shift_left3A_176 = vector.broadcast %shift_left3A_175 : i32 to vector<16xi32>
        %shift_left3A_177 = arith.shli %xor3A_173, %shift_left3A_176 : vector<16xi32>
        %shift_right_logical3A_178 = arith.constant 26 : i32
        %shift_right_logical3A_179 = vector.broadcast %shift_right_logical3A_178 : i32 to vector<16xi32>
        %shift_right_logical3A_180 = arith.shrui %xor3A_173, %shift_right_logical3A_179 : vector<16xi32>
        %or3A_181 = arith.ori %shift_left3A_177, %shift_right_logical3A_180 : vector<16xi32>
        %xor3A_182 = arith.xori %or3A_181, %add3A_174 : vector<16xi32>
        %add3A_183 = arith.constant 42 : i32
        %add3A_184 = vector.broadcast %add3A_183 : i32 to vector<16xi32>
        %add3A_185 = arith.addi %add3A_174, %add3A_184 : vector<16xi32>
        %add3A_186 = arith.constant 466689008 : i32
        %add3A_187 = vector.broadcast %add3A_186 : i32 to vector<16xi32>
        %add3A_188 = arith.addi %xor3A_182, %add3A_187 : vector<16xi32>
        %add3A_189 = arith.constant 1 : i32
        %add3A_190 = vector.broadcast %add3A_189 : i32 to vector<16xi32>
        %add3A_191 = arith.addi %add3A_188, %add3A_190 : vector<16xi32>
        %add3A_192 = arith.addi %add3A_185, %add3A_191 : vector<16xi32>
        %shift_left3A_193 = arith.constant 17 : i32
        %shift_left3A_194 = vector.broadcast %shift_left3A_193 : i32 to vector<16xi32>
        %shift_left3A_195 = arith.shli %add3A_191, %shift_left3A_194 : vector<16xi32>
        %shift_right_logical3A_196 = arith.constant 15 : i32
        %shift_right_logical3A_197 = vector.broadcast %shift_right_logical3A_196 : i32 to vector<16xi32>
        %shift_right_logical3A_198 = arith.shrui %add3A_191, %shift_right_logical3A_197 : vector<16xi32>
        %or3A_199 = arith.ori %shift_left3A_195, %shift_right_logical3A_198 : vector<16xi32>
        %xor3A_200 = arith.xori %or3A_199, %add3A_192 : vector<16xi32>
        %add3A_201 = arith.addi %add3A_192, %xor3A_200 : vector<16xi32>
        %shift_left3A_202 = arith.constant 29 : i32
        %shift_left3A_203 = vector.broadcast %shift_left3A_202 : i32 to vector<16xi32>
        %shift_left3A_204 = arith.shli %xor3A_200, %shift_left3A_203 : vector<16xi32>
        %shift_right_logical3A_205 = arith.constant 3 : i32
        %shift_right_logical3A_206 = vector.broadcast %shift_right_logical3A_205 : i32 to vector<16xi32>
        %shift_right_logical3A_207 = arith.shrui %xor3A_200, %shift_right_logical3A_206 : vector<16xi32>
        %or3A_208 = arith.ori %shift_left3A_204, %shift_right_logical3A_207 : vector<16xi32>
        %xor3A_209 = arith.xori %or3A_208, %add3A_201 : vector<16xi32>
        %add3A_210 = arith.addi %add3A_201, %xor3A_209 : vector<16xi32>
        %shift_left3A_211 = arith.constant 16 : i32
        %shift_left3A_212 = vector.broadcast %shift_left3A_211 : i32 to vector<16xi32>
        %shift_left3A_213 = arith.shli %xor3A_209, %shift_left3A_212 : vector<16xi32>
        %shift_right_logical3A_214 = arith.constant 16 : i32
        %shift_right_logical3A_215 = vector.broadcast %shift_right_logical3A_214 : i32 to vector<16xi32>
        %shift_right_logical3A_216 = arith.shrui %xor3A_209, %shift_right_logical3A_215 : vector<16xi32>
        %or3A_217 = arith.ori %shift_left3A_213, %shift_right_logical3A_216 : vector<16xi32>
        %xor3A_218 = arith.xori %or3A_217, %add3A_210 : vector<16xi32>
        %add3A_219 = arith.addi %add3A_210, %xor3A_218 : vector<16xi32>
        %shift_left3A_220 = arith.constant 24 : i32
        %shift_left3A_221 = vector.broadcast %shift_left3A_220 : i32 to vector<16xi32>
        %shift_left3A_222 = arith.shli %xor3A_218, %shift_left3A_221 : vector<16xi32>
        %shift_right_logical3A_223 = arith.constant 8 : i32
        %shift_right_logical3A_224 = vector.broadcast %shift_right_logical3A_223 : i32 to vector<16xi32>
        %shift_right_logical3A_225 = arith.shrui %xor3A_218, %shift_right_logical3A_224 : vector<16xi32>
        %or3A_226 = arith.ori %shift_left3A_222, %shift_right_logical3A_225 : vector<16xi32>
        %xor3A_227 = arith.xori %or3A_226, %add3A_219 : vector<16xi32>
        %add3A_228 = arith.constant 466689008 : i32
        %add3A_229 = vector.broadcast %add3A_228 : i32 to vector<16xi32>
        %add3A_230 = arith.addi %add3A_219, %add3A_229 : vector<16xi32>
        %add3A_231 = arith.constant 0 : i32
        %add3A_232 = vector.broadcast %add3A_231 : i32 to vector<16xi32>
        %add3A_233 = arith.addi %xor3A_227, %add3A_232 : vector<16xi32>
        %add3A_234 = arith.constant 2 : i32
        %add3A_235 = vector.broadcast %add3A_234 : i32 to vector<16xi32>
        %add3A_236 = arith.addi %add3A_233, %add3A_235 : vector<16xi32>
        %add3A_237 = arith.addi %add3A_230, %add3A_236 : vector<16xi32>
        %shift_left3A_238 = arith.constant 13 : i32
        %shift_left3A_239 = vector.broadcast %shift_left3A_238 : i32 to vector<16xi32>
        %shift_left3A_240 = arith.shli %add3A_236, %shift_left3A_239 : vector<16xi32>
        %shift_right_logical3A_241 = arith.constant 19 : i32
        %shift_right_logical3A_242 = vector.broadcast %shift_right_logical3A_241 : i32 to vector<16xi32>
        %shift_right_logical3A_243 = arith.shrui %add3A_236, %shift_right_logical3A_242 : vector<16xi32>
        %or3A_244 = arith.ori %shift_left3A_240, %shift_right_logical3A_243 : vector<16xi32>
        %xor3A_245 = arith.xori %or3A_244, %add3A_237 : vector<16xi32>
        %add3A_246 = arith.addi %add3A_237, %xor3A_245 : vector<16xi32>
        %shift_left3A_247 = arith.constant 15 : i32
        %shift_left3A_248 = vector.broadcast %shift_left3A_247 : i32 to vector<16xi32>
        %shift_left3A_249 = arith.shli %xor3A_245, %shift_left3A_248 : vector<16xi32>
        %shift_right_logical3A_250 = arith.constant 17 : i32
        %shift_right_logical3A_251 = vector.broadcast %shift_right_logical3A_250 : i32 to vector<16xi32>
        %shift_right_logical3A_252 = arith.shrui %xor3A_245, %shift_right_logical3A_251 : vector<16xi32>
        %or3A_253 = arith.ori %shift_left3A_249, %shift_right_logical3A_252 : vector<16xi32>
        %xor3A_254 = arith.xori %or3A_253, %add3A_246 : vector<16xi32>
        %add3A_255 = arith.addi %add3A_246, %xor3A_254 : vector<16xi32>
        %shift_left3A_256 = arith.constant 26 : i32
        %shift_left3A_257 = vector.broadcast %shift_left3A_256 : i32 to vector<16xi32>
        %shift_left3A_258 = arith.shli %xor3A_254, %shift_left3A_257 : vector<16xi32>
        %shift_right_logical3A_259 = arith.constant 6 : i32
        %shift_right_logical3A_260 = vector.broadcast %shift_right_logical3A_259 : i32 to vector<16xi32>
        %shift_right_logical3A_261 = arith.shrui %xor3A_254, %shift_right_logical3A_260 : vector<16xi32>
        %or3A_262 = arith.ori %shift_left3A_258, %shift_right_logical3A_261 : vector<16xi32>
        %xor3A_263 = arith.xori %or3A_262, %add3A_255 : vector<16xi32>
        %add3A_264 = arith.addi %add3A_255, %xor3A_263 : vector<16xi32>
        %shift_left3A_265 = arith.constant 6 : i32
        %shift_left3A_266 = vector.broadcast %shift_left3A_265 : i32 to vector<16xi32>
        %shift_left3A_267 = arith.shli %xor3A_263, %shift_left3A_266 : vector<16xi32>
        %shift_right_logical3A_268 = arith.constant 26 : i32
        %shift_right_logical3A_269 = vector.broadcast %shift_right_logical3A_268 : i32 to vector<16xi32>
        %shift_right_logical3A_270 = arith.shrui %xor3A_263, %shift_right_logical3A_269 : vector<16xi32>
        %or3A_271 = arith.ori %shift_left3A_267, %shift_right_logical3A_270 : vector<16xi32>
        %xor3A_272 = arith.xori %or3A_271, %add3A_264 : vector<16xi32>
        %add3A_273 = arith.constant 0 : i32
        %add3A_274 = vector.broadcast %add3A_273 : i32 to vector<16xi32>
        %add3A_275 = arith.addi %add3A_264, %add3A_274 : vector<16xi32>
        %add3A_276 = arith.constant 42 : i32
        %add3A_277 = vector.broadcast %add3A_276 : i32 to vector<16xi32>
        %add3A_278 = arith.addi %xor3A_272, %add3A_277 : vector<16xi32>
        %add3A_279 = arith.constant 3 : i32
        %add3A_280 = vector.broadcast %add3A_279 : i32 to vector<16xi32>
        %add3A_281 = arith.addi %add3A_278, %add3A_280 : vector<16xi32>
        %add3A_282 = arith.addi %add3A_275, %add3A_281 : vector<16xi32>
        %shift_left3A_283 = arith.constant 17 : i32
        %shift_left3A_284 = vector.broadcast %shift_left3A_283 : i32 to vector<16xi32>
        %shift_left3A_285 = arith.shli %add3A_281, %shift_left3A_284 : vector<16xi32>
        %shift_right_logical3A_286 = arith.constant 15 : i32
        %shift_right_logical3A_287 = vector.broadcast %shift_right_logical3A_286 : i32 to vector<16xi32>
        %shift_right_logical3A_288 = arith.shrui %add3A_281, %shift_right_logical3A_287 : vector<16xi32>
        %or3A_289 = arith.ori %shift_left3A_285, %shift_right_logical3A_288 : vector<16xi32>
        %xor3A_290 = arith.xori %or3A_289, %add3A_282 : vector<16xi32>
        %add3A_291 = arith.addi %add3A_282, %xor3A_290 : vector<16xi32>
        %shift_left3A_292 = arith.constant 29 : i32
        %shift_left3A_293 = vector.broadcast %shift_left3A_292 : i32 to vector<16xi32>
        %shift_left3A_294 = arith.shli %xor3A_290, %shift_left3A_293 : vector<16xi32>
        %shift_right_logical3A_295 = arith.constant 3 : i32
        %shift_right_logical3A_296 = vector.broadcast %shift_right_logical3A_295 : i32 to vector<16xi32>
        %shift_right_logical3A_297 = arith.shrui %xor3A_290, %shift_right_logical3A_296 : vector<16xi32>
        %or3A_298 = arith.ori %shift_left3A_294, %shift_right_logical3A_297 : vector<16xi32>
        %xor3A_299 = arith.xori %or3A_298, %add3A_291 : vector<16xi32>
        %add3A_300 = arith.addi %add3A_291, %xor3A_299 : vector<16xi32>
        %shift_left3A_301 = arith.constant 16 : i32
        %shift_left3A_302 = vector.broadcast %shift_left3A_301 : i32 to vector<16xi32>
        %shift_left3A_303 = arith.shli %xor3A_299, %shift_left3A_302 : vector<16xi32>
        %shift_right_logical3A_304 = arith.constant 16 : i32
        %shift_right_logical3A_305 = vector.broadcast %shift_right_logical3A_304 : i32 to vector<16xi32>
        %shift_right_logical3A_306 = arith.shrui %xor3A_299, %shift_right_logical3A_305 : vector<16xi32>
        %or3A_307 = arith.ori %shift_left3A_303, %shift_right_logical3A_306 : vector<16xi32>
        %xor3A_308 = arith.xori %or3A_307, %add3A_300 : vector<16xi32>
        %add3A_309 = arith.addi %add3A_300, %xor3A_308 : vector<16xi32>
        %shift_left3A_310 = arith.constant 24 : i32
        %shift_left3A_311 = vector.broadcast %shift_left3A_310 : i32 to vector<16xi32>
        %shift_left3A_312 = arith.shli %xor3A_308, %shift_left3A_311 : vector<16xi32>
        %shift_right_logical3A_313 = arith.constant 8 : i32
        %shift_right_logical3A_314 = vector.broadcast %shift_right_logical3A_313 : i32 to vector<16xi32>
        %shift_right_logical3A_315 = arith.shrui %xor3A_308, %shift_right_logical3A_314 : vector<16xi32>
        %or3A_316 = arith.ori %shift_left3A_312, %shift_right_logical3A_315 : vector<16xi32>
        %xor3A_317 = arith.xori %or3A_316, %add3A_309 : vector<16xi32>
        %add3A_318 = arith.constant 42 : i32
        %add3A_319 = vector.broadcast %add3A_318 : i32 to vector<16xi32>
        %add3A_320 = arith.addi %add3A_309, %add3A_319 : vector<16xi32>
        %add3A_321 = arith.constant 466689008 : i32
        %add3A_322 = vector.broadcast %add3A_321 : i32 to vector<16xi32>
        %add3A_323 = arith.addi %xor3A_317, %add3A_322 : vector<16xi32>
        %add3A_324 = arith.constant 4 : i32
        %add3A_325 = vector.broadcast %add3A_324 : i32 to vector<16xi32>
        %add3A_326 = arith.addi %add3A_323, %add3A_325 : vector<16xi32>
        %add3A_327 = arith.addi %add3A_320, %add3A_326 : vector<16xi32>
        %shift_left3A_328 = arith.constant 13 : i32
        %shift_left3A_329 = vector.broadcast %shift_left3A_328 : i32 to vector<16xi32>
        %shift_left3A_330 = arith.shli %add3A_326, %shift_left3A_329 : vector<16xi32>
        %shift_right_logical3A_331 = arith.constant 19 : i32
        %shift_right_logical3A_332 = vector.broadcast %shift_right_logical3A_331 : i32 to vector<16xi32>
        %shift_right_logical3A_333 = arith.shrui %add3A_326, %shift_right_logical3A_332 : vector<16xi32>
        %or3A_334 = arith.ori %shift_left3A_330, %shift_right_logical3A_333 : vector<16xi32>
        %xor3A_335 = arith.xori %or3A_334, %add3A_327 : vector<16xi32>
        %add3A_336 = arith.addi %add3A_327, %xor3A_335 : vector<16xi32>
        %shift_left3A_337 = arith.constant 15 : i32
        %shift_left3A_338 = vector.broadcast %shift_left3A_337 : i32 to vector<16xi32>
        %shift_left3A_339 = arith.shli %xor3A_335, %shift_left3A_338 : vector<16xi32>
        %shift_right_logical3A_340 = arith.constant 17 : i32
        %shift_right_logical3A_341 = vector.broadcast %shift_right_logical3A_340 : i32 to vector<16xi32>
        %shift_right_logical3A_342 = arith.shrui %xor3A_335, %shift_right_logical3A_341 : vector<16xi32>
        %or3A_343 = arith.ori %shift_left3A_339, %shift_right_logical3A_342 : vector<16xi32>
        %xor3A_344 = arith.xori %or3A_343, %add3A_336 : vector<16xi32>
        %add3A_345 = arith.addi %add3A_336, %xor3A_344 : vector<16xi32>
        %shift_left3A_346 = arith.constant 26 : i32
        %shift_left3A_347 = vector.broadcast %shift_left3A_346 : i32 to vector<16xi32>
        %shift_left3A_348 = arith.shli %xor3A_344, %shift_left3A_347 : vector<16xi32>
        %shift_right_logical3A_349 = arith.constant 6 : i32
        %shift_right_logical3A_350 = vector.broadcast %shift_right_logical3A_349 : i32 to vector<16xi32>
        %shift_right_logical3A_351 = arith.shrui %xor3A_344, %shift_right_logical3A_350 : vector<16xi32>
        %or3A_352 = arith.ori %shift_left3A_348, %shift_right_logical3A_351 : vector<16xi32>
        %xor3A_353 = arith.xori %or3A_352, %add3A_345 : vector<16xi32>
        %add3A_354 = arith.addi %add3A_345, %xor3A_353 : vector<16xi32>
        %shift_left3A_355 = arith.constant 6 : i32
        %shift_left3A_356 = vector.broadcast %shift_left3A_355 : i32 to vector<16xi32>
        %shift_left3A_357 = arith.shli %xor3A_353, %shift_left3A_356 : vector<16xi32>
        %shift_right_logical3A_358 = arith.constant 26 : i32
        %shift_right_logical3A_359 = vector.broadcast %shift_right_logical3A_358 : i32 to vector<16xi32>
        %shift_right_logical3A_360 = arith.shrui %xor3A_353, %shift_right_logical3A_359 : vector<16xi32>
        %or3A_361 = arith.ori %shift_left3A_357, %shift_right_logical3A_360 : vector<16xi32>
        %xor3A_362 = arith.xori %or3A_361, %add3A_354 : vector<16xi32>
        %add3A_363 = arith.constant 466689008 : i32
        %add3A_364 = vector.broadcast %add3A_363 : i32 to vector<16xi32>
        %add3A_365 = arith.addi %add3A_354, %add3A_364 : vector<16xi32>
        %add3A_366 = arith.constant 0 : i32
        %add3A_367 = vector.broadcast %add3A_366 : i32 to vector<16xi32>
        %add3A_368 = arith.addi %xor3A_362, %add3A_367 : vector<16xi32>
        %add3A_369 = arith.constant 5 : i32
        %add3A_370 = vector.broadcast %add3A_369 : i32 to vector<16xi32>
        %add3A_371 = arith.addi %add3A_368, %add3A_370 : vector<16xi32>
        %xor3A_372 = arith.xori %add3A_365, %add3A_371 : vector<16xi32>
        %shift_right_logical3A_373 = arith.constant 31 : i32
        %shift_right_logical3A_374 = vector.broadcast %shift_right_logical3A_373 : i32 to vector<16xi32>
        %shift_right_logical3A_375 = arith.shrui %xor3A_372, %shift_right_logical3A_374 : vector<16xi32>
        %eq3A = arith.constant 1 : i32
        %eq3A_376 = vector.broadcast %eq3A : i32 to vector<16xi32>
        %eq3A_377 = arith.cmpi eq, %shift_right_logical3A_375, %eq3A_376 : vector<16xi32>
        %mul3A_378 = arith.constant 16 : i32
        %mul3A_379 = arith.muli %scan3A_138, %mul3A_378 : i32
        %get3A = arith.constant 1 : i32
        %get3A_380 = arith.index_cast %get3A : i32 to index
        %get3A_381 = arith.index_cast %mul3A_379 : i32 to index
        %get3A_382 = tpu.vector_load %arg4[%get3A_380, %get3A_381] {strides = array<i32>} : memref<2x4096xf32, #tpu.memory_space<vmem>>, vector<1x16xf32>,
        %get3A_383 = vector.shape_cast %get3A_382 : vector<1x16xf32> to vector<16xf32>
        %mul3A_384 = arith.constant 2.000000e+00 : f32
        %mul3A_385 = vector.broadcast %mul3A_384 : f32 to vector<16xf32>
        %mul3A_386 = arith.mulf %get3A_383, %mul3A_385 : vector<16xf32>
        %jit3A = arith.constant 0.000000e+00 : f32
        %broadcast_in_dim3A_387 = vector.broadcast %jit3A : f32 to vector<16xf32>
        %select_n3A = arith.select %eq3A_377, %mul3A_386, %broadcast_in_dim3A_387 : vector<16xi1>, vector<16xf32>
        %mul3A_388 = arith.constant 16 : i32
        %mul3A_389 = arith.muli %scan3A_138, %mul3A_388 : i32
        %swap3A = arith.constant 1 : i32
        %swap3A_390 = arith.index_cast %swap3A : i32 to index
        %swap3A_391 = arith.index_cast %mul3A_389 : i32 to index
        %swap3A_392 = tpu.vector_load %arg5[%swap3A_390, %swap3A_391] {strides = array<i32>} : memref<2x4096xf32, #tpu.memory_space<vmem>>, vector<1x16xf32>,
        %swap3A_393 = vector.shape_cast %swap3A_392 : vector<1x16xf32> to vector<16xf32>
        %swap3A_394 = vector.shape_cast %select_n3A : vector<16xf32> to vector<1x16xf32>
        tpu.vector_store %arg5[%swap3A_390, %swap3A_391], %swap3A_394 {strides = array<i32>} : memref<2x4096xf32, #tpu.memory_space<vmem>>, vector<1x16xf32>,
        %scan3A_395 = arith.constant 1 : i32
        %scan3A_396 = arith.addi %scan3A_138, %scan3A_395 : i32
        %mul3A_397 = arith.constant 16 : i32
        %mul3A_398 = arith.muli %scan3A_396, %mul3A_397 : i32
        %add3A_399 = arith.addi %add3A_113, %mul3A_398 : i32
        %add3A_400 = vector.broadcast %add3A_399 : i32 to vector<16xi32>
        %add3A_401 = arith.addi %add3A_400, %iota3A : vector<16xi32>
        %broadcast_in_dim3A_402 = arith.constant 0 : i32
        %broadcast_in_dim3A_403 = vector.broadcast %broadcast_in_dim3A_402 : i32 to vector<16xi32>
        %add3A_404 = arith.constant 0 : i32
        %add3A_405 = vector.broadcast %add3A_404 : i32 to vector<16xi32>
        %add3A_406 = arith.addi %broadcast_in_dim3A_403, %add3A_405 : vector<16xi32>
        %add3A_407 = arith.constant 42 : i32
        %add3A_408 = vector.broadcast %add3A_407 : i32 to vector<16xi32>
        %add3A_409 = arith.addi %add3A_401, %add3A_408 : vector<16xi32>
        %add3A_410 = arith.addi %add3A_406, %add3A_409 : vector<16xi32>
        %shift_left3A_411 = arith.constant 13 : i32
        %shift_left3A_412 = vector.broadcast %shift_left3A_411 : i32 to vector<16xi32>
        %shift_left3A_413 = arith.shli %add3A_409, %shift_left3A_412 : vector<16xi32>
        %shift_right_logical3A_414 = arith.constant 19 : i32
        %shift_right_logical3A_415 = vector.broadcast %shift_right_logical3A_414 : i32 to vector<16xi32>
        %shift_right_logical3A_416 = arith.shrui %add3A_409, %shift_right_logical3A_415 : vector<16xi32>
        %or3A_417 = arith.ori %shift_left3A_413, %shift_right_logical3A_416 : vector<16xi32>
        %xor3A_418 = arith.xori %or3A_417, %add3A_410 : vector<16xi32>
        %add3A_419 = arith.addi %add3A_410, %xor3A_418 : vector<16xi32>
        %shift_left3A_420 = arith.constant 15 : i32
        %shift_left3A_421 = vector.broadcast %shift_left3A_420 : i32 to vector<16xi32>
        %shift_left3A_422 = arith.shli %xor3A_418, %shift_left3A_421 : vector<16xi32>
        %shift_right_logical3A_423 = arith.constant 17 : i32
        %shift_right_logical3A_424 = vector.broadcast %shift_right_logical3A_423 : i32 to vector<16xi32>
        %shift_right_logical3A_425 = arith.shrui %xor3A_418, %shift_right_logical3A_424 : vector<16xi32>
        %or3A_426 = arith.ori %shift_left3A_422, %shift_right_logical3A_425 : vector<16xi32>
        %xor3A_427 = arith.xori %or3A_426, %add3A_419 : vector<16xi32>
        %add3A_428 = arith.addi %add3A_419, %xor3A_427 : vector<16xi32>
        %shift_left3A_429 = arith.constant 26 : i32
        %shift_left3A_430 = vector.broadcast %shift_left3A_429 : i32 to vector<16xi32>
        %shift_left3A_431 = arith.shli %xor3A_427, %shift_left3A_430 : vector<16xi32>
        %shift_right_logical3A_432 = arith.constant 6 : i32
        %shift_right_logical3A_433 = vector.broadcast %shift_right_logical3A_432 : i32 to vector<16xi32>
        %shift_right_logical3A_434 = arith.shrui %xor3A_427, %shift_right_logical3A_433 : vector<16xi32>
        %or3A_435 = arith.ori %shift_left3A_431, %shift_right_logical3A_434 : vector<16xi32>
        %xor3A_436 = arith.xori %or3A_435, %add3A_428 : vector<16xi32>
        %add3A_437 = arith.addi %add3A_428, %xor3A_436 : vector<16xi32>
        %shift_left3A_438 = arith.constant 6 : i32
        %shift_left3A_439 = vector.broadcast %shift_left3A_438 : i32 to vector<16xi32>
        %shift_left3A_440 = arith.shli %xor3A_436, %shift_left3A_439 : vector<16xi32>
        %shift_right_logical3A_441 = arith.constant 26 : i32
        %shift_right_logical3A_442 = vector.broadcast %shift_right_logical3A_441 : i32 to vector<16xi32>
        %shift_right_logical3A_443 = arith.shrui %xor3A_436, %shift_right_logical3A_442 : vector<16xi32>
        %or3A_444 = arith.ori %shift_left3A_440, %shift_right_logical3A_443 : vector<16xi32>
        %xor3A_445 = arith.xori %or3A_444, %add3A_437 : vector<16xi32>
        %add3A_446 = arith.constant 42 : i32
        %add3A_447 = vector.broadcast %add3A_446 : i32 to vector<16xi32>
        %add3A_448 = arith.addi %add3A_437, %add3A_447 : vector<16xi32>
        %add3A_449 = arith.constant 466689008 : i32
        %add3A_450 = vector.broadcast %add3A_449 : i32 to vector<16xi32>
        %add3A_451 = arith.addi %xor3A_445, %add3A_450 : vector<16xi32>
        %add3A_452 = arith.constant 1 : i32
        %add3A_453 = vector.broadcast %add3A_452 : i32 to vector<16xi32>
        %add3A_454 = arith.addi %add3A_451, %add3A_453 : vector<16xi32>
        %add3A_455 = arith.addi %add3A_448, %add3A_454 : vector<16xi32>
        %shift_left3A_456 = arith.constant 17 : i32
        %shift_left3A_457 = vector.broadcast %shift_left3A_456 : i32 to vector<16xi32>
        %shift_left3A_458 = arith.shli %add3A_454, %shift_left3A_457 : vector<16xi32>
        %shift_right_logical3A_459 = arith.constant 15 : i32
        %shift_right_logical3A_460 = vector.broadcast %shift_right_logical3A_459 : i32 to vector<16xi32>
        %shift_right_logical3A_461 = arith.shrui %add3A_454, %shift_right_logical3A_460 : vector<16xi32>
        %or3A_462 = arith.ori %shift_left3A_458, %shift_right_logical3A_461 : vector<16xi32>
        %xor3A_463 = arith.xori %or3A_462, %add3A_455 : vector<16xi32>
        %add3A_464 = arith.addi %add3A_455, %xor3A_463 : vector<16xi32>
        %shift_left3A_465 = arith.constant 29 : i32
        %shift_left3A_466 = vector.broadcast %shift_left3A_465 : i32 to vector<16xi32>
        %shift_left3A_467 = arith.shli %xor3A_463, %shift_left3A_466 : vector<16xi32>
        %shift_right_logical3A_468 = arith.constant 3 : i32
        %shift_right_logical3A_469 = vector.broadcast %shift_right_logical3A_468 : i32 to vector<16xi32>
        %shift_right_logical3A_470 = arith.shrui %xor3A_463, %shift_right_logical3A_469 : vector<16xi32>
        %or3A_471 = arith.ori %shift_left3A_467, %shift_right_logical3A_470 : vector<16xi32>
        %xor3A_472 = arith.xori %or3A_471, %add3A_464 : vector<16xi32>
        %add3A_473 = arith.addi %add3A_464, %xor3A_472 : vector<16xi32>
        %shift_left3A_474 = arith.constant 16 : i32
        %shift_left3A_475 = vector.broadcast %shift_left3A_474 : i32 to vector<16xi32>
        %shift_left3A_476 = arith.shli %xor3A_472, %shift_left3A_475 : vector<16xi32>
        %shift_right_logical3A_477 = arith.constant 16 : i32
        %shift_right_logical3A_478 = vector.broadcast %shift_right_logical3A_477 : i32 to vector<16xi32>
        %shift_right_logical3A_479 = arith.shrui %xor3A_472, %shift_right_logical3A_478 : vector<16xi32>
        %or3A_480 = arith.ori %shift_left3A_476, %shift_right_logical3A_479 : vector<16xi32>
        %xor3A_481 = arith.xori %or3A_480, %add3A_473 : vector<16xi32>
        %add3A_482 = arith.addi %add3A_473, %xor3A_481 : vector<16xi32>
        %shift_left3A_483 = arith.constant 24 : i32
        %shift_left3A_484 = vector.broadcast %shift_left3A_483 : i32 to vector<16xi32>
        %shift_left3A_485 = arith.shli %xor3A_481, %shift_left3A_484 : vector<16xi32>
        %shift_right_logical3A_486 = arith.constant 8 : i32
        %shift_right_logical3A_487 = vector.broadcast %shift_right_logical3A_486 : i32 to vector<16xi32>
        %shift_right_logical3A_488 = arith.shrui %xor3A_481, %shift_right_logical3A_487 : vector<16xi32>
        %or3A_489 = arith.ori %shift_left3A_485, %shift_right_logical3A_488 : vector<16xi32>
        %xor3A_490 = arith.xori %or3A_489, %add3A_482 : vector<16xi32>
        %add3A_491 = arith.constant 466689008 : i32
        %add3A_492 = vector.broadcast %add3A_491 : i32 to vector<16xi32>
        %add3A_493 = arith.addi %add3A_482, %add3A_492 : vector<16xi32>
        %add3A_494 = arith.constant 0 : i32
        %add3A_495 = vector.broadcast %add3A_494 : i32 to vector<16xi32>
        %add3A_496 = arith.addi %xor3A_490, %add3A_495 : vector<16xi32>
        %add3A_497 = arith.constant 2 : i32
        %add3A_498 = vector.broadcast %add3A_497 : i32 to vector<16xi32>
        %add3A_499 = arith.addi %add3A_496, %add3A_498 : vector<16xi32>
        %add3A_500 = arith.addi %add3A_493, %add3A_499 : vector<16xi32>
        %shift_left3A_501 = arith.constant 13 : i32
        %shift_left3A_502 = vector.broadcast %shift_left3A_501 : i32 to vector<16xi32>
        %shift_left3A_503 = arith.shli %add3A_499, %shift_left3A_502 : vector<16xi32>
        %shift_right_logical3A_504 = arith.constant 19 : i32
        %shift_right_logical3A_505 = vector.broadcast %shift_right_logical3A_504 : i32 to vector<16xi32>
        %shift_right_logical3A_506 = arith.shrui %add3A_499, %shift_right_logical3A_505 : vector<16xi32>
        %or3A_507 = arith.ori %shift_left3A_503, %shift_right_logical3A_506 : vector<16xi32>
        %xor3A_508 = arith.xori %or3A_507, %add3A_500 : vector<16xi32>
        %add3A_509 = arith.addi %add3A_500, %xor3A_508 : vector<16xi32>
        %shift_left3A_510 = arith.constant 15 : i32
        %shift_left3A_511 = vector.broadcast %shift_left3A_510 : i32 to vector<16xi32>
        %shift_left3A_512 = arith.shli %xor3A_508, %shift_left3A_511 : vector<16xi32>
        %shift_right_logical3A_513 = arith.constant 17 : i32
        %shift_right_logical3A_514 = vector.broadcast %shift_right_logical3A_513 : i32 to vector<16xi32>
        %shift_right_logical3A_515 = arith.shrui %xor3A_508, %shift_right_logical3A_514 : vector<16xi32>
        %or3A_516 = arith.ori %shift_left3A_512, %shift_right_logical3A_515 : vector<16xi32>
        %xor3A_517 = arith.xori %or3A_516, %add3A_509 : vector<16xi32>
        %add3A_518 = arith.addi %add3A_509, %xor3A_517 : vector<16xi32>
        %shift_left3A_519 = arith.constant 26 : i32
        %shift_left3A_520 = vector.broadcast %shift_left3A_519 : i32 to vector<16xi32>
        %shift_left3A_521 = arith.shli %xor3A_517, %shift_left3A_520 : vector<16xi32>
        %shift_right_logical3A_522 = arith.constant 6 : i32
        %shift_right_logical3A_523 = vector.broadcast %shift_right_logical3A_522 : i32 to vector<16xi32>
        %shift_right_logical3A_524 = arith.shrui %xor3A_517, %shift_right_logical3A_523 : vector<16xi32>
        %or3A_525 = arith.ori %shift_left3A_521, %shift_right_logical3A_524 : vector<16xi32>
        %xor3A_526 = arith.xori %or3A_525, %add3A_518 : vector<16xi32>
        %add3A_527 = arith.addi %add3A_518, %xor3A_526 : vector<16xi32>
        %shift_left3A_528 = arith.constant 6 : i32
        %shift_left3A_529 = vector.broadcast %shift_left3A_528 : i32 to vector<16xi32>
        %shift_left3A_530 = arith.shli %xor3A_526, %shift_left3A_529 : vector<16xi32>
        %shift_right_logical3A_531 = arith.constant 26 : i32
        %shift_right_logical3A_532 = vector.broadcast %shift_right_logical3A_531 : i32 to vector<16xi32>
        %shift_right_logical3A_533 = arith.shrui %xor3A_526, %shift_right_logical3A_532 : vector<16xi32>
        %or3A_534 = arith.ori %shift_left3A_530, %shift_right_logical3A_533 : vector<16xi32>
        %xor3A_535 = arith.xori %or3A_534, %add3A_527 : vector<16xi32>
        %add3A_536 = arith.constant 0 : i32
        %add3A_537 = vector.broadcast %add3A_536 : i32 to vector<16xi32>
        %add3A_538 = arith.addi %add3A_527, %add3A_537 : vector<16xi32>
        %add3A_539 = arith.constant 42 : i32
        %add3A_540 = vector.broadcast %add3A_539 : i32 to vector<16xi32>
        %add3A_541 = arith.addi %xor3A_535, %add3A_540 : vector<16xi32>
        %add3A_542 = arith.constant 3 : i32
        %add3A_543 = vector.broadcast %add3A_542 : i32 to vector<16xi32>
        %add3A_544 = arith.addi %add3A_541, %add3A_543 : vector<16xi32>
        %add3A_545 = arith.addi %add3A_538, %add3A_544 : vector<16xi32>
        %shift_left3A_546 = arith.constant 17 : i32
        %shift_left3A_547 = vector.broadcast %shift_left3A_546 : i32 to vector<16xi32>
        %shift_left3A_548 = arith.shli %add3A_544, %shift_left3A_547 : vector<16xi32>
        %shift_right_logical3A_549 = arith.constant 15 : i32
        %shift_right_logical3A_550 = vector.broadcast %shift_right_logical3A_549 : i32 to vector<16xi32>
        %shift_right_logical3A_551 = arith.shrui %add3A_544, %shift_right_logical3A_550 : vector<16xi32>
        %or3A_552 = arith.ori %shift_left3A_548, %shift_right_logical3A_551 : vector<16xi32>
        %xor3A_553 = arith.xori %or3A_552, %add3A_545 : vector<16xi32>
        %add3A_554 = arith.addi %add3A_545, %xor3A_553 : vector<16xi32>
        %shift_left3A_555 = arith.constant 29 : i32
        %shift_left3A_556 = vector.broadcast %shift_left3A_555 : i32 to vector<16xi32>
        %shift_left3A_557 = arith.shli %xor3A_553, %shift_left3A_556 : vector<16xi32>
        %shift_right_logical3A_558 = arith.constant 3 : i32
        %shift_right_logical3A_559 = vector.broadcast %shift_right_logical3A_558 : i32 to vector<16xi32>
        %shift_right_logical3A_560 = arith.shrui %xor3A_553, %shift_right_logical3A_559 : vector<16xi32>
        %or3A_561 = arith.ori %shift_left3A_557, %shift_right_logical3A_560 : vector<16xi32>
        %xor3A_562 = arith.xori %or3A_561, %add3A_554 : vector<16xi32>
        %add3A_563 = arith.addi %add3A_554, %xor3A_562 : vector<16xi32>
        %shift_left3A_564 = arith.constant 16 : i32
        %shift_left3A_565 = vector.broadcast %shift_left3A_564 : i32 to vector<16xi32>
        %shift_left3A_566 = arith.shli %xor3A_562, %shift_left3A_565 : vector<16xi32>
        %shift_right_logical3A_567 = arith.constant 16 : i32
        %shift_right_logical3A_568 = vector.broadcast %shift_right_logical3A_567 : i32 to vector<16xi32>
        %shift_right_logical3A_569 = arith.shrui %xor3A_562, %shift_right_logical3A_568 : vector<16xi32>
        %or3A_570 = arith.ori %shift_left3A_566, %shift_right_logical3A_569 : vector<16xi32>
        %xor3A_571 = arith.xori %or3A_570, %add3A_563 : vector<16xi32>
        %add3A_572 = arith.addi %add3A_563, %xor3A_571 : vector<16xi32>
        %shift_left3A_573 = arith.constant 24 : i32
        %shift_left3A_574 = vector.broadcast %shift_left3A_573 : i32 to vector<16xi32>
        %shift_left3A_575 = arith.shli %xor3A_571, %shift_left3A_574 : vector<16xi32>
        %shift_right_logical3A_576 = arith.constant 8 : i32
        %shift_right_logical3A_577 = vector.broadcast %shift_right_logical3A_576 : i32 to vector<16xi32>
        %shift_right_logical3A_578 = arith.shrui %xor3A_571, %shift_right_logical3A_577 : vector<16xi32>
        %or3A_579 = arith.ori %shift_left3A_575, %shift_right_logical3A_578 : vector<16xi32>
        %xor3A_580 = arith.xori %or3A_579, %add3A_572 : vector<16xi32>
        %add3A_581 = arith.constant 42 : i32
        %add3A_582 = vector.broadcast %add3A_581 : i32 to vector<16xi32>
        %add3A_583 = arith.addi %add3A_572, %add3A_582 : vector<16xi32>
        %add3A_584 = arith.constant 466689008 : i32
        %add3A_585 = vector.broadcast %add3A_584 : i32 to vector<16xi32>
        %add3A_586 = arith.addi %xor3A_580, %add3A_585 : vector<16xi32>
        %add3A_587 = arith.constant 4 : i32
        %add3A_588 = vector.broadcast %add3A_587 : i32 to vector<16xi32>
        %add3A_589 = arith.addi %add3A_586, %add3A_588 : vector<16xi32>
        %add3A_590 = arith.addi %add3A_583, %add3A_589 : vector<16xi32>
        %shift_left3A_591 = arith.constant 13 : i32
        %shift_left3A_592 = vector.broadcast %shift_left3A_591 : i32 to vector<16xi32>
        %shift_left3A_593 = arith.shli %add3A_589, %shift_left3A_592 : vector<16xi32>
        %shift_right_logical3A_594 = arith.constant 19 : i32
        %shift_right_logical3A_595 = vector.broadcast %shift_right_logical3A_594 : i32 to vector<16xi32>
        %shift_right_logical3A_596 = arith.shrui %add3A_589, %shift_right_logical3A_595 : vector<16xi32>
        %or3A_597 = arith.ori %shift_left3A_593, %shift_right_logical3A_596 : vector<16xi32>
        %xor3A_598 = arith.xori %or3A_597, %add3A_590 : vector<16xi32>
        %add3A_599 = arith.addi %add3A_590, %xor3A_598 : vector<16xi32>
        %shift_left3A_600 = arith.constant 15 : i32
        %shift_left3A_601 = vector.broadcast %shift_left3A_600 : i32 to vector<16xi32>
        %shift_left3A_602 = arith.shli %xor3A_598, %shift_left3A_601 : vector<16xi32>
        %shift_right_logical3A_603 = arith.constant 17 : i32
        %shift_right_logical3A_604 = vector.broadcast %shift_right_logical3A_603 : i32 to vector<16xi32>
        %shift_right_logical3A_605 = arith.shrui %xor3A_598, %shift_right_logical3A_604 : vector<16xi32>
        %or3A_606 = arith.ori %shift_left3A_602, %shift_right_logical3A_605 : vector<16xi32>
        %xor3A_607 = arith.xori %or3A_606, %add3A_599 : vector<16xi32>
        %add3A_608 = arith.addi %add3A_599, %xor3A_607 : vector<16xi32>
        %shift_left3A_609 = arith.constant 26 : i32
        %shift_left3A_610 = vector.broadcast %shift_left3A_609 : i32 to vector<16xi32>
        %shift_left3A_611 = arith.shli %xor3A_607, %shift_left3A_610 : vector<16xi32>
        %shift_right_logical3A_612 = arith.constant 6 : i32
        %shift_right_logical3A_613 = vector.broadcast %shift_right_logical3A_612 : i32 to vector<16xi32>
        %shift_right_logical3A_614 = arith.shrui %xor3A_607, %shift_right_logical3A_613 : vector<16xi32>
        %or3A_615 = arith.ori %shift_left3A_611, %shift_right_logical3A_614 : vector<16xi32>
        %xor3A_616 = arith.xori %or3A_615, %add3A_608 : vector<16xi32>
        %add3A_617 = arith.addi %add3A_608, %xor3A_616 : vector<16xi32>
        %shift_left3A_618 = arith.constant 6 : i32
        %shift_left3A_619 = vector.broadcast %shift_left3A_618 : i32 to vector<16xi32>
        %shift_left3A_620 = arith.shli %xor3A_616, %shift_left3A_619 : vector<16xi32>
        %shift_right_logical3A_621 = arith.constant 26 : i32
        %shift_right_logical3A_622 = vector.broadcast %shift_right_logical3A_621 : i32 to vector<16xi32>
        %shift_right_logical3A_623 = arith.shrui %xor3A_616, %shift_right_logical3A_622 : vector<16xi32>
        %or3A_624 = arith.ori %shift_left3A_620, %shift_right_logical3A_623 : vector<16xi32>
        %xor3A_625 = arith.xori %or3A_624, %add3A_617 : vector<16xi32>
        %add3A_626 = arith.constant 466689008 : i32
        %add3A_627 = vector.broadcast %add3A_626 : i32 to vector<16xi32>
        %add3A_628 = arith.addi %add3A_617, %add3A_627 : vector<16xi32>
        %add3A_629 = arith.constant 0 : i32
        %add3A_630 = vector.broadcast %add3A_629 : i32 to vector<16xi32>
        %add3A_631 = arith.addi %xor3A_625, %add3A_630 : vector<16xi32>
        %add3A_632 = arith.constant 5 : i32
        %add3A_633 = vector.broadcast %add3A_632 : i32 to vector<16xi32>
        %add3A_634 = arith.addi %add3A_631, %add3A_633 : vector<16xi32>
        %xor3A_635 = arith.xori %add3A_628, %add3A_634 : vector<16xi32>
        %shift_right_logical3A_636 = arith.constant 31 : i32
        %shift_right_logical3A_637 = vector.broadcast %shift_right_logical3A_636 : i32 to vector<16xi32>
        %shift_right_logical3A_638 = arith.shrui %xor3A_635, %shift_right_logical3A_637 : vector<16xi32>
        %eq3A_639 = arith.constant 1 : i32
        %eq3A_640 = vector.broadcast %eq3A_639 : i32 to vector<16xi32>
        %eq3A_641 = arith.cmpi eq, %shift_right_logical3A_638, %eq3A_640 : vector<16xi32>
        %mul3A_642 = arith.constant 16 : i32
        %mul3A_643 = arith.muli %scan3A_396, %mul3A_642 : i32
        %get3A_644 = arith.constant 1 : i32
        %get3A_645 = arith.index_cast %get3A_644 : i32 to index
        %get3A_646 = arith.index_cast %mul3A_643 : i32 to index
        %get3A_647 = tpu.vector_load %arg4[%get3A_645, %get3A_646] {strides = array<i32>} : memref<2x4096xf32, #tpu.memory_space<vmem>>, vector<1x16xf32>,
        %get3A_648 = vector.shape_cast %get3A_647 : vector<1x16xf32> to vector<16xf32>
        %mul3A_649 = arith.constant 2.000000e+00 : f32
        %mul3A_650 = vector.broadcast %mul3A_649 : f32 to vector<16xf32>
        %mul3A_651 = arith.mulf %get3A_648, %mul3A_650 : vector<16xf32>
        %jit3A_652 = arith.constant 0.000000e+00 : f32
        %broadcast_in_dim3A_653 = vector.broadcast %jit3A_652 : f32 to vector<16xf32>
        %select_n3A_654 = arith.select %eq3A_641, %mul3A_651, %broadcast_in_dim3A_653 : vector<16xi1>, vector<16xf32>
        %mul3A_655 = arith.constant 16 : i32
        %mul3A_656 = arith.muli %scan3A_396, %mul3A_655 : i32
        %swap3A_657 = arith.constant 1 : i32
        %swap3A_658 = arith.index_cast %swap3A_657 : i32 to index
        %swap3A_659 = arith.index_cast %mul3A_656 : i32 to index
        %swap3A_660 = tpu.vector_load %arg5[%swap3A_658, %swap3A_659] {strides = array<i32>} : memref<2x4096xf32, #tpu.memory_space<vmem>>, vector<1x16xf32>,
        %swap3A_661 = vector.shape_cast %swap3A_660 : vector<1x16xf32> to vector<16xf32>
        %swap3A_662 = vector.shape_cast %select_n3A_654 : vector<16xf32> to vector<1x16xf32>
        tpu.vector_store %arg5[%swap3A_658, %swap3A_659], %swap3A_662 {strides = array<i32>} : memref<2x4096xf32, #tpu.memory_space<vmem>>, vector<1x16xf32>,
      }
      %scan3A_118 = arith.constant 256 : i32
      %mul3A_119 = arith.constant 4096 : i32
      %mul3A_120 = arith.muli %add3A_93, %mul3A_119 : i32
      %add3A_121 = arith.addi %mul3A_2, %mul3A_120 : i32
      %dma_start3A_122 = arith.constant 1 : i32
      %dma_start3A_123 = arith.constant 0 : i32
      %dma_start3A_124 = tpu.memref_slice %arg5[%dma_start3A_122, %dma_start3A_123] : memref<2x4096xf32, #tpu.memory_space<vmem>> -> memref<1x4096xf32, #tpu.memory_space<vmem>>
      %dma_start3A_125 = tpu.memref_squeeze %dma_start3A_124 : memref<1x4096xf32, #tpu.memory_space<vmem>> -> memref<4096xf32, #tpu.memory_space<vmem>>
      %dma_start3A_126 = tpu.memref_slice %arg3[%add3A_121] : memref<786432xf32, #tpu.memory_space<hbm>> -> memref<4096xf32, #tpu.memory_space<hbm>>
      %dma_start3A_127 = tpu.memref_slice %arg3[%add3A_121] : memref<786432xf32, #tpu.memory_space<hbm>> -> memref<4096xf32, #tpu.memory_space<hbm>>
      %dma_start3A_128 = arith.constant 0 : i32
      %dma_start3A_129 = tpu.memref_slice %arg5[%dma_start3A_122, %dma_start3A_128] : memref<2x4096xf32, #tpu.memory_space<vmem>> -> memref<1x4096xf32, #tpu.memory_space<vmem>>
      %dma_start3A_130 = tpu.memref_squeeze %dma_start3A_129 : memref<1x4096xf32, #tpu.memory_space<vmem>> -> memref<4096xf32, #tpu.memory_space<vmem>>
      tpu.enqueue_dma source(%dma_start3A_130 : memref<4096xf32, #tpu.memory_space<vmem>>) target(%dma_start3A_127 : memref<4096xf32, #tpu.memory_space<hbm>>) target_semaphore(%arg9 : memref<!tpu.dma_semaphore, #tpu.memory_space<semaphore_mem>>)
      %add3A_131 = arith.constant 2 : i32
      %add3A_132 = arith.addi %add3A_93, %add3A_131 : i32
      %lt3A_133 = arith.constant 6 : i32
      %lt3A_134 = arith.cmpi slt, %add3A_132, %lt3A_133 : i32
      %convert_element_type3A_135 = arith.extui %lt3A_134 : i1 to i32
      %cond3A_136 = arith.constant 0 : i32
      %cond3A_137 = arith.cmpi ne, %convert_element_type3A_135, %cond3A_136 : i32
      scf.if %cond3A_137 {
        %add3A_138 = arith.constant 2 : i32
        %add3A_139 = arith.addi %add3A_93, %add3A_138 : i32
        %mul3A_140 = arith.constant 4096 : i32
        %mul3A_141 = arith.muli %add3A_139, %mul3A_140 : i32
        %add3A_142 = arith.addi %mul3A_2, %mul3A_141 : i32
        %dma_start3A_143 = arith.constant 1 : i32
        %dma_start3A_144 = arith.constant 0 : i32
        %dma_start3A_145 = tpu.memref_slice %arg4[%dma_start3A_143, %dma_start3A_144] : memref<2x4096xf32, #tpu.memory_space<vmem>> -> memref<1x4096xf32, #tpu.memory_space<vmem>>
        %dma_start3A_146 = tpu.memref_squeeze %dma_start3A_145 : memref<1x4096xf32, #tpu.memory_space<vmem>> -> memref<4096xf32, #tpu.memory_space<vmem>>
        %dma_start3A_147 = tpu.memref_slice %arg2[%add3A_142] : memref<2684354xf32, #tpu.memory_space<hbm>> -> memref<4096xf32, #tpu.memory_space<hbm>>
        %dma_start3A_148 = arith.constant 0 : i32
        %dma_start3A_149 = tpu.memref_slice %arg4[%dma_start3A_143, %dma_start3A_148] : memref<2x4096xf32, #tpu.memory_space<vmem>> -> memref<1x4096xf32, #tpu.memory_space<vmem>>
        %dma_start3A_150 = tpu.memref_squeeze %dma_start3A_149 : memref<1x4096xf32, #tpu.memory_space<vmem>> -> memref<4096xf32, #tpu.memory_space<vmem>>
        %dma_start3A_151 = tpu.memref_slice %arg2[%add3A_142] : memref<2684354xf32, #tpu.memory_space<hbm>> -> memref<4096xf32, #tpu.memory_space<hbm>>
        tpu.enqueue_dma source(%dma_start3A_151 : memref<4096xf32, #tpu.memory_space<hbm>>) target(%dma_start3A_150 : memref<4096xf32, #tpu.memory_space<vmem>>) target_semaphore(%arg7 : memref<!tpu.dma_semaphore, #tpu.memory_space<semaphore_mem>>)
      } else {
      }
    }
    %scan3A_27 = arith.constant 3 : i32
    %add3A_28 = arith.constant 16384 : i32
    %add3A_29 = arith.addi %mul3A_2, %add3A_28 : i32
    %dma_wait3A = arith.constant 0 : i32
    %dma_wait3A_30 = arith.constant 0 : i32
    %dma_wait3A_31 = tpu.memref_slice %arg5[%dma_wait3A, %dma_wait3A_30] : memref<2x4096xf32, #tpu.memory_space<vmem>> -> memref<1x4096xf32, #tpu.memory_space<vmem>>
    %dma_wait3A_32 = tpu.memref_squeeze %dma_wait3A_31 : memref<1x4096xf32, #tpu.memory_space<vmem>> -> memref<4096xf32, #tpu.memory_space<vmem>>
    %dma_wait3A_33 = tpu.memref_slice %arg3[%add3A_29] : memref<786432xf32, #tpu.memory_space<hbm>> -> memref<4096xf32, #tpu.memory_space<hbm>>
    %dma_wait3A_34 = tpu.memref_slice %arg3[%add3A_29] : memref<786432xf32, #tpu.memory_space<hbm>> -> memref<4096xf32, #tpu.memory_space<hbm>>
    %dma_wait3A_35 = arith.constant 0 : i32
    %dma_wait3A_36 = tpu.memref_slice %arg5[%dma_wait3A, %dma_wait3A_35] : memref<2x4096xf32, #tpu.memory_space<vmem>> -> memref<1x4096xf32, #tpu.memory_space<vmem>>
    %dma_wait3A_37 = tpu.memref_squeeze %dma_wait3A_36 : memref<1x4096xf32, #tpu.memory_space<vmem>> -> memref<4096xf32, #tpu.memory_space<vmem>>
    tpu.wait_dma2 semaphore(%arg8 : memref<!tpu.dma_semaphore, #tpu.memory_space<semaphore_mem>>) src(%dma_wait3A_37 : memref<4096xf32, #tpu.memory_space<vmem>>) dst(%dma_wait3A_34 : memref<4096xf32, #tpu.memory_space<hbm>>)
    %add3A_38 = arith.constant 20480 : i32
    %add3A_39 = arith.addi %mul3A_2, %add3A_38 : i32
    %dma_wait3A_40 = arith.constant 1 : i32
    %dma_wait3A_41 = arith.constant 0 : i32
    %dma_wait3A_42 = tpu.memref_slice %arg5[%dma_wait3A_40, %dma_wait3A_41] : memref<2x4096xf32, #tpu.memory_space<vmem>> -> memref<1x4096xf32, #tpu.memory_space<vmem>>
    %dma_wait3A_43 = tpu.memref_squeeze %dma_wait3A_42 : memref<1x4096xf32, #tpu.memory_space<vmem>> -> memref<4096xf32, #tpu.memory_space<vmem>>
    %dma_wait3A_44 = tpu.memref_slice %arg3[%add3A_39] : memref<786432xf32, #tpu.memory_space<hbm>> -> memref<4096xf32, #tpu.memory_space<hbm>>
    %dma_wait3A_45 = tpu.memref_slice %arg3[%add3A_39] : memref<786432xf32, #tpu.memory_space<hbm>> -> memref<4096xf32, #tpu.memory_space<hbm>>
    %dma_wait3A_46 = arith.constant 0 : i32
    %dma_wait3A_47 = tpu.memref_slice %arg5[%dma_wait3A_40, %dma_wait3A_46] : memref<2x4096xf32, #tpu.memory_space<vmem>> -> memref<1x4096xf32, #tpu.memory_space<vmem>>
    %dma_wait3A_48 = tpu.memref_squeeze %dma_wait3A_47 : memref<1x4096xf32, #tpu.memory_space<vmem>> -> memref<4096xf32, #tpu.memory_space<vmem>>
    tpu.wait_dma2 semaphore(%arg9 : memref<!tpu.dma_semaphore, #tpu.memory_space<semaphore_mem>>) src(%dma_wait3A_48 : memref<4096xf32, #tpu.memory_space<vmem>>) dst(%dma_wait3A_45 : memref<4096xf32, #tpu.memory_space<hbm>>)
    return
  }
}

module attributes {stable_mosaic.version = 14 : i64} {
  func.func @_tc_block_body(%arg0: i32, %arg1: memref<131072xf32, #tpu.memory_space<vmem>>, %arg2: memref<131072xf32, #tpu.memory_space<vmem>>) attributes {dimension_semantics = [#tpu.dimension_semantics<arbitrary>], iteration_bounds = array<i64: 15>, scalar_prefetch = 0 : i64, scratch_operands = 0 : i64, tpu.core_type = #tpu.core_type<tc>, window_params = [{transform_indices = @transform_0, window_bounds = array<i64: 131072>}, {transform_indices = @transform_1, window_bounds = array<i64: 131072>}]} {
    %add3A = arith.constant 6 : i32
    %add3A_0 = arith.addi %arg0, %add3A : i32
    %mul3A = arith.constant 131072 : i32
    %mul3A_1 = arith.muli %add3A_0, %mul3A : i32
    %add3A_2 = arith.constant 0 : i32
    %add3A_3 = arith.addi %mul3A_1, %add3A_2 : i32
    %iota3A = tpu.iota {dimensions = array<i32: 0>} : vector<8x1024xi32>
    %mul3A_4 = arith.constant 1024 : i32
    %mul3A_5 = vector.broadcast %mul3A_4 : i32 to vector<8x1024xi32>
    %mul3A_6 = arith.muli %iota3A, %mul3A_5 : vector<8x1024xi32>
    %add3A_7 = vector.broadcast %add3A_3 : i32 to vector<8x1024xi32>
    %add3A_8 = arith.addi %add3A_7, %mul3A_6 : vector<8x1024xi32>
    %iota3A_9 = tpu.iota {dimensions = array<i32: 1>} : vector<8x1024xi32>
    %add3A_10 = arith.addi %add3A_8, %iota3A_9 : vector<8x1024xi32>
    %broadcast_in_dim3A = arith.constant 0 : i32
    %broadcast_in_dim3A_11 = vector.broadcast %broadcast_in_dim3A : i32 to vector<8x1024xi32>
    %add3A_12 = arith.constant 0 : i32
    %add3A_13 = vector.broadcast %add3A_12 : i32 to vector<8x1024xi32>
    %add3A_14 = arith.addi %broadcast_in_dim3A_11, %add3A_13 : vector<8x1024xi32>
    %add3A_15 = arith.constant 42 : i32
    %add3A_16 = vector.broadcast %add3A_15 : i32 to vector<8x1024xi32>
    %add3A_17 = arith.addi %add3A_10, %add3A_16 : vector<8x1024xi32>
    %add3A_18 = arith.addi %add3A_14, %add3A_17 : vector<8x1024xi32>
    %shift_left3A = arith.constant 13 : i32
    %shift_left3A_19 = vector.broadcast %shift_left3A : i32 to vector<8x1024xi32>
    %shift_left3A_20 = arith.shli %add3A_17, %shift_left3A_19 : vector<8x1024xi32>
    %shift_right_logical3A = arith.constant 19 : i32
    %shift_right_logical3A_21 = vector.broadcast %shift_right_logical3A : i32 to vector<8x1024xi32>
    %shift_right_logical3A_22 = arith.shrui %add3A_17, %shift_right_logical3A_21 : vector<8x1024xi32>
    %or3A = arith.ori %shift_left3A_20, %shift_right_logical3A_22 : vector<8x1024xi32>
    %xor3A = arith.xori %or3A, %add3A_18 : vector<8x1024xi32>
    %add3A_23 = arith.addi %add3A_18, %xor3A : vector<8x1024xi32>
    %shift_left3A_24 = arith.constant 15 : i32
    %shift_left3A_25 = vector.broadcast %shift_left3A_24 : i32 to vector<8x1024xi32>
    %shift_left3A_26 = arith.shli %xor3A, %shift_left3A_25 : vector<8x1024xi32>
    %shift_right_logical3A_27 = arith.constant 17 : i32
    %shift_right_logical3A_28 = vector.broadcast %shift_right_logical3A_27 : i32 to vector<8x1024xi32>
    %shift_right_logical3A_29 = arith.shrui %xor3A, %shift_right_logical3A_28 : vector<8x1024xi32>
    %or3A_30 = arith.ori %shift_left3A_26, %shift_right_logical3A_29 : vector<8x1024xi32>
    %xor3A_31 = arith.xori %or3A_30, %add3A_23 : vector<8x1024xi32>
    %add3A_32 = arith.addi %add3A_23, %xor3A_31 : vector<8x1024xi32>
    %shift_left3A_33 = arith.constant 26 : i32
    %shift_left3A_34 = vector.broadcast %shift_left3A_33 : i32 to vector<8x1024xi32>
    %shift_left3A_35 = arith.shli %xor3A_31, %shift_left3A_34 : vector<8x1024xi32>
    %shift_right_logical3A_36 = arith.constant 6 : i32
    %shift_right_logical3A_37 = vector.broadcast %shift_right_logical3A_36 : i32 to vector<8x1024xi32>
    %shift_right_logical3A_38 = arith.shrui %xor3A_31, %shift_right_logical3A_37 : vector<8x1024xi32>
    %or3A_39 = arith.ori %shift_left3A_35, %shift_right_logical3A_38 : vector<8x1024xi32>
    %xor3A_40 = arith.xori %or3A_39, %add3A_32 : vector<8x1024xi32>
    %add3A_41 = arith.addi %add3A_32, %xor3A_40 : vector<8x1024xi32>
    %shift_left3A_42 = arith.constant 6 : i32
    %shift_left3A_43 = vector.broadcast %shift_left3A_42 : i32 to vector<8x1024xi32>
    %shift_left3A_44 = arith.shli %xor3A_40, %shift_left3A_43 : vector<8x1024xi32>
    %shift_right_logical3A_45 = arith.constant 26 : i32
    %shift_right_logical3A_46 = vector.broadcast %shift_right_logical3A_45 : i32 to vector<8x1024xi32>
    %shift_right_logical3A_47 = arith.shrui %xor3A_40, %shift_right_logical3A_46 : vector<8x1024xi32>
    %or3A_48 = arith.ori %shift_left3A_44, %shift_right_logical3A_47 : vector<8x1024xi32>
    %xor3A_49 = arith.xori %or3A_48, %add3A_41 : vector<8x1024xi32>
    %add3A_50 = arith.constant 42 : i32
    %add3A_51 = vector.broadcast %add3A_50 : i32 to vector<8x1024xi32>
    %add3A_52 = arith.addi %add3A_41, %add3A_51 : vector<8x1024xi32>
    %add3A_53 = arith.constant 466689008 : i32
    %add3A_54 = vector.broadcast %add3A_53 : i32 to vector<8x1024xi32>
    %add3A_55 = arith.addi %xor3A_49, %add3A_54 : vector<8x1024xi32>
    %add3A_56 = arith.constant 1 : i32
    %add3A_57 = vector.broadcast %add3A_56 : i32 to vector<8x1024xi32>
    %add3A_58 = arith.addi %add3A_55, %add3A_57 : vector<8x1024xi32>
    %add3A_59 = arith.addi %add3A_52, %add3A_58 : vector<8x1024xi32>
    %shift_left3A_60 = arith.constant 17 : i32
    %shift_left3A_61 = vector.broadcast %shift_left3A_60 : i32 to vector<8x1024xi32>
    %shift_left3A_62 = arith.shli %add3A_58, %shift_left3A_61 : vector<8x1024xi32>
    %shift_right_logical3A_63 = arith.constant 15 : i32
    %shift_right_logical3A_64 = vector.broadcast %shift_right_logical3A_63 : i32 to vector<8x1024xi32>
    %shift_right_logical3A_65 = arith.shrui %add3A_58, %shift_right_logical3A_64 : vector<8x1024xi32>
    %or3A_66 = arith.ori %shift_left3A_62, %shift_right_logical3A_65 : vector<8x1024xi32>
    %xor3A_67 = arith.xori %or3A_66, %add3A_59 : vector<8x1024xi32>
    %add3A_68 = arith.addi %add3A_59, %xor3A_67 : vector<8x1024xi32>
    %shift_left3A_69 = arith.constant 29 : i32
    %shift_left3A_70 = vector.broadcast %shift_left3A_69 : i32 to vector<8x1024xi32>
    %shift_left3A_71 = arith.shli %xor3A_67, %shift_left3A_70 : vector<8x1024xi32>
    %shift_right_logical3A_72 = arith.constant 3 : i32
    %shift_right_logical3A_73 = vector.broadcast %shift_right_logical3A_72 : i32 to vector<8x1024xi32>
    %shift_right_logical3A_74 = arith.shrui %xor3A_67, %shift_right_logical3A_73 : vector<8x1024xi32>
    %or3A_75 = arith.ori %shift_left3A_71, %shift_right_logical3A_74 : vector<8x1024xi32>
    %xor3A_76 = arith.xori %or3A_75, %add3A_68 : vector<8x1024xi32>
    %add3A_77 = arith.addi %add3A_68, %xor3A_76 : vector<8x1024xi32>
    %shift_left3A_78 = arith.constant 16 : i32
    %shift_left3A_79 = vector.broadcast %shift_left3A_78 : i32 to vector<8x1024xi32>
    %shift_left3A_80 = arith.shli %xor3A_76, %shift_left3A_79 : vector<8x1024xi32>
    %shift_right_logical3A_81 = arith.constant 16 : i32
    %shift_right_logical3A_82 = vector.broadcast %shift_right_logical3A_81 : i32 to vector<8x1024xi32>
    %shift_right_logical3A_83 = arith.shrui %xor3A_76, %shift_right_logical3A_82 : vector<8x1024xi32>
    %or3A_84 = arith.ori %shift_left3A_80, %shift_right_logical3A_83 : vector<8x1024xi32>
    %xor3A_85 = arith.xori %or3A_84, %add3A_77 : vector<8x1024xi32>
    %add3A_86 = arith.addi %add3A_77, %xor3A_85 : vector<8x1024xi32>
    %shift_left3A_87 = arith.constant 24 : i32
    %shift_left3A_88 = vector.broadcast %shift_left3A_87 : i32 to vector<8x1024xi32>
    %shift_left3A_89 = arith.shli %xor3A_85, %shift_left3A_88 : vector<8x1024xi32>
    %shift_right_logical3A_90 = arith.constant 8 : i32
    %shift_right_logical3A_91 = vector.broadcast %shift_right_logical3A_90 : i32 to vector<8x1024xi32>
    %shift_right_logical3A_92 = arith.shrui %xor3A_85, %shift_right_logical3A_91 : vector<8x1024xi32>
    %or3A_93 = arith.ori %shift_left3A_89, %shift_right_logical3A_92 : vector<8x1024xi32>
    %xor3A_94 = arith.xori %or3A_93, %add3A_86 : vector<8x1024xi32>
    %add3A_95 = arith.constant 466689008 : i32
    %add3A_96 = vector.broadcast %add3A_95 : i32 to vector<8x1024xi32>
    %add3A_97 = arith.addi %add3A_86, %add3A_96 : vector<8x1024xi32>
    %add3A_98 = arith.constant 0 : i32
    %add3A_99 = vector.broadcast %add3A_98 : i32 to vector<8x1024xi32>
    %add3A_100 = arith.addi %xor3A_94, %add3A_99 : vector<8x1024xi32>
    %add3A_101 = arith.constant 2 : i32
    %add3A_102 = vector.broadcast %add3A_101 : i32 to vector<8x1024xi32>
    %add3A_103 = arith.addi %add3A_100, %add3A_102 : vector<8x1024xi32>
    %add3A_104 = arith.addi %add3A_97, %add3A_103 : vector<8x1024xi32>
    %shift_left3A_105 = arith.constant 13 : i32
    %shift_left3A_106 = vector.broadcast %shift_left3A_105 : i32 to vector<8x1024xi32>
    %shift_left3A_107 = arith.shli %add3A_103, %shift_left3A_106 : vector<8x1024xi32>
    %shift_right_logical3A_108 = arith.constant 19 : i32
    %shift_right_logical3A_109 = vector.broadcast %shift_right_logical3A_108 : i32 to vector<8x1024xi32>
    %shift_right_logical3A_110 = arith.shrui %add3A_103, %shift_right_logical3A_109 : vector<8x1024xi32>
    %or3A_111 = arith.ori %shift_left3A_107, %shift_right_logical3A_110 : vector<8x1024xi32>
    %xor3A_112 = arith.xori %or3A_111, %add3A_104 : vector<8x1024xi32>
    %add3A_113 = arith.addi %add3A_104, %xor3A_112 : vector<8x1024xi32>
    %shift_left3A_114 = arith.constant 15 : i32
    %shift_left3A_115 = vector.broadcast %shift_left3A_114 : i32 to vector<8x1024xi32>
    %shift_left3A_116 = arith.shli %xor3A_112, %shift_left3A_115 : vector<8x1024xi32>
    %shift_right_logical3A_117 = arith.constant 17 : i32
    %shift_right_logical3A_118 = vector.broadcast %shift_right_logical3A_117 : i32 to vector<8x1024xi32>
    %shift_right_logical3A_119 = arith.shrui %xor3A_112, %shift_right_logical3A_118 : vector<8x1024xi32>
    %or3A_120 = arith.ori %shift_left3A_116, %shift_right_logical3A_119 : vector<8x1024xi32>
    %xor3A_121 = arith.xori %or3A_120, %add3A_113 : vector<8x1024xi32>
    %add3A_122 = arith.addi %add3A_113, %xor3A_121 : vector<8x1024xi32>
    %shift_left3A_123 = arith.constant 26 : i32
    %shift_left3A_124 = vector.broadcast %shift_left3A_123 : i32 to vector<8x1024xi32>
    %shift_left3A_125 = arith.shli %xor3A_121, %shift_left3A_124 : vector<8x1024xi32>
    %shift_right_logical3A_126 = arith.constant 6 : i32
    %shift_right_logical3A_127 = vector.broadcast %shift_right_logical3A_126 : i32 to vector<8x1024xi32>
    %shift_right_logical3A_128 = arith.shrui %xor3A_121, %shift_right_logical3A_127 : vector<8x1024xi32>
    %or3A_129 = arith.ori %shift_left3A_125, %shift_right_logical3A_128 : vector<8x1024xi32>
    %xor3A_130 = arith.xori %or3A_129, %add3A_122 : vector<8x1024xi32>
    %add3A_131 = arith.addi %add3A_122, %xor3A_130 : vector<8x1024xi32>
    %shift_left3A_132 = arith.constant 6 : i32
    %shift_left3A_133 = vector.broadcast %shift_left3A_132 : i32 to vector<8x1024xi32>
    %shift_left3A_134 = arith.shli %xor3A_130, %shift_left3A_133 : vector<8x1024xi32>
    %shift_right_logical3A_135 = arith.constant 26 : i32
    %shift_right_logical3A_136 = vector.broadcast %shift_right_logical3A_135 : i32 to vector<8x1024xi32>
    %shift_right_logical3A_137 = arith.shrui %xor3A_130, %shift_right_logical3A_136 : vector<8x1024xi32>
    %or3A_138 = arith.ori %shift_left3A_134, %shift_right_logical3A_137 : vector<8x1024xi32>
    %xor3A_139 = arith.xori %or3A_138, %add3A_131 : vector<8x1024xi32>
    %add3A_140 = arith.constant 0 : i32
    %add3A_141 = vector.broadcast %add3A_140 : i32 to vector<8x1024xi32>
    %add3A_142 = arith.addi %add3A_131, %add3A_141 : vector<8x1024xi32>
    %add3A_143 = arith.constant 42 : i32
    %add3A_144 = vector.broadcast %add3A_143 : i32 to vector<8x1024xi32>
    %add3A_145 = arith.addi %xor3A_139, %add3A_144 : vector<8x1024xi32>
    %add3A_146 = arith.constant 3 : i32
    %add3A_147 = vector.broadcast %add3A_146 : i32 to vector<8x1024xi32>
    %add3A_148 = arith.addi %add3A_145, %add3A_147 : vector<8x1024xi32>
    %add3A_149 = arith.addi %add3A_142, %add3A_148 : vector<8x1024xi32>
    %shift_left3A_150 = arith.constant 17 : i32
    %shift_left3A_151 = vector.broadcast %shift_left3A_150 : i32 to vector<8x1024xi32>
    %shift_left3A_152 = arith.shli %add3A_148, %shift_left3A_151 : vector<8x1024xi32>
    %shift_right_logical3A_153 = arith.constant 15 : i32
    %shift_right_logical3A_154 = vector.broadcast %shift_right_logical3A_153 : i32 to vector<8x1024xi32>
    %shift_right_logical3A_155 = arith.shrui %add3A_148, %shift_right_logical3A_154 : vector<8x1024xi32>
    %or3A_156 = arith.ori %shift_left3A_152, %shift_right_logical3A_155 : vector<8x1024xi32>
    %xor3A_157 = arith.xori %or3A_156, %add3A_149 : vector<8x1024xi32>
    %add3A_158 = arith.addi %add3A_149, %xor3A_157 : vector<8x1024xi32>
    %shift_left3A_159 = arith.constant 29 : i32
    %shift_left3A_160 = vector.broadcast %shift_left3A_159 : i32 to vector<8x1024xi32>
    %shift_left3A_161 = arith.shli %xor3A_157, %shift_left3A_160 : vector<8x1024xi32>
    %shift_right_logical3A_162 = arith.constant 3 : i32
    %shift_right_logical3A_163 = vector.broadcast %shift_right_logical3A_162 : i32 to vector<8x1024xi32>
    %shift_right_logical3A_164 = arith.shrui %xor3A_157, %shift_right_logical3A_163 : vector<8x1024xi32>
    %or3A_165 = arith.ori %shift_left3A_161, %shift_right_logical3A_164 : vector<8x1024xi32>
    %xor3A_166 = arith.xori %or3A_165, %add3A_158 : vector<8x1024xi32>
    %add3A_167 = arith.addi %add3A_158, %xor3A_166 : vector<8x1024xi32>
    %shift_left3A_168 = arith.constant 16 : i32
    %shift_left3A_169 = vector.broadcast %shift_left3A_168 : i32 to vector<8x1024xi32>
    %shift_left3A_170 = arith.shli %xor3A_166, %shift_left3A_169 : vector<8x1024xi32>
    %shift_right_logical3A_171 = arith.constant 16 : i32
    %shift_right_logical3A_172 = vector.broadcast %shift_right_logical3A_171 : i32 to vector<8x1024xi32>
    %shift_right_logical3A_173 = arith.shrui %xor3A_166, %shift_right_logical3A_172 : vector<8x1024xi32>
    %or3A_174 = arith.ori %shift_left3A_170, %shift_right_logical3A_173 : vector<8x1024xi32>
    %xor3A_175 = arith.xori %or3A_174, %add3A_167 : vector<8x1024xi32>
    %add3A_176 = arith.addi %add3A_167, %xor3A_175 : vector<8x1024xi32>
    %shift_left3A_177 = arith.constant 24 : i32
    %shift_left3A_178 = vector.broadcast %shift_left3A_177 : i32 to vector<8x1024xi32>
    %shift_left3A_179 = arith.shli %xor3A_175, %shift_left3A_178 : vector<8x1024xi32>
    %shift_right_logical3A_180 = arith.constant 8 : i32
    %shift_right_logical3A_181 = vector.broadcast %shift_right_logical3A_180 : i32 to vector<8x1024xi32>
    %shift_right_logical3A_182 = arith.shrui %xor3A_175, %shift_right_logical3A_181 : vector<8x1024xi32>
    %or3A_183 = arith.ori %shift_left3A_179, %shift_right_logical3A_182 : vector<8x1024xi32>
    %xor3A_184 = arith.xori %or3A_183, %add3A_176 : vector<8x1024xi32>
    %add3A_185 = arith.constant 42 : i32
    %add3A_186 = vector.broadcast %add3A_185 : i32 to vector<8x1024xi32>
    %add3A_187 = arith.addi %add3A_176, %add3A_186 : vector<8x1024xi32>
    %add3A_188 = arith.constant 466689008 : i32
    %add3A_189 = vector.broadcast %add3A_188 : i32 to vector<8x1024xi32>
    %add3A_190 = arith.addi %xor3A_184, %add3A_189 : vector<8x1024xi32>
    %add3A_191 = arith.constant 4 : i32
    %add3A_192 = vector.broadcast %add3A_191 : i32 to vector<8x1024xi32>
    %add3A_193 = arith.addi %add3A_190, %add3A_192 : vector<8x1024xi32>
    %add3A_194 = arith.addi %add3A_187, %add3A_193 : vector<8x1024xi32>
    %shift_left3A_195 = arith.constant 13 : i32
    %shift_left3A_196 = vector.broadcast %shift_left3A_195 : i32 to vector<8x1024xi32>
    %shift_left3A_197 = arith.shli %add3A_193, %shift_left3A_196 : vector<8x1024xi32>
    %shift_right_logical3A_198 = arith.constant 19 : i32
    %shift_right_logical3A_199 = vector.broadcast %shift_right_logical3A_198 : i32 to vector<8x1024xi32>
    %shift_right_logical3A_200 = arith.shrui %add3A_193, %shift_right_logical3A_199 : vector<8x1024xi32>
    %or3A_201 = arith.ori %shift_left3A_197, %shift_right_logical3A_200 : vector<8x1024xi32>
    %xor3A_202 = arith.xori %or3A_201, %add3A_194 : vector<8x1024xi32>
    %add3A_203 = arith.addi %add3A_194, %xor3A_202 : vector<8x1024xi32>
    %shift_left3A_204 = arith.constant 15 : i32
    %shift_left3A_205 = vector.broadcast %shift_left3A_204 : i32 to vector<8x1024xi32>
    %shift_left3A_206 = arith.shli %xor3A_202, %shift_left3A_205 : vector<8x1024xi32>
    %shift_right_logical3A_207 = arith.constant 17 : i32
    %shift_right_logical3A_208 = vector.broadcast %shift_right_logical3A_207 : i32 to vector<8x1024xi32>
    %shift_right_logical3A_209 = arith.shrui %xor3A_202, %shift_right_logical3A_208 : vector<8x1024xi32>
    %or3A_210 = arith.ori %shift_left3A_206, %shift_right_logical3A_209 : vector<8x1024xi32>
    %xor3A_211 = arith.xori %or3A_210, %add3A_203 : vector<8x1024xi32>
    %add3A_212 = arith.addi %add3A_203, %xor3A_211 : vector<8x1024xi32>
    %shift_left3A_213 = arith.constant 26 : i32
    %shift_left3A_214 = vector.broadcast %shift_left3A_213 : i32 to vector<8x1024xi32>
    %shift_left3A_215 = arith.shli %xor3A_211, %shift_left3A_214 : vector<8x1024xi32>
    %shift_right_logical3A_216 = arith.constant 6 : i32
    %shift_right_logical3A_217 = vector.broadcast %shift_right_logical3A_216 : i32 to vector<8x1024xi32>
    %shift_right_logical3A_218 = arith.shrui %xor3A_211, %shift_right_logical3A_217 : vector<8x1024xi32>
    %or3A_219 = arith.ori %shift_left3A_215, %shift_right_logical3A_218 : vector<8x1024xi32>
    %xor3A_220 = arith.xori %or3A_219, %add3A_212 : vector<8x1024xi32>
    %add3A_221 = arith.addi %add3A_212, %xor3A_220 : vector<8x1024xi32>
    %shift_left3A_222 = arith.constant 6 : i32
    %shift_left3A_223 = vector.broadcast %shift_left3A_222 : i32 to vector<8x1024xi32>
    %shift_left3A_224 = arith.shli %xor3A_220, %shift_left3A_223 : vector<8x1024xi32>
    %shift_right_logical3A_225 = arith.constant 26 : i32
    %shift_right_logical3A_226 = vector.broadcast %shift_right_logical3A_225 : i32 to vector<8x1024xi32>
    %shift_right_logical3A_227 = arith.shrui %xor3A_220, %shift_right_logical3A_226 : vector<8x1024xi32>
    %or3A_228 = arith.ori %shift_left3A_224, %shift_right_logical3A_227 : vector<8x1024xi32>
    %xor3A_229 = arith.xori %or3A_228, %add3A_221 : vector<8x1024xi32>
    %add3A_230 = arith.constant 466689008 : i32
    %add3A_231 = vector.broadcast %add3A_230 : i32 to vector<8x1024xi32>
    %add3A_232 = arith.addi %add3A_221, %add3A_231 : vector<8x1024xi32>
    %add3A_233 = arith.constant 0 : i32
    %add3A_234 = vector.broadcast %add3A_233 : i32 to vector<8x1024xi32>
    %add3A_235 = arith.addi %xor3A_229, %add3A_234 : vector<8x1024xi32>
    %add3A_236 = arith.constant 5 : i32
    %add3A_237 = vector.broadcast %add3A_236 : i32 to vector<8x1024xi32>
    %add3A_238 = arith.addi %add3A_235, %add3A_237 : vector<8x1024xi32>
    %xor3A_239 = arith.xori %add3A_232, %add3A_238 : vector<8x1024xi32>
    %shift_right_logical3A_240 = arith.constant 31 : i32
    %shift_right_logical3A_241 = vector.broadcast %shift_right_logical3A_240 : i32 to vector<8x1024xi32>
    %shift_right_logical3A_242 = arith.shrui %xor3A_239, %shift_right_logical3A_241 : vector<8x1024xi32>
    %eq3A = arith.constant 1 : i32
    %eq3A_243 = vector.broadcast %eq3A : i32 to vector<8x1024xi32>
    %eq3A_244 = arith.cmpi eq, %shift_right_logical3A_242, %eq3A_243 : vector<8x1024xi32>
    %get3A = arith.constant 0 : index
    %get3A_245 = vector.load %arg1[%get3A] : memref<131072xf32, #tpu.memory_space<vmem>>, vector<8192xf32>
    %reshape3A = vector.shape_cast %get3A_245 : vector<8192xf32> to vector<8x1024xf32>
    %mul3A_246 = arith.constant 2.000000e+00 : f32
    %mul3A_247 = vector.broadcast %mul3A_246 : f32 to vector<8x1024xf32>
    %mul3A_248 = arith.mulf %reshape3A, %mul3A_247 : vector<8x1024xf32>
    %jit3A = arith.constant 0.000000e+00 : f32
    %broadcast_in_dim3A_249 = vector.broadcast %jit3A : f32 to vector<8x1024xf32>
    %select_n3A = arith.select %eq3A_244, %mul3A_248, %broadcast_in_dim3A_249 : vector<8x1024xi1>, vector<8x1024xf32>
    %reshape3A_250 = vector.shape_cast %select_n3A : vector<8x1024xf32> to vector<8192xf32>
    %swap3A = arith.constant 0 : index
    %swap3A_251 = vector.load %arg2[%swap3A] : memref<131072xf32, #tpu.memory_space<vmem>>, vector<8192xf32>
    tpu.vector_store %arg2[%swap3A], %reshape3A_250 {strides = array<i32>} : memref<131072xf32, #tpu.memory_space<vmem>>, vector<8192xf32>,
    %mul3A_252 = arith.constant 131072 : i32
    %mul3A_253 = arith.muli %add3A_0, %mul3A_252 : i32
    %add3A_254 = arith.constant 8192 : i32
    %add3A_255 = arith.addi %mul3A_253, %add3A_254 : i32
    %iota3A_256 = tpu.iota {dimensions = array<i32: 0>} : vector<8x1024xi32>
    %mul3A_257 = arith.constant 1024 : i32
    %mul3A_258 = vector.broadcast %mul3A_257 : i32 to vector<8x1024xi32>
    %mul3A_259 = arith.muli %iota3A_256, %mul3A_258 : vector<8x1024xi32>
    %add3A_260 = vector.broadcast %add3A_255 : i32 to vector<8x1024xi32>
    %add3A_261 = arith.addi %add3A_260, %mul3A_259 : vector<8x1024xi32>
    %iota3A_262 = tpu.iota {dimensions = array<i32: 1>} : vector<8x1024xi32>
    %add3A_263 = arith.addi %add3A_261, %iota3A_262 : vector<8x1024xi32>
    %broadcast_in_dim3A_264 = arith.constant 0 : i32
    %broadcast_in_dim3A_265 = vector.broadcast %broadcast_in_dim3A_264 : i32 to vector<8x1024xi32>
    %add3A_266 = arith.constant 0 : i32
    %add3A_267 = vector.broadcast %add3A_266 : i32 to vector<8x1024xi32>
    %add3A_268 = arith.addi %broadcast_in_dim3A_265, %add3A_267 : vector<8x1024xi32>
    %add3A_269 = arith.constant 42 : i32
    %add3A_270 = vector.broadcast %add3A_269 : i32 to vector<8x1024xi32>
    %add3A_271 = arith.addi %add3A_263, %add3A_270 : vector<8x1024xi32>
    %add3A_272 = arith.addi %add3A_268, %add3A_271 : vector<8x1024xi32>
    %shift_left3A_273 = arith.constant 13 : i32
    %shift_left3A_274 = vector.broadcast %shift_left3A_273 : i32 to vector<8x1024xi32>
    %shift_left3A_275 = arith.shli %add3A_271, %shift_left3A_274 : vector<8x1024xi32>
    %shift_right_logical3A_276 = arith.constant 19 : i32
    %shift_right_logical3A_277 = vector.broadcast %shift_right_logical3A_276 : i32 to vector<8x1024xi32>
    %shift_right_logical3A_278 = arith.shrui %add3A_271, %shift_right_logical3A_277 : vector<8x1024xi32>
    %or3A_279 = arith.ori %shift_left3A_275, %shift_right_logical3A_278 : vector<8x1024xi32>
    %xor3A_280 = arith.xori %or3A_279, %add3A_272 : vector<8x1024xi32>
    %add3A_281 = arith.addi %add3A_272, %xor3A_280 : vector<8x1024xi32>
    %shift_left3A_282 = arith.constant 15 : i32
    %shift_left3A_283 = vector.broadcast %shift_left3A_282 : i32 to vector<8x1024xi32>
    %shift_left3A_284 = arith.shli %xor3A_280, %shift_left3A_283 : vector<8x1024xi32>
    %shift_right_logical3A_285 = arith.constant 17 : i32
    %shift_right_logical3A_286 = vector.broadcast %shift_right_logical3A_285 : i32 to vector<8x1024xi32>
    %shift_right_logical3A_287 = arith.shrui %xor3A_280, %shift_right_logical3A_286 : vector<8x1024xi32>
    %or3A_288 = arith.ori %shift_left3A_284, %shift_right_logical3A_287 : vector<8x1024xi32>
    %xor3A_289 = arith.xori %or3A_288, %add3A_281 : vector<8x1024xi32>
    %add3A_290 = arith.addi %add3A_281, %xor3A_289 : vector<8x1024xi32>
    %shift_left3A_291 = arith.constant 26 : i32
    %shift_left3A_292 = vector.broadcast %shift_left3A_291 : i32 to vector<8x1024xi32>
    %shift_left3A_293 = arith.shli %xor3A_289, %shift_left3A_292 : vector<8x1024xi32>
    %shift_right_logical3A_294 = arith.constant 6 : i32
    %shift_right_logical3A_295 = vector.broadcast %shift_right_logical3A_294 : i32 to vector<8x1024xi32>
    %shift_right_logical3A_296 = arith.shrui %xor3A_289, %shift_right_logical3A_295 : vector<8x1024xi32>
    %or3A_297 = arith.ori %shift_left3A_293, %shift_right_logical3A_296 : vector<8x1024xi32>
    %xor3A_298 = arith.xori %or3A_297, %add3A_290 : vector<8x1024xi32>
    %add3A_299 = arith.addi %add3A_290, %xor3A_298 : vector<8x1024xi32>
    %shift_left3A_300 = arith.constant 6 : i32
    %shift_left3A_301 = vector.broadcast %shift_left3A_300 : i32 to vector<8x1024xi32>
    %shift_left3A_302 = arith.shli %xor3A_298, %shift_left3A_301 : vector<8x1024xi32>
    %shift_right_logical3A_303 = arith.constant 26 : i32
    %shift_right_logical3A_304 = vector.broadcast %shift_right_logical3A_303 : i32 to vector<8x1024xi32>
    %shift_right_logical3A_305 = arith.shrui %xor3A_298, %shift_right_logical3A_304 : vector<8x1024xi32>
    %or3A_306 = arith.ori %shift_left3A_302, %shift_right_logical3A_305 : vector<8x1024xi32>
    %xor3A_307 = arith.xori %or3A_306, %add3A_299 : vector<8x1024xi32>
    %add3A_308 = arith.constant 42 : i32
    %add3A_309 = vector.broadcast %add3A_308 : i32 to vector<8x1024xi32>
    %add3A_310 = arith.addi %add3A_299, %add3A_309 : vector<8x1024xi32>
    %add3A_311 = arith.constant 466689008 : i32
    %add3A_312 = vector.broadcast %add3A_311 : i32 to vector<8x1024xi32>
    %add3A_313 = arith.addi %xor3A_307, %add3A_312 : vector<8x1024xi32>
    %add3A_314 = arith.constant 1 : i32
    %add3A_315 = vector.broadcast %add3A_314 : i32 to vector<8x1024xi32>
    %add3A_316 = arith.addi %add3A_313, %add3A_315 : vector<8x1024xi32>
    %add3A_317 = arith.addi %add3A_310, %add3A_316 : vector<8x1024xi32>
    %shift_left3A_318 = arith.constant 17 : i32
    %shift_left3A_319 = vector.broadcast %shift_left3A_318 : i32 to vector<8x1024xi32>
    %shift_left3A_320 = arith.shli %add3A_316, %shift_left3A_319 : vector<8x1024xi32>
    %shift_right_logical3A_321 = arith.constant 15 : i32
    %shift_right_logical3A_322 = vector.broadcast %shift_right_logical3A_321 : i32 to vector<8x1024xi32>
    %shift_right_logical3A_323 = arith.shrui %add3A_316, %shift_right_logical3A_322 : vector<8x1024xi32>
    %or3A_324 = arith.ori %shift_left3A_320, %shift_right_logical3A_323 : vector<8x1024xi32>
    %xor3A_325 = arith.xori %or3A_324, %add3A_317 : vector<8x1024xi32>
    %add3A_326 = arith.addi %add3A_317, %xor3A_325 : vector<8x1024xi32>
    %shift_left3A_327 = arith.constant 29 : i32
    %shift_left3A_328 = vector.broadcast %shift_left3A_327 : i32 to vector<8x1024xi32>
    %shift_left3A_329 = arith.shli %xor3A_325, %shift_left3A_328 : vector<8x1024xi32>
    %shift_right_logical3A_330 = arith.constant 3 : i32
    %shift_right_logical3A_331 = vector.broadcast %shift_right_logical3A_330 : i32 to vector<8x1024xi32>
    %shift_right_logical3A_332 = arith.shrui %xor3A_325, %shift_right_logical3A_331 : vector<8x1024xi32>
    %or3A_333 = arith.ori %shift_left3A_329, %shift_right_logical3A_332 : vector<8x1024xi32>
    %xor3A_334 = arith.xori %or3A_333, %add3A_326 : vector<8x1024xi32>
    %add3A_335 = arith.addi %add3A_326, %xor3A_334 : vector<8x1024xi32>
    %shift_left3A_336 = arith.constant 16 : i32
    %shift_left3A_337 = vector.broadcast %shift_left3A_336 : i32 to vector<8x1024xi32>
    %shift_left3A_338 = arith.shli %xor3A_334, %shift_left3A_337 : vector<8x1024xi32>
    %shift_right_logical3A_339 = arith.constant 16 : i32
    %shift_right_logical3A_340 = vector.broadcast %shift_right_logical3A_339 : i32 to vector<8x1024xi32>
    %shift_right_logical3A_341 = arith.shrui %xor3A_334, %shift_right_logical3A_340 : vector<8x1024xi32>
    %or3A_342 = arith.ori %shift_left3A_338, %shift_right_logical3A_341 : vector<8x1024xi32>
    %xor3A_343 = arith.xori %or3A_342, %add3A_335 : vector<8x1024xi32>
    %add3A_344 = arith.addi %add3A_335, %xor3A_343 : vector<8x1024xi32>
    %shift_left3A_345 = arith.constant 24 : i32
    %shift_left3A_346 = vector.broadcast %shift_left3A_345 : i32 to vector<8x1024xi32>
    %shift_left3A_347 = arith.shli %xor3A_343, %shift_left3A_346 : vector<8x1024xi32>
    %shift_right_logical3A_348 = arith.constant 8 : i32
    %shift_right_logical3A_349 = vector.broadcast %shift_right_logical3A_348 : i32 to vector<8x1024xi32>
    %shift_right_logical3A_350 = arith.shrui %xor3A_343, %shift_right_logical3A_349 : vector<8x1024xi32>
    %or3A_351 = arith.ori %shift_left3A_347, %shift_right_logical3A_350 : vector<8x1024xi32>
    %xor3A_352 = arith.xori %or3A_351, %add3A_344 : vector<8x1024xi32>
    %add3A_353 = arith.constant 466689008 : i32
    %add3A_354 = vector.broadcast %add3A_353 : i32 to vector<8x1024xi32>
    %add3A_355 = arith.addi %add3A_344, %add3A_354 : vector<8x1024xi32>
    %add3A_356 = arith.constant 0 : i32
    %add3A_357 = vector.broadcast %add3A_356 : i32 to vector<8x1024xi32>
    %add3A_358 = arith.addi %xor3A_352, %add3A_357 : vector<8x1024xi32>
    %add3A_359 = arith.constant 2 : i32
    %add3A_360 = vector.broadcast %add3A_359 : i32 to vector<8x1024xi32>
    %add3A_361 = arith.addi %add3A_358, %add3A_360 : vector<8x1024xi32>
    %add3A_362 = arith.addi %add3A_355, %add3A_361 : vector<8x1024xi32>
    %shift_left3A_363 = arith.constant 13 : i32
    %shift_left3A_364 = vector.broadcast %shift_left3A_363 : i32 to vector<8x1024xi32>
    %shift_left3A_365 = arith.shli %add3A_361, %shift_left3A_364 : vector<8x1024xi32>
    %shift_right_logical3A_366 = arith.constant 19 : i32
    %shift_right_logical3A_367 = vector.broadcast %shift_right_logical3A_366 : i32 to vector<8x1024xi32>
    %shift_right_logical3A_368 = arith.shrui %add3A_361, %shift_right_logical3A_367 : vector<8x1024xi32>
    %or3A_369 = arith.ori %shift_left3A_365, %shift_right_logical3A_368 : vector<8x1024xi32>
    %xor3A_370 = arith.xori %or3A_369, %add3A_362 : vector<8x1024xi32>
    %add3A_371 = arith.addi %add3A_362, %xor3A_370 : vector<8x1024xi32>
    %shift_left3A_372 = arith.constant 15 : i32
    %shift_left3A_373 = vector.broadcast %shift_left3A_372 : i32 to vector<8x1024xi32>
    %shift_left3A_374 = arith.shli %xor3A_370, %shift_left3A_373 : vector<8x1024xi32>
    %shift_right_logical3A_375 = arith.constant 17 : i32
    %shift_right_logical3A_376 = vector.broadcast %shift_right_logical3A_375 : i32 to vector<8x1024xi32>
    %shift_right_logical3A_377 = arith.shrui %xor3A_370, %shift_right_logical3A_376 : vector<8x1024xi32>
    %or3A_378 = arith.ori %shift_left3A_374, %shift_right_logical3A_377 : vector<8x1024xi32>
    %xor3A_379 = arith.xori %or3A_378, %add3A_371 : vector<8x1024xi32>
    %add3A_380 = arith.addi %add3A_371, %xor3A_379 : vector<8x1024xi32>
    %shift_left3A_381 = arith.constant 26 : i32
    %shift_left3A_382 = vector.broadcast %shift_left3A_381 : i32 to vector<8x1024xi32>
    %shift_left3A_383 = arith.shli %xor3A_379, %shift_left3A_382 : vector<8x1024xi32>
    %shift_right_logical3A_384 = arith.constant 6 : i32
    %shift_right_logical3A_385 = vector.broadcast %shift_right_logical3A_384 : i32 to vector<8x1024xi32>
    %shift_right_logical3A_386 = arith.shrui %xor3A_379, %shift_right_logical3A_385 : vector<8x1024xi32>
    %or3A_387 = arith.ori %shift_left3A_383, %shift_right_logical3A_386 : vector<8x1024xi32>
    %xor3A_388 = arith.xori %or3A_387, %add3A_380 : vector<8x1024xi32>
    %add3A_389 = arith.addi %add3A_380, %xor3A_388 : vector<8x1024xi32>
    %shift_left3A_390 = arith.constant 6 : i32
    %shift_left3A_391 = vector.broadcast %shift_left3A_390 : i32 to vector<8x1024xi32>
    %shift_left3A_392 = arith.shli %xor3A_388, %shift_left3A_391 : vector<8x1024xi32>
    %shift_right_logical3A_393 = arith.constant 26 : i32
    %shift_right_logical3A_394 = vector.broadcast %shift_right_logical3A_393 : i32 to vector<8x1024xi32>
    %shift_right_logical3A_395 = arith.shrui %xor3A_388, %shift_right_logical3A_394 : vector<8x1024xi32>
    %or3A_396 = arith.ori %shift_left3A_392, %shift_right_logical3A_395 : vector<8x1024xi32>
    %xor3A_397 = arith.xori %or3A_396, %add3A_389 : vector<8x1024xi32>
    %add3A_398 = arith.constant 0 : i32
    %add3A_399 = vector.broadcast %add3A_398 : i32 to vector<8x1024xi32>
    %add3A_400 = arith.addi %add3A_389, %add3A_399 : vector<8x1024xi32>
    %add3A_401 = arith.constant 42 : i32
    %add3A_402 = vector.broadcast %add3A_401 : i32 to vector<8x1024xi32>
    %add3A_403 = arith.addi %xor3A_397, %add3A_402 : vector<8x1024xi32>
    %add3A_404 = arith.constant 3 : i32
    %add3A_405 = vector.broadcast %add3A_404 : i32 to vector<8x1024xi32>
    %add3A_406 = arith.addi %add3A_403, %add3A_405 : vector<8x1024xi32>
    %add3A_407 = arith.addi %add3A_400, %add3A_406 : vector<8x1024xi32>
    %shift_left3A_408 = arith.constant 17 : i32
    %shift_left3A_409 = vector.broadcast %shift_left3A_408 : i32 to vector<8x1024xi32>
    %shift_left3A_410 = arith.shli %add3A_406, %shift_left3A_409 : vector<8x1024xi32>
    %shift_right_logical3A_411 = arith.constant 15 : i32
    %shift_right_logical3A_412 = vector.broadcast %shift_right_logical3A_411 : i32 to vector<8x1024xi32>
    %shift_right_logical3A_413 = arith.shrui %add3A_406, %shift_right_logical3A_412 : vector<8x1024xi32>
    %or3A_414 = arith.ori %shift_left3A_410, %shift_right_logical3A_413 : vector<8x1024xi32>
    %xor3A_415 = arith.xori %or3A_414, %add3A_407 : vector<8x1024xi32>
    %add3A_416 = arith.addi %add3A_407, %xor3A_415 : vector<8x1024xi32>
    %shift_left3A_417 = arith.constant 29 : i32
    %shift_left3A_418 = vector.broadcast %shift_left3A_417 : i32 to vector<8x1024xi32>
    %shift_left3A_419 = arith.shli %xor3A_415, %shift_left3A_418 : vector<8x1024xi32>
    %shift_right_logical3A_420 = arith.constant 3 : i32
    %shift_right_logical3A_421 = vector.broadcast %shift_right_logical3A_420 : i32 to vector<8x1024xi32>
    %shift_right_logical3A_422 = arith.shrui %xor3A_415, %shift_right_logical3A_421 : vector<8x1024xi32>
    %or3A_423 = arith.ori %shift_left3A_419, %shift_right_logical3A_422 : vector<8x1024xi32>
    %xor3A_424 = arith.xori %or3A_423, %add3A_416 : vector<8x1024xi32>
    %add3A_425 = arith.addi %add3A_416, %xor3A_424 : vector<8x1024xi32>
    %shift_left3A_426 = arith.constant 16 : i32
    %shift_left3A_427 = vector.broadcast %shift_left3A_426 : i32 to vector<8x1024xi32>
    %shift_left3A_428 = arith.shli %xor3A_424, %shift_left3A_427 : vector<8x1024xi32>
    %shift_right_logical3A_429 = arith.constant 16 : i32
    %shift_right_logical3A_430 = vector.broadcast %shift_right_logical3A_429 : i32 to vector<8x1024xi32>
    %shift_right_logical3A_431 = arith.shrui %xor3A_424, %shift_right_logical3A_430 : vector<8x1024xi32>
    %or3A_432 = arith.ori %shift_left3A_428, %shift_right_logical3A_431 : vector<8x1024xi32>
    %xor3A_433 = arith.xori %or3A_432, %add3A_425 : vector<8x1024xi32>
    %add3A_434 = arith.addi %add3A_425, %xor3A_433 : vector<8x1024xi32>
    %shift_left3A_435 = arith.constant 24 : i32
    %shift_left3A_436 = vector.broadcast %shift_left3A_435 : i32 to vector<8x1024xi32>
    %shift_left3A_437 = arith.shli %xor3A_433, %shift_left3A_436 : vector<8x1024xi32>
    %shift_right_logical3A_438 = arith.constant 8 : i32
    %shift_right_logical3A_439 = vector.broadcast %shift_right_logical3A_438 : i32 to vector<8x1024xi32>
    %shift_right_logical3A_440 = arith.shrui %xor3A_433, %shift_right_logical3A_439 : vector<8x1024xi32>
    %or3A_441 = arith.ori %shift_left3A_437, %shift_right_logical3A_440 : vector<8x1024xi32>
    %xor3A_442 = arith.xori %or3A_441, %add3A_434 : vector<8x1024xi32>
    %add3A_443 = arith.constant 42 : i32
    %add3A_444 = vector.broadcast %add3A_443 : i32 to vector<8x1024xi32>
    %add3A_445 = arith.addi %add3A_434, %add3A_444 : vector<8x1024xi32>
    %add3A_446 = arith.constant 466689008 : i32
    %add3A_447 = vector.broadcast %add3A_446 : i32 to vector<8x1024xi32>
    %add3A_448 = arith.addi %xor3A_442, %add3A_447 : vector<8x1024xi32>
    %add3A_449 = arith.constant 4 : i32
    %add3A_450 = vector.broadcast %add3A_449 : i32 to vector<8x1024xi32>
    %add3A_451 = arith.addi %add3A_448, %add3A_450 : vector<8x1024xi32>
    %add3A_452 = arith.addi %add3A_445, %add3A_451 : vector<8x1024xi32>
    %shift_left3A_453 = arith.constant 13 : i32
    %shift_left3A_454 = vector.broadcast %shift_left3A_453 : i32 to vector<8x1024xi32>
    %shift_left3A_455 = arith.shli %add3A_451, %shift_left3A_454 : vector<8x1024xi32>
    %shift_right_logical3A_456 = arith.constant 19 : i32
    %shift_right_logical3A_457 = vector.broadcast %shift_right_logical3A_456 : i32 to vector<8x1024xi32>
    %shift_right_logical3A_458 = arith.shrui %add3A_451, %shift_right_logical3A_457 : vector<8x1024xi32>
    %or3A_459 = arith.ori %shift_left3A_455, %shift_right_logical3A_458 : vector<8x1024xi32>
    %xor3A_460 = arith.xori %or3A_459, %add3A_452 : vector<8x1024xi32>
    %add3A_461 = arith.addi %add3A_452, %xor3A_460 : vector<8x1024xi32>
    %shift_left3A_462 = arith.constant 15 : i32
    %shift_left3A_463 = vector.broadcast %shift_left3A_462 : i32 to vector<8x1024xi32>
    %shift_left3A_464 = arith.shli %xor3A_460, %shift_left3A_463 : vector<8x1024xi32>
    %shift_right_logical3A_465 = arith.constant 17 : i32
    %shift_right_logical3A_466 = vector.broadcast %shift_right_logical3A_465 : i32 to vector<8x1024xi32>
    %shift_right_logical3A_467 = arith.shrui %xor3A_460, %shift_right_logical3A_466 : vector<8x1024xi32>
    %or3A_468 = arith.ori %shift_left3A_464, %shift_right_logical3A_467 : vector<8x1024xi32>
    %xor3A_469 = arith.xori %or3A_468, %add3A_461 : vector<8x1024xi32>
    %add3A_470 = arith.addi %add3A_461, %xor3A_469 : vector<8x1024xi32>
    %shift_left3A_471 = arith.constant 26 : i32
    %shift_left3A_472 = vector.broadcast %shift_left3A_471 : i32 to vector<8x1024xi32>
    %shift_left3A_473 = arith.shli %xor3A_469, %shift_left3A_472 : vector<8x1024xi32>
    %shift_right_logical3A_474 = arith.constant 6 : i32
    %shift_right_logical3A_475 = vector.broadcast %shift_right_logical3A_474 : i32 to vector<8x1024xi32>
    %shift_right_logical3A_476 = arith.shrui %xor3A_469, %shift_right_logical3A_475 : vector<8x1024xi32>
    %or3A_477 = arith.ori %shift_left3A_473, %shift_right_logical3A_476 : vector<8x1024xi32>
    %xor3A_478 = arith.xori %or3A_477, %add3A_470 : vector<8x1024xi32>
    %add3A_479 = arith.addi %add3A_470, %xor3A_478 : vector<8x1024xi32>
    %shift_left3A_480 = arith.constant 6 : i32
    %shift_left3A_481 = vector.broadcast %shift_left3A_480 : i32 to vector<8x1024xi32>
    %shift_left3A_482 = arith.shli %xor3A_478, %shift_left3A_481 : vector<8x1024xi32>
    %shift_right_logical3A_483 = arith.constant 26 : i32
    %shift_right_logical3A_484 = vector.broadcast %shift_right_logical3A_483 : i32 to vector<8x1024xi32>
    %shift_right_logical3A_485 = arith.shrui %xor3A_478, %shift_right_logical3A_484 : vector<8x1024xi32>
    %or3A_486 = arith.ori %shift_left3A_482, %shift_right_logical3A_485 : vector<8x1024xi32>
    %xor3A_487 = arith.xori %or3A_486, %add3A_479 : vector<8x1024xi32>
    %add3A_488 = arith.constant 466689008 : i32
    %add3A_489 = vector.broadcast %add3A_488 : i32 to vector<8x1024xi32>
    %add3A_490 = arith.addi %add3A_479, %add3A_489 : vector<8x1024xi32>
    %add3A_491 = arith.constant 0 : i32
    %add3A_492 = vector.broadcast %add3A_491 : i32 to vector<8x1024xi32>
    %add3A_493 = arith.addi %xor3A_487, %add3A_492 : vector<8x1024xi32>
    %add3A_494 = arith.constant 5 : i32
    %add3A_495 = vector.broadcast %add3A_494 : i32 to vector<8x1024xi32>
    %add3A_496 = arith.addi %add3A_493, %add3A_495 : vector<8x1024xi32>
    %xor3A_497 = arith.xori %add3A_490, %add3A_496 : vector<8x1024xi32>
    %shift_right_logical3A_498 = arith.constant 31 : i32
    %shift_right_logical3A_499 = vector.broadcast %shift_right_logical3A_498 : i32 to vector<8x1024xi32>
    %shift_right_logical3A_500 = arith.shrui %xor3A_497, %shift_right_logical3A_499 : vector<8x1024xi32>
    %eq3A_501 = arith.constant 1 : i32
    %eq3A_502 = vector.broadcast %eq3A_501 : i32 to vector<8x1024xi32>
    %eq3A_503 = arith.cmpi eq, %shift_right_logical3A_500, %eq3A_502 : vector<8x1024xi32>
    %get3A_504 = arith.constant 8192 : index
    %get3A_505 = vector.load %arg1[%get3A_504] : memref<131072xf32, #tpu.memory_space<vmem>>, vector<8192xf32>
    %reshape3A_506 = vector.shape_cast %get3A_505 : vector<8192xf32> to vector<8x1024xf32>
    %mul3A_507 = arith.constant 2.000000e+00 : f32
    %mul3A_508 = vector.broadcast %mul3A_507 : f32 to vector<8x1024xf32>
    %mul3A_509 = arith.mulf %reshape3A_506, %mul3A_508 : vector<8x1024xf32>
    %jit3A_510 = arith.constant 0.000000e+00 : f32
    %broadcast_in_dim3A_511 = vector.broadcast %jit3A_510 : f32 to vector<8x1024xf32>
    %select_n3A_512 = arith.select %eq3A_503, %mul3A_509, %broadcast_in_dim3A_511 : vector<8x1024xi1>, vector<8x1024xf32>
    %reshape3A_513 = vector.shape_cast %select_n3A_512 : vector<8x1024xf32> to vector<8192xf32>
    %swap3A_514 = arith.constant 8192 : index
    %swap3A_515 = vector.load %arg2[%swap3A_514] : memref<131072xf32, #tpu.memory_space<vmem>>, vector<8192xf32>
    tpu.vector_store %arg2[%swap3A_514], %reshape3A_513 {strides = array<i32>} : memref<131072xf32, #tpu.memory_space<vmem>>, vector<8192xf32>,
    %mul3A_516 = arith.constant 131072 : i32
    %mul3A_517 = arith.muli %add3A_0, %mul3A_516 : i32
    %add3A_518 = arith.constant 16384 : i32
    %add3A_519 = arith.addi %mul3A_517, %add3A_518 : i32
    %iota3A_520 = tpu.iota {dimensions = array<i32: 0>} : vector<8x1024xi32>
    %mul3A_521 = arith.constant 1024 : i32
    %mul3A_522 = vector.broadcast %mul3A_521 : i32 to vector<8x1024xi32>
    %mul3A_523 = arith.muli %iota3A_520, %mul3A_522 : vector<8x1024xi32>
    %add3A_524 = vector.broadcast %add3A_519 : i32 to vector<8x1024xi32>
    %add3A_525 = arith.addi %add3A_524, %mul3A_523 : vector<8x1024xi32>
    %iota3A_526 = tpu.iota {dimensions = array<i32: 1>} : vector<8x1024xi32>
    %add3A_527 = arith.addi %add3A_525, %iota3A_526 : vector<8x1024xi32>
    %broadcast_in_dim3A_528 = arith.constant 0 : i32
    %broadcast_in_dim3A_529 = vector.broadcast %broadcast_in_dim3A_528 : i32 to vector<8x1024xi32>
    %add3A_530 = arith.constant 0 : i32
    %add3A_531 = vector.broadcast %add3A_530 : i32 to vector<8x1024xi32>
    %add3A_532 = arith.addi %broadcast_in_dim3A_529, %add3A_531 : vector<8x1024xi32>
    %add3A_533 = arith.constant 42 : i32
    %add3A_534 = vector.broadcast %add3A_533 : i32 to vector<8x1024xi32>
    %add3A_535 = arith.addi %add3A_527, %add3A_534 : vector<8x1024xi32>
    %add3A_536 = arith.addi %add3A_532, %add3A_535 : vector<8x1024xi32>
    %shift_left3A_537 = arith.constant 13 : i32
    %shift_left3A_538 = vector.broadcast %shift_left3A_537 : i32 to vector<8x1024xi32>
    %shift_left3A_539 = arith.shli %add3A_535, %shift_left3A_538 : vector<8x1024xi32>
    %shift_right_logical3A_540 = arith.constant 19 : i32
    %shift_right_logical3A_541 = vector.broadcast %shift_right_logical3A_540 : i32 to vector<8x1024xi32>
    %shift_right_logical3A_542 = arith.shrui %add3A_535, %shift_right_logical3A_541 : vector<8x1024xi32>
    %or3A_543 = arith.ori %shift_left3A_539, %shift_right_logical3A_542 : vector<8x1024xi32>
    %xor3A_544 = arith.xori %or3A_543, %add3A_536 : vector<8x1024xi32>
    %add3A_545 = arith.addi %add3A_536, %xor3A_544 : vector<8x1024xi32>
    %shift_left3A_546 = arith.constant 15 : i32
    %shift_left3A_547 = vector.broadcast %shift_left3A_546 : i32 to vector<8x1024xi32>
    %shift_left3A_548 = arith.shli %xor3A_544, %shift_left3A_547 : vector<8x1024xi32>
    %shift_right_logical3A_549 = arith.constant 17 : i32
    %shift_right_logical3A_550 = vector.broadcast %shift_right_logical3A_549 : i32 to vector<8x1024xi32>
    %shift_right_logical3A_551 = arith.shrui %xor3A_544, %shift_right_logical3A_550 : vector<8x1024xi32>
    %or3A_552 = arith.ori %shift_left3A_548, %shift_right_logical3A_551 : vector<8x1024xi32>
    %xor3A_553 = arith.xori %or3A_552, %add3A_545 : vector<8x1024xi32>
    %add3A_554 = arith.addi %add3A_545, %xor3A_553 : vector<8x1024xi32>
    %shift_left3A_555 = arith.constant 26 : i32
    %shift_left3A_556 = vector.broadcast %shift_left3A_555 : i32 to vector<8x1024xi32>
    %shift_left3A_557 = arith.shli %xor3A_553, %shift_left3A_556 : vector<8x1024xi32>
    %shift_right_logical3A_558 = arith.constant 6 : i32
    %shift_right_logical3A_559 = vector.broadcast %shift_right_logical3A_558 : i32 to vector<8x1024xi32>
    %shift_right_logical3A_560 = arith.shrui %xor3A_553, %shift_right_logical3A_559 : vector<8x1024xi32>
    %or3A_561 = arith.ori %shift_left3A_557, %shift_right_logical3A_560 : vector<8x1024xi32>
    %xor3A_562 = arith.xori %or3A_561, %add3A_554 : vector<8x1024xi32>
    %add3A_563 = arith.addi %add3A_554, %xor3A_562 : vector<8x1024xi32>
    %shift_left3A_564 = arith.constant 6 : i32
    %shift_left3A_565 = vector.broadcast %shift_left3A_564 : i32 to vector<8x1024xi32>
    %shift_left3A_566 = arith.shli %xor3A_562, %shift_left3A_565 : vector<8x1024xi32>
    %shift_right_logical3A_567 = arith.constant 26 : i32
    %shift_right_logical3A_568 = vector.broadcast %shift_right_logical3A_567 : i32 to vector<8x1024xi32>
    %shift_right_logical3A_569 = arith.shrui %xor3A_562, %shift_right_logical3A_568 : vector<8x1024xi32>
    %or3A_570 = arith.ori %shift_left3A_566, %shift_right_logical3A_569 : vector<8x1024xi32>
    %xor3A_571 = arith.xori %or3A_570, %add3A_563 : vector<8x1024xi32>
    %add3A_572 = arith.constant 42 : i32
    %add3A_573 = vector.broadcast %add3A_572 : i32 to vector<8x1024xi32>
    %add3A_574 = arith.addi %add3A_563, %add3A_573 : vector<8x1024xi32>
    %add3A_575 = arith.constant 466689008 : i32
    %add3A_576 = vector.broadcast %add3A_575 : i32 to vector<8x1024xi32>
    %add3A_577 = arith.addi %xor3A_571, %add3A_576 : vector<8x1024xi32>
    %add3A_578 = arith.constant 1 : i32
    %add3A_579 = vector.broadcast %add3A_578 : i32 to vector<8x1024xi32>
    %add3A_580 = arith.addi %add3A_577, %add3A_579 : vector<8x1024xi32>
    %add3A_581 = arith.addi %add3A_574, %add3A_580 : vector<8x1024xi32>
    %shift_left3A_582 = arith.constant 17 : i32
    %shift_left3A_583 = vector.broadcast %shift_left3A_582 : i32 to vector<8x1024xi32>
    %shift_left3A_584 = arith.shli %add3A_580, %shift_left3A_583 : vector<8x1024xi32>
    %shift_right_logical3A_585 = arith.constant 15 : i32
    %shift_right_logical3A_586 = vector.broadcast %shift_right_logical3A_585 : i32 to vector<8x1024xi32>
    %shift_right_logical3A_587 = arith.shrui %add3A_580, %shift_right_logical3A_586 : vector<8x1024xi32>
    %or3A_588 = arith.ori %shift_left3A_584, %shift_right_logical3A_587 : vector<8x1024xi32>
    %xor3A_589 = arith.xori %or3A_588, %add3A_581 : vector<8x1024xi32>
    %add3A_590 = arith.addi %add3A_581, %xor3A_589 : vector<8x1024xi32>
    %shift_left3A_591 = arith.constant 29 : i32
    %shift_left3A_592 = vector.broadcast %shift_left3A_591 : i32 to vector<8x1024xi32>
    %shift_left3A_593 = arith.shli %xor3A_589, %shift_left3A_592 : vector<8x1024xi32>
    %shift_right_logical3A_594 = arith.constant 3 : i32
    %shift_right_logical3A_595 = vector.broadcast %shift_right_logical3A_594 : i32 to vector<8x1024xi32>
    %shift_right_logical3A_596 = arith.shrui %xor3A_589, %shift_right_logical3A_595 : vector<8x1024xi32>
    %or3A_597 = arith.ori %shift_left3A_593, %shift_right_logical3A_596 : vector<8x1024xi32>
    %xor3A_598 = arith.xori %or3A_597, %add3A_590 : vector<8x1024xi32>
    %add3A_599 = arith.addi %add3A_590, %xor3A_598 : vector<8x1024xi32>
    %shift_left3A_600 = arith.constant 16 : i32
    %shift_left3A_601 = vector.broadcast %shift_left3A_600 : i32 to vector<8x1024xi32>
    %shift_left3A_602 = arith.shli %xor3A_598, %shift_left3A_601 : vector<8x1024xi32>
    %shift_right_logical3A_603 = arith.constant 16 : i32
    %shift_right_logical3A_604 = vector.broadcast %shift_right_logical3A_603 : i32 to vector<8x1024xi32>
    %shift_right_logical3A_605 = arith.shrui %xor3A_598, %shift_right_logical3A_604 : vector<8x1024xi32>
    %or3A_606 = arith.ori %shift_left3A_602, %shift_right_logical3A_605 : vector<8x1024xi32>
    %xor3A_607 = arith.xori %or3A_606, %add3A_599 : vector<8x1024xi32>
    %add3A_608 = arith.addi %add3A_599, %xor3A_607 : vector<8x1024xi32>
    %shift_left3A_609 = arith.constant 24 : i32
    %shift_left3A_610 = vector.broadcast %shift_left3A_609 : i32 to vector<8x1024xi32>
    %shift_left3A_611 = arith.shli %xor3A_607, %shift_left3A_610 : vector<8x1024xi32>
    %shift_right_logical3A_612 = arith.constant 8 : i32
    %shift_right_logical3A_613 = vector.broadcast %shift_right_logical3A_612 : i32 to vector<8x1024xi32>
    %shift_right_logical3A_614 = arith.shrui %xor3A_607, %shift_right_logical3A_613 : vector<8x1024xi32>
    %or3A_615 = arith.ori %shift_left3A_611, %shift_right_logical3A_614 : vector<8x1024xi32>
    %xor3A_616 = arith.xori %or3A_615, %add3A_608 : vector<8x1024xi32>
    %add3A_617 = arith.constant 466689008 : i32
    %add3A_618 = vector.broadcast %add3A_617 : i32 to vector<8x1024xi32>
    %add3A_619 = arith.addi %add3A_608, %add3A_618 : vector<8x1024xi32>
    %add3A_620 = arith.constant 0 : i32
    %add3A_621 = vector.broadcast %add3A_620 : i32 to vector<8x1024xi32>
    %add3A_622 = arith.addi %xor3A_616, %add3A_621 : vector<8x1024xi32>
    %add3A_623 = arith.constant 2 : i32
    %add3A_624 = vector.broadcast %add3A_623 : i32 to vector<8x1024xi32>
    %add3A_625 = arith.addi %add3A_622, %add3A_624 : vector<8x1024xi32>
    %add3A_626 = arith.addi %add3A_619, %add3A_625 : vector<8x1024xi32>
    %shift_left3A_627 = arith.constant 13 : i32
    %shift_left3A_628 = vector.broadcast %shift_left3A_627 : i32 to vector<8x1024xi32>
    %shift_left3A_629 = arith.shli %add3A_625, %shift_left3A_628 : vector<8x1024xi32>
    %shift_right_logical3A_630 = arith.constant 19 : i32
    %shift_right_logical3A_631 = vector.broadcast %shift_right_logical3A_630 : i32 to vector<8x1024xi32>
    %shift_right_logical3A_632 = arith.shrui %add3A_625, %shift_right_logical3A_631 : vector<8x1024xi32>
    %or3A_633 = arith.ori %shift_left3A_629, %shift_right_logical3A_632 : vector<8x1024xi32>
    %xor3A_634 = arith.xori %or3A_633, %add3A_626 : vector<8x1024xi32>
    %add3A_635 = arith.addi %add3A_626, %xor3A_634 : vector<8x1024xi32>
    %shift_left3A_636 = arith.constant 15 : i32
    %shift_left3A_637 = vector.broadcast %shift_left3A_636 : i32 to vector<8x1024xi32>
    %shift_left3A_638 = arith.shli %xor3A_634, %shift_left3A_637 : vector<8x1024xi32>
    %shift_right_logical3A_639 = arith.constant 17 : i32
    %shift_right_logical3A_640 = vector.broadcast %shift_right_logical3A_639 : i32 to vector<8x1024xi32>
    %shift_right_logical3A_641 = arith.shrui %xor3A_634, %shift_right_logical3A_640 : vector<8x1024xi32>
    %or3A_642 = arith.ori %shift_left3A_638, %shift_right_logical3A_641 : vector<8x1024xi32>
    %xor3A_643 = arith.xori %or3A_642, %add3A_635 : vector<8x1024xi32>
    %add3A_644 = arith.addi %add3A_635, %xor3A_643 : vector<8x1024xi32>
    %shift_left3A_645 = arith.constant 26 : i32
    %shift_left3A_646 = vector.broadcast %shift_left3A_645 : i32 to vector<8x1024xi32>
    %shift_left3A_647 = arith.shli %xor3A_643, %shift_left3A_646 : vector<8x1024xi32>
    %shift_right_logical3A_648 = arith.constant 6 : i32
    %shift_right_logical3A_649 = vector.broadcast %shift_right_logical3A_648 : i32 to vector<8x1024xi32>
    %shift_right_logical3A_650 = arith.shrui %xor3A_643, %shift_right_logical3A_649 : vector<8x1024xi32>
    %or3A_651 = arith.ori %shift_left3A_647, %shift_right_logical3A_650 : vector<8x1024xi32>
    %xor3A_652 = arith.xori %or3A_651, %add3A_644 : vector<8x1024xi32>
    %add3A_653 = arith.addi %add3A_644, %xor3A_652 : vector<8x1024xi32>
    %shift_left3A_654 = arith.constant 6 : i32
    %shift_left3A_655 = vector.broadcast %shift_left3A_654 : i32 to vector<8x1024xi32>
    %shift_left3A_656 = arith.shli %xor3A_652, %shift_left3A_655 : vector<8x1024xi32>
    %shift_right_logical3A_657 = arith.constant 26 : i32
    %shift_right_logical3A_658 = vector.broadcast %shift_right_logical3A_657 : i32 to vector<8x1024xi32>
    %shift_right_logical3A_659 = arith.shrui %xor3A_652, %shift_right_logical3A_658 : vector<8x1024xi32>
    %or3A_660 = arith.ori %shift_left3A_656, %shift_right_logical3A_659 : vector<8x1024xi32>
    %xor3A_661 = arith.xori %or3A_660, %add3A_653 : vector<8x1024xi32>
    %add3A_662 = arith.constant 0 : i32
    %add3A_663 = vector.broadcast %add3A_662 : i32 to vector<8x1024xi32>
    %add3A_664 = arith.addi %add3A_653, %add3A_663 : vector<8x1024xi32>
    %add3A_665 = arith.constant 42 : i32
    %add3A_666 = vector.broadcast %add3A_665 : i32 to vector<8x1024xi32>
    %add3A_667 = arith.addi %xor3A_661, %add3A_666 : vector<8x1024xi32>
    %add3A_668 = arith.constant 3 : i32
    %add3A_669 = vector.broadcast %add3A_668 : i32 to vector<8x1024xi32>
    %add3A_670 = arith.addi %add3A_667, %add3A_669 : vector<8x1024xi32>
    %add3A_671 = arith.addi %add3A_664, %add3A_670 : vector<8x1024xi32>
    %shift_left3A_672 = arith.constant 17 : i32
    %shift_left3A_673 = vector.broadcast %shift_left3A_672 : i32 to vector<8x1024xi32>
    %shift_left3A_674 = arith.shli %add3A_670, %shift_left3A_673 : vector<8x1024xi32>
    %shift_right_logical3A_675 = arith.constant 15 : i32
    %shift_right_logical3A_676 = vector.broadcast %shift_right_logical3A_675 : i32 to vector<8x1024xi32>
    %shift_right_logical3A_677 = arith.shrui %add3A_670, %shift_right_logical3A_676 : vector<8x1024xi32>
    %or3A_678 = arith.ori %shift_left3A_674, %shift_right_logical3A_677 : vector<8x1024xi32>
    %xor3A_679 = arith.xori %or3A_678, %add3A_671 : vector<8x1024xi32>
    %add3A_680 = arith.addi %add3A_671, %xor3A_679 : vector<8x1024xi32>
    %shift_left3A_681 = arith.constant 29 : i32
    %shift_left3A_682 = vector.broadcast %shift_left3A_681 : i32 to vector<8x1024xi32>
    %shift_left3A_683 = arith.shli %xor3A_679, %shift_left3A_682 : vector<8x1024xi32>
    %shift_right_logical3A_684 = arith.constant 3 : i32
    %shift_right_logical3A_685 = vector.broadcast %shift_right_logical3A_684 : i32 to vector<8x1024xi32>
    %shift_right_logical3A_686 = arith.shrui %xor3A_679, %shift_right_logical3A_685 : vector<8x1024xi32>
    %or3A_687 = arith.ori %shift_left3A_683, %shift_right_logical3A_686 : vector<8x1024xi32>
    %xor3A_688 = arith.xori %or3A_687, %add3A_680 : vector<8x1024xi32>
    %add3A_689 = arith.addi %add3A_680, %xor3A_688 : vector<8x1024xi32>
    %shift_left3A_690 = arith.constant 16 : i32
    %shift_left3A_691 = vector.broadcast %shift_left3A_690 : i32 to vector<8x1024xi32>
    %shift_left3A_692 = arith.shli %xor3A_688, %shift_left3A_691 : vector<8x1024xi32>
    %shift_right_logical3A_693 = arith.constant 16 : i32
    %shift_right_logical3A_694 = vector.broadcast %shift_right_logical3A_693 : i32 to vector<8x1024xi32>
    %shift_right_logical3A_695 = arith.shrui %xor3A_688, %shift_right_logical3A_694 : vector<8x1024xi32>
    %or3A_696 = arith.ori %shift_left3A_692, %shift_right_logical3A_695 : vector<8x1024xi32>
    %xor3A_697 = arith.xori %or3A_696, %add3A_689 : vector<8x1024xi32>
    %add3A_698 = arith.addi %add3A_689, %xor3A_697 : vector<8x1024xi32>
    %shift_left3A_699 = arith.constant 24 : i32
    %shift_left3A_700 = vector.broadcast %shift_left3A_699 : i32 to vector<8x1024xi32>
    %shift_left3A_701 = arith.shli %xor3A_697, %shift_left3A_700 : vector<8x1024xi32>
    %shift_right_logical3A_702 = arith.constant 8 : i32
    %shift_right_logical3A_703 = vector.broadcast %shift_right_logical3A_702 : i32 to vector<8x1024xi32>
    %shift_right_logical3A_704 = arith.shrui %xor3A_697, %shift_right_logical3A_703 : vector<8x1024xi32>
    %or3A_705 = arith.ori %shift_left3A_701, %shift_right_logical3A_704 : vector<8x1024xi32>
    %xor3A_706 = arith.xori %or3A_705, %add3A_698 : vector<8x1024xi32>
    %add3A_707 = arith.constant 42 : i32
    %add3A_708 = vector.broadcast %add3A_707 : i32 to vector<8x1024xi32>
    %add3A_709 = arith.addi %add3A_698, %add3A_708 : vector<8x1024xi32>
    %add3A_710 = arith.constant 466689008 : i32
    %add3A_711 = vector.broadcast %add3A_710 : i32 to vector<8x1024xi32>
    %add3A_712 = arith.addi %xor3A_706, %add3A_711 : vector<8x1024xi32>
    %add3A_713 = arith.constant 4 : i32
    %add3A_714 = vector.broadcast %add3A_713 : i32 to vector<8x1024xi32>
    %add3A_715 = arith.addi %add3A_712, %add3A_714 : vector<8x1024xi32>
    %add3A_716 = arith.addi %add3A_709, %add3A_715 : vector<8x1024xi32>
    %shift_left3A_717 = arith.constant 13 : i32
    %shift_left3A_718 = vector.broadcast %shift_left3A_717 : i32 to vector<8x1024xi32>
    %shift_left3A_719 = arith.shli %add3A_715, %shift_left3A_718 : vector<8x1024xi32>
    %shift_right_logical3A_720 = arith.constant 19 : i32
    %shift_right_logical3A_721 = vector.broadcast %shift_right_logical3A_720 : i32 to vector<8x1024xi32>
    %shift_right_logical3A_722 = arith.shrui %add3A_715, %shift_right_logical3A_721 : vector<8x1024xi32>
    %or3A_723 = arith.ori %shift_left3A_719, %shift_right_logical3A_722 : vector<8x1024xi32>
    %xor3A_724 = arith.xori %or3A_723, %add3A_716 : vector<8x1024xi32>
    %add3A_725 = arith.addi %add3A_716, %xor3A_724 : vector<8x1024xi32>
    %shift_left3A_726 = arith.constant 15 : i32
    %shift_left3A_727 = vector.broadcast %shift_left3A_726 : i32 to vector<8x1024xi32>
    %shift_left3A_728 = arith.shli %xor3A_724, %shift_left3A_727 : vector<8x1024xi32>
    %shift_right_logical3A_729 = arith.constant 17 : i32
    %shift_right_logical3A_730 = vector.broadcast %shift_right_logical3A_729 : i32 to vector<8x1024xi32>
    %shift_right_logical3A_731 = arith.shrui %xor3A_724, %shift_right_logical3A_730 : vector<8x1024xi32>
    %or3A_732 = arith.ori %shift_left3A_728, %shift_right_logical3A_731 : vector<8x1024xi32>
    %xor3A_733 = arith.xori %or3A_732, %add3A_725 : vector<8x1024xi32>
    %add3A_734 = arith.addi %add3A_725, %xor3A_733 : vector<8x1024xi32>
    %shift_left3A_735 = arith.constant 26 : i32
    %shift_left3A_736 = vector.broadcast %shift_left3A_735 : i32 to vector<8x1024xi32>
    %shift_left3A_737 = arith.shli %xor3A_733, %shift_left3A_736 : vector<8x1024xi32>
    %shift_right_logical3A_738 = arith.constant 6 : i32
    %shift_right_logical3A_739 = vector.broadcast %shift_right_logical3A_738 : i32 to vector<8x1024xi32>
    %shift_right_logical3A_740 = arith.shrui %xor3A_733, %shift_right_logical3A_739 : vector<8x1024xi32>
    %or3A_741 = arith.ori %shift_left3A_737, %shift_right_logical3A_740 : vector<8x1024xi32>
    %xor3A_742 = arith.xori %or3A_741, %add3A_734 : vector<8x1024xi32>
    %add3A_743 = arith.addi %add3A_734, %xor3A_742 : vector<8x1024xi32>
    %shift_left3A_744 = arith.constant 6 : i32
    %shift_left3A_745 = vector.broadcast %shift_left3A_744 : i32 to vector<8x1024xi32>
    %shift_left3A_746 = arith.shli %xor3A_742, %shift_left3A_745 : vector<8x1024xi32>
    %shift_right_logical3A_747 = arith.constant 26 : i32
    %shift_right_logical3A_748 = vector.broadcast %shift_right_logical3A_747 : i32 to vector<8x1024xi32>
    %shift_right_logical3A_749 = arith.shrui %xor3A_742, %shift_right_logical3A_748 : vector<8x1024xi32>
    %or3A_750 = arith.ori %shift_left3A_746, %shift_right_logical3A_749 : vector<8x1024xi32>
    %xor3A_751 = arith.xori %or3A_750, %add3A_743 : vector<8x1024xi32>
    %add3A_752 = arith.constant 466689008 : i32
    %add3A_753 = vector.broadcast %add3A_752 : i32 to vector<8x1024xi32>
    %add3A_754 = arith.addi %add3A_743, %add3A_753 : vector<8x1024xi32>
    %add3A_755 = arith.constant 0 : i32
    %add3A_756 = vector.broadcast %add3A_755 : i32 to vector<8x1024xi32>
    %add3A_757 = arith.addi %xor3A_751, %add3A_756 : vector<8x1024xi32>
    %add3A_758 = arith.constant 5 : i32
    %add3A_759 = vector.broadcast %add3A_758 : i32 to vector<8x1024xi32>
    %add3A_760 = arith.addi %add3A_757, %add3A_759 : vector<8x1024xi32>
    %xor3A_761 = arith.xori %add3A_754, %add3A_760 : vector<8x1024xi32>
    %shift_right_logical3A_762 = arith.constant 31 : i32
    %shift_right_logical3A_763 = vector.broadcast %shift_right_logical3A_762 : i32 to vector<8x1024xi32>
    %shift_right_logical3A_764 = arith.shrui %xor3A_761, %shift_right_logical3A_763 : vector<8x1024xi32>
    %eq3A_765 = arith.constant 1 : i32
    %eq3A_766 = vector.broadcast %eq3A_765 : i32 to vector<8x1024xi32>
    %eq3A_767 = arith.cmpi eq, %shift_right_logical3A_764, %eq3A_766 : vector<8x1024xi32>
    %get3A_768 = arith.constant 16384 : index
    %get3A_769 = vector.load %arg1[%get3A_768] : memref<131072xf32, #tpu.memory_space<vmem>>, vector<8192xf32>
    %reshape3A_770 = vector.shape_cast %get3A_769 : vector<8192xf32> to vector<8x1024xf32>
    %mul3A_771 = arith.constant 2.000000e+00 : f32
    %mul3A_772 = vector.broadcast %mul3A_771 : f32 to vector<8x1024xf32>
    %mul3A_773 = arith.mulf %reshape3A_770, %mul3A_772 : vector<8x1024xf32>
    %jit3A_774 = arith.constant 0.000000e+00 : f32
    %broadcast_in_dim3A_775 = vector.broadcast %jit3A_774 : f32 to vector<8x1024xf32>
    %select_n3A_776 = arith.select %eq3A_767, %mul3A_773, %broadcast_in_dim3A_775 : vector<8x1024xi1>, vector<8x1024xf32>
    %reshape3A_777 = vector.shape_cast %select_n3A_776 : vector<8x1024xf32> to vector<8192xf32>
    %swap3A_778 = arith.constant 16384 : index
    %swap3A_779 = vector.load %arg2[%swap3A_778] : memref<131072xf32, #tpu.memory_space<vmem>>, vector<8192xf32>
    tpu.vector_store %arg2[%swap3A_778], %reshape3A_777 {strides = array<i32>} : memref<131072xf32, #tpu.memory_space<vmem>>, vector<8192xf32>,
    %mul3A_780 = arith.constant 131072 : i32
    %mul3A_781 = arith.muli %add3A_0, %mul3A_780 : i32
    %add3A_782 = arith.constant 24576 : i32
    %add3A_783 = arith.addi %mul3A_781, %add3A_782 : i32
    %iota3A_784 = tpu.iota {dimensions = array<i32: 0>} : vector<8x1024xi32>
    %mul3A_785 = arith.constant 1024 : i32
    %mul3A_786 = vector.broadcast %mul3A_785 : i32 to vector<8x1024xi32>
    %mul3A_787 = arith.muli %iota3A_784, %mul3A_786 : vector<8x1024xi32>
    %add3A_788 = vector.broadcast %add3A_783 : i32 to vector<8x1024xi32>
    %add3A_789 = arith.addi %add3A_788, %mul3A_787 : vector<8x1024xi32>
    %iota3A_790 = tpu.iota {dimensions = array<i32: 1>} : vector<8x1024xi32>
    %add3A_791 = arith.addi %add3A_789, %iota3A_790 : vector<8x1024xi32>
    %broadcast_in_dim3A_792 = arith.constant 0 : i32
    %broadcast_in_dim3A_793 = vector.broadcast %broadcast_in_dim3A_792 : i32 to vector<8x1024xi32>
    %add3A_794 = arith.constant 0 : i32
    %add3A_795 = vector.broadcast %add3A_794 : i32 to vector<8x1024xi32>
    %add3A_796 = arith.addi %broadcast_in_dim3A_793, %add3A_795 : vector<8x1024xi32>
    %add3A_797 = arith.constant 42 : i32
    %add3A_798 = vector.broadcast %add3A_797 : i32 to vector<8x1024xi32>
    %add3A_799 = arith.addi %add3A_791, %add3A_798 : vector<8x1024xi32>
    %add3A_800 = arith.addi %add3A_796, %add3A_799 : vector<8x1024xi32>
    %shift_left3A_801 = arith.constant 13 : i32
    %shift_left3A_802 = vector.broadcast %shift_left3A_801 : i32 to vector<8x1024xi32>
    %shift_left3A_803 = arith.shli %add3A_799, %shift_left3A_802 : vector<8x1024xi32>
    %shift_right_logical3A_804 = arith.constant 19 : i32
    %shift_right_logical3A_805 = vector.broadcast %shift_right_logical3A_804 : i32 to vector<8x1024xi32>
    %shift_right_logical3A_806 = arith.shrui %add3A_799, %shift_right_logical3A_805 : vector<8x1024xi32>
    %or3A_807 = arith.ori %shift_left3A_803, %shift_right_logical3A_806 : vector<8x1024xi32>
    %xor3A_808 = arith.xori %or3A_807, %add3A_800 : vector<8x1024xi32>
    %add3A_809 = arith.addi %add3A_800, %xor3A_808 : vector<8x1024xi32>
    %shift_left3A_810 = arith.constant 15 : i32
    %shift_left3A_811 = vector.broadcast %shift_left3A_810 : i32 to vector<8x1024xi32>
    %shift_left3A_812 = arith.shli %xor3A_808, %shift_left3A_811 : vector<8x1024xi32>
    %shift_right_logical3A_813 = arith.constant 17 : i32
    %shift_right_logical3A_814 = vector.broadcast %shift_right_logical3A_813 : i32 to vector<8x1024xi32>
    %shift_right_logical3A_815 = arith.shrui %xor3A_808, %shift_right_logical3A_814 : vector<8x1024xi32>
    %or3A_816 = arith.ori %shift_left3A_812, %shift_right_logical3A_815 : vector<8x1024xi32>
    %xor3A_817 = arith.xori %or3A_816, %add3A_809 : vector<8x1024xi32>
    %add3A_818 = arith.addi %add3A_809, %xor3A_817 : vector<8x1024xi32>
    %shift_left3A_819 = arith.constant 26 : i32
    %shift_left3A_820 = vector.broadcast %shift_left3A_819 : i32 to vector<8x1024xi32>
    %shift_left3A_821 = arith.shli %xor3A_817, %shift_left3A_820 : vector<8x1024xi32>
    %shift_right_logical3A_822 = arith.constant 6 : i32
    %shift_right_logical3A_823 = vector.broadcast %shift_right_logical3A_822 : i32 to vector<8x1024xi32>
    %shift_right_logical3A_824 = arith.shrui %xor3A_817, %shift_right_logical3A_823 : vector<8x1024xi32>
    %or3A_825 = arith.ori %shift_left3A_821, %shift_right_logical3A_824 : vector<8x1024xi32>
    %xor3A_826 = arith.xori %or3A_825, %add3A_818 : vector<8x1024xi32>
    %add3A_827 = arith.addi %add3A_818, %xor3A_826 : vector<8x1024xi32>
    %shift_left3A_828 = arith.constant 6 : i32
    %shift_left3A_829 = vector.broadcast %shift_left3A_828 : i32 to vector<8x1024xi32>
    %shift_left3A_830 = arith.shli %xor3A_826, %shift_left3A_829 : vector<8x1024xi32>
    %shift_right_logical3A_831 = arith.constant 26 : i32
    %shift_right_logical3A_832 = vector.broadcast %shift_right_logical3A_831 : i32 to vector<8x1024xi32>
    %shift_right_logical3A_833 = arith.shrui %xor3A_826, %shift_right_logical3A_832 : vector<8x1024xi32>
    %or3A_834 = arith.ori %shift_left3A_830, %shift_right_logical3A_833 : vector<8x1024xi32>
    %xor3A_835 = arith.xori %or3A_834, %add3A_827 : vector<8x1024xi32>
    %add3A_836 = arith.constant 42 : i32
    %add3A_837 = vector.broadcast %add3A_836 : i32 to vector<8x1024xi32>
    %add3A_838 = arith.addi %add3A_827, %add3A_837 : vector<8x1024xi32>
    %add3A_839 = arith.constant 466689008 : i32
    %add3A_840 = vector.broadcast %add3A_839 : i32 to vector<8x1024xi32>
    %add3A_841 = arith.addi %xor3A_835, %add3A_840 : vector<8x1024xi32>
    %add3A_842 = arith.constant 1 : i32
    %add3A_843 = vector.broadcast %add3A_842 : i32 to vector<8x1024xi32>
    %add3A_844 = arith.addi %add3A_841, %add3A_843 : vector<8x1024xi32>
    %add3A_845 = arith.addi %add3A_838, %add3A_844 : vector<8x1024xi32>
    %shift_left3A_846 = arith.constant 17 : i32
    %shift_left3A_847 = vector.broadcast %shift_left3A_846 : i32 to vector<8x1024xi32>
    %shift_left3A_848 = arith.shli %add3A_844, %shift_left3A_847 : vector<8x1024xi32>
    %shift_right_logical3A_849 = arith.constant 15 : i32
    %shift_right_logical3A_850 = vector.broadcast %shift_right_logical3A_849 : i32 to vector<8x1024xi32>
    %shift_right_logical3A_851 = arith.shrui %add3A_844, %shift_right_logical3A_850 : vector<8x1024xi32>
    %or3A_852 = arith.ori %shift_left3A_848, %shift_right_logical3A_851 : vector<8x1024xi32>
    %xor3A_853 = arith.xori %or3A_852, %add3A_845 : vector<8x1024xi32>
    %add3A_854 = arith.addi %add3A_845, %xor3A_853 : vector<8x1024xi32>
    %shift_left3A_855 = arith.constant 29 : i32
    %shift_left3A_856 = vector.broadcast %shift_left3A_855 : i32 to vector<8x1024xi32>
    %shift_left3A_857 = arith.shli %xor3A_853, %shift_left3A_856 : vector<8x1024xi32>
    %shift_right_logical3A_858 = arith.constant 3 : i32
    %shift_right_logical3A_859 = vector.broadcast %shift_right_logical3A_858 : i32 to vector<8x1024xi32>
    %shift_right_logical3A_860 = arith.shrui %xor3A_853, %shift_right_logical3A_859 : vector<8x1024xi32>
    %or3A_861 = arith.ori %shift_left3A_857, %shift_right_logical3A_860 : vector<8x1024xi32>
    %xor3A_862 = arith.xori %or3A_861, %add3A_854 : vector<8x1024xi32>
    %add3A_863 = arith.addi %add3A_854, %xor3A_862 : vector<8x1024xi32>
    %shift_left3A_864 = arith.constant 16 : i32
    %shift_left3A_865 = vector.broadcast %shift_left3A_864 : i32 to vector<8x1024xi32>
    %shift_left3A_866 = arith.shli %xor3A_862, %shift_left3A_865 : vector<8x1024xi32>
    %shift_right_logical3A_867 = arith.constant 16 : i32
    %shift_right_logical3A_868 = vector.broadcast %shift_right_logical3A_867 : i32 to vector<8x1024xi32>
    %shift_right_logical3A_869 = arith.shrui %xor3A_862, %shift_right_logical3A_868 : vector<8x1024xi32>
    %or3A_870 = arith.ori %shift_left3A_866, %shift_right_logical3A_869 : vector<8x1024xi32>
    %xor3A_871 = arith.xori %or3A_870, %add3A_863 : vector<8x1024xi32>
    %add3A_872 = arith.addi %add3A_863, %xor3A_871 : vector<8x1024xi32>
    %shift_left3A_873 = arith.constant 24 : i32
    %shift_left3A_874 = vector.broadcast %shift_left3A_873 : i32 to vector<8x1024xi32>
    %shift_left3A_875 = arith.shli %xor3A_871, %shift_left3A_874 : vector<8x1024xi32>
    %shift_right_logical3A_876 = arith.constant 8 : i32
    %shift_right_logical3A_877 = vector.broadcast %shift_right_logical3A_876 : i32 to vector<8x1024xi32>
    %shift_right_logical3A_878 = arith.shrui %xor3A_871, %shift_right_logical3A_877 : vector<8x1024xi32>
    %or3A_879 = arith.ori %shift_left3A_875, %shift_right_logical3A_878 : vector<8x1024xi32>
    %xor3A_880 = arith.xori %or3A_879, %add3A_872 : vector<8x1024xi32>
    %add3A_881 = arith.constant 466689008 : i32
    %add3A_882 = vector.broadcast %add3A_881 : i32 to vector<8x1024xi32>
    %add3A_883 = arith.addi %add3A_872, %add3A_882 : vector<8x1024xi32>
    %add3A_884 = arith.constant 0 : i32
    %add3A_885 = vector.broadcast %add3A_884 : i32 to vector<8x1024xi32>
    %add3A_886 = arith.addi %xor3A_880, %add3A_885 : vector<8x1024xi32>
    %add3A_887 = arith.constant 2 : i32
    %add3A_888 = vector.broadcast %add3A_887 : i32 to vector<8x1024xi32>
    %add3A_889 = arith.addi %add3A_886, %add3A_888 : vector<8x1024xi32>
    %add3A_890 = arith.addi %add3A_883, %add3A_889 : vector<8x1024xi32>
    %shift_left3A_891 = arith.constant 13 : i32
    %shift_left3A_892 = vector.broadcast %shift_left3A_891 : i32 to vector<8x1024xi32>
    %shift_left3A_893 = arith.shli %add3A_889, %shift_left3A_892 : vector<8x1024xi32>
    %shift_right_logical3A_894 = arith.constant 19 : i32
    %shift_right_logical3A_895 = vector.broadcast %shift_right_logical3A_894 : i32 to vector<8x1024xi32>
    %shift_right_logical3A_896 = arith.shrui %add3A_889, %shift_right_logical3A_895 : vector<8x1024xi32>
    %or3A_897 = arith.ori %shift_left3A_893, %shift_right_logical3A_896 : vector<8x1024xi32>
    %xor3A_898 = arith.xori %or3A_897, %add3A_890 : vector<8x1024xi32>
    %add3A_899 = arith.addi %add3A_890, %xor3A_898 : vector<8x1024xi32>
    %shift_left3A_900 = arith.constant 15 : i32
    %shift_left3A_901 = vector.broadcast %shift_left3A_900 : i32 to vector<8x1024xi32>
    %shift_left3A_902 = arith.shli %xor3A_898, %shift_left3A_901 : vector<8x1024xi32>
    %shift_right_logical3A_903 = arith.constant 17 : i32
    %shift_right_logical3A_904 = vector.broadcast %shift_right_logical3A_903 : i32 to vector<8x1024xi32>
    %shift_right_logical3A_905 = arith.shrui %xor3A_898, %shift_right_logical3A_904 : vector<8x1024xi32>
    %or3A_906 = arith.ori %shift_left3A_902, %shift_right_logical3A_905 : vector<8x1024xi32>
    %xor3A_907 = arith.xori %or3A_906, %add3A_899 : vector<8x1024xi32>
    %add3A_908 = arith.addi %add3A_899, %xor3A_907 : vector<8x1024xi32>
    %shift_left3A_909 = arith.constant 26 : i32
    %shift_left3A_910 = vector.broadcast %shift_left3A_909 : i32 to vector<8x1024xi32>
    %shift_left3A_911 = arith.shli %xor3A_907, %shift_left3A_910 : vector<8x1024xi32>
    %shift_right_logical3A_912 = arith.constant 6 : i32
    %shift_right_logical3A_913 = vector.broadcast %shift_right_logical3A_912 : i32 to vector<8x1024xi32>
    %shift_right_logical3A_914 = arith.shrui %xor3A_907, %shift_right_logical3A_913 : vector<8x1024xi32>
    %or3A_915 = arith.ori %shift_left3A_911, %shift_right_logical3A_914 : vector<8x1024xi32>
    %xor3A_916 = arith.xori %or3A_915, %add3A_908 : vector<8x1024xi32>
    %add3A_917 = arith.addi %add3A_908, %xor3A_916 : vector<8x1024xi32>
    %shift_left3A_918 = arith.constant 6 : i32
    %shift_left3A_919 = vector.broadcast %shift_left3A_918 : i32 to vector<8x1024xi32>
    %shift_left3A_920 = arith.shli %xor3A_916, %shift_left3A_919 : vector<8x1024xi32>
    %shift_right_logical3A_921 = arith.constant 26 : i32
    %shift_right_logical3A_922 = vector.broadcast %shift_right_logical3A_921 : i32 to vector<8x1024xi32>
    %shift_right_logical3A_923 = arith.shrui %xor3A_916, %shift_right_logical3A_922 : vector<8x1024xi32>
    %or3A_924 = arith.ori %shift_left3A_920, %shift_right_logical3A_923 : vector<8x1024xi32>
    %xor3A_925 = arith.xori %or3A_924, %add3A_917 : vector<8x1024xi32>
    %add3A_926 = arith.constant 0 : i32
    %add3A_927 = vector.broadcast %add3A_926 : i32 to vector<8x1024xi32>
    %add3A_928 = arith.addi %add3A_917, %add3A_927 : vector<8x1024xi32>
    %add3A_929 = arith.constant 42 : i32
    %add3A_930 = vector.broadcast %add3A_929 : i32 to vector<8x1024xi32>
    %add3A_931 = arith.addi %xor3A_925, %add3A_930 : vector<8x1024xi32>
    %add3A_932 = arith.constant 3 : i32
    %add3A_933 = vector.broadcast %add3A_932 : i32 to vector<8x1024xi32>
    %add3A_934 = arith.addi %add3A_931, %add3A_933 : vector<8x1024xi32>
    %add3A_935 = arith.addi %add3A_928, %add3A_934 : vector<8x1024xi32>
    %shift_left3A_936 = arith.constant 17 : i32
    %shift_left3A_937 = vector.broadcast %shift_left3A_936 : i32 to vector<8x1024xi32>
    %shift_left3A_938 = arith.shli %add3A_934, %shift_left3A_937 : vector<8x1024xi32>
    %shift_right_logical3A_939 = arith.constant 15 : i32
    %shift_right_logical3A_940 = vector.broadcast %shift_right_logical3A_939 : i32 to vector<8x1024xi32>
    %shift_right_logical3A_941 = arith.shrui %add3A_934, %shift_right_logical3A_940 : vector<8x1024xi32>
    %or3A_942 = arith.ori %shift_left3A_938, %shift_right_logical3A_941 : vector<8x1024xi32>
    %xor3A_943 = arith.xori %or3A_942, %add3A_935 : vector<8x1024xi32>
    %add3A_944 = arith.addi %add3A_935, %xor3A_943 : vector<8x1024xi32>
    %shift_left3A_945 = arith.constant 29 : i32
    %shift_left3A_946 = vector.broadcast %shift_left3A_945 : i32 to vector<8x1024xi32>
    %shift_left3A_947 = arith.shli %xor3A_943, %shift_left3A_946 : vector<8x1024xi32>
    %shift_right_logical3A_948 = arith.constant 3 : i32
    %shift_right_logical3A_949 = vector.broadcast %shift_right_logical3A_948 : i32 to vector<8x1024xi32>
    %shift_right_logical3A_950 = arith.shrui %xor3A_943, %shift_right_logical3A_949 : vector<8x1024xi32>
    %or3A_951 = arith.ori %shift_left3A_947, %shift_right_logical3A_950 : vector<8x1024xi32>
    %xor3A_952 = arith.xori %or3A_951, %add3A_944 : vector<8x1024xi32>
    %add3A_953 = arith.addi %add3A_944, %xor3A_952 : vector<8x1024xi32>
    %shift_left3A_954 = arith.constant 16 : i32
    %shift_left3A_955 = vector.broadcast %shift_left3A_954 : i32 to vector<8x1024xi32>
    %shift_left3A_956 = arith.shli %xor3A_952, %shift_left3A_955 : vector<8x1024xi32>
    %shift_right_logical3A_957 = arith.constant 16 : i32
    %shift_right_logical3A_958 = vector.broadcast %shift_right_logical3A_957 : i32 to vector<8x1024xi32>
    %shift_right_logical3A_959 = arith.shrui %xor3A_952, %shift_right_logical3A_958 : vector<8x1024xi32>
    %or3A_960 = arith.ori %shift_left3A_956, %shift_right_logical3A_959 : vector<8x1024xi32>
    %xor3A_961 = arith.xori %or3A_960, %add3A_953 : vector<8x1024xi32>
    %add3A_962 = arith.addi %add3A_953, %xor3A_961 : vector<8x1024xi32>
    %shift_left3A_963 = arith.constant 24 : i32
    %shift_left3A_964 = vector.broadcast %shift_left3A_963 : i32 to vector<8x1024xi32>
    %shift_left3A_965 = arith.shli %xor3A_961, %shift_left3A_964 : vector<8x1024xi32>
    %shift_right_logical3A_966 = arith.constant 8 : i32
    %shift_right_logical3A_967 = vector.broadcast %shift_right_logical3A_966 : i32 to vector<8x1024xi32>
    %shift_right_logical3A_968 = arith.shrui %xor3A_961, %shift_right_logical3A_967 : vector<8x1024xi32>
    %or3A_969 = arith.ori %shift_left3A_965, %shift_right_logical3A_968 : vector<8x1024xi32>
    %xor3A_970 = arith.xori %or3A_969, %add3A_962 : vector<8x1024xi32>
    %add3A_971 = arith.constant 42 : i32
    %add3A_972 = vector.broadcast %add3A_971 : i32 to vector<8x1024xi32>
    %add3A_973 = arith.addi %add3A_962, %add3A_972 : vector<8x1024xi32>
    %add3A_974 = arith.constant 466689008 : i32
    %add3A_975 = vector.broadcast %add3A_974 : i32 to vector<8x1024xi32>
    %add3A_976 = arith.addi %xor3A_970, %add3A_975 : vector<8x1024xi32>
    %add3A_977 = arith.constant 4 : i32
    %add3A_978 = vector.broadcast %add3A_977 : i32 to vector<8x1024xi32>
    %add3A_979 = arith.addi %add3A_976, %add3A_978 : vector<8x1024xi32>
    %add3A_980 = arith.addi %add3A_973, %add3A_979 : vector<8x1024xi32>
    %shift_left3A_981 = arith.constant 13 : i32
    %shift_left3A_982 = vector.broadcast %shift_left3A_981 : i32 to vector<8x1024xi32>
    %shift_left3A_983 = arith.shli %add3A_979, %shift_left3A_982 : vector<8x1024xi32>
    %shift_right_logical3A_984 = arith.constant 19 : i32
    %shift_right_logical3A_985 = vector.broadcast %shift_right_logical3A_984 : i32 to vector<8x1024xi32>
    %shift_right_logical3A_986 = arith.shrui %add3A_979, %shift_right_logical3A_985 : vector<8x1024xi32>
    %or3A_987 = arith.ori %shift_left3A_983, %shift_right_logical3A_986 : vector<8x1024xi32>
    %xor3A_988 = arith.xori %or3A_987, %add3A_980 : vector<8x1024xi32>
    %add3A_989 = arith.addi %add3A_980, %xor3A_988 : vector<8x1024xi32>
    %shift_left3A_990 = arith.constant 15 : i32
    %shift_left3A_991 = vector.broadcast %shift_left3A_990 : i32 to vector<8x1024xi32>
    %shift_left3A_992 = arith.shli %xor3A_988, %shift_left3A_991 : vector<8x1024xi32>
    %shift_right_logical3A_993 = arith.constant 17 : i32
    %shift_right_logical3A_994 = vector.broadcast %shift_right_logical3A_993 : i32 to vector<8x1024xi32>
    %shift_right_logical3A_995 = arith.shrui %xor3A_988, %shift_right_logical3A_994 : vector<8x1024xi32>
    %or3A_996 = arith.ori %shift_left3A_992, %shift_right_logical3A_995 : vector<8x1024xi32>
    %xor3A_997 = arith.xori %or3A_996, %add3A_989 : vector<8x1024xi32>
    %add3A_998 = arith.addi %add3A_989, %xor3A_997 : vector<8x1024xi32>
    %shift_left3A_999 = arith.constant 26 : i32
    %shift_left3A_1000 = vector.broadcast %shift_left3A_999 : i32 to vector<8x1024xi32>
    %shift_left3A_1001 = arith.shli %xor3A_997, %shift_left3A_1000 : vector<8x1024xi32>
    %shift_right_logical3A_1002 = arith.constant 6 : i32
    %shift_right_logical3A_1003 = vector.broadcast %shift_right_logical3A_1002 : i32 to vector<8x1024xi32>
    %shift_right_logical3A_1004 = arith.shrui %xor3A_997, %shift_right_logical3A_1003 : vector<8x1024xi32>
    %or3A_1005 = arith.ori %shift_left3A_1001, %shift_right_logical3A_1004 : vector<8x1024xi32>
    %xor3A_1006 = arith.xori %or3A_1005, %add3A_998 : vector<8x1024xi32>
    %add3A_1007 = arith.addi %add3A_998, %xor3A_1006 : vector<8x1024xi32>
    %shift_left3A_1008 = arith.constant 6 : i32
    %shift_left3A_1009 = vector.broadcast %shift_left3A_1008 : i32 to vector<8x1024xi32>
    %shift_left3A_1010 = arith.shli %xor3A_1006, %shift_left3A_1009 : vector<8x1024xi32>
    %shift_right_logical3A_1011 = arith.constant 26 : i32
    %shift_right_logical3A_1012 = vector.broadcast %shift_right_logical3A_1011 : i32 to vector<8x1024xi32>
    %shift_right_logical3A_1013 = arith.shrui %xor3A_1006, %shift_right_logical3A_1012 : vector<8x1024xi32>
    %or3A_1014 = arith.ori %shift_left3A_1010, %shift_right_logical3A_1013 : vector<8x1024xi32>
    %xor3A_1015 = arith.xori %or3A_1014, %add3A_1007 : vector<8x1024xi32>
    %add3A_1016 = arith.constant 466689008 : i32
    %add3A_1017 = vector.broadcast %add3A_1016 : i32 to vector<8x1024xi32>
    %add3A_1018 = arith.addi %add3A_1007, %add3A_1017 : vector<8x1024xi32>
    %add3A_1019 = arith.constant 0 : i32
    %add3A_1020 = vector.broadcast %add3A_1019 : i32 to vector<8x1024xi32>
    %add3A_1021 = arith.addi %xor3A_1015, %add3A_1020 : vector<8x1024xi32>
    %add3A_1022 = arith.constant 5 : i32
    %add3A_1023 = vector.broadcast %add3A_1022 : i32 to vector<8x1024xi32>
    %add3A_1024 = arith.addi %add3A_1021, %add3A_1023 : vector<8x1024xi32>
    %xor3A_1025 = arith.xori %add3A_1018, %add3A_1024 : vector<8x1024xi32>
    %shift_right_logical3A_1026 = arith.constant 31 : i32
    %shift_right_logical3A_1027 = vector.broadcast %shift_right_logical3A_1026 : i32 to vector<8x1024xi32>
    %shift_right_logical3A_1028 = arith.shrui %xor3A_1025, %shift_right_logical3A_1027 : vector<8x1024xi32>
    %eq3A_1029 = arith.constant 1 : i32
    %eq3A_1030 = vector.broadcast %eq3A_1029 : i32 to vector<8x1024xi32>
    %eq3A_1031 = arith.cmpi eq, %shift_right_logical3A_1028, %eq3A_1030 : vector<8x1024xi32>
    %get3A_1032 = arith.constant 24576 : index
    %get3A_1033 = vector.load %arg1[%get3A_1032] : memref<131072xf32, #tpu.memory_space<vmem>>, vector<8192xf32>
    %reshape3A_1034 = vector.shape_cast %get3A_1033 : vector<8192xf32> to vector<8x1024xf32>
    %mul3A_1035 = arith.constant 2.000000e+00 : f32
    %mul3A_1036 = vector.broadcast %mul3A_1035 : f32 to vector<8x1024xf32>
    %mul3A_1037 = arith.mulf %reshape3A_1034, %mul3A_1036 : vector<8x1024xf32>
    %jit3A_1038 = arith.constant 0.000000e+00 : f32
    %broadcast_in_dim3A_1039 = vector.broadcast %jit3A_1038 : f32 to vector<8x1024xf32>
    %select_n3A_1040 = arith.select %eq3A_1031, %mul3A_1037, %broadcast_in_dim3A_1039 : vector<8x1024xi1>, vector<8x1024xf32>
    %reshape3A_1041 = vector.shape_cast %select_n3A_1040 : vector<8x1024xf32> to vector<8192xf32>
    %swap3A_1042 = arith.constant 24576 : index
    %swap3A_1043 = vector.load %arg2[%swap3A_1042] : memref<131072xf32, #tpu.memory_space<vmem>>, vector<8192xf32>
    tpu.vector_store %arg2[%swap3A_1042], %reshape3A_1041 {strides = array<i32>} : memref<131072xf32, #tpu.memory_space<vmem>>, vector<8192xf32>,
    %mul3A_1044 = arith.constant 131072 : i32
    %mul3A_1045 = arith.muli %add3A_0, %mul3A_1044 : i32
    %add3A_1046 = arith.constant 32768 : i32
    %add3A_1047 = arith.addi %mul3A_1045, %add3A_1046 : i32
    %iota3A_1048 = tpu.iota {dimensions = array<i32: 0>} : vector<8x1024xi32>
    %mul3A_1049 = arith.constant 1024 : i32
    %mul3A_1050 = vector.broadcast %mul3A_1049 : i32 to vector<8x1024xi32>
    %mul3A_1051 = arith.muli %iota3A_1048, %mul3A_1050 : vector<8x1024xi32>
    %add3A_1052 = vector.broadcast %add3A_1047 : i32 to vector<8x1024xi32>
    %add3A_1053 = arith.addi %add3A_1052, %mul3A_1051 : vector<8x1024xi32>
    %iota3A_1054 = tpu.iota {dimensions = array<i32: 1>} : vector<8x1024xi32>
    %add3A_1055 = arith.addi %add3A_1053, %iota3A_1054 : vector<8x1024xi32>
    %broadcast_in_dim3A_1056 = arith.constant 0 : i32
    %broadcast_in_dim3A_1057 = vector.broadcast %broadcast_in_dim3A_1056 : i32 to vector<8x1024xi32>
    %add3A_1058 = arith.constant 0 : i32
    %add3A_1059 = vector.broadcast %add3A_1058 : i32 to vector<8x1024xi32>
    %add3A_1060 = arith.addi %broadcast_in_dim3A_1057, %add3A_1059 : vector<8x1024xi32>
    %add3A_1061 = arith.constant 42 : i32
    %add3A_1062 = vector.broadcast %add3A_1061 : i32 to vector<8x1024xi32>
    %add3A_1063 = arith.addi %add3A_1055, %add3A_1062 : vector<8x1024xi32>
    %add3A_1064 = arith.addi %add3A_1060, %add3A_1063 : vector<8x1024xi32>
    %shift_left3A_1065 = arith.constant 13 : i32
    %shift_left3A_1066 = vector.broadcast %shift_left3A_1065 : i32 to vector<8x1024xi32>
    %shift_left3A_1067 = arith.shli %add3A_1063, %shift_left3A_1066 : vector<8x1024xi32>
    %shift_right_logical3A_1068 = arith.constant 19 : i32
    %shift_right_logical3A_1069 = vector.broadcast %shift_right_logical3A_1068 : i32 to vector<8x1024xi32>
    %shift_right_logical3A_1070 = arith.shrui %add3A_1063, %shift_right_logical3A_1069 : vector<8x1024xi32>
    %or3A_1071 = arith.ori %shift_left3A_1067, %shift_right_logical3A_1070 : vector<8x1024xi32>
    %xor3A_1072 = arith.xori %or3A_1071, %add3A_1064 : vector<8x1024xi32>
    %add3A_1073 = arith.addi %add3A_1064, %xor3A_1072 : vector<8x1024xi32>
    %shift_left3A_1074 = arith.constant 15 : i32
    %shift_left3A_1075 = vector.broadcast %shift_left3A_1074 : i32 to vector<8x1024xi32>
    %shift_left3A_1076 = arith.shli %xor3A_1072, %shift_left3A_1075 : vector<8x1024xi32>
    %shift_right_logical3A_1077 = arith.constant 17 : i32
    %shift_right_logical3A_1078 = vector.broadcast %shift_right_logical3A_1077 : i32 to vector<8x1024xi32>
    %shift_right_logical3A_1079 = arith.shrui %xor3A_1072, %shift_right_logical3A_1078 : vector<8x1024xi32>
    %or3A_1080 = arith.ori %shift_left3A_1076, %shift_right_logical3A_1079 : vector<8x1024xi32>
    %xor3A_1081 = arith.xori %or3A_1080, %add3A_1073 : vector<8x1024xi32>
    %add3A_1082 = arith.addi %add3A_1073, %xor3A_1081 : vector<8x1024xi32>
    %shift_left3A_1083 = arith.constant 26 : i32
    %shift_left3A_1084 = vector.broadcast %shift_left3A_1083 : i32 to vector<8x1024xi32>
    %shift_left3A_1085 = arith.shli %xor3A_1081, %shift_left3A_1084 : vector<8x1024xi32>
    %shift_right_logical3A_1086 = arith.constant 6 : i32
    %shift_right_logical3A_1087 = vector.broadcast %shift_right_logical3A_1086 : i32 to vector<8x1024xi32>
    %shift_right_logical3A_1088 = arith.shrui %xor3A_1081, %shift_right_logical3A_1087 : vector<8x1024xi32>
    %or3A_1089 = arith.ori %shift_left3A_1085, %shift_right_logical3A_1088 : vector<8x1024xi32>
    %xor3A_1090 = arith.xori %or3A_1089, %add3A_1082 : vector<8x1024xi32>
    %add3A_1091 = arith.addi %add3A_1082, %xor3A_1090 : vector<8x1024xi32>
    %shift_left3A_1092 = arith.constant 6 : i32
    %shift_left3A_1093 = vector.broadcast %shift_left3A_1092 : i32 to vector<8x1024xi32>
    %shift_left3A_1094 = arith.shli %xor3A_1090, %shift_left3A_1093 : vector<8x1024xi32>
    %shift_right_logical3A_1095 = arith.constant 26 : i32
    %shift_right_logical3A_1096 = vector.broadcast %shift_right_logical3A_1095 : i32 to vector<8x1024xi32>
    %shift_right_logical3A_1097 = arith.shrui %xor3A_1090, %shift_right_logical3A_1096 : vector<8x1024xi32>
    %or3A_1098 = arith.ori %shift_left3A_1094, %shift_right_logical3A_1097 : vector<8x1024xi32>
    %xor3A_1099 = arith.xori %or3A_1098, %add3A_1091 : vector<8x1024xi32>
    %add3A_1100 = arith.constant 42 : i32
    %add3A_1101 = vector.broadcast %add3A_1100 : i32 to vector<8x1024xi32>
    %add3A_1102 = arith.addi %add3A_1091, %add3A_1101 : vector<8x1024xi32>
    %add3A_1103 = arith.constant 466689008 : i32
    %add3A_1104 = vector.broadcast %add3A_1103 : i32 to vector<8x1024xi32>
    %add3A_1105 = arith.addi %xor3A_1099, %add3A_1104 : vector<8x1024xi32>
    %add3A_1106 = arith.constant 1 : i32
    %add3A_1107 = vector.broadcast %add3A_1106 : i32 to vector<8x1024xi32>
    %add3A_1108 = arith.addi %add3A_1105, %add3A_1107 : vector<8x1024xi32>
    %add3A_1109 = arith.addi %add3A_1102, %add3A_1108 : vector<8x1024xi32>
    %shift_left3A_1110 = arith.constant 17 : i32
    %shift_left3A_1111 = vector.broadcast %shift_left3A_1110 : i32 to vector<8x1024xi32>
    %shift_left3A_1112 = arith.shli %add3A_1108, %shift_left3A_1111 : vector<8x1024xi32>
    %shift_right_logical3A_1113 = arith.constant 15 : i32
    %shift_right_logical3A_1114 = vector.broadcast %shift_right_logical3A_1113 : i32 to vector<8x1024xi32>
    %shift_right_logical3A_1115 = arith.shrui %add3A_1108, %shift_right_logical3A_1114 : vector<8x1024xi32>
    %or3A_1116 = arith.ori %shift_left3A_1112, %shift_right_logical3A_1115 : vector<8x1024xi32>
    %xor3A_1117 = arith.xori %or3A_1116, %add3A_1109 : vector<8x1024xi32>
    %add3A_1118 = arith.addi %add3A_1109, %xor3A_1117 : vector<8x1024xi32>
    %shift_left3A_1119 = arith.constant 29 : i32
    %shift_left3A_1120 = vector.broadcast %shift_left3A_1119 : i32 to vector<8x1024xi32>
    %shift_left3A_1121 = arith.shli %xor3A_1117, %shift_left3A_1120 : vector<8x1024xi32>
    %shift_right_logical3A_1122 = arith.constant 3 : i32
    %shift_right_logical3A_1123 = vector.broadcast %shift_right_logical3A_1122 : i32 to vector<8x1024xi32>
    %shift_right_logical3A_1124 = arith.shrui %xor3A_1117, %shift_right_logical3A_1123 : vector<8x1024xi32>
    %or3A_1125 = arith.ori %shift_left3A_1121, %shift_right_logical3A_1124 : vector<8x1024xi32>
    %xor3A_1126 = arith.xori %or3A_1125, %add3A_1118 : vector<8x1024xi32>
    %add3A_1127 = arith.addi %add3A_1118, %xor3A_1126 : vector<8x1024xi32>
    %shift_left3A_1128 = arith.constant 16 : i32
    %shift_left3A_1129 = vector.broadcast %shift_left3A_1128 : i32 to vector<8x1024xi32>
    %shift_left3A_1130 = arith.shli %xor3A_1126, %shift_left3A_1129 : vector<8x1024xi32>
    %shift_right_logical3A_1131 = arith.constant 16 : i32
    %shift_right_logical3A_1132 = vector.broadcast %shift_right_logical3A_1131 : i32 to vector<8x1024xi32>
    %shift_right_logical3A_1133 = arith.shrui %xor3A_1126, %shift_right_logical3A_1132 : vector<8x1024xi32>
    %or3A_1134 = arith.ori %shift_left3A_1130, %shift_right_logical3A_1133 : vector<8x1024xi32>
    %xor3A_1135 = arith.xori %or3A_1134, %add3A_1127 : vector<8x1024xi32>
    %add3A_1136 = arith.addi %add3A_1127, %xor3A_1135 : vector<8x1024xi32>
    %shift_left3A_1137 = arith.constant 24 : i32
    %shift_left3A_1138 = vector.broadcast %shift_left3A_1137 : i32 to vector<8x1024xi32>
    %shift_left3A_1139 = arith.shli %xor3A_1135, %shift_left3A_1138 : vector<8x1024xi32>
    %shift_right_logical3A_1140 = arith.constant 8 : i32
    %shift_right_logical3A_1141 = vector.broadcast %shift_right_logical3A_1140 : i32 to vector<8x1024xi32>
    %shift_right_logical3A_1142 = arith.shrui %xor3A_1135, %shift_right_logical3A_1141 : vector<8x1024xi32>
    %or3A_1143 = arith.ori %shift_left3A_1139, %shift_right_logical3A_1142 : vector<8x1024xi32>
    %xor3A_1144 = arith.xori %or3A_1143, %add3A_1136 : vector<8x1024xi32>
    %add3A_1145 = arith.constant 466689008 : i32
    %add3A_1146 = vector.broadcast %add3A_1145 : i32 to vector<8x1024xi32>
    %add3A_1147 = arith.addi %add3A_1136, %add3A_1146 : vector<8x1024xi32>
    %add3A_1148 = arith.constant 0 : i32
    %add3A_1149 = vector.broadcast %add3A_1148 : i32 to vector<8x1024xi32>
    %add3A_1150 = arith.addi %xor3A_1144, %add3A_1149 : vector<8x1024xi32>
    %add3A_1151 = arith.constant 2 : i32
    %add3A_1152 = vector.broadcast %add3A_1151 : i32 to vector<8x1024xi32>
    %add3A_1153 = arith.addi %add3A_1150, %add3A_1152 : vector<8x1024xi32>
    %add3A_1154 = arith.addi %add3A_1147, %add3A_1153 : vector<8x1024xi32>
    %shift_left3A_1155 = arith.constant 13 : i32
    %shift_left3A_1156 = vector.broadcast %shift_left3A_1155 : i32 to vector<8x1024xi32>
    %shift_left3A_1157 = arith.shli %add3A_1153, %shift_left3A_1156 : vector<8x1024xi32>
    %shift_right_logical3A_1158 = arith.constant 19 : i32
    %shift_right_logical3A_1159 = vector.broadcast %shift_right_logical3A_1158 : i32 to vector<8x1024xi32>
    %shift_right_logical3A_1160 = arith.shrui %add3A_1153, %shift_right_logical3A_1159 : vector<8x1024xi32>
    %or3A_1161 = arith.ori %shift_left3A_1157, %shift_right_logical3A_1160 : vector<8x1024xi32>
    %xor3A_1162 = arith.xori %or3A_1161, %add3A_1154 : vector<8x1024xi32>
    %add3A_1163 = arith.addi %add3A_1154, %xor3A_1162 : vector<8x1024xi32>
    %shift_left3A_1164 = arith.constant 15 : i32
    %shift_left3A_1165 = vector.broadcast %shift_left3A_1164 : i32 to vector<8x1024xi32>
    %shift_left3A_1166 = arith.shli %xor3A_1162, %shift_left3A_1165 : vector<8x1024xi32>
    %shift_right_logical3A_1167 = arith.constant 17 : i32
    %shift_right_logical3A_1168 = vector.broadcast %shift_right_logical3A_1167 : i32 to vector<8x1024xi32>
    %shift_right_logical3A_1169 = arith.shrui %xor3A_1162, %shift_right_logical3A_1168 : vector<8x1024xi32>
    %or3A_1170 = arith.ori %shift_left3A_1166, %shift_right_logical3A_1169 : vector<8x1024xi32>
    %xor3A_1171 = arith.xori %or3A_1170, %add3A_1163 : vector<8x1024xi32>
    %add3A_1172 = arith.addi %add3A_1163, %xor3A_1171 : vector<8x1024xi32>
    %shift_left3A_1173 = arith.constant 26 : i32
    %shift_left3A_1174 = vector.broadcast %shift_left3A_1173 : i32 to vector<8x1024xi32>
    %shift_left3A_1175 = arith.shli %xor3A_1171, %shift_left3A_1174 : vector<8x1024xi32>
    %shift_right_logical3A_1176 = arith.constant 6 : i32
    %shift_right_logical3A_1177 = vector.broadcast %shift_right_logical3A_1176 : i32 to vector<8x1024xi32>
    %shift_right_logical3A_1178 = arith.shrui %xor3A_1171, %shift_right_logical3A_1177 : vector<8x1024xi32>
    %or3A_1179 = arith.ori %shift_left3A_1175, %shift_right_logical3A_1178 : vector<8x1024xi32>
    %xor3A_1180 = arith.xori %or3A_1179, %add3A_1172 : vector<8x1024xi32>
    %add3A_1181 = arith.addi %add3A_1172, %xor3A_1180 : vector<8x1024xi32>
    %shift_left3A_1182 = arith.constant 6 : i32
    %shift_left3A_1183 = vector.broadcast %shift_left3A_1182 : i32 to vector<8x1024xi32>
    %shift_left3A_1184 = arith.shli %xor3A_1180, %shift_left3A_1183 : vector<8x1024xi32>
    %shift_right_logical3A_1185 = arith.constant 26 : i32
    %shift_right_logical3A_1186 = vector.broadcast %shift_right_logical3A_1185 : i32 to vector<8x1024xi32>
    %shift_right_logical3A_1187 = arith.shrui %xor3A_1180, %shift_right_logical3A_1186 : vector<8x1024xi32>
    %or3A_1188 = arith.ori %shift_left3A_1184, %shift_right_logical3A_1187 : vector<8x1024xi32>
    %xor3A_1189 = arith.xori %or3A_1188, %add3A_1181 : vector<8x1024xi32>
    %add3A_1190 = arith.constant 0 : i32
    %add3A_1191 = vector.broadcast %add3A_1190 : i32 to vector<8x1024xi32>
    %add3A_1192 = arith.addi %add3A_1181, %add3A_1191 : vector<8x1024xi32>
    %add3A_1193 = arith.constant 42 : i32
    %add3A_1194 = vector.broadcast %add3A_1193 : i32 to vector<8x1024xi32>
    %add3A_1195 = arith.addi %xor3A_1189, %add3A_1194 : vector<8x1024xi32>
    %add3A_1196 = arith.constant 3 : i32
    %add3A_1197 = vector.broadcast %add3A_1196 : i32 to vector<8x1024xi32>
    %add3A_1198 = arith.addi %add3A_1195, %add3A_1197 : vector<8x1024xi32>
    %add3A_1199 = arith.addi %add3A_1192, %add3A_1198 : vector<8x1024xi32>
    %shift_left3A_1200 = arith.constant 17 : i32
    %shift_left3A_1201 = vector.broadcast %shift_left3A_1200 : i32 to vector<8x1024xi32>
    %shift_left3A_1202 = arith.shli %add3A_1198, %shift_left3A_1201 : vector<8x1024xi32>
    %shift_right_logical3A_1203 = arith.constant 15 : i32
    %shift_right_logical3A_1204 = vector.broadcast %shift_right_logical3A_1203 : i32 to vector<8x1024xi32>
    %shift_right_logical3A_1205 = arith.shrui %add3A_1198, %shift_right_logical3A_1204 : vector<8x1024xi32>
    %or3A_1206 = arith.ori %shift_left3A_1202, %shift_right_logical3A_1205 : vector<8x1024xi32>
    %xor3A_1207 = arith.xori %or3A_1206, %add3A_1199 : vector<8x1024xi32>
    %add3A_1208 = arith.addi %add3A_1199, %xor3A_1207 : vector<8x1024xi32>
    %shift_left3A_1209 = arith.constant 29 : i32
    %shift_left3A_1210 = vector.broadcast %shift_left3A_1209 : i32 to vector<8x1024xi32>
    %shift_left3A_1211 = arith.shli %xor3A_1207, %shift_left3A_1210 : vector<8x1024xi32>
    %shift_right_logical3A_1212 = arith.constant 3 : i32
    %shift_right_logical3A_1213 = vector.broadcast %shift_right_logical3A_1212 : i32 to vector<8x1024xi32>
    %shift_right_logical3A_1214 = arith.shrui %xor3A_1207, %shift_right_logical3A_1213 : vector<8x1024xi32>
    %or3A_1215 = arith.ori %shift_left3A_1211, %shift_right_logical3A_1214 : vector<8x1024xi32>
    %xor3A_1216 = arith.xori %or3A_1215, %add3A_1208 : vector<8x1024xi32>
    %add3A_1217 = arith.addi %add3A_1208, %xor3A_1216 : vector<8x1024xi32>
    %shift_left3A_1218 = arith.constant 16 : i32
    %shift_left3A_1219 = vector.broadcast %shift_left3A_1218 : i32 to vector<8x1024xi32>
    %shift_left3A_1220 = arith.shli %xor3A_1216, %shift_left3A_1219 : vector<8x1024xi32>
    %shift_right_logical3A_1221 = arith.constant 16 : i32
    %shift_right_logical3A_1222 = vector.broadcast %shift_right_logical3A_1221 : i32 to vector<8x1024xi32>
    %shift_right_logical3A_1223 = arith.shrui %xor3A_1216, %shift_right_logical3A_1222 : vector<8x1024xi32>
    %or3A_1224 = arith.ori %shift_left3A_1220, %shift_right_logical3A_1223 : vector<8x1024xi32>
    %xor3A_1225 = arith.xori %or3A_1224, %add3A_1217 : vector<8x1024xi32>
    %add3A_1226 = arith.addi %add3A_1217, %xor3A_1225 : vector<8x1024xi32>
    %shift_left3A_1227 = arith.constant 24 : i32
    %shift_left3A_1228 = vector.broadcast %shift_left3A_1227 : i32 to vector<8x1024xi32>
    %shift_left3A_1229 = arith.shli %xor3A_1225, %shift_left3A_1228 : vector<8x1024xi32>
    %shift_right_logical3A_1230 = arith.constant 8 : i32
    %shift_right_logical3A_1231 = vector.broadcast %shift_right_logical3A_1230 : i32 to vector<8x1024xi32>
    %shift_right_logical3A_1232 = arith.shrui %xor3A_1225, %shift_right_logical3A_1231 : vector<8x1024xi32>
    %or3A_1233 = arith.ori %shift_left3A_1229, %shift_right_logical3A_1232 : vector<8x1024xi32>
    %xor3A_1234 = arith.xori %or3A_1233, %add3A_1226 : vector<8x1024xi32>
    %add3A_1235 = arith.constant 42 : i32
    %add3A_1236 = vector.broadcast %add3A_1235 : i32 to vector<8x1024xi32>
    %add3A_1237 = arith.addi %add3A_1226, %add3A_1236 : vector<8x1024xi32>
    %add3A_1238 = arith.constant 466689008 : i32
    %add3A_1239 = vector.broadcast %add3A_1238 : i32 to vector<8x1024xi32>
    %add3A_1240 = arith.addi %xor3A_1234, %add3A_1239 : vector<8x1024xi32>
    %add3A_1241 = arith.constant 4 : i32
    %add3A_1242 = vector.broadcast %add3A_1241 : i32 to vector<8x1024xi32>
    %add3A_1243 = arith.addi %add3A_1240, %add3A_1242 : vector<8x1024xi32>
    %add3A_1244 = arith.addi %add3A_1237, %add3A_1243 : vector<8x1024xi32>
    %shift_left3A_1245 = arith.constant 13 : i32
    %shift_left3A_1246 = vector.broadcast %shift_left3A_1245 : i32 to vector<8x1024xi32>
    %shift_left3A_1247 = arith.shli %add3A_1243, %shift_left3A_1246 : vector<8x1024xi32>
    %shift_right_logical3A_1248 = arith.constant 19 : i32
    %shift_right_logical3A_1249 = vector.broadcast %shift_right_logical3A_1248 : i32 to vector<8x1024xi32>
    %shift_right_logical3A_1250 = arith.shrui %add3A_1243, %shift_right_logical3A_1249 : vector<8x1024xi32>
    %or3A_1251 = arith.ori %shift_left3A_1247, %shift_right_logical3A_1250 : vector<8x1024xi32>
    %xor3A_1252 = arith.xori %or3A_1251, %add3A_1244 : vector<8x1024xi32>
    %add3A_1253 = arith.addi %add3A_1244, %xor3A_1252 : vector<8x1024xi32>
    %shift_left3A_1254 = arith.constant 15 : i32
    %shift_left3A_1255 = vector.broadcast %shift_left3A_1254 : i32 to vector<8x1024xi32>
    %shift_left3A_1256 = arith.shli %xor3A_1252, %shift_left3A_1255 : vector<8x1024xi32>
    %shift_right_logical3A_1257 = arith.constant 17 : i32
    %shift_right_logical3A_1258 = vector.broadcast %shift_right_logical3A_1257 : i32 to vector<8x1024xi32>
    %shift_right_logical3A_1259 = arith.shrui %xor3A_1252, %shift_right_logical3A_1258 : vector<8x1024xi32>
    %or3A_1260 = arith.ori %shift_left3A_1256, %shift_right_logical3A_1259 : vector<8x1024xi32>
    %xor3A_1261 = arith.xori %or3A_1260, %add3A_1253 : vector<8x1024xi32>
    %add3A_1262 = arith.addi %add3A_1253, %xor3A_1261 : vector<8x1024xi32>
    %shift_left3A_1263 = arith.constant 26 : i32
    %shift_left3A_1264 = vector.broadcast %shift_left3A_1263 : i32 to vector<8x1024xi32>
    %shift_left3A_1265 = arith.shli %xor3A_1261, %shift_left3A_1264 : vector<8x1024xi32>
    %shift_right_logical3A_1266 = arith.constant 6 : i32
    %shift_right_logical3A_1267 = vector.broadcast %shift_right_logical3A_1266 : i32 to vector<8x1024xi32>
    %shift_right_logical3A_1268 = arith.shrui %xor3A_1261, %shift_right_logical3A_1267 : vector<8x1024xi32>
    %or3A_1269 = arith.ori %shift_left3A_1265, %shift_right_logical3A_1268 : vector<8x1024xi32>
    %xor3A_1270 = arith.xori %or3A_1269, %add3A_1262 : vector<8x1024xi32>
    %add3A_1271 = arith.addi %add3A_1262, %xor3A_1270 : vector<8x1024xi32>
    %shift_left3A_1272 = arith.constant 6 : i32
    %shift_left3A_1273 = vector.broadcast %shift_left3A_1272 : i32 to vector<8x1024xi32>
    %shift_left3A_1274 = arith.shli %xor3A_1270, %shift_left3A_1273 : vector<8x1024xi32>
    %shift_right_logical3A_1275 = arith.constant 26 : i32
    %shift_right_logical3A_1276 = vector.broadcast %shift_right_logical3A_1275 : i32 to vector<8x1024xi32>
    %shift_right_logical3A_1277 = arith.shrui %xor3A_1270, %shift_right_logical3A_1276 : vector<8x1024xi32>
    %or3A_1278 = arith.ori %shift_left3A_1274, %shift_right_logical3A_1277 : vector<8x1024xi32>
    %xor3A_1279 = arith.xori %or3A_1278, %add3A_1271 : vector<8x1024xi32>
    %add3A_1280 = arith.constant 466689008 : i32
    %add3A_1281 = vector.broadcast %add3A_1280 : i32 to vector<8x1024xi32>
    %add3A_1282 = arith.addi %add3A_1271, %add3A_1281 : vector<8x1024xi32>
    %add3A_1283 = arith.constant 0 : i32
    %add3A_1284 = vector.broadcast %add3A_1283 : i32 to vector<8x1024xi32>
    %add3A_1285 = arith.addi %xor3A_1279, %add3A_1284 : vector<8x1024xi32>
    %add3A_1286 = arith.constant 5 : i32
    %add3A_1287 = vector.broadcast %add3A_1286 : i32 to vector<8x1024xi32>
    %add3A_1288 = arith.addi %add3A_1285, %add3A_1287 : vector<8x1024xi32>
    %xor3A_1289 = arith.xori %add3A_1282, %add3A_1288 : vector<8x1024xi32>
    %shift_right_logical3A_1290 = arith.constant 31 : i32
    %shift_right_logical3A_1291 = vector.broadcast %shift_right_logical3A_1290 : i32 to vector<8x1024xi32>
    %shift_right_logical3A_1292 = arith.shrui %xor3A_1289, %shift_right_logical3A_1291 : vector<8x1024xi32>
    %eq3A_1293 = arith.constant 1 : i32
    %eq3A_1294 = vector.broadcast %eq3A_1293 : i32 to vector<8x1024xi32>
    %eq3A_1295 = arith.cmpi eq, %shift_right_logical3A_1292, %eq3A_1294 : vector<8x1024xi32>
    %get3A_1296 = arith.constant 32768 : index
    %get3A_1297 = vector.load %arg1[%get3A_1296] : memref<131072xf32, #tpu.memory_space<vmem>>, vector<8192xf32>
    %reshape3A_1298 = vector.shape_cast %get3A_1297 : vector<8192xf32> to vector<8x1024xf32>
    %mul3A_1299 = arith.constant 2.000000e+00 : f32
    %mul3A_1300 = vector.broadcast %mul3A_1299 : f32 to vector<8x1024xf32>
    %mul3A_1301 = arith.mulf %reshape3A_1298, %mul3A_1300 : vector<8x1024xf32>
    %jit3A_1302 = arith.constant 0.000000e+00 : f32
    %broadcast_in_dim3A_1303 = vector.broadcast %jit3A_1302 : f32 to vector<8x1024xf32>
    %select_n3A_1304 = arith.select %eq3A_1295, %mul3A_1301, %broadcast_in_dim3A_1303 : vector<8x1024xi1>, vector<8x1024xf32>
    %reshape3A_1305 = vector.shape_cast %select_n3A_1304 : vector<8x1024xf32> to vector<8192xf32>
    %swap3A_1306 = arith.constant 32768 : index
    %swap3A_1307 = vector.load %arg2[%swap3A_1306] : memref<131072xf32, #tpu.memory_space<vmem>>, vector<8192xf32>
    tpu.vector_store %arg2[%swap3A_1306], %reshape3A_1305 {strides = array<i32>} : memref<131072xf32, #tpu.memory_space<vmem>>, vector<8192xf32>,
    %mul3A_1308 = arith.constant 131072 : i32
    %mul3A_1309 = arith.muli %add3A_0, %mul3A_1308 : i32
    %add3A_1310 = arith.constant 40960 : i32
    %add3A_1311 = arith.addi %mul3A_1309, %add3A_1310 : i32
    %iota3A_1312 = tpu.iota {dimensions = array<i32: 0>} : vector<8x1024xi32>
    %mul3A_1313 = arith.constant 1024 : i32
    %mul3A_1314 = vector.broadcast %mul3A_1313 : i32 to vector<8x1024xi32>
    %mul3A_1315 = arith.muli %iota3A_1312, %mul3A_1314 : vector<8x1024xi32>
    %add3A_1316 = vector.broadcast %add3A_1311 : i32 to vector<8x1024xi32>
    %add3A_1317 = arith.addi %add3A_1316, %mul3A_1315 : vector<8x1024xi32>
    %iota3A_1318 = tpu.iota {dimensions = array<i32: 1>} : vector<8x1024xi32>
    %add3A_1319 = arith.addi %add3A_1317, %iota3A_1318 : vector<8x1024xi32>
    %broadcast_in_dim3A_1320 = arith.constant 0 : i32
    %broadcast_in_dim3A_1321 = vector.broadcast %broadcast_in_dim3A_1320 : i32 to vector<8x1024xi32>
    %add3A_1322 = arith.constant 0 : i32
    %add3A_1323 = vector.broadcast %add3A_1322 : i32 to vector<8x1024xi32>
    %add3A_1324 = arith.addi %broadcast_in_dim3A_1321, %add3A_1323 : vector<8x1024xi32>
    %add3A_1325 = arith.constant 42 : i32
    %add3A_1326 = vector.broadcast %add3A_1325 : i32 to vector<8x1024xi32>
    %add3A_1327 = arith.addi %add3A_1319, %add3A_1326 : vector<8x1024xi32>
    %add3A_1328 = arith.addi %add3A_1324, %add3A_1327 : vector<8x1024xi32>
    %shift_left3A_1329 = arith.constant 13 : i32
    %shift_left3A_1330 = vector.broadcast %shift_left3A_1329 : i32 to vector<8x1024xi32>
    %shift_left3A_1331 = arith.shli %add3A_1327, %shift_left3A_1330 : vector<8x1024xi32>
    %shift_right_logical3A_1332 = arith.constant 19 : i32
    %shift_right_logical3A_1333 = vector.broadcast %shift_right_logical3A_1332 : i32 to vector<8x1024xi32>
    %shift_right_logical3A_1334 = arith.shrui %add3A_1327, %shift_right_logical3A_1333 : vector<8x1024xi32>
    %or3A_1335 = arith.ori %shift_left3A_1331, %shift_right_logical3A_1334 : vector<8x1024xi32>
    %xor3A_1336 = arith.xori %or3A_1335, %add3A_1328 : vector<8x1024xi32>
    %add3A_1337 = arith.addi %add3A_1328, %xor3A_1336 : vector<8x1024xi32>
    %shift_left3A_1338 = arith.constant 15 : i32
    %shift_left3A_1339 = vector.broadcast %shift_left3A_1338 : i32 to vector<8x1024xi32>
    %shift_left3A_1340 = arith.shli %xor3A_1336, %shift_left3A_1339 : vector<8x1024xi32>
    %shift_right_logical3A_1341 = arith.constant 17 : i32
    %shift_right_logical3A_1342 = vector.broadcast %shift_right_logical3A_1341 : i32 to vector<8x1024xi32>
    %shift_right_logical3A_1343 = arith.shrui %xor3A_1336, %shift_right_logical3A_1342 : vector<8x1024xi32>
    %or3A_1344 = arith.ori %shift_left3A_1340, %shift_right_logical3A_1343 : vector<8x1024xi32>
    %xor3A_1345 = arith.xori %or3A_1344, %add3A_1337 : vector<8x1024xi32>
    %add3A_1346 = arith.addi %add3A_1337, %xor3A_1345 : vector<8x1024xi32>
    %shift_left3A_1347 = arith.constant 26 : i32
    %shift_left3A_1348 = vector.broadcast %shift_left3A_1347 : i32 to vector<8x1024xi32>
    %shift_left3A_1349 = arith.shli %xor3A_1345, %shift_left3A_1348 : vector<8x1024xi32>
    %shift_right_logical3A_1350 = arith.constant 6 : i32
    %shift_right_logical3A_1351 = vector.broadcast %shift_right_logical3A_1350 : i32 to vector<8x1024xi32>
    %shift_right_logical3A_1352 = arith.shrui %xor3A_1345, %shift_right_logical3A_1351 : vector<8x1024xi32>
    %or3A_1353 = arith.ori %shift_left3A_1349, %shift_right_logical3A_1352 : vector<8x1024xi32>
    %xor3A_1354 = arith.xori %or3A_1353, %add3A_1346 : vector<8x1024xi32>
    %add3A_1355 = arith.addi %add3A_1346, %xor3A_1354 : vector<8x1024xi32>
    %shift_left3A_1356 = arith.constant 6 : i32
    %shift_left3A_1357 = vector.broadcast %shift_left3A_1356 : i32 to vector<8x1024xi32>
    %shift_left3A_1358 = arith.shli %xor3A_1354, %shift_left3A_1357 : vector<8x1024xi32>
    %shift_right_logical3A_1359 = arith.constant 26 : i32
    %shift_right_logical3A_1360 = vector.broadcast %shift_right_logical3A_1359 : i32 to vector<8x1024xi32>
    %shift_right_logical3A_1361 = arith.shrui %xor3A_1354, %shift_right_logical3A_1360 : vector<8x1024xi32>
    %or3A_1362 = arith.ori %shift_left3A_1358, %shift_right_logical3A_1361 : vector<8x1024xi32>
    %xor3A_1363 = arith.xori %or3A_1362, %add3A_1355 : vector<8x1024xi32>
    %add3A_1364 = arith.constant 42 : i32
    %add3A_1365 = vector.broadcast %add3A_1364 : i32 to vector<8x1024xi32>
    %add3A_1366 = arith.addi %add3A_1355, %add3A_1365 : vector<8x1024xi32>
    %add3A_1367 = arith.constant 466689008 : i32
    %add3A_1368 = vector.broadcast %add3A_1367 : i32 to vector<8x1024xi32>
    %add3A_1369 = arith.addi %xor3A_1363, %add3A_1368 : vector<8x1024xi32>
    %add3A_1370 = arith.constant 1 : i32
    %add3A_1371 = vector.broadcast %add3A_1370 : i32 to vector<8x1024xi32>
    %add3A_1372 = arith.addi %add3A_1369, %add3A_1371 : vector<8x1024xi32>
    %add3A_1373 = arith.addi %add3A_1366, %add3A_1372 : vector<8x1024xi32>
    %shift_left3A_1374 = arith.constant 17 : i32
    %shift_left3A_1375 = vector.broadcast %shift_left3A_1374 : i32 to vector<8x1024xi32>
    %shift_left3A_1376 = arith.shli %add3A_1372, %shift_left3A_1375 : vector<8x1024xi32>
    %shift_right_logical3A_1377 = arith.constant 15 : i32
    %shift_right_logical3A_1378 = vector.broadcast %shift_right_logical3A_1377 : i32 to vector<8x1024xi32>
    %shift_right_logical3A_1379 = arith.shrui %add3A_1372, %shift_right_logical3A_1378 : vector<8x1024xi32>
    %or3A_1380 = arith.ori %shift_left3A_1376, %shift_right_logical3A_1379 : vector<8x1024xi32>
    %xor3A_1381 = arith.xori %or3A_1380, %add3A_1373 : vector<8x1024xi32>
    %add3A_1382 = arith.addi %add3A_1373, %xor3A_1381 : vector<8x1024xi32>
    %shift_left3A_1383 = arith.constant 29 : i32
    %shift_left3A_1384 = vector.broadcast %shift_left3A_1383 : i32 to vector<8x1024xi32>
    %shift_left3A_1385 = arith.shli %xor3A_1381, %shift_left3A_1384 : vector<8x1024xi32>
    %shift_right_logical3A_1386 = arith.constant 3 : i32
    %shift_right_logical3A_1387 = vector.broadcast %shift_right_logical3A_1386 : i32 to vector<8x1024xi32>
    %shift_right_logical3A_1388 = arith.shrui %xor3A_1381, %shift_right_logical3A_1387 : vector<8x1024xi32>
    %or3A_1389 = arith.ori %shift_left3A_1385, %shift_right_logical3A_1388 : vector<8x1024xi32>
    %xor3A_1390 = arith.xori %or3A_1389, %add3A_1382 : vector<8x1024xi32>
    %add3A_1391 = arith.addi %add3A_1382, %xor3A_1390 : vector<8x1024xi32>
    %shift_left3A_1392 = arith.constant 16 : i32
    %shift_left3A_1393 = vector.broadcast %shift_left3A_1392 : i32 to vector<8x1024xi32>
    %shift_left3A_1394 = arith.shli %xor3A_1390, %shift_left3A_1393 : vector<8x1024xi32>
    %shift_right_logical3A_1395 = arith.constant 16 : i32
    %shift_right_logical3A_1396 = vector.broadcast %shift_right_logical3A_1395 : i32 to vector<8x1024xi32>
    %shift_right_logical3A_1397 = arith.shrui %xor3A_1390, %shift_right_logical3A_1396 : vector<8x1024xi32>
    %or3A_1398 = arith.ori %shift_left3A_1394, %shift_right_logical3A_1397 : vector<8x1024xi32>
    %xor3A_1399 = arith.xori %or3A_1398, %add3A_1391 : vector<8x1024xi32>
    %add3A_1400 = arith.addi %add3A_1391, %xor3A_1399 : vector<8x1024xi32>
    %shift_left3A_1401 = arith.constant 24 : i32
    %shift_left3A_1402 = vector.broadcast %shift_left3A_1401 : i32 to vector<8x1024xi32>
    %shift_left3A_1403 = arith.shli %xor3A_1399, %shift_left3A_1402 : vector<8x1024xi32>
    %shift_right_logical3A_1404 = arith.constant 8 : i32
    %shift_right_logical3A_1405 = vector.broadcast %shift_right_logical3A_1404 : i32 to vector<8x1024xi32>
    %shift_right_logical3A_1406 = arith.shrui %xor3A_1399, %shift_right_logical3A_1405 : vector<8x1024xi32>
    %or3A_1407 = arith.ori %shift_left3A_1403, %shift_right_logical3A_1406 : vector<8x1024xi32>
    %xor3A_1408 = arith.xori %or3A_1407, %add3A_1400 : vector<8x1024xi32>
    %add3A_1409 = arith.constant 466689008 : i32
    %add3A_1410 = vector.broadcast %add3A_1409 : i32 to vector<8x1024xi32>
    %add3A_1411 = arith.addi %add3A_1400, %add3A_1410 : vector<8x1024xi32>
    %add3A_1412 = arith.constant 0 : i32
    %add3A_1413 = vector.broadcast %add3A_1412 : i32 to vector<8x1024xi32>
    %add3A_1414 = arith.addi %xor3A_1408, %add3A_1413 : vector<8x1024xi32>
    %add3A_1415 = arith.constant 2 : i32
    %add3A_1416 = vector.broadcast %add3A_1415 : i32 to vector<8x1024xi32>
    %add3A_1417 = arith.addi %add3A_1414, %add3A_1416 : vector<8x1024xi32>
    %add3A_1418 = arith.addi %add3A_1411, %add3A_1417 : vector<8x1024xi32>
    %shift_left3A_1419 = arith.constant 13 : i32
    %shift_left3A_1420 = vector.broadcast %shift_left3A_1419 : i32 to vector<8x1024xi32>
    %shift_left3A_1421 = arith.shli %add3A_1417, %shift_left3A_1420 : vector<8x1024xi32>
    %shift_right_logical3A_1422 = arith.constant 19 : i32
    %shift_right_logical3A_1423 = vector.broadcast %shift_right_logical3A_1422 : i32 to vector<8x1024xi32>
    %shift_right_logical3A_1424 = arith.shrui %add3A_1417, %shift_right_logical3A_1423 : vector<8x1024xi32>
    %or3A_1425 = arith.ori %shift_left3A_1421, %shift_right_logical3A_1424 : vector<8x1024xi32>
    %xor3A_1426 = arith.xori %or3A_1425, %add3A_1418 : vector<8x1024xi32>
    %add3A_1427 = arith.addi %add3A_1418, %xor3A_1426 : vector<8x1024xi32>
    %shift_left3A_1428 = arith.constant 15 : i32
    %shift_left3A_1429 = vector.broadcast %shift_left3A_1428 : i32 to vector<8x1024xi32>
    %shift_left3A_1430 = arith.shli %xor3A_1426, %shift_left3A_1429 : vector<8x1024xi32>
    %shift_right_logical3A_1431 = arith.constant 17 : i32
    %shift_right_logical3A_1432 = vector.broadcast %shift_right_logical3A_1431 : i32 to vector<8x1024xi32>
    %shift_right_logical3A_1433 = arith.shrui %xor3A_1426, %shift_right_logical3A_1432 : vector<8x1024xi32>
    %or3A_1434 = arith.ori %shift_left3A_1430, %shift_right_logical3A_1433 : vector<8x1024xi32>
    %xor3A_1435 = arith.xori %or3A_1434, %add3A_1427 : vector<8x1024xi32>
    %add3A_1436 = arith.addi %add3A_1427, %xor3A_1435 : vector<8x1024xi32>
    %shift_left3A_1437 = arith.constant 26 : i32
    %shift_left3A_1438 = vector.broadcast %shift_left3A_1437 : i32 to vector<8x1024xi32>
    %shift_left3A_1439 = arith.shli %xor3A_1435, %shift_left3A_1438 : vector<8x1024xi32>
    %shift_right_logical3A_1440 = arith.constant 6 : i32
    %shift_right_logical3A_1441 = vector.broadcast %shift_right_logical3A_1440 : i32 to vector<8x1024xi32>
    %shift_right_logical3A_1442 = arith.shrui %xor3A_1435, %shift_right_logical3A_1441 : vector<8x1024xi32>
    %or3A_1443 = arith.ori %shift_left3A_1439, %shift_right_logical3A_1442 : vector<8x1024xi32>
    %xor3A_1444 = arith.xori %or3A_1443, %add3A_1436 : vector<8x1024xi32>
    %add3A_1445 = arith.addi %add3A_1436, %xor3A_1444 : vector<8x1024xi32>
    %shift_left3A_1446 = arith.constant 6 : i32
    %shift_left3A_1447 = vector.broadcast %shift_left3A_1446 : i32 to vector<8x1024xi32>
    %shift_left3A_1448 = arith.shli %xor3A_1444, %shift_left3A_1447 : vector<8x1024xi32>
    %shift_right_logical3A_1449 = arith.constant 26 : i32
    %shift_right_logical3A_1450 = vector.broadcast %shift_right_logical3A_1449 : i32 to vector<8x1024xi32>
    %shift_right_logical3A_1451 = arith.shrui %xor3A_1444, %shift_right_logical3A_1450 : vector<8x1024xi32>
    %or3A_1452 = arith.ori %shift_left3A_1448, %shift_right_logical3A_1451 : vector<8x1024xi32>
    %xor3A_1453 = arith.xori %or3A_1452, %add3A_1445 : vector<8x1024xi32>
    %add3A_1454 = arith.constant 0 : i32
    %add3A_1455 = vector.broadcast %add3A_1454 : i32 to vector<8x1024xi32>
    %add3A_1456 = arith.addi %add3A_1445, %add3A_1455 : vector<8x1024xi32>
    %add3A_1457 = arith.constant 42 : i32
    %add3A_1458 = vector.broadcast %add3A_1457 : i32 to vector<8x1024xi32>
    %add3A_1459 = arith.addi %xor3A_1453, %add3A_1458 : vector<8x1024xi32>
    %add3A_1460 = arith.constant 3 : i32
    %add3A_1461 = vector.broadcast %add3A_1460 : i32 to vector<8x1024xi32>
    %add3A_1462 = arith.addi %add3A_1459, %add3A_1461 : vector<8x1024xi32>
    %add3A_1463 = arith.addi %add3A_1456, %add3A_1462 : vector<8x1024xi32>
    %shift_left3A_1464 = arith.constant 17 : i32
    %shift_left3A_1465 = vector.broadcast %shift_left3A_1464 : i32 to vector<8x1024xi32>
    %shift_left3A_1466 = arith.shli %add3A_1462, %shift_left3A_1465 : vector<8x1024xi32>
    %shift_right_logical3A_1467 = arith.constant 15 : i32
    %shift_right_logical3A_1468 = vector.broadcast %shift_right_logical3A_1467 : i32 to vector<8x1024xi32>
    %shift_right_logical3A_1469 = arith.shrui %add3A_1462, %shift_right_logical3A_1468 : vector<8x1024xi32>
    %or3A_1470 = arith.ori %shift_left3A_1466, %shift_right_logical3A_1469 : vector<8x1024xi32>
    %xor3A_1471 = arith.xori %or3A_1470, %add3A_1463 : vector<8x1024xi32>
    %add3A_1472 = arith.addi %add3A_1463, %xor3A_1471 : vector<8x1024xi32>
    %shift_left3A_1473 = arith.constant 29 : i32
    %shift_left3A_1474 = vector.broadcast %shift_left3A_1473 : i32 to vector<8x1024xi32>
    %shift_left3A_1475 = arith.shli %xor3A_1471, %shift_left3A_1474 : vector<8x1024xi32>
    %shift_right_logical3A_1476 = arith.constant 3 : i32
    %shift_right_logical3A_1477 = vector.broadcast %shift_right_logical3A_1476 : i32 to vector<8x1024xi32>
    %shift_right_logical3A_1478 = arith.shrui %xor3A_1471, %shift_right_logical3A_1477 : vector<8x1024xi32>
    %or3A_1479 = arith.ori %shift_left3A_1475, %shift_right_logical3A_1478 : vector<8x1024xi32>
    %xor3A_1480 = arith.xori %or3A_1479, %add3A_1472 : vector<8x1024xi32>
    %add3A_1481 = arith.addi %add3A_1472, %xor3A_1480 : vector<8x1024xi32>
    %shift_left3A_1482 = arith.constant 16 : i32
    %shift_left3A_1483 = vector.broadcast %shift_left3A_1482 : i32 to vector<8x1024xi32>
    %shift_left3A_1484 = arith.shli %xor3A_1480, %shift_left3A_1483 : vector<8x1024xi32>
    %shift_right_logical3A_1485 = arith.constant 16 : i32
    %shift_right_logical3A_1486 = vector.broadcast %shift_right_logical3A_1485 : i32 to vector<8x1024xi32>
    %shift_right_logical3A_1487 = arith.shrui %xor3A_1480, %shift_right_logical3A_1486 : vector<8x1024xi32>
    %or3A_1488 = arith.ori %shift_left3A_1484, %shift_right_logical3A_1487 : vector<8x1024xi32>
    %xor3A_1489 = arith.xori %or3A_1488, %add3A_1481 : vector<8x1024xi32>
    %add3A_1490 = arith.addi %add3A_1481, %xor3A_1489 : vector<8x1024xi32>
    %shift_left3A_1491 = arith.constant 24 : i32
    %shift_left3A_1492 = vector.broadcast %shift_left3A_1491 : i32 to vector<8x1024xi32>
    %shift_left3A_1493 = arith.shli %xor3A_1489, %shift_left3A_1492 : vector<8x1024xi32>
    %shift_right_logical3A_1494 = arith.constant 8 : i32
    %shift_right_logical3A_1495 = vector.broadcast %shift_right_logical3A_1494 : i32 to vector<8x1024xi32>
    %shift_right_logical3A_1496 = arith.shrui %xor3A_1489, %shift_right_logical3A_1495 : vector<8x1024xi32>
    %or3A_1497 = arith.ori %shift_left3A_1493, %shift_right_logical3A_1496 : vector<8x1024xi32>
    %xor3A_1498 = arith.xori %or3A_1497, %add3A_1490 : vector<8x1024xi32>
    %add3A_1499 = arith.constant 42 : i32
    %add3A_1500 = vector.broadcast %add3A_1499 : i32 to vector<8x1024xi32>
    %add3A_1501 = arith.addi %add3A_1490, %add3A_1500 : vector<8x1024xi32>
    %add3A_1502 = arith.constant 466689008 : i32
    %add3A_1503 = vector.broadcast %add3A_1502 : i32 to vector<8x1024xi32>
    %add3A_1504 = arith.addi %xor3A_1498, %add3A_1503 : vector<8x1024xi32>
    %add3A_1505 = arith.constant 4 : i32
    %add3A_1506 = vector.broadcast %add3A_1505 : i32 to vector<8x1024xi32>
    %add3A_1507 = arith.addi %add3A_1504, %add3A_1506 : vector<8x1024xi32>
    %add3A_1508 = arith.addi %add3A_1501, %add3A_1507 : vector<8x1024xi32>
    %shift_left3A_1509 = arith.constant 13 : i32
    %shift_left3A_1510 = vector.broadcast %shift_left3A_1509 : i32 to vector<8x1024xi32>
    %shift_left3A_1511 = arith.shli %add3A_1507, %shift_left3A_1510 : vector<8x1024xi32>
    %shift_right_logical3A_1512 = arith.constant 19 : i32
    %shift_right_logical3A_1513 = vector.broadcast %shift_right_logical3A_1512 : i32 to vector<8x1024xi32>
    %shift_right_logical3A_1514 = arith.shrui %add3A_1507, %shift_right_logical3A_1513 : vector<8x1024xi32>
    %or3A_1515 = arith.ori %shift_left3A_1511, %shift_right_logical3A_1514 : vector<8x1024xi32>
    %xor3A_1516 = arith.xori %or3A_1515, %add3A_1508 : vector<8x1024xi32>
    %add3A_1517 = arith.addi %add3A_1508, %xor3A_1516 : vector<8x1024xi32>
    %shift_left3A_1518 = arith.constant 15 : i32
    %shift_left3A_1519 = vector.broadcast %shift_left3A_1518 : i32 to vector<8x1024xi32>
    %shift_left3A_1520 = arith.shli %xor3A_1516, %shift_left3A_1519 : vector<8x1024xi32>
    %shift_right_logical3A_1521 = arith.constant 17 : i32
    %shift_right_logical3A_1522 = vector.broadcast %shift_right_logical3A_1521 : i32 to vector<8x1024xi32>
    %shift_right_logical3A_1523 = arith.shrui %xor3A_1516, %shift_right_logical3A_1522 : vector<8x1024xi32>
    %or3A_1524 = arith.ori %shift_left3A_1520, %shift_right_logical3A_1523 : vector<8x1024xi32>
    %xor3A_1525 = arith.xori %or3A_1524, %add3A_1517 : vector<8x1024xi32>
    %add3A_1526 = arith.addi %add3A_1517, %xor3A_1525 : vector<8x1024xi32>
    %shift_left3A_1527 = arith.constant 26 : i32
    %shift_left3A_1528 = vector.broadcast %shift_left3A_1527 : i32 to vector<8x1024xi32>
    %shift_left3A_1529 = arith.shli %xor3A_1525, %shift_left3A_1528 : vector<8x1024xi32>
    %shift_right_logical3A_1530 = arith.constant 6 : i32
    %shift_right_logical3A_1531 = vector.broadcast %shift_right_logical3A_1530 : i32 to vector<8x1024xi32>
    %shift_right_logical3A_1532 = arith.shrui %xor3A_1525, %shift_right_logical3A_1531 : vector<8x1024xi32>
    %or3A_1533 = arith.ori %shift_left3A_1529, %shift_right_logical3A_1532 : vector<8x1024xi32>
    %xor3A_1534 = arith.xori %or3A_1533, %add3A_1526 : vector<8x1024xi32>
    %add3A_1535 = arith.addi %add3A_1526, %xor3A_1534 : vector<8x1024xi32>
    %shift_left3A_1536 = arith.constant 6 : i32
    %shift_left3A_1537 = vector.broadcast %shift_left3A_1536 : i32 to vector<8x1024xi32>
    %shift_left3A_1538 = arith.shli %xor3A_1534, %shift_left3A_1537 : vector<8x1024xi32>
    %shift_right_logical3A_1539 = arith.constant 26 : i32
    %shift_right_logical3A_1540 = vector.broadcast %shift_right_logical3A_1539 : i32 to vector<8x1024xi32>
    %shift_right_logical3A_1541 = arith.shrui %xor3A_1534, %shift_right_logical3A_1540 : vector<8x1024xi32>
    %or3A_1542 = arith.ori %shift_left3A_1538, %shift_right_logical3A_1541 : vector<8x1024xi32>
    %xor3A_1543 = arith.xori %or3A_1542, %add3A_1535 : vector<8x1024xi32>
    %add3A_1544 = arith.constant 466689008 : i32
    %add3A_1545 = vector.broadcast %add3A_1544 : i32 to vector<8x1024xi32>
    %add3A_1546 = arith.addi %add3A_1535, %add3A_1545 : vector<8x1024xi32>
    %add3A_1547 = arith.constant 0 : i32
    %add3A_1548 = vector.broadcast %add3A_1547 : i32 to vector<8x1024xi32>
    %add3A_1549 = arith.addi %xor3A_1543, %add3A_1548 : vector<8x1024xi32>
    %add3A_1550 = arith.constant 5 : i32
    %add3A_1551 = vector.broadcast %add3A_1550 : i32 to vector<8x1024xi32>
    %add3A_1552 = arith.addi %add3A_1549, %add3A_1551 : vector<8x1024xi32>
    %xor3A_1553 = arith.xori %add3A_1546, %add3A_1552 : vector<8x1024xi32>
    %shift_right_logical3A_1554 = arith.constant 31 : i32
    %shift_right_logical3A_1555 = vector.broadcast %shift_right_logical3A_1554 : i32 to vector<8x1024xi32>
    %shift_right_logical3A_1556 = arith.shrui %xor3A_1553, %shift_right_logical3A_1555 : vector<8x1024xi32>
    %eq3A_1557 = arith.constant 1 : i32
    %eq3A_1558 = vector.broadcast %eq3A_1557 : i32 to vector<8x1024xi32>
    %eq3A_1559 = arith.cmpi eq, %shift_right_logical3A_1556, %eq3A_1558 : vector<8x1024xi32>
    %get3A_1560 = arith.constant 40960 : index
    %get3A_1561 = vector.load %arg1[%get3A_1560] : memref<131072xf32, #tpu.memory_space<vmem>>, vector<8192xf32>
    %reshape3A_1562 = vector.shape_cast %get3A_1561 : vector<8192xf32> to vector<8x1024xf32>
    %mul3A_1563 = arith.constant 2.000000e+00 : f32
    %mul3A_1564 = vector.broadcast %mul3A_1563 : f32 to vector<8x1024xf32>
    %mul3A_1565 = arith.mulf %reshape3A_1562, %mul3A_1564 : vector<8x1024xf32>
    %jit3A_1566 = arith.constant 0.000000e+00 : f32
    %broadcast_in_dim3A_1567 = vector.broadcast %jit3A_1566 : f32 to vector<8x1024xf32>
    %select_n3A_1568 = arith.select %eq3A_1559, %mul3A_1565, %broadcast_in_dim3A_1567 : vector<8x1024xi1>, vector<8x1024xf32>
    %reshape3A_1569 = vector.shape_cast %select_n3A_1568 : vector<8x1024xf32> to vector<8192xf32>
    %swap3A_1570 = arith.constant 40960 : index
    %swap3A_1571 = vector.load %arg2[%swap3A_1570] : memref<131072xf32, #tpu.memory_space<vmem>>, vector<8192xf32>
    tpu.vector_store %arg2[%swap3A_1570], %reshape3A_1569 {strides = array<i32>} : memref<131072xf32, #tpu.memory_space<vmem>>, vector<8192xf32>,
    %mul3A_1572 = arith.constant 131072 : i32
    %mul3A_1573 = arith.muli %add3A_0, %mul3A_1572 : i32
    %add3A_1574 = arith.constant 49152 : i32
    %add3A_1575 = arith.addi %mul3A_1573, %add3A_1574 : i32
    %iota3A_1576 = tpu.iota {dimensions = array<i32: 0>} : vector<8x1024xi32>
    %mul3A_1577 = arith.constant 1024 : i32
    %mul3A_1578 = vector.broadcast %mul3A_1577 : i32 to vector<8x1024xi32>
    %mul3A_1579 = arith.muli %iota3A_1576, %mul3A_1578 : vector<8x1024xi32>
    %add3A_1580 = vector.broadcast %add3A_1575 : i32 to vector<8x1024xi32>
    %add3A_1581 = arith.addi %add3A_1580, %mul3A_1579 : vector<8x1024xi32>
    %iota3A_1582 = tpu.iota {dimensions = array<i32: 1>} : vector<8x1024xi32>
    %add3A_1583 = arith.addi %add3A_1581, %iota3A_1582 : vector<8x1024xi32>
    %broadcast_in_dim3A_1584 = arith.constant 0 : i32
    %broadcast_in_dim3A_1585 = vector.broadcast %broadcast_in_dim3A_1584 : i32 to vector<8x1024xi32>
    %add3A_1586 = arith.constant 0 : i32
    %add3A_1587 = vector.broadcast %add3A_1586 : i32 to vector<8x1024xi32>
    %add3A_1588 = arith.addi %broadcast_in_dim3A_1585, %add3A_1587 : vector<8x1024xi32>
    %add3A_1589 = arith.constant 42 : i32
    %add3A_1590 = vector.broadcast %add3A_1589 : i32 to vector<8x1024xi32>
    %add3A_1591 = arith.addi %add3A_1583, %add3A_1590 : vector<8x1024xi32>
    %add3A_1592 = arith.addi %add3A_1588, %add3A_1591 : vector<8x1024xi32>
    %shift_left3A_1593 = arith.constant 13 : i32
    %shift_left3A_1594 = vector.broadcast %shift_left3A_1593 : i32 to vector<8x1024xi32>
    %shift_left3A_1595 = arith.shli %add3A_1591, %shift_left3A_1594 : vector<8x1024xi32>
    %shift_right_logical3A_1596 = arith.constant 19 : i32
    %shift_right_logical3A_1597 = vector.broadcast %shift_right_logical3A_1596 : i32 to vector<8x1024xi32>
    %shift_right_logical3A_1598 = arith.shrui %add3A_1591, %shift_right_logical3A_1597 : vector<8x1024xi32>
    %or3A_1599 = arith.ori %shift_left3A_1595, %shift_right_logical3A_1598 : vector<8x1024xi32>
    %xor3A_1600 = arith.xori %or3A_1599, %add3A_1592 : vector<8x1024xi32>
    %add3A_1601 = arith.addi %add3A_1592, %xor3A_1600 : vector<8x1024xi32>
    %shift_left3A_1602 = arith.constant 15 : i32
    %shift_left3A_1603 = vector.broadcast %shift_left3A_1602 : i32 to vector<8x1024xi32>
    %shift_left3A_1604 = arith.shli %xor3A_1600, %shift_left3A_1603 : vector<8x1024xi32>
    %shift_right_logical3A_1605 = arith.constant 17 : i32
    %shift_right_logical3A_1606 = vector.broadcast %shift_right_logical3A_1605 : i32 to vector<8x1024xi32>
    %shift_right_logical3A_1607 = arith.shrui %xor3A_1600, %shift_right_logical3A_1606 : vector<8x1024xi32>
    %or3A_1608 = arith.ori %shift_left3A_1604, %shift_right_logical3A_1607 : vector<8x1024xi32>
    %xor3A_1609 = arith.xori %or3A_1608, %add3A_1601 : vector<8x1024xi32>
    %add3A_1610 = arith.addi %add3A_1601, %xor3A_1609 : vector<8x1024xi32>
    %shift_left3A_1611 = arith.constant 26 : i32
    %shift_left3A_1612 = vector.broadcast %shift_left3A_1611 : i32 to vector<8x1024xi32>
    %shift_left3A_1613 = arith.shli %xor3A_1609, %shift_left3A_1612 : vector<8x1024xi32>
    %shift_right_logical3A_1614 = arith.constant 6 : i32
    %shift_right_logical3A_1615 = vector.broadcast %shift_right_logical3A_1614 : i32 to vector<8x1024xi32>
    %shift_right_logical3A_1616 = arith.shrui %xor3A_1609, %shift_right_logical3A_1615 : vector<8x1024xi32>
    %or3A_1617 = arith.ori %shift_left3A_1613, %shift_right_logical3A_1616 : vector<8x1024xi32>
    %xor3A_1618 = arith.xori %or3A_1617, %add3A_1610 : vector<8x1024xi32>
    %add3A_1619 = arith.addi %add3A_1610, %xor3A_1618 : vector<8x1024xi32>
    %shift_left3A_1620 = arith.constant 6 : i32
    %shift_left3A_1621 = vector.broadcast %shift_left3A_1620 : i32 to vector<8x1024xi32>
    %shift_left3A_1622 = arith.shli %xor3A_1618, %shift_left3A_1621 : vector<8x1024xi32>
    %shift_right_logical3A_1623 = arith.constant 26 : i32
    %shift_right_logical3A_1624 = vector.broadcast %shift_right_logical3A_1623 : i32 to vector<8x1024xi32>
    %shift_right_logical3A_1625 = arith.shrui %xor3A_1618, %shift_right_logical3A_1624 : vector<8x1024xi32>
    %or3A_1626 = arith.ori %shift_left3A_1622, %shift_right_logical3A_1625 : vector<8x1024xi32>
    %xor3A_1627 = arith.xori %or3A_1626, %add3A_1619 : vector<8x1024xi32>
    %add3A_1628 = arith.constant 42 : i32
    %add3A_1629 = vector.broadcast %add3A_1628 : i32 to vector<8x1024xi32>
    %add3A_1630 = arith.addi %add3A_1619, %add3A_1629 : vector<8x1024xi32>
    %add3A_1631 = arith.constant 466689008 : i32
    %add3A_1632 = vector.broadcast %add3A_1631 : i32 to vector<8x1024xi32>
    %add3A_1633 = arith.addi %xor3A_1627, %add3A_1632 : vector<8x1024xi32>
    %add3A_1634 = arith.constant 1 : i32
    %add3A_1635 = vector.broadcast %add3A_1634 : i32 to vector<8x1024xi32>
    %add3A_1636 = arith.addi %add3A_1633, %add3A_1635 : vector<8x1024xi32>
    %add3A_1637 = arith.addi %add3A_1630, %add3A_1636 : vector<8x1024xi32>
    %shift_left3A_1638 = arith.constant 17 : i32
    %shift_left3A_1639 = vector.broadcast %shift_left3A_1638 : i32 to vector<8x1024xi32>
    %shift_left3A_1640 = arith.shli %add3A_1636, %shift_left3A_1639 : vector<8x1024xi32>
    %shift_right_logical3A_1641 = arith.constant 15 : i32
    %shift_right_logical3A_1642 = vector.broadcast %shift_right_logical3A_1641 : i32 to vector<8x1024xi32>
    %shift_right_logical3A_1643 = arith.shrui %add3A_1636, %shift_right_logical3A_1642 : vector<8x1024xi32>
    %or3A_1644 = arith.ori %shift_left3A_1640, %shift_right_logical3A_1643 : vector<8x1024xi32>
    %xor3A_1645 = arith.xori %or3A_1644, %add3A_1637 : vector<8x1024xi32>
    %add3A_1646 = arith.addi %add3A_1637, %xor3A_1645 : vector<8x1024xi32>
    %shift_left3A_1647 = arith.constant 29 : i32
    %shift_left3A_1648 = vector.broadcast %shift_left3A_1647 : i32 to vector<8x1024xi32>
    %shift_left3A_1649 = arith.shli %xor3A_1645, %shift_left3A_1648 : vector<8x1024xi32>
    %shift_right_logical3A_1650 = arith.constant 3 : i32
    %shift_right_logical3A_1651 = vector.broadcast %shift_right_logical3A_1650 : i32 to vector<8x1024xi32>
    %shift_right_logical3A_1652 = arith.shrui %xor3A_1645, %shift_right_logical3A_1651 : vector<8x1024xi32>
    %or3A_1653 = arith.ori %shift_left3A_1649, %shift_right_logical3A_1652 : vector<8x1024xi32>
    %xor3A_1654 = arith.xori %or3A_1653, %add3A_1646 : vector<8x1024xi32>
    %add3A_1655 = arith.addi %add3A_1646, %xor3A_1654 : vector<8x1024xi32>
    %shift_left3A_1656 = arith.constant 16 : i32
    %shift_left3A_1657 = vector.broadcast %shift_left3A_1656 : i32 to vector<8x1024xi32>
    %shift_left3A_1658 = arith.shli %xor3A_1654, %shift_left3A_1657 : vector<8x1024xi32>
    %shift_right_logical3A_1659 = arith.constant 16 : i32
    %shift_right_logical3A_1660 = vector.broadcast %shift_right_logical3A_1659 : i32 to vector<8x1024xi32>
    %shift_right_logical3A_1661 = arith.shrui %xor3A_1654, %shift_right_logical3A_1660 : vector<8x1024xi32>
    %or3A_1662 = arith.ori %shift_left3A_1658, %shift_right_logical3A_1661 : vector<8x1024xi32>
    %xor3A_1663 = arith.xori %or3A_1662, %add3A_1655 : vector<8x1024xi32>
    %add3A_1664 = arith.addi %add3A_1655, %xor3A_1663 : vector<8x1024xi32>
    %shift_left3A_1665 = arith.constant 24 : i32
    %shift_left3A_1666 = vector.broadcast %shift_left3A_1665 : i32 to vector<8x1024xi32>
    %shift_left3A_1667 = arith.shli %xor3A_1663, %shift_left3A_1666 : vector<8x1024xi32>
    %shift_right_logical3A_1668 = arith.constant 8 : i32
    %shift_right_logical3A_1669 = vector.broadcast %shift_right_logical3A_1668 : i32 to vector<8x1024xi32>
    %shift_right_logical3A_1670 = arith.shrui %xor3A_1663, %shift_right_logical3A_1669 : vector<8x1024xi32>
    %or3A_1671 = arith.ori %shift_left3A_1667, %shift_right_logical3A_1670 : vector<8x1024xi32>
    %xor3A_1672 = arith.xori %or3A_1671, %add3A_1664 : vector<8x1024xi32>
    %add3A_1673 = arith.constant 466689008 : i32
    %add3A_1674 = vector.broadcast %add3A_1673 : i32 to vector<8x1024xi32>
    %add3A_1675 = arith.addi %add3A_1664, %add3A_1674 : vector<8x1024xi32>
    %add3A_1676 = arith.constant 0 : i32
    %add3A_1677 = vector.broadcast %add3A_1676 : i32 to vector<8x1024xi32>
    %add3A_1678 = arith.addi %xor3A_1672, %add3A_1677 : vector<8x1024xi32>
    %add3A_1679 = arith.constant 2 : i32
    %add3A_1680 = vector.broadcast %add3A_1679 : i32 to vector<8x1024xi32>
    %add3A_1681 = arith.addi %add3A_1678, %add3A_1680 : vector<8x1024xi32>
    %add3A_1682 = arith.addi %add3A_1675, %add3A_1681 : vector<8x1024xi32>
    %shift_left3A_1683 = arith.constant 13 : i32
    %shift_left3A_1684 = vector.broadcast %shift_left3A_1683 : i32 to vector<8x1024xi32>
    %shift_left3A_1685 = arith.shli %add3A_1681, %shift_left3A_1684 : vector<8x1024xi32>
    %shift_right_logical3A_1686 = arith.constant 19 : i32
    %shift_right_logical3A_1687 = vector.broadcast %shift_right_logical3A_1686 : i32 to vector<8x1024xi32>
    %shift_right_logical3A_1688 = arith.shrui %add3A_1681, %shift_right_logical3A_1687 : vector<8x1024xi32>
    %or3A_1689 = arith.ori %shift_left3A_1685, %shift_right_logical3A_1688 : vector<8x1024xi32>
    %xor3A_1690 = arith.xori %or3A_1689, %add3A_1682 : vector<8x1024xi32>
    %add3A_1691 = arith.addi %add3A_1682, %xor3A_1690 : vector<8x1024xi32>
    %shift_left3A_1692 = arith.constant 15 : i32
    %shift_left3A_1693 = vector.broadcast %shift_left3A_1692 : i32 to vector<8x1024xi32>
    %shift_left3A_1694 = arith.shli %xor3A_1690, %shift_left3A_1693 : vector<8x1024xi32>
    %shift_right_logical3A_1695 = arith.constant 17 : i32
    %shift_right_logical3A_1696 = vector.broadcast %shift_right_logical3A_1695 : i32 to vector<8x1024xi32>
    %shift_right_logical3A_1697 = arith.shrui %xor3A_1690, %shift_right_logical3A_1696 : vector<8x1024xi32>
    %or3A_1698 = arith.ori %shift_left3A_1694, %shift_right_logical3A_1697 : vector<8x1024xi32>
    %xor3A_1699 = arith.xori %or3A_1698, %add3A_1691 : vector<8x1024xi32>
    %add3A_1700 = arith.addi %add3A_1691, %xor3A_1699 : vector<8x1024xi32>
    %shift_left3A_1701 = arith.constant 26 : i32
    %shift_left3A_1702 = vector.broadcast %shift_left3A_1701 : i32 to vector<8x1024xi32>
    %shift_left3A_1703 = arith.shli %xor3A_1699, %shift_left3A_1702 : vector<8x1024xi32>
    %shift_right_logical3A_1704 = arith.constant 6 : i32
    %shift_right_logical3A_1705 = vector.broadcast %shift_right_logical3A_1704 : i32 to vector<8x1024xi32>
    %shift_right_logical3A_1706 = arith.shrui %xor3A_1699, %shift_right_logical3A_1705 : vector<8x1024xi32>
    %or3A_1707 = arith.ori %shift_left3A_1703, %shift_right_logical3A_1706 : vector<8x1024xi32>
    %xor3A_1708 = arith.xori %or3A_1707, %add3A_1700 : vector<8x1024xi32>
    %add3A_1709 = arith.addi %add3A_1700, %xor3A_1708 : vector<8x1024xi32>
    %shift_left3A_1710 = arith.constant 6 : i32
    %shift_left3A_1711 = vector.broadcast %shift_left3A_1710 : i32 to vector<8x1024xi32>
    %shift_left3A_1712 = arith.shli %xor3A_1708, %shift_left3A_1711 : vector<8x1024xi32>
    %shift_right_logical3A_1713 = arith.constant 26 : i32
    %shift_right_logical3A_1714 = vector.broadcast %shift_right_logical3A_1713 : i32 to vector<8x1024xi32>
    %shift_right_logical3A_1715 = arith.shrui %xor3A_1708, %shift_right_logical3A_1714 : vector<8x1024xi32>
    %or3A_1716 = arith.ori %shift_left3A_1712, %shift_right_logical3A_1715 : vector<8x1024xi32>
    %xor3A_1717 = arith.xori %or3A_1716, %add3A_1709 : vector<8x1024xi32>
    %add3A_1718 = arith.constant 0 : i32
    %add3A_1719 = vector.broadcast %add3A_1718 : i32 to vector<8x1024xi32>
    %add3A_1720 = arith.addi %add3A_1709, %add3A_1719 : vector<8x1024xi32>
    %add3A_1721 = arith.constant 42 : i32
    %add3A_1722 = vector.broadcast %add3A_1721 : i32 to vector<8x1024xi32>
    %add3A_1723 = arith.addi %xor3A_1717, %add3A_1722 : vector<8x1024xi32>
    %add3A_1724 = arith.constant 3 : i32
    %add3A_1725 = vector.broadcast %add3A_1724 : i32 to vector<8x1024xi32>
    %add3A_1726 = arith.addi %add3A_1723, %add3A_1725 : vector<8x1024xi32>
    %add3A_1727 = arith.addi %add3A_1720, %add3A_1726 : vector<8x1024xi32>
    %shift_left3A_1728 = arith.constant 17 : i32
    %shift_left3A_1729 = vector.broadcast %shift_left3A_1728 : i32 to vector<8x1024xi32>
    %shift_left3A_1730 = arith.shli %add3A_1726, %shift_left3A_1729 : vector<8x1024xi32>
    %shift_right_logical3A_1731 = arith.constant 15 : i32
    %shift_right_logical3A_1732 = vector.broadcast %shift_right_logical3A_1731 : i32 to vector<8x1024xi32>
    %shift_right_logical3A_1733 = arith.shrui %add3A_1726, %shift_right_logical3A_1732 : vector<8x1024xi32>
    %or3A_1734 = arith.ori %shift_left3A_1730, %shift_right_logical3A_1733 : vector<8x1024xi32>
    %xor3A_1735 = arith.xori %or3A_1734, %add3A_1727 : vector<8x1024xi32>
    %add3A_1736 = arith.addi %add3A_1727, %xor3A_1735 : vector<8x1024xi32>
    %shift_left3A_1737 = arith.constant 29 : i32
    %shift_left3A_1738 = vector.broadcast %shift_left3A_1737 : i32 to vector<8x1024xi32>
    %shift_left3A_1739 = arith.shli %xor3A_1735, %shift_left3A_1738 : vector<8x1024xi32>
    %shift_right_logical3A_1740 = arith.constant 3 : i32
    %shift_right_logical3A_1741 = vector.broadcast %shift_right_logical3A_1740 : i32 to vector<8x1024xi32>
    %shift_right_logical3A_1742 = arith.shrui %xor3A_1735, %shift_right_logical3A_1741 : vector<8x1024xi32>
    %or3A_1743 = arith.ori %shift_left3A_1739, %shift_right_logical3A_1742 : vector<8x1024xi32>
    %xor3A_1744 = arith.xori %or3A_1743, %add3A_1736 : vector<8x1024xi32>
    %add3A_1745 = arith.addi %add3A_1736, %xor3A_1744 : vector<8x1024xi32>
    %shift_left3A_1746 = arith.constant 16 : i32
    %shift_left3A_1747 = vector.broadcast %shift_left3A_1746 : i32 to vector<8x1024xi32>
    %shift_left3A_1748 = arith.shli %xor3A_1744, %shift_left3A_1747 : vector<8x1024xi32>
    %shift_right_logical3A_1749 = arith.constant 16 : i32
    %shift_right_logical3A_1750 = vector.broadcast %shift_right_logical3A_1749 : i32 to vector<8x1024xi32>
    %shift_right_logical3A_1751 = arith.shrui %xor3A_1744, %shift_right_logical3A_1750 : vector<8x1024xi32>
    %or3A_1752 = arith.ori %shift_left3A_1748, %shift_right_logical3A_1751 : vector<8x1024xi32>
    %xor3A_1753 = arith.xori %or3A_1752, %add3A_1745 : vector<8x1024xi32>
    %add3A_1754 = arith.addi %add3A_1745, %xor3A_1753 : vector<8x1024xi32>
    %shift_left3A_1755 = arith.constant 24 : i32
    %shift_left3A_1756 = vector.broadcast %shift_left3A_1755 : i32 to vector<8x1024xi32>
    %shift_left3A_1757 = arith.shli %xor3A_1753, %shift_left3A_1756 : vector<8x1024xi32>
    %shift_right_logical3A_1758 = arith.constant 8 : i32
    %shift_right_logical3A_1759 = vector.broadcast %shift_right_logical3A_1758 : i32 to vector<8x1024xi32>
    %shift_right_logical3A_1760 = arith.shrui %xor3A_1753, %shift_right_logical3A_1759 : vector<8x1024xi32>
    %or3A_1761 = arith.ori %shift_left3A_1757, %shift_right_logical3A_1760 : vector<8x1024xi32>
    %xor3A_1762 = arith.xori %or3A_1761, %add3A_1754 : vector<8x1024xi32>
    %add3A_1763 = arith.constant 42 : i32
    %add3A_1764 = vector.broadcast %add3A_1763 : i32 to vector<8x1024xi32>
    %add3A_1765 = arith.addi %add3A_1754, %add3A_1764 : vector<8x1024xi32>
    %add3A_1766 = arith.constant 466689008 : i32
    %add3A_1767 = vector.broadcast %add3A_1766 : i32 to vector<8x1024xi32>
    %add3A_1768 = arith.addi %xor3A_1762, %add3A_1767 : vector<8x1024xi32>
    %add3A_1769 = arith.constant 4 : i32
    %add3A_1770 = vector.broadcast %add3A_1769 : i32 to vector<8x1024xi32>
    %add3A_1771 = arith.addi %add3A_1768, %add3A_1770 : vector<8x1024xi32>
    %add3A_1772 = arith.addi %add3A_1765, %add3A_1771 : vector<8x1024xi32>
    %shift_left3A_1773 = arith.constant 13 : i32
    %shift_left3A_1774 = vector.broadcast %shift_left3A_1773 : i32 to vector<8x1024xi32>
    %shift_left3A_1775 = arith.shli %add3A_1771, %shift_left3A_1774 : vector<8x1024xi32>
    %shift_right_logical3A_1776 = arith.constant 19 : i32
    %shift_right_logical3A_1777 = vector.broadcast %shift_right_logical3A_1776 : i32 to vector<8x1024xi32>
    %shift_right_logical3A_1778 = arith.shrui %add3A_1771, %shift_right_logical3A_1777 : vector<8x1024xi32>
    %or3A_1779 = arith.ori %shift_left3A_1775, %shift_right_logical3A_1778 : vector<8x1024xi32>
    %xor3A_1780 = arith.xori %or3A_1779, %add3A_1772 : vector<8x1024xi32>
    %add3A_1781 = arith.addi %add3A_1772, %xor3A_1780 : vector<8x1024xi32>
    %shift_left3A_1782 = arith.constant 15 : i32
    %shift_left3A_1783 = vector.broadcast %shift_left3A_1782 : i32 to vector<8x1024xi32>
    %shift_left3A_1784 = arith.shli %xor3A_1780, %shift_left3A_1783 : vector<8x1024xi32>
    %shift_right_logical3A_1785 = arith.constant 17 : i32
    %shift_right_logical3A_1786 = vector.broadcast %shift_right_logical3A_1785 : i32 to vector<8x1024xi32>
    %shift_right_logical3A_1787 = arith.shrui %xor3A_1780, %shift_right_logical3A_1786 : vector<8x1024xi32>
    %or3A_1788 = arith.ori %shift_left3A_1784, %shift_right_logical3A_1787 : vector<8x1024xi32>
    %xor3A_1789 = arith.xori %or3A_1788, %add3A_1781 : vector<8x1024xi32>
    %add3A_1790 = arith.addi %add3A_1781, %xor3A_1789 : vector<8x1024xi32>
    %shift_left3A_1791 = arith.constant 26 : i32
    %shift_left3A_1792 = vector.broadcast %shift_left3A_1791 : i32 to vector<8x1024xi32>
    %shift_left3A_1793 = arith.shli %xor3A_1789, %shift_left3A_1792 : vector<8x1024xi32>
    %shift_right_logical3A_1794 = arith.constant 6 : i32
    %shift_right_logical3A_1795 = vector.broadcast %shift_right_logical3A_1794 : i32 to vector<8x1024xi32>
    %shift_right_logical3A_1796 = arith.shrui %xor3A_1789, %shift_right_logical3A_1795 : vector<8x1024xi32>
    %or3A_1797 = arith.ori %shift_left3A_1793, %shift_right_logical3A_1796 : vector<8x1024xi32>
    %xor3A_1798 = arith.xori %or3A_1797, %add3A_1790 : vector<8x1024xi32>
    %add3A_1799 = arith.addi %add3A_1790, %xor3A_1798 : vector<8x1024xi32>
    %shift_left3A_1800 = arith.constant 6 : i32
    %shift_left3A_1801 = vector.broadcast %shift_left3A_1800 : i32 to vector<8x1024xi32>
    %shift_left3A_1802 = arith.shli %xor3A_1798, %shift_left3A_1801 : vector<8x1024xi32>
    %shift_right_logical3A_1803 = arith.constant 26 : i32
    %shift_right_logical3A_1804 = vector.broadcast %shift_right_logical3A_1803 : i32 to vector<8x1024xi32>
    %shift_right_logical3A_1805 = arith.shrui %xor3A_1798, %shift_right_logical3A_1804 : vector<8x1024xi32>
    %or3A_1806 = arith.ori %shift_left3A_1802, %shift_right_logical3A_1805 : vector<8x1024xi32>
    %xor3A_1807 = arith.xori %or3A_1806, %add3A_1799 : vector<8x1024xi32>
    %add3A_1808 = arith.constant 466689008 : i32
    %add3A_1809 = vector.broadcast %add3A_1808 : i32 to vector<8x1024xi32>
    %add3A_1810 = arith.addi %add3A_1799, %add3A_1809 : vector<8x1024xi32>
    %add3A_1811 = arith.constant 0 : i32
    %add3A_1812 = vector.broadcast %add3A_1811 : i32 to vector<8x1024xi32>
    %add3A_1813 = arith.addi %xor3A_1807, %add3A_1812 : vector<8x1024xi32>
    %add3A_1814 = arith.constant 5 : i32
    %add3A_1815 = vector.broadcast %add3A_1814 : i32 to vector<8x1024xi32>
    %add3A_1816 = arith.addi %add3A_1813, %add3A_1815 : vector<8x1024xi32>
    %xor3A_1817 = arith.xori %add3A_1810, %add3A_1816 : vector<8x1024xi32>
    %shift_right_logical3A_1818 = arith.constant 31 : i32
    %shift_right_logical3A_1819 = vector.broadcast %shift_right_logical3A_1818 : i32 to vector<8x1024xi32>
    %shift_right_logical3A_1820 = arith.shrui %xor3A_1817, %shift_right_logical3A_1819 : vector<8x1024xi32>
    %eq3A_1821 = arith.constant 1 : i32
    %eq3A_1822 = vector.broadcast %eq3A_1821 : i32 to vector<8x1024xi32>
    %eq3A_1823 = arith.cmpi eq, %shift_right_logical3A_1820, %eq3A_1822 : vector<8x1024xi32>
    %get3A_1824 = arith.constant 49152 : index
    %get3A_1825 = vector.load %arg1[%get3A_1824] : memref<131072xf32, #tpu.memory_space<vmem>>, vector<8192xf32>
    %reshape3A_1826 = vector.shape_cast %get3A_1825 : vector<8192xf32> to vector<8x1024xf32>
    %mul3A_1827 = arith.constant 2.000000e+00 : f32
    %mul3A_1828 = vector.broadcast %mul3A_1827 : f32 to vector<8x1024xf32>
    %mul3A_1829 = arith.mulf %reshape3A_1826, %mul3A_1828 : vector<8x1024xf32>
    %jit3A_1830 = arith.constant 0.000000e+00 : f32
    %broadcast_in_dim3A_1831 = vector.broadcast %jit3A_1830 : f32 to vector<8x1024xf32>
    %select_n3A_1832 = arith.select %eq3A_1823, %mul3A_1829, %broadcast_in_dim3A_1831 : vector<8x1024xi1>, vector<8x1024xf32>
    %reshape3A_1833 = vector.shape_cast %select_n3A_1832 : vector<8x1024xf32> to vector<8192xf32>
    %swap3A_1834 = arith.constant 49152 : index
    %swap3A_1835 = vector.load %arg2[%swap3A_1834] : memref<131072xf32, #tpu.memory_space<vmem>>, vector<8192xf32>
    tpu.vector_store %arg2[%swap3A_1834], %reshape3A_1833 {strides = array<i32>} : memref<131072xf32, #tpu.memory_space<vmem>>, vector<8192xf32>,
    %mul3A_1836 = arith.constant 131072 : i32
    %mul3A_1837 = arith.muli %add3A_0, %mul3A_1836 : i32
    %add3A_1838 = arith.constant 57344 : i32
    %add3A_1839 = arith.addi %mul3A_1837, %add3A_1838 : i32
    %iota3A_1840 = tpu.iota {dimensions = array<i32: 0>} : vector<8x1024xi32>
    %mul3A_1841 = arith.constant 1024 : i32
    %mul3A_1842 = vector.broadcast %mul3A_1841 : i32 to vector<8x1024xi32>
    %mul3A_1843 = arith.muli %iota3A_1840, %mul3A_1842 : vector<8x1024xi32>
    %add3A_1844 = vector.broadcast %add3A_1839 : i32 to vector<8x1024xi32>
    %add3A_1845 = arith.addi %add3A_1844, %mul3A_1843 : vector<8x1024xi32>
    %iota3A_1846 = tpu.iota {dimensions = array<i32: 1>} : vector<8x1024xi32>
    %add3A_1847 = arith.addi %add3A_1845, %iota3A_1846 : vector<8x1024xi32>
    %broadcast_in_dim3A_1848 = arith.constant 0 : i32
    %broadcast_in_dim3A_1849 = vector.broadcast %broadcast_in_dim3A_1848 : i32 to vector<8x1024xi32>
    %add3A_1850 = arith.constant 0 : i32
    %add3A_1851 = vector.broadcast %add3A_1850 : i32 to vector<8x1024xi32>
    %add3A_1852 = arith.addi %broadcast_in_dim3A_1849, %add3A_1851 : vector<8x1024xi32>
    %add3A_1853 = arith.constant 42 : i32
    %add3A_1854 = vector.broadcast %add3A_1853 : i32 to vector<8x1024xi32>
    %add3A_1855 = arith.addi %add3A_1847, %add3A_1854 : vector<8x1024xi32>
    %add3A_1856 = arith.addi %add3A_1852, %add3A_1855 : vector<8x1024xi32>
    %shift_left3A_1857 = arith.constant 13 : i32
    %shift_left3A_1858 = vector.broadcast %shift_left3A_1857 : i32 to vector<8x1024xi32>
    %shift_left3A_1859 = arith.shli %add3A_1855, %shift_left3A_1858 : vector<8x1024xi32>
    %shift_right_logical3A_1860 = arith.constant 19 : i32
    %shift_right_logical3A_1861 = vector.broadcast %shift_right_logical3A_1860 : i32 to vector<8x1024xi32>
    %shift_right_logical3A_1862 = arith.shrui %add3A_1855, %shift_right_logical3A_1861 : vector<8x1024xi32>
    %or3A_1863 = arith.ori %shift_left3A_1859, %shift_right_logical3A_1862 : vector<8x1024xi32>
    %xor3A_1864 = arith.xori %or3A_1863, %add3A_1856 : vector<8x1024xi32>
    %add3A_1865 = arith.addi %add3A_1856, %xor3A_1864 : vector<8x1024xi32>
    %shift_left3A_1866 = arith.constant 15 : i32
    %shift_left3A_1867 = vector.broadcast %shift_left3A_1866 : i32 to vector<8x1024xi32>
    %shift_left3A_1868 = arith.shli %xor3A_1864, %shift_left3A_1867 : vector<8x1024xi32>
    %shift_right_logical3A_1869 = arith.constant 17 : i32
    %shift_right_logical3A_1870 = vector.broadcast %shift_right_logical3A_1869 : i32 to vector<8x1024xi32>
    %shift_right_logical3A_1871 = arith.shrui %xor3A_1864, %shift_right_logical3A_1870 : vector<8x1024xi32>
    %or3A_1872 = arith.ori %shift_left3A_1868, %shift_right_logical3A_1871 : vector<8x1024xi32>
    %xor3A_1873 = arith.xori %or3A_1872, %add3A_1865 : vector<8x1024xi32>
    %add3A_1874 = arith.addi %add3A_1865, %xor3A_1873 : vector<8x1024xi32>
    %shift_left3A_1875 = arith.constant 26 : i32
    %shift_left3A_1876 = vector.broadcast %shift_left3A_1875 : i32 to vector<8x1024xi32>
    %shift_left3A_1877 = arith.shli %xor3A_1873, %shift_left3A_1876 : vector<8x1024xi32>
    %shift_right_logical3A_1878 = arith.constant 6 : i32
    %shift_right_logical3A_1879 = vector.broadcast %shift_right_logical3A_1878 : i32 to vector<8x1024xi32>
    %shift_right_logical3A_1880 = arith.shrui %xor3A_1873, %shift_right_logical3A_1879 : vector<8x1024xi32>
    %or3A_1881 = arith.ori %shift_left3A_1877, %shift_right_logical3A_1880 : vector<8x1024xi32>
    %xor3A_1882 = arith.xori %or3A_1881, %add3A_1874 : vector<8x1024xi32>
    %add3A_1883 = arith.addi %add3A_1874, %xor3A_1882 : vector<8x1024xi32>
    %shift_left3A_1884 = arith.constant 6 : i32
    %shift_left3A_1885 = vector.broadcast %shift_left3A_1884 : i32 to vector<8x1024xi32>
    %shift_left3A_1886 = arith.shli %xor3A_1882, %shift_left3A_1885 : vector<8x1024xi32>
    %shift_right_logical3A_1887 = arith.constant 26 : i32
    %shift_right_logical3A_1888 = vector.broadcast %shift_right_logical3A_1887 : i32 to vector<8x1024xi32>
    %shift_right_logical3A_1889 = arith.shrui %xor3A_1882, %shift_right_logical3A_1888 : vector<8x1024xi32>
    %or3A_1890 = arith.ori %shift_left3A_1886, %shift_right_logical3A_1889 : vector<8x1024xi32>
    %xor3A_1891 = arith.xori %or3A_1890, %add3A_1883 : vector<8x1024xi32>
    %add3A_1892 = arith.constant 42 : i32
    %add3A_1893 = vector.broadcast %add3A_1892 : i32 to vector<8x1024xi32>
    %add3A_1894 = arith.addi %add3A_1883, %add3A_1893 : vector<8x1024xi32>
    %add3A_1895 = arith.constant 466689008 : i32
    %add3A_1896 = vector.broadcast %add3A_1895 : i32 to vector<8x1024xi32>
    %add3A_1897 = arith.addi %xor3A_1891, %add3A_1896 : vector<8x1024xi32>
    %add3A_1898 = arith.constant 1 : i32
    %add3A_1899 = vector.broadcast %add3A_1898 : i32 to vector<8x1024xi32>
    %add3A_1900 = arith.addi %add3A_1897, %add3A_1899 : vector<8x1024xi32>
    %add3A_1901 = arith.addi %add3A_1894, %add3A_1900 : vector<8x1024xi32>
    %shift_left3A_1902 = arith.constant 17 : i32
    %shift_left3A_1903 = vector.broadcast %shift_left3A_1902 : i32 to vector<8x1024xi32>
    %shift_left3A_1904 = arith.shli %add3A_1900, %shift_left3A_1903 : vector<8x1024xi32>
    %shift_right_logical3A_1905 = arith.constant 15 : i32
    %shift_right_logical3A_1906 = vector.broadcast %shift_right_logical3A_1905 : i32 to vector<8x1024xi32>
    %shift_right_logical3A_1907 = arith.shrui %add3A_1900, %shift_right_logical3A_1906 : vector<8x1024xi32>
    %or3A_1908 = arith.ori %shift_left3A_1904, %shift_right_logical3A_1907 : vector<8x1024xi32>
    %xor3A_1909 = arith.xori %or3A_1908, %add3A_1901 : vector<8x1024xi32>
    %add3A_1910 = arith.addi %add3A_1901, %xor3A_1909 : vector<8x1024xi32>
    %shift_left3A_1911 = arith.constant 29 : i32
    %shift_left3A_1912 = vector.broadcast %shift_left3A_1911 : i32 to vector<8x1024xi32>
    %shift_left3A_1913 = arith.shli %xor3A_1909, %shift_left3A_1912 : vector<8x1024xi32>
    %shift_right_logical3A_1914 = arith.constant 3 : i32
    %shift_right_logical3A_1915 = vector.broadcast %shift_right_logical3A_1914 : i32 to vector<8x1024xi32>
    %shift_right_logical3A_1916 = arith.shrui %xor3A_1909, %shift_right_logical3A_1915 : vector<8x1024xi32>
    %or3A_1917 = arith.ori %shift_left3A_1913, %shift_right_logical3A_1916 : vector<8x1024xi32>
    %xor3A_1918 = arith.xori %or3A_1917, %add3A_1910 : vector<8x1024xi32>
    %add3A_1919 = arith.addi %add3A_1910, %xor3A_1918 : vector<8x1024xi32>
    %shift_left3A_1920 = arith.constant 16 : i32
    %shift_left3A_1921 = vector.broadcast %shift_left3A_1920 : i32 to vector<8x1024xi32>
    %shift_left3A_1922 = arith.shli %xor3A_1918, %shift_left3A_1921 : vector<8x1024xi32>
    %shift_right_logical3A_1923 = arith.constant 16 : i32
    %shift_right_logical3A_1924 = vector.broadcast %shift_right_logical3A_1923 : i32 to vector<8x1024xi32>
    %shift_right_logical3A_1925 = arith.shrui %xor3A_1918, %shift_right_logical3A_1924 : vector<8x1024xi32>
    %or3A_1926 = arith.ori %shift_left3A_1922, %shift_right_logical3A_1925 : vector<8x1024xi32>
    %xor3A_1927 = arith.xori %or3A_1926, %add3A_1919 : vector<8x1024xi32>
    %add3A_1928 = arith.addi %add3A_1919, %xor3A_1927 : vector<8x1024xi32>
    %shift_left3A_1929 = arith.constant 24 : i32
    %shift_left3A_1930 = vector.broadcast %shift_left3A_1929 : i32 to vector<8x1024xi32>
    %shift_left3A_1931 = arith.shli %xor3A_1927, %shift_left3A_1930 : vector<8x1024xi32>
    %shift_right_logical3A_1932 = arith.constant 8 : i32
    %shift_right_logical3A_1933 = vector.broadcast %shift_right_logical3A_1932 : i32 to vector<8x1024xi32>
    %shift_right_logical3A_1934 = arith.shrui %xor3A_1927, %shift_right_logical3A_1933 : vector<8x1024xi32>
    %or3A_1935 = arith.ori %shift_left3A_1931, %shift_right_logical3A_1934 : vector<8x1024xi32>
    %xor3A_1936 = arith.xori %or3A_1935, %add3A_1928 : vector<8x1024xi32>
    %add3A_1937 = arith.constant 466689008 : i32
    %add3A_1938 = vector.broadcast %add3A_1937 : i32 to vector<8x1024xi32>
    %add3A_1939 = arith.addi %add3A_1928, %add3A_1938 : vector<8x1024xi32>
    %add3A_1940 = arith.constant 0 : i32
    %add3A_1941 = vector.broadcast %add3A_1940 : i32 to vector<8x1024xi32>
    %add3A_1942 = arith.addi %xor3A_1936, %add3A_1941 : vector<8x1024xi32>
    %add3A_1943 = arith.constant 2 : i32
    %add3A_1944 = vector.broadcast %add3A_1943 : i32 to vector<8x1024xi32>
    %add3A_1945 = arith.addi %add3A_1942, %add3A_1944 : vector<8x1024xi32>
    %add3A_1946 = arith.addi %add3A_1939, %add3A_1945 : vector<8x1024xi32>
    %shift_left3A_1947 = arith.constant 13 : i32
    %shift_left3A_1948 = vector.broadcast %shift_left3A_1947 : i32 to vector<8x1024xi32>
    %shift_left3A_1949 = arith.shli %add3A_1945, %shift_left3A_1948 : vector<8x1024xi32>
    %shift_right_logical3A_1950 = arith.constant 19 : i32
    %shift_right_logical3A_1951 = vector.broadcast %shift_right_logical3A_1950 : i32 to vector<8x1024xi32>
    %shift_right_logical3A_1952 = arith.shrui %add3A_1945, %shift_right_logical3A_1951 : vector<8x1024xi32>
    %or3A_1953 = arith.ori %shift_left3A_1949, %shift_right_logical3A_1952 : vector<8x1024xi32>
    %xor3A_1954 = arith.xori %or3A_1953, %add3A_1946 : vector<8x1024xi32>
    %add3A_1955 = arith.addi %add3A_1946, %xor3A_1954 : vector<8x1024xi32>
    %shift_left3A_1956 = arith.constant 15 : i32
    %shift_left3A_1957 = vector.broadcast %shift_left3A_1956 : i32 to vector<8x1024xi32>
    %shift_left3A_1958 = arith.shli %xor3A_1954, %shift_left3A_1957 : vector<8x1024xi32>
    %shift_right_logical3A_1959 = arith.constant 17 : i32
    %shift_right_logical3A_1960 = vector.broadcast %shift_right_logical3A_1959 : i32 to vector<8x1024xi32>
    %shift_right_logical3A_1961 = arith.shrui %xor3A_1954, %shift_right_logical3A_1960 : vector<8x1024xi32>
    %or3A_1962 = arith.ori %shift_left3A_1958, %shift_right_logical3A_1961 : vector<8x1024xi32>
    %xor3A_1963 = arith.xori %or3A_1962, %add3A_1955 : vector<8x1024xi32>
    %add3A_1964 = arith.addi %add3A_1955, %xor3A_1963 : vector<8x1024xi32>
    %shift_left3A_1965 = arith.constant 26 : i32
    %shift_left3A_1966 = vector.broadcast %shift_left3A_1965 : i32 to vector<8x1024xi32>
    %shift_left3A_1967 = arith.shli %xor3A_1963, %shift_left3A_1966 : vector<8x1024xi32>
    %shift_right_logical3A_1968 = arith.constant 6 : i32
    %shift_right_logical3A_1969 = vector.broadcast %shift_right_logical3A_1968 : i32 to vector<8x1024xi32>
    %shift_right_logical3A_1970 = arith.shrui %xor3A_1963, %shift_right_logical3A_1969 : vector<8x1024xi32>
    %or3A_1971 = arith.ori %shift_left3A_1967, %shift_right_logical3A_1970 : vector<8x1024xi32>
    %xor3A_1972 = arith.xori %or3A_1971, %add3A_1964 : vector<8x1024xi32>
    %add3A_1973 = arith.addi %add3A_1964, %xor3A_1972 : vector<8x1024xi32>
    %shift_left3A_1974 = arith.constant 6 : i32
    %shift_left3A_1975 = vector.broadcast %shift_left3A_1974 : i32 to vector<8x1024xi32>
    %shift_left3A_1976 = arith.shli %xor3A_1972, %shift_left3A_1975 : vector<8x1024xi32>
    %shift_right_logical3A_1977 = arith.constant 26 : i32
    %shift_right_logical3A_1978 = vector.broadcast %shift_right_logical3A_1977 : i32 to vector<8x1024xi32>
    %shift_right_logical3A_1979 = arith.shrui %xor3A_1972, %shift_right_logical3A_1978 : vector<8x1024xi32>
    %or3A_1980 = arith.ori %shift_left3A_1976, %shift_right_logical3A_1979 : vector<8x1024xi32>
    %xor3A_1981 = arith.xori %or3A_1980, %add3A_1973 : vector<8x1024xi32>
    %add3A_1982 = arith.constant 0 : i32
    %add3A_1983 = vector.broadcast %add3A_1982 : i32 to vector<8x1024xi32>
    %add3A_1984 = arith.addi %add3A_1973, %add3A_1983 : vector<8x1024xi32>
    %add3A_1985 = arith.constant 42 : i32
    %add3A_1986 = vector.broadcast %add3A_1985 : i32 to vector<8x1024xi32>
    %add3A_1987 = arith.addi %xor3A_1981, %add3A_1986 : vector<8x1024xi32>
    %add3A_1988 = arith.constant 3 : i32
    %add3A_1989 = vector.broadcast %add3A_1988 : i32 to vector<8x1024xi32>
    %add3A_1990 = arith.addi %add3A_1987, %add3A_1989 : vector<8x1024xi32>
    %add3A_1991 = arith.addi %add3A_1984, %add3A_1990 : vector<8x1024xi32>
    %shift_left3A_1992 = arith.constant 17 : i32
    %shift_left3A_1993 = vector.broadcast %shift_left3A_1992 : i32 to vector<8x1024xi32>
    %shift_left3A_1994 = arith.shli %add3A_1990, %shift_left3A_1993 : vector<8x1024xi32>
    %shift_right_logical3A_1995 = arith.constant 15 : i32
    %shift_right_logical3A_1996 = vector.broadcast %shift_right_logical3A_1995 : i32 to vector<8x1024xi32>
    %shift_right_logical3A_1997 = arith.shrui %add3A_1990, %shift_right_logical3A_1996 : vector<8x1024xi32>
    %or3A_1998 = arith.ori %shift_left3A_1994, %shift_right_logical3A_1997 : vector<8x1024xi32>
    %xor3A_1999 = arith.xori %or3A_1998, %add3A_1991 : vector<8x1024xi32>
    %add3A_2000 = arith.addi %add3A_1991, %xor3A_1999 : vector<8x1024xi32>
    %shift_left3A_2001 = arith.constant 29 : i32
    %shift_left3A_2002 = vector.broadcast %shift_left3A_2001 : i32 to vector<8x1024xi32>
    %shift_left3A_2003 = arith.shli %xor3A_1999, %shift_left3A_2002 : vector<8x1024xi32>
    %shift_right_logical3A_2004 = arith.constant 3 : i32
    %shift_right_logical3A_2005 = vector.broadcast %shift_right_logical3A_2004 : i32 to vector<8x1024xi32>
    %shift_right_logical3A_2006 = arith.shrui %xor3A_1999, %shift_right_logical3A_2005 : vector<8x1024xi32>
    %or3A_2007 = arith.ori %shift_left3A_2003, %shift_right_logical3A_2006 : vector<8x1024xi32>
    %xor3A_2008 = arith.xori %or3A_2007, %add3A_2000 : vector<8x1024xi32>
    %add3A_2009 = arith.addi %add3A_2000, %xor3A_2008 : vector<8x1024xi32>
    %shift_left3A_2010 = arith.constant 16 : i32
    %shift_left3A_2011 = vector.broadcast %shift_left3A_2010 : i32 to vector<8x1024xi32>
    %shift_left3A_2012 = arith.shli %xor3A_2008, %shift_left3A_2011 : vector<8x1024xi32>
    %shift_right_logical3A_2013 = arith.constant 16 : i32
    %shift_right_logical3A_2014 = vector.broadcast %shift_right_logical3A_2013 : i32 to vector<8x1024xi32>
    %shift_right_logical3A_2015 = arith.shrui %xor3A_2008, %shift_right_logical3A_2014 : vector<8x1024xi32>
    %or3A_2016 = arith.ori %shift_left3A_2012, %shift_right_logical3A_2015 : vector<8x1024xi32>
    %xor3A_2017 = arith.xori %or3A_2016, %add3A_2009 : vector<8x1024xi32>
    %add3A_2018 = arith.addi %add3A_2009, %xor3A_2017 : vector<8x1024xi32>
    %shift_left3A_2019 = arith.constant 24 : i32
    %shift_left3A_2020 = vector.broadcast %shift_left3A_2019 : i32 to vector<8x1024xi32>
    %shift_left3A_2021 = arith.shli %xor3A_2017, %shift_left3A_2020 : vector<8x1024xi32>
    %shift_right_logical3A_2022 = arith.constant 8 : i32
    %shift_right_logical3A_2023 = vector.broadcast %shift_right_logical3A_2022 : i32 to vector<8x1024xi32>
    %shift_right_logical3A_2024 = arith.shrui %xor3A_2017, %shift_right_logical3A_2023 : vector<8x1024xi32>
    %or3A_2025 = arith.ori %shift_left3A_2021, %shift_right_logical3A_2024 : vector<8x1024xi32>
    %xor3A_2026 = arith.xori %or3A_2025, %add3A_2018 : vector<8x1024xi32>
    %add3A_2027 = arith.constant 42 : i32
    %add3A_2028 = vector.broadcast %add3A_2027 : i32 to vector<8x1024xi32>
    %add3A_2029 = arith.addi %add3A_2018, %add3A_2028 : vector<8x1024xi32>
    %add3A_2030 = arith.constant 466689008 : i32
    %add3A_2031 = vector.broadcast %add3A_2030 : i32 to vector<8x1024xi32>
    %add3A_2032 = arith.addi %xor3A_2026, %add3A_2031 : vector<8x1024xi32>
    %add3A_2033 = arith.constant 4 : i32
    %add3A_2034 = vector.broadcast %add3A_2033 : i32 to vector<8x1024xi32>
    %add3A_2035 = arith.addi %add3A_2032, %add3A_2034 : vector<8x1024xi32>
    %add3A_2036 = arith.addi %add3A_2029, %add3A_2035 : vector<8x1024xi32>
    %shift_left3A_2037 = arith.constant 13 : i32
    %shift_left3A_2038 = vector.broadcast %shift_left3A_2037 : i32 to vector<8x1024xi32>
    %shift_left3A_2039 = arith.shli %add3A_2035, %shift_left3A_2038 : vector<8x1024xi32>
    %shift_right_logical3A_2040 = arith.constant 19 : i32
    %shift_right_logical3A_2041 = vector.broadcast %shift_right_logical3A_2040 : i32 to vector<8x1024xi32>
    %shift_right_logical3A_2042 = arith.shrui %add3A_2035, %shift_right_logical3A_2041 : vector<8x1024xi32>
    %or3A_2043 = arith.ori %shift_left3A_2039, %shift_right_logical3A_2042 : vector<8x1024xi32>
    %xor3A_2044 = arith.xori %or3A_2043, %add3A_2036 : vector<8x1024xi32>
    %add3A_2045 = arith.addi %add3A_2036, %xor3A_2044 : vector<8x1024xi32>
    %shift_left3A_2046 = arith.constant 15 : i32
    %shift_left3A_2047 = vector.broadcast %shift_left3A_2046 : i32 to vector<8x1024xi32>
    %shift_left3A_2048 = arith.shli %xor3A_2044, %shift_left3A_2047 : vector<8x1024xi32>
    %shift_right_logical3A_2049 = arith.constant 17 : i32
    %shift_right_logical3A_2050 = vector.broadcast %shift_right_logical3A_2049 : i32 to vector<8x1024xi32>
    %shift_right_logical3A_2051 = arith.shrui %xor3A_2044, %shift_right_logical3A_2050 : vector<8x1024xi32>
    %or3A_2052 = arith.ori %shift_left3A_2048, %shift_right_logical3A_2051 : vector<8x1024xi32>
    %xor3A_2053 = arith.xori %or3A_2052, %add3A_2045 : vector<8x1024xi32>
    %add3A_2054 = arith.addi %add3A_2045, %xor3A_2053 : vector<8x1024xi32>
    %shift_left3A_2055 = arith.constant 26 : i32
    %shift_left3A_2056 = vector.broadcast %shift_left3A_2055 : i32 to vector<8x1024xi32>
    %shift_left3A_2057 = arith.shli %xor3A_2053, %shift_left3A_2056 : vector<8x1024xi32>
    %shift_right_logical3A_2058 = arith.constant 6 : i32
    %shift_right_logical3A_2059 = vector.broadcast %shift_right_logical3A_2058 : i32 to vector<8x1024xi32>
    %shift_right_logical3A_2060 = arith.shrui %xor3A_2053, %shift_right_logical3A_2059 : vector<8x1024xi32>
    %or3A_2061 = arith.ori %shift_left3A_2057, %shift_right_logical3A_2060 : vector<8x1024xi32>
    %xor3A_2062 = arith.xori %or3A_2061, %add3A_2054 : vector<8x1024xi32>
    %add3A_2063 = arith.addi %add3A_2054, %xor3A_2062 : vector<8x1024xi32>
    %shift_left3A_2064 = arith.constant 6 : i32
    %shift_left3A_2065 = vector.broadcast %shift_left3A_2064 : i32 to vector<8x1024xi32>
    %shift_left3A_2066 = arith.shli %xor3A_2062, %shift_left3A_2065 : vector<8x1024xi32>
    %shift_right_logical3A_2067 = arith.constant 26 : i32
    %shift_right_logical3A_2068 = vector.broadcast %shift_right_logical3A_2067 : i32 to vector<8x1024xi32>
    %shift_right_logical3A_2069 = arith.shrui %xor3A_2062, %shift_right_logical3A_2068 : vector<8x1024xi32>
    %or3A_2070 = arith.ori %shift_left3A_2066, %shift_right_logical3A_2069 : vector<8x1024xi32>
    %xor3A_2071 = arith.xori %or3A_2070, %add3A_2063 : vector<8x1024xi32>
    %add3A_2072 = arith.constant 466689008 : i32
    %add3A_2073 = vector.broadcast %add3A_2072 : i32 to vector<8x1024xi32>
    %add3A_2074 = arith.addi %add3A_2063, %add3A_2073 : vector<8x1024xi32>
    %add3A_2075 = arith.constant 0 : i32
    %add3A_2076 = vector.broadcast %add3A_2075 : i32 to vector<8x1024xi32>
    %add3A_2077 = arith.addi %xor3A_2071, %add3A_2076 : vector<8x1024xi32>
    %add3A_2078 = arith.constant 5 : i32
    %add3A_2079 = vector.broadcast %add3A_2078 : i32 to vector<8x1024xi32>
    %add3A_2080 = arith.addi %add3A_2077, %add3A_2079 : vector<8x1024xi32>
    %xor3A_2081 = arith.xori %add3A_2074, %add3A_2080 : vector<8x1024xi32>
    %shift_right_logical3A_2082 = arith.constant 31 : i32
    %shift_right_logical3A_2083 = vector.broadcast %shift_right_logical3A_2082 : i32 to vector<8x1024xi32>
    %shift_right_logical3A_2084 = arith.shrui %xor3A_2081, %shift_right_logical3A_2083 : vector<8x1024xi32>
    %eq3A_2085 = arith.constant 1 : i32
    %eq3A_2086 = vector.broadcast %eq3A_2085 : i32 to vector<8x1024xi32>
    %eq3A_2087 = arith.cmpi eq, %shift_right_logical3A_2084, %eq3A_2086 : vector<8x1024xi32>
    %get3A_2088 = arith.constant 57344 : index
    %get3A_2089 = vector.load %arg1[%get3A_2088] : memref<131072xf32, #tpu.memory_space<vmem>>, vector<8192xf32>
    %reshape3A_2090 = vector.shape_cast %get3A_2089 : vector<8192xf32> to vector<8x1024xf32>
    %mul3A_2091 = arith.constant 2.000000e+00 : f32
    %mul3A_2092 = vector.broadcast %mul3A_2091 : f32 to vector<8x1024xf32>
    %mul3A_2093 = arith.mulf %reshape3A_2090, %mul3A_2092 : vector<8x1024xf32>
    %jit3A_2094 = arith.constant 0.000000e+00 : f32
    %broadcast_in_dim3A_2095 = vector.broadcast %jit3A_2094 : f32 to vector<8x1024xf32>
    %select_n3A_2096 = arith.select %eq3A_2087, %mul3A_2093, %broadcast_in_dim3A_2095 : vector<8x1024xi1>, vector<8x1024xf32>
    %reshape3A_2097 = vector.shape_cast %select_n3A_2096 : vector<8x1024xf32> to vector<8192xf32>
    %swap3A_2098 = arith.constant 57344 : index
    %swap3A_2099 = vector.load %arg2[%swap3A_2098] : memref<131072xf32, #tpu.memory_space<vmem>>, vector<8192xf32>
    tpu.vector_store %arg2[%swap3A_2098], %reshape3A_2097 {strides = array<i32>} : memref<131072xf32, #tpu.memory_space<vmem>>, vector<8192xf32>,
    %mul3A_2100 = arith.constant 131072 : i32
    %mul3A_2101 = arith.muli %add3A_0, %mul3A_2100 : i32
    %add3A_2102 = arith.constant 65536 : i32
    %add3A_2103 = arith.addi %mul3A_2101, %add3A_2102 : i32
    %iota3A_2104 = tpu.iota {dimensions = array<i32: 0>} : vector<8x1024xi32>
    %mul3A_2105 = arith.constant 1024 : i32
    %mul3A_2106 = vector.broadcast %mul3A_2105 : i32 to vector<8x1024xi32>
    %mul3A_2107 = arith.muli %iota3A_2104, %mul3A_2106 : vector<8x1024xi32>
    %add3A_2108 = vector.broadcast %add3A_2103 : i32 to vector<8x1024xi32>
    %add3A_2109 = arith.addi %add3A_2108, %mul3A_2107 : vector<8x1024xi32>
    %iota3A_2110 = tpu.iota {dimensions = array<i32: 1>} : vector<8x1024xi32>
    %add3A_2111 = arith.addi %add3A_2109, %iota3A_2110 : vector<8x1024xi32>
    %broadcast_in_dim3A_2112 = arith.constant 0 : i32
    %broadcast_in_dim3A_2113 = vector.broadcast %broadcast_in_dim3A_2112 : i32 to vector<8x1024xi32>
    %add3A_2114 = arith.constant 0 : i32
    %add3A_2115 = vector.broadcast %add3A_2114 : i32 to vector<8x1024xi32>
    %add3A_2116 = arith.addi %broadcast_in_dim3A_2113, %add3A_2115 : vector<8x1024xi32>
    %add3A_2117 = arith.constant 42 : i32
    %add3A_2118 = vector.broadcast %add3A_2117 : i32 to vector<8x1024xi32>
    %add3A_2119 = arith.addi %add3A_2111, %add3A_2118 : vector<8x1024xi32>
    %add3A_2120 = arith.addi %add3A_2116, %add3A_2119 : vector<8x1024xi32>
    %shift_left3A_2121 = arith.constant 13 : i32
    %shift_left3A_2122 = vector.broadcast %shift_left3A_2121 : i32 to vector<8x1024xi32>
    %shift_left3A_2123 = arith.shli %add3A_2119, %shift_left3A_2122 : vector<8x1024xi32>
    %shift_right_logical3A_2124 = arith.constant 19 : i32
    %shift_right_logical3A_2125 = vector.broadcast %shift_right_logical3A_2124 : i32 to vector<8x1024xi32>
    %shift_right_logical3A_2126 = arith.shrui %add3A_2119, %shift_right_logical3A_2125 : vector<8x1024xi32>
    %or3A_2127 = arith.ori %shift_left3A_2123, %shift_right_logical3A_2126 : vector<8x1024xi32>
    %xor3A_2128 = arith.xori %or3A_2127, %add3A_2120 : vector<8x1024xi32>
    %add3A_2129 = arith.addi %add3A_2120, %xor3A_2128 : vector<8x1024xi32>
    %shift_left3A_2130 = arith.constant 15 : i32
    %shift_left3A_2131 = vector.broadcast %shift_left3A_2130 : i32 to vector<8x1024xi32>
    %shift_left3A_2132 = arith.shli %xor3A_2128, %shift_left3A_2131 : vector<8x1024xi32>
    %shift_right_logical3A_2133 = arith.constant 17 : i32
    %shift_right_logical3A_2134 = vector.broadcast %shift_right_logical3A_2133 : i32 to vector<8x1024xi32>
    %shift_right_logical3A_2135 = arith.shrui %xor3A_2128, %shift_right_logical3A_2134 : vector<8x1024xi32>
    %or3A_2136 = arith.ori %shift_left3A_2132, %shift_right_logical3A_2135 : vector<8x1024xi32>
    %xor3A_2137 = arith.xori %or3A_2136, %add3A_2129 : vector<8x1024xi32>
    %add3A_2138 = arith.addi %add3A_2129, %xor3A_2137 : vector<8x1024xi32>
    %shift_left3A_2139 = arith.constant 26 : i32
    %shift_left3A_2140 = vector.broadcast %shift_left3A_2139 : i32 to vector<8x1024xi32>
    %shift_left3A_2141 = arith.shli %xor3A_2137, %shift_left3A_2140 : vector<8x1024xi32>
    %shift_right_logical3A_2142 = arith.constant 6 : i32
    %shift_right_logical3A_2143 = vector.broadcast %shift_right_logical3A_2142 : i32 to vector<8x1024xi32>
    %shift_right_logical3A_2144 = arith.shrui %xor3A_2137, %shift_right_logical3A_2143 : vector<8x1024xi32>
    %or3A_2145 = arith.ori %shift_left3A_2141, %shift_right_logical3A_2144 : vector<8x1024xi32>
    %xor3A_2146 = arith.xori %or3A_2145, %add3A_2138 : vector<8x1024xi32>
    %add3A_2147 = arith.addi %add3A_2138, %xor3A_2146 : vector<8x1024xi32>
    %shift_left3A_2148 = arith.constant 6 : i32
    %shift_left3A_2149 = vector.broadcast %shift_left3A_2148 : i32 to vector<8x1024xi32>
    %shift_left3A_2150 = arith.shli %xor3A_2146, %shift_left3A_2149 : vector<8x1024xi32>
    %shift_right_logical3A_2151 = arith.constant 26 : i32
    %shift_right_logical3A_2152 = vector.broadcast %shift_right_logical3A_2151 : i32 to vector<8x1024xi32>
    %shift_right_logical3A_2153 = arith.shrui %xor3A_2146, %shift_right_logical3A_2152 : vector<8x1024xi32>
    %or3A_2154 = arith.ori %shift_left3A_2150, %shift_right_logical3A_2153 : vector<8x1024xi32>
    %xor3A_2155 = arith.xori %or3A_2154, %add3A_2147 : vector<8x1024xi32>
    %add3A_2156 = arith.constant 42 : i32
    %add3A_2157 = vector.broadcast %add3A_2156 : i32 to vector<8x1024xi32>
    %add3A_2158 = arith.addi %add3A_2147, %add3A_2157 : vector<8x1024xi32>
    %add3A_2159 = arith.constant 466689008 : i32
    %add3A_2160 = vector.broadcast %add3A_2159 : i32 to vector<8x1024xi32>
    %add3A_2161 = arith.addi %xor3A_2155, %add3A_2160 : vector<8x1024xi32>
    %add3A_2162 = arith.constant 1 : i32
    %add3A_2163 = vector.broadcast %add3A_2162 : i32 to vector<8x1024xi32>
    %add3A_2164 = arith.addi %add3A_2161, %add3A_2163 : vector<8x1024xi32>
    %add3A_2165 = arith.addi %add3A_2158, %add3A_2164 : vector<8x1024xi32>
    %shift_left3A_2166 = arith.constant 17 : i32
    %shift_left3A_2167 = vector.broadcast %shift_left3A_2166 : i32 to vector<8x1024xi32>
    %shift_left3A_2168 = arith.shli %add3A_2164, %shift_left3A_2167 : vector<8x1024xi32>
    %shift_right_logical3A_2169 = arith.constant 15 : i32
    %shift_right_logical3A_2170 = vector.broadcast %shift_right_logical3A_2169 : i32 to vector<8x1024xi32>
    %shift_right_logical3A_2171 = arith.shrui %add3A_2164, %shift_right_logical3A_2170 : vector<8x1024xi32>
    %or3A_2172 = arith.ori %shift_left3A_2168, %shift_right_logical3A_2171 : vector<8x1024xi32>
    %xor3A_2173 = arith.xori %or3A_2172, %add3A_2165 : vector<8x1024xi32>
    %add3A_2174 = arith.addi %add3A_2165, %xor3A_2173 : vector<8x1024xi32>
    %shift_left3A_2175 = arith.constant 29 : i32
    %shift_left3A_2176 = vector.broadcast %shift_left3A_2175 : i32 to vector<8x1024xi32>
    %shift_left3A_2177 = arith.shli %xor3A_2173, %shift_left3A_2176 : vector<8x1024xi32>
    %shift_right_logical3A_2178 = arith.constant 3 : i32
    %shift_right_logical3A_2179 = vector.broadcast %shift_right_logical3A_2178 : i32 to vector<8x1024xi32>
    %shift_right_logical3A_2180 = arith.shrui %xor3A_2173, %shift_right_logical3A_2179 : vector<8x1024xi32>
    %or3A_2181 = arith.ori %shift_left3A_2177, %shift_right_logical3A_2180 : vector<8x1024xi32>
    %xor3A_2182 = arith.xori %or3A_2181, %add3A_2174 : vector<8x1024xi32>
    %add3A_2183 = arith.addi %add3A_2174, %xor3A_2182 : vector<8x1024xi32>
    %shift_left3A_2184 = arith.constant 16 : i32
    %shift_left3A_2185 = vector.broadcast %shift_left3A_2184 : i32 to vector<8x1024xi32>
    %shift_left3A_2186 = arith.shli %xor3A_2182, %shift_left3A_2185 : vector<8x1024xi32>
    %shift_right_logical3A_2187 = arith.constant 16 : i32
    %shift_right_logical3A_2188 = vector.broadcast %shift_right_logical3A_2187 : i32 to vector<8x1024xi32>
    %shift_right_logical3A_2189 = arith.shrui %xor3A_2182, %shift_right_logical3A_2188 : vector<8x1024xi32>
    %or3A_2190 = arith.ori %shift_left3A_2186, %shift_right_logical3A_2189 : vector<8x1024xi32>
    %xor3A_2191 = arith.xori %or3A_2190, %add3A_2183 : vector<8x1024xi32>
    %add3A_2192 = arith.addi %add3A_2183, %xor3A_2191 : vector<8x1024xi32>
    %shift_left3A_2193 = arith.constant 24 : i32
    %shift_left3A_2194 = vector.broadcast %shift_left3A_2193 : i32 to vector<8x1024xi32>
    %shift_left3A_2195 = arith.shli %xor3A_2191, %shift_left3A_2194 : vector<8x1024xi32>
    %shift_right_logical3A_2196 = arith.constant 8 : i32
    %shift_right_logical3A_2197 = vector.broadcast %shift_right_logical3A_2196 : i32 to vector<8x1024xi32>
    %shift_right_logical3A_2198 = arith.shrui %xor3A_2191, %shift_right_logical3A_2197 : vector<8x1024xi32>
    %or3A_2199 = arith.ori %shift_left3A_2195, %shift_right_logical3A_2198 : vector<8x1024xi32>
    %xor3A_2200 = arith.xori %or3A_2199, %add3A_2192 : vector<8x1024xi32>
    %add3A_2201 = arith.constant 466689008 : i32
    %add3A_2202 = vector.broadcast %add3A_2201 : i32 to vector<8x1024xi32>
    %add3A_2203 = arith.addi %add3A_2192, %add3A_2202 : vector<8x1024xi32>
    %add3A_2204 = arith.constant 0 : i32
    %add3A_2205 = vector.broadcast %add3A_2204 : i32 to vector<8x1024xi32>
    %add3A_2206 = arith.addi %xor3A_2200, %add3A_2205 : vector<8x1024xi32>
    %add3A_2207 = arith.constant 2 : i32
    %add3A_2208 = vector.broadcast %add3A_2207 : i32 to vector<8x1024xi32>
    %add3A_2209 = arith.addi %add3A_2206, %add3A_2208 : vector<8x1024xi32>
    %add3A_2210 = arith.addi %add3A_2203, %add3A_2209 : vector<8x1024xi32>
    %shift_left3A_2211 = arith.constant 13 : i32
    %shift_left3A_2212 = vector.broadcast %shift_left3A_2211 : i32 to vector<8x1024xi32>
    %shift_left3A_2213 = arith.shli %add3A_2209, %shift_left3A_2212 : vector<8x1024xi32>
    %shift_right_logical3A_2214 = arith.constant 19 : i32
    %shift_right_logical3A_2215 = vector.broadcast %shift_right_logical3A_2214 : i32 to vector<8x1024xi32>
    %shift_right_logical3A_2216 = arith.shrui %add3A_2209, %shift_right_logical3A_2215 : vector<8x1024xi32>
    %or3A_2217 = arith.ori %shift_left3A_2213, %shift_right_logical3A_2216 : vector<8x1024xi32>
    %xor3A_2218 = arith.xori %or3A_2217, %add3A_2210 : vector<8x1024xi32>
    %add3A_2219 = arith.addi %add3A_2210, %xor3A_2218 : vector<8x1024xi32>
    %shift_left3A_2220 = arith.constant 15 : i32
    %shift_left3A_2221 = vector.broadcast %shift_left3A_2220 : i32 to vector<8x1024xi32>
    %shift_left3A_2222 = arith.shli %xor3A_2218, %shift_left3A_2221 : vector<8x1024xi32>
    %shift_right_logical3A_2223 = arith.constant 17 : i32
    %shift_right_logical3A_2224 = vector.broadcast %shift_right_logical3A_2223 : i32 to vector<8x1024xi32>
    %shift_right_logical3A_2225 = arith.shrui %xor3A_2218, %shift_right_logical3A_2224 : vector<8x1024xi32>
    %or3A_2226 = arith.ori %shift_left3A_2222, %shift_right_logical3A_2225 : vector<8x1024xi32>
    %xor3A_2227 = arith.xori %or3A_2226, %add3A_2219 : vector<8x1024xi32>
    %add3A_2228 = arith.addi %add3A_2219, %xor3A_2227 : vector<8x1024xi32>
    %shift_left3A_2229 = arith.constant 26 : i32
    %shift_left3A_2230 = vector.broadcast %shift_left3A_2229 : i32 to vector<8x1024xi32>
    %shift_left3A_2231 = arith.shli %xor3A_2227, %shift_left3A_2230 : vector<8x1024xi32>
    %shift_right_logical3A_2232 = arith.constant 6 : i32
    %shift_right_logical3A_2233 = vector.broadcast %shift_right_logical3A_2232 : i32 to vector<8x1024xi32>
    %shift_right_logical3A_2234 = arith.shrui %xor3A_2227, %shift_right_logical3A_2233 : vector<8x1024xi32>
    %or3A_2235 = arith.ori %shift_left3A_2231, %shift_right_logical3A_2234 : vector<8x1024xi32>
    %xor3A_2236 = arith.xori %or3A_2235, %add3A_2228 : vector<8x1024xi32>
    %add3A_2237 = arith.addi %add3A_2228, %xor3A_2236 : vector<8x1024xi32>
    %shift_left3A_2238 = arith.constant 6 : i32
    %shift_left3A_2239 = vector.broadcast %shift_left3A_2238 : i32 to vector<8x1024xi32>
    %shift_left3A_2240 = arith.shli %xor3A_2236, %shift_left3A_2239 : vector<8x1024xi32>
    %shift_right_logical3A_2241 = arith.constant 26 : i32
    %shift_right_logical3A_2242 = vector.broadcast %shift_right_logical3A_2241 : i32 to vector<8x1024xi32>
    %shift_right_logical3A_2243 = arith.shrui %xor3A_2236, %shift_right_logical3A_2242 : vector<8x1024xi32>
    %or3A_2244 = arith.ori %shift_left3A_2240, %shift_right_logical3A_2243 : vector<8x1024xi32>
    %xor3A_2245 = arith.xori %or3A_2244, %add3A_2237 : vector<8x1024xi32>
    %add3A_2246 = arith.constant 0 : i32
    %add3A_2247 = vector.broadcast %add3A_2246 : i32 to vector<8x1024xi32>
    %add3A_2248 = arith.addi %add3A_2237, %add3A_2247 : vector<8x1024xi32>
    %add3A_2249 = arith.constant 42 : i32
    %add3A_2250 = vector.broadcast %add3A_2249 : i32 to vector<8x1024xi32>
    %add3A_2251 = arith.addi %xor3A_2245, %add3A_2250 : vector<8x1024xi32>
    %add3A_2252 = arith.constant 3 : i32
    %add3A_2253 = vector.broadcast %add3A_2252 : i32 to vector<8x1024xi32>
    %add3A_2254 = arith.addi %add3A_2251, %add3A_2253 : vector<8x1024xi32>
    %add3A_2255 = arith.addi %add3A_2248, %add3A_2254 : vector<8x1024xi32>
    %shift_left3A_2256 = arith.constant 17 : i32
    %shift_left3A_2257 = vector.broadcast %shift_left3A_2256 : i32 to vector<8x1024xi32>
    %shift_left3A_2258 = arith.shli %add3A_2254, %shift_left3A_2257 : vector<8x1024xi32>
    %shift_right_logical3A_2259 = arith.constant 15 : i32
    %shift_right_logical3A_2260 = vector.broadcast %shift_right_logical3A_2259 : i32 to vector<8x1024xi32>
    %shift_right_logical3A_2261 = arith.shrui %add3A_2254, %shift_right_logical3A_2260 : vector<8x1024xi32>
    %or3A_2262 = arith.ori %shift_left3A_2258, %shift_right_logical3A_2261 : vector<8x1024xi32>
    %xor3A_2263 = arith.xori %or3A_2262, %add3A_2255 : vector<8x1024xi32>
    %add3A_2264 = arith.addi %add3A_2255, %xor3A_2263 : vector<8x1024xi32>
    %shift_left3A_2265 = arith.constant 29 : i32
    %shift_left3A_2266 = vector.broadcast %shift_left3A_2265 : i32 to vector<8x1024xi32>
    %shift_left3A_2267 = arith.shli %xor3A_2263, %shift_left3A_2266 : vector<8x1024xi32>
    %shift_right_logical3A_2268 = arith.constant 3 : i32
    %shift_right_logical3A_2269 = vector.broadcast %shift_right_logical3A_2268 : i32 to vector<8x1024xi32>
    %shift_right_logical3A_2270 = arith.shrui %xor3A_2263, %shift_right_logical3A_2269 : vector<8x1024xi32>
    %or3A_2271 = arith.ori %shift_left3A_2267, %shift_right_logical3A_2270 : vector<8x1024xi32>
    %xor3A_2272 = arith.xori %or3A_2271, %add3A_2264 : vector<8x1024xi32>
    %add3A_2273 = arith.addi %add3A_2264, %xor3A_2272 : vector<8x1024xi32>
    %shift_left3A_2274 = arith.constant 16 : i32
    %shift_left3A_2275 = vector.broadcast %shift_left3A_2274 : i32 to vector<8x1024xi32>
    %shift_left3A_2276 = arith.shli %xor3A_2272, %shift_left3A_2275 : vector<8x1024xi32>
    %shift_right_logical3A_2277 = arith.constant 16 : i32
    %shift_right_logical3A_2278 = vector.broadcast %shift_right_logical3A_2277 : i32 to vector<8x1024xi32>
    %shift_right_logical3A_2279 = arith.shrui %xor3A_2272, %shift_right_logical3A_2278 : vector<8x1024xi32>
    %or3A_2280 = arith.ori %shift_left3A_2276, %shift_right_logical3A_2279 : vector<8x1024xi32>
    %xor3A_2281 = arith.xori %or3A_2280, %add3A_2273 : vector<8x1024xi32>
    %add3A_2282 = arith.addi %add3A_2273, %xor3A_2281 : vector<8x1024xi32>
    %shift_left3A_2283 = arith.constant 24 : i32
    %shift_left3A_2284 = vector.broadcast %shift_left3A_2283 : i32 to vector<8x1024xi32>
    %shift_left3A_2285 = arith.shli %xor3A_2281, %shift_left3A_2284 : vector<8x1024xi32>
    %shift_right_logical3A_2286 = arith.constant 8 : i32
    %shift_right_logical3A_2287 = vector.broadcast %shift_right_logical3A_2286 : i32 to vector<8x1024xi32>
    %shift_right_logical3A_2288 = arith.shrui %xor3A_2281, %shift_right_logical3A_2287 : vector<8x1024xi32>
    %or3A_2289 = arith.ori %shift_left3A_2285, %shift_right_logical3A_2288 : vector<8x1024xi32>
    %xor3A_2290 = arith.xori %or3A_2289, %add3A_2282 : vector<8x1024xi32>
    %add3A_2291 = arith.constant 42 : i32
    %add3A_2292 = vector.broadcast %add3A_2291 : i32 to vector<8x1024xi32>
    %add3A_2293 = arith.addi %add3A_2282, %add3A_2292 : vector<8x1024xi32>
    %add3A_2294 = arith.constant 466689008 : i32
    %add3A_2295 = vector.broadcast %add3A_2294 : i32 to vector<8x1024xi32>
    %add3A_2296 = arith.addi %xor3A_2290, %add3A_2295 : vector<8x1024xi32>
    %add3A_2297 = arith.constant 4 : i32
    %add3A_2298 = vector.broadcast %add3A_2297 : i32 to vector<8x1024xi32>
    %add3A_2299 = arith.addi %add3A_2296, %add3A_2298 : vector<8x1024xi32>
    %add3A_2300 = arith.addi %add3A_2293, %add3A_2299 : vector<8x1024xi32>
    %shift_left3A_2301 = arith.constant 13 : i32
    %shift_left3A_2302 = vector.broadcast %shift_left3A_2301 : i32 to vector<8x1024xi32>
    %shift_left3A_2303 = arith.shli %add3A_2299, %shift_left3A_2302 : vector<8x1024xi32>
    %shift_right_logical3A_2304 = arith.constant 19 : i32
    %shift_right_logical3A_2305 = vector.broadcast %shift_right_logical3A_2304 : i32 to vector<8x1024xi32>
    %shift_right_logical3A_2306 = arith.shrui %add3A_2299, %shift_right_logical3A_2305 : vector<8x1024xi32>
    %or3A_2307 = arith.ori %shift_left3A_2303, %shift_right_logical3A_2306 : vector<8x1024xi32>
    %xor3A_2308 = arith.xori %or3A_2307, %add3A_2300 : vector<8x1024xi32>
    %add3A_2309 = arith.addi %add3A_2300, %xor3A_2308 : vector<8x1024xi32>
    %shift_left3A_2310 = arith.constant 15 : i32
    %shift_left3A_2311 = vector.broadcast %shift_left3A_2310 : i32 to vector<8x1024xi32>
    %shift_left3A_2312 = arith.shli %xor3A_2308, %shift_left3A_2311 : vector<8x1024xi32>
    %shift_right_logical3A_2313 = arith.constant 17 : i32
    %shift_right_logical3A_2314 = vector.broadcast %shift_right_logical3A_2313 : i32 to vector<8x1024xi32>
    %shift_right_logical3A_2315 = arith.shrui %xor3A_2308, %shift_right_logical3A_2314 : vector<8x1024xi32>
    %or3A_2316 = arith.ori %shift_left3A_2312, %shift_right_logical3A_2315 : vector<8x1024xi32>
    %xor3A_2317 = arith.xori %or3A_2316, %add3A_2309 : vector<8x1024xi32>
    %add3A_2318 = arith.addi %add3A_2309, %xor3A_2317 : vector<8x1024xi32>
    %shift_left3A_2319 = arith.constant 26 : i32
    %shift_left3A_2320 = vector.broadcast %shift_left3A_2319 : i32 to vector<8x1024xi32>
    %shift_left3A_2321 = arith.shli %xor3A_2317, %shift_left3A_2320 : vector<8x1024xi32>
    %shift_right_logical3A_2322 = arith.constant 6 : i32
    %shift_right_logical3A_2323 = vector.broadcast %shift_right_logical3A_2322 : i32 to vector<8x1024xi32>
    %shift_right_logical3A_2324 = arith.shrui %xor3A_2317, %shift_right_logical3A_2323 : vector<8x1024xi32>
    %or3A_2325 = arith.ori %shift_left3A_2321, %shift_right_logical3A_2324 : vector<8x1024xi32>
    %xor3A_2326 = arith.xori %or3A_2325, %add3A_2318 : vector<8x1024xi32>
    %add3A_2327 = arith.addi %add3A_2318, %xor3A_2326 : vector<8x1024xi32>
    %shift_left3A_2328 = arith.constant 6 : i32
    %shift_left3A_2329 = vector.broadcast %shift_left3A_2328 : i32 to vector<8x1024xi32>
    %shift_left3A_2330 = arith.shli %xor3A_2326, %shift_left3A_2329 : vector<8x1024xi32>
    %shift_right_logical3A_2331 = arith.constant 26 : i32
    %shift_right_logical3A_2332 = vector.broadcast %shift_right_logical3A_2331 : i32 to vector<8x1024xi32>
    %shift_right_logical3A_2333 = arith.shrui %xor3A_2326, %shift_right_logical3A_2332 : vector<8x1024xi32>
    %or3A_2334 = arith.ori %shift_left3A_2330, %shift_right_logical3A_2333 : vector<8x1024xi32>
    %xor3A_2335 = arith.xori %or3A_2334, %add3A_2327 : vector<8x1024xi32>
    %add3A_2336 = arith.constant 466689008 : i32
    %add3A_2337 = vector.broadcast %add3A_2336 : i32 to vector<8x1024xi32>
    %add3A_2338 = arith.addi %add3A_2327, %add3A_2337 : vector<8x1024xi32>
    %add3A_2339 = arith.constant 0 : i32
    %add3A_2340 = vector.broadcast %add3A_2339 : i32 to vector<8x1024xi32>
    %add3A_2341 = arith.addi %xor3A_2335, %add3A_2340 : vector<8x1024xi32>
    %add3A_2342 = arith.constant 5 : i32
    %add3A_2343 = vector.broadcast %add3A_2342 : i32 to vector<8x1024xi32>
    %add3A_2344 = arith.addi %add3A_2341, %add3A_2343 : vector<8x1024xi32>
    %xor3A_2345 = arith.xori %add3A_2338, %add3A_2344 : vector<8x1024xi32>
    %shift_right_logical3A_2346 = arith.constant 31 : i32
    %shift_right_logical3A_2347 = vector.broadcast %shift_right_logical3A_2346 : i32 to vector<8x1024xi32>
    %shift_right_logical3A_2348 = arith.shrui %xor3A_2345, %shift_right_logical3A_2347 : vector<8x1024xi32>
    %eq3A_2349 = arith.constant 1 : i32
    %eq3A_2350 = vector.broadcast %eq3A_2349 : i32 to vector<8x1024xi32>
    %eq3A_2351 = arith.cmpi eq, %shift_right_logical3A_2348, %eq3A_2350 : vector<8x1024xi32>
    %get3A_2352 = arith.constant 65536 : index
    %get3A_2353 = vector.load %arg1[%get3A_2352] : memref<131072xf32, #tpu.memory_space<vmem>>, vector<8192xf32>
    %reshape3A_2354 = vector.shape_cast %get3A_2353 : vector<8192xf32> to vector<8x1024xf32>
    %mul3A_2355 = arith.constant 2.000000e+00 : f32
    %mul3A_2356 = vector.broadcast %mul3A_2355 : f32 to vector<8x1024xf32>
    %mul3A_2357 = arith.mulf %reshape3A_2354, %mul3A_2356 : vector<8x1024xf32>
    %jit3A_2358 = arith.constant 0.000000e+00 : f32
    %broadcast_in_dim3A_2359 = vector.broadcast %jit3A_2358 : f32 to vector<8x1024xf32>
    %select_n3A_2360 = arith.select %eq3A_2351, %mul3A_2357, %broadcast_in_dim3A_2359 : vector<8x1024xi1>, vector<8x1024xf32>
    %reshape3A_2361 = vector.shape_cast %select_n3A_2360 : vector<8x1024xf32> to vector<8192xf32>
    %swap3A_2362 = arith.constant 65536 : index
    %swap3A_2363 = vector.load %arg2[%swap3A_2362] : memref<131072xf32, #tpu.memory_space<vmem>>, vector<8192xf32>
    tpu.vector_store %arg2[%swap3A_2362], %reshape3A_2361 {strides = array<i32>} : memref<131072xf32, #tpu.memory_space<vmem>>, vector<8192xf32>,
    %mul3A_2364 = arith.constant 131072 : i32
    %mul3A_2365 = arith.muli %add3A_0, %mul3A_2364 : i32
    %add3A_2366 = arith.constant 73728 : i32
    %add3A_2367 = arith.addi %mul3A_2365, %add3A_2366 : i32
    %iota3A_2368 = tpu.iota {dimensions = array<i32: 0>} : vector<8x1024xi32>
    %mul3A_2369 = arith.constant 1024 : i32
    %mul3A_2370 = vector.broadcast %mul3A_2369 : i32 to vector<8x1024xi32>
    %mul3A_2371 = arith.muli %iota3A_2368, %mul3A_2370 : vector<8x1024xi32>
    %add3A_2372 = vector.broadcast %add3A_2367 : i32 to vector<8x1024xi32>
    %add3A_2373 = arith.addi %add3A_2372, %mul3A_2371 : vector<8x1024xi32>
    %iota3A_2374 = tpu.iota {dimensions = array<i32: 1>} : vector<8x1024xi32>
    %add3A_2375 = arith.addi %add3A_2373, %iota3A_2374 : vector<8x1024xi32>
    %broadcast_in_dim3A_2376 = arith.constant 0 : i32
    %broadcast_in_dim3A_2377 = vector.broadcast %broadcast_in_dim3A_2376 : i32 to vector<8x1024xi32>
    %add3A_2378 = arith.constant 0 : i32
    %add3A_2379 = vector.broadcast %add3A_2378 : i32 to vector<8x1024xi32>
    %add3A_2380 = arith.addi %broadcast_in_dim3A_2377, %add3A_2379 : vector<8x1024xi32>
    %add3A_2381 = arith.constant 42 : i32
    %add3A_2382 = vector.broadcast %add3A_2381 : i32 to vector<8x1024xi32>
    %add3A_2383 = arith.addi %add3A_2375, %add3A_2382 : vector<8x1024xi32>
    %add3A_2384 = arith.addi %add3A_2380, %add3A_2383 : vector<8x1024xi32>
    %shift_left3A_2385 = arith.constant 13 : i32
    %shift_left3A_2386 = vector.broadcast %shift_left3A_2385 : i32 to vector<8x1024xi32>
    %shift_left3A_2387 = arith.shli %add3A_2383, %shift_left3A_2386 : vector<8x1024xi32>
    %shift_right_logical3A_2388 = arith.constant 19 : i32
    %shift_right_logical3A_2389 = vector.broadcast %shift_right_logical3A_2388 : i32 to vector<8x1024xi32>
    %shift_right_logical3A_2390 = arith.shrui %add3A_2383, %shift_right_logical3A_2389 : vector<8x1024xi32>
    %or3A_2391 = arith.ori %shift_left3A_2387, %shift_right_logical3A_2390 : vector<8x1024xi32>
    %xor3A_2392 = arith.xori %or3A_2391, %add3A_2384 : vector<8x1024xi32>
    %add3A_2393 = arith.addi %add3A_2384, %xor3A_2392 : vector<8x1024xi32>
    %shift_left3A_2394 = arith.constant 15 : i32
    %shift_left3A_2395 = vector.broadcast %shift_left3A_2394 : i32 to vector<8x1024xi32>
    %shift_left3A_2396 = arith.shli %xor3A_2392, %shift_left3A_2395 : vector<8x1024xi32>
    %shift_right_logical3A_2397 = arith.constant 17 : i32
    %shift_right_logical3A_2398 = vector.broadcast %shift_right_logical3A_2397 : i32 to vector<8x1024xi32>
    %shift_right_logical3A_2399 = arith.shrui %xor3A_2392, %shift_right_logical3A_2398 : vector<8x1024xi32>
    %or3A_2400 = arith.ori %shift_left3A_2396, %shift_right_logical3A_2399 : vector<8x1024xi32>
    %xor3A_2401 = arith.xori %or3A_2400, %add3A_2393 : vector<8x1024xi32>
    %add3A_2402 = arith.addi %add3A_2393, %xor3A_2401 : vector<8x1024xi32>
    %shift_left3A_2403 = arith.constant 26 : i32
    %shift_left3A_2404 = vector.broadcast %shift_left3A_2403 : i32 to vector<8x1024xi32>
    %shift_left3A_2405 = arith.shli %xor3A_2401, %shift_left3A_2404 : vector<8x1024xi32>
    %shift_right_logical3A_2406 = arith.constant 6 : i32
    %shift_right_logical3A_2407 = vector.broadcast %shift_right_logical3A_2406 : i32 to vector<8x1024xi32>
    %shift_right_logical3A_2408 = arith.shrui %xor3A_2401, %shift_right_logical3A_2407 : vector<8x1024xi32>
    %or3A_2409 = arith.ori %shift_left3A_2405, %shift_right_logical3A_2408 : vector<8x1024xi32>
    %xor3A_2410 = arith.xori %or3A_2409, %add3A_2402 : vector<8x1024xi32>
    %add3A_2411 = arith.addi %add3A_2402, %xor3A_2410 : vector<8x1024xi32>
    %shift_left3A_2412 = arith.constant 6 : i32
    %shift_left3A_2413 = vector.broadcast %shift_left3A_2412 : i32 to vector<8x1024xi32>
    %shift_left3A_2414 = arith.shli %xor3A_2410, %shift_left3A_2413 : vector<8x1024xi32>
    %shift_right_logical3A_2415 = arith.constant 26 : i32
    %shift_right_logical3A_2416 = vector.broadcast %shift_right_logical3A_2415 : i32 to vector<8x1024xi32>
    %shift_right_logical3A_2417 = arith.shrui %xor3A_2410, %shift_right_logical3A_2416 : vector<8x1024xi32>
    %or3A_2418 = arith.ori %shift_left3A_2414, %shift_right_logical3A_2417 : vector<8x1024xi32>
    %xor3A_2419 = arith.xori %or3A_2418, %add3A_2411 : vector<8x1024xi32>
    %add3A_2420 = arith.constant 42 : i32
    %add3A_2421 = vector.broadcast %add3A_2420 : i32 to vector<8x1024xi32>
    %add3A_2422 = arith.addi %add3A_2411, %add3A_2421 : vector<8x1024xi32>
    %add3A_2423 = arith.constant 466689008 : i32
    %add3A_2424 = vector.broadcast %add3A_2423 : i32 to vector<8x1024xi32>
    %add3A_2425 = arith.addi %xor3A_2419, %add3A_2424 : vector<8x1024xi32>
    %add3A_2426 = arith.constant 1 : i32
    %add3A_2427 = vector.broadcast %add3A_2426 : i32 to vector<8x1024xi32>
    %add3A_2428 = arith.addi %add3A_2425, %add3A_2427 : vector<8x1024xi32>
    %add3A_2429 = arith.addi %add3A_2422, %add3A_2428 : vector<8x1024xi32>
    %shift_left3A_2430 = arith.constant 17 : i32
    %shift_left3A_2431 = vector.broadcast %shift_left3A_2430 : i32 to vector<8x1024xi32>
    %shift_left3A_2432 = arith.shli %add3A_2428, %shift_left3A_2431 : vector<8x1024xi32>
    %shift_right_logical3A_2433 = arith.constant 15 : i32
    %shift_right_logical3A_2434 = vector.broadcast %shift_right_logical3A_2433 : i32 to vector<8x1024xi32>
    %shift_right_logical3A_2435 = arith.shrui %add3A_2428, %shift_right_logical3A_2434 : vector<8x1024xi32>
    %or3A_2436 = arith.ori %shift_left3A_2432, %shift_right_logical3A_2435 : vector<8x1024xi32>
    %xor3A_2437 = arith.xori %or3A_2436, %add3A_2429 : vector<8x1024xi32>
    %add3A_2438 = arith.addi %add3A_2429, %xor3A_2437 : vector<8x1024xi32>
    %shift_left3A_2439 = arith.constant 29 : i32
    %shift_left3A_2440 = vector.broadcast %shift_left3A_2439 : i32 to vector<8x1024xi32>
    %shift_left3A_2441 = arith.shli %xor3A_2437, %shift_left3A_2440 : vector<8x1024xi32>
    %shift_right_logical3A_2442 = arith.constant 3 : i32
    %shift_right_logical3A_2443 = vector.broadcast %shift_right_logical3A_2442 : i32 to vector<8x1024xi32>
    %shift_right_logical3A_2444 = arith.shrui %xor3A_2437, %shift_right_logical3A_2443 : vector<8x1024xi32>
    %or3A_2445 = arith.ori %shift_left3A_2441, %shift_right_logical3A_2444 : vector<8x1024xi32>
    %xor3A_2446 = arith.xori %or3A_2445, %add3A_2438 : vector<8x1024xi32>
    %add3A_2447 = arith.addi %add3A_2438, %xor3A_2446 : vector<8x1024xi32>
    %shift_left3A_2448 = arith.constant 16 : i32
    %shift_left3A_2449 = vector.broadcast %shift_left3A_2448 : i32 to vector<8x1024xi32>
    %shift_left3A_2450 = arith.shli %xor3A_2446, %shift_left3A_2449 : vector<8x1024xi32>
    %shift_right_logical3A_2451 = arith.constant 16 : i32
    %shift_right_logical3A_2452 = vector.broadcast %shift_right_logical3A_2451 : i32 to vector<8x1024xi32>
    %shift_right_logical3A_2453 = arith.shrui %xor3A_2446, %shift_right_logical3A_2452 : vector<8x1024xi32>
    %or3A_2454 = arith.ori %shift_left3A_2450, %shift_right_logical3A_2453 : vector<8x1024xi32>
    %xor3A_2455 = arith.xori %or3A_2454, %add3A_2447 : vector<8x1024xi32>
    %add3A_2456 = arith.addi %add3A_2447, %xor3A_2455 : vector<8x1024xi32>
    %shift_left3A_2457 = arith.constant 24 : i32
    %shift_left3A_2458 = vector.broadcast %shift_left3A_2457 : i32 to vector<8x1024xi32>
    %shift_left3A_2459 = arith.shli %xor3A_2455, %shift_left3A_2458 : vector<8x1024xi32>
    %shift_right_logical3A_2460 = arith.constant 8 : i32
    %shift_right_logical3A_2461 = vector.broadcast %shift_right_logical3A_2460 : i32 to vector<8x1024xi32>
    %shift_right_logical3A_2462 = arith.shrui %xor3A_2455, %shift_right_logical3A_2461 : vector<8x1024xi32>
    %or3A_2463 = arith.ori %shift_left3A_2459, %shift_right_logical3A_2462 : vector<8x1024xi32>
    %xor3A_2464 = arith.xori %or3A_2463, %add3A_2456 : vector<8x1024xi32>
    %add3A_2465 = arith.constant 466689008 : i32
    %add3A_2466 = vector.broadcast %add3A_2465 : i32 to vector<8x1024xi32>
    %add3A_2467 = arith.addi %add3A_2456, %add3A_2466 : vector<8x1024xi32>
    %add3A_2468 = arith.constant 0 : i32
    %add3A_2469 = vector.broadcast %add3A_2468 : i32 to vector<8x1024xi32>
    %add3A_2470 = arith.addi %xor3A_2464, %add3A_2469 : vector<8x1024xi32>
    %add3A_2471 = arith.constant 2 : i32
    %add3A_2472 = vector.broadcast %add3A_2471 : i32 to vector<8x1024xi32>
    %add3A_2473 = arith.addi %add3A_2470, %add3A_2472 : vector<8x1024xi32>
    %add3A_2474 = arith.addi %add3A_2467, %add3A_2473 : vector<8x1024xi32>
    %shift_left3A_2475 = arith.constant 13 : i32
    %shift_left3A_2476 = vector.broadcast %shift_left3A_2475 : i32 to vector<8x1024xi32>
    %shift_left3A_2477 = arith.shli %add3A_2473, %shift_left3A_2476 : vector<8x1024xi32>
    %shift_right_logical3A_2478 = arith.constant 19 : i32
    %shift_right_logical3A_2479 = vector.broadcast %shift_right_logical3A_2478 : i32 to vector<8x1024xi32>
    %shift_right_logical3A_2480 = arith.shrui %add3A_2473, %shift_right_logical3A_2479 : vector<8x1024xi32>
    %or3A_2481 = arith.ori %shift_left3A_2477, %shift_right_logical3A_2480 : vector<8x1024xi32>
    %xor3A_2482 = arith.xori %or3A_2481, %add3A_2474 : vector<8x1024xi32>
    %add3A_2483 = arith.addi %add3A_2474, %xor3A_2482 : vector<8x1024xi32>
    %shift_left3A_2484 = arith.constant 15 : i32
    %shift_left3A_2485 = vector.broadcast %shift_left3A_2484 : i32 to vector<8x1024xi32>
    %shift_left3A_2486 = arith.shli %xor3A_2482, %shift_left3A_2485 : vector<8x1024xi32>
    %shift_right_logical3A_2487 = arith.constant 17 : i32
    %shift_right_logical3A_2488 = vector.broadcast %shift_right_logical3A_2487 : i32 to vector<8x1024xi32>
    %shift_right_logical3A_2489 = arith.shrui %xor3A_2482, %shift_right_logical3A_2488 : vector<8x1024xi32>
    %or3A_2490 = arith.ori %shift_left3A_2486, %shift_right_logical3A_2489 : vector<8x1024xi32>
    %xor3A_2491 = arith.xori %or3A_2490, %add3A_2483 : vector<8x1024xi32>
    %add3A_2492 = arith.addi %add3A_2483, %xor3A_2491 : vector<8x1024xi32>
    %shift_left3A_2493 = arith.constant 26 : i32
    %shift_left3A_2494 = vector.broadcast %shift_left3A_2493 : i32 to vector<8x1024xi32>
    %shift_left3A_2495 = arith.shli %xor3A_2491, %shift_left3A_2494 : vector<8x1024xi32>
    %shift_right_logical3A_2496 = arith.constant 6 : i32
    %shift_right_logical3A_2497 = vector.broadcast %shift_right_logical3A_2496 : i32 to vector<8x1024xi32>
    %shift_right_logical3A_2498 = arith.shrui %xor3A_2491, %shift_right_logical3A_2497 : vector<8x1024xi32>
    %or3A_2499 = arith.ori %shift_left3A_2495, %shift_right_logical3A_2498 : vector<8x1024xi32>
    %xor3A_2500 = arith.xori %or3A_2499, %add3A_2492 : vector<8x1024xi32>
    %add3A_2501 = arith.addi %add3A_2492, %xor3A_2500 : vector<8x1024xi32>
    %shift_left3A_2502 = arith.constant 6 : i32
    %shift_left3A_2503 = vector.broadcast %shift_left3A_2502 : i32 to vector<8x1024xi32>
    %shift_left3A_2504 = arith.shli %xor3A_2500, %shift_left3A_2503 : vector<8x1024xi32>
    %shift_right_logical3A_2505 = arith.constant 26 : i32
    %shift_right_logical3A_2506 = vector.broadcast %shift_right_logical3A_2505 : i32 to vector<8x1024xi32>
    %shift_right_logical3A_2507 = arith.shrui %xor3A_2500, %shift_right_logical3A_2506 : vector<8x1024xi32>
    %or3A_2508 = arith.ori %shift_left3A_2504, %shift_right_logical3A_2507 : vector<8x1024xi32>
    %xor3A_2509 = arith.xori %or3A_2508, %add3A_2501 : vector<8x1024xi32>
    %add3A_2510 = arith.constant 0 : i32
    %add3A_2511 = vector.broadcast %add3A_2510 : i32 to vector<8x1024xi32>
    %add3A_2512 = arith.addi %add3A_2501, %add3A_2511 : vector<8x1024xi32>
    %add3A_2513 = arith.constant 42 : i32
    %add3A_2514 = vector.broadcast %add3A_2513 : i32 to vector<8x1024xi32>
    %add3A_2515 = arith.addi %xor3A_2509, %add3A_2514 : vector<8x1024xi32>
    %add3A_2516 = arith.constant 3 : i32
    %add3A_2517 = vector.broadcast %add3A_2516 : i32 to vector<8x1024xi32>
    %add3A_2518 = arith.addi %add3A_2515, %add3A_2517 : vector<8x1024xi32>
    %add3A_2519 = arith.addi %add3A_2512, %add3A_2518 : vector<8x1024xi32>
    %shift_left3A_2520 = arith.constant 17 : i32
    %shift_left3A_2521 = vector.broadcast %shift_left3A_2520 : i32 to vector<8x1024xi32>
    %shift_left3A_2522 = arith.shli %add3A_2518, %shift_left3A_2521 : vector<8x1024xi32>
    %shift_right_logical3A_2523 = arith.constant 15 : i32
    %shift_right_logical3A_2524 = vector.broadcast %shift_right_logical3A_2523 : i32 to vector<8x1024xi32>
    %shift_right_logical3A_2525 = arith.shrui %add3A_2518, %shift_right_logical3A_2524 : vector<8x1024xi32>
    %or3A_2526 = arith.ori %shift_left3A_2522, %shift_right_logical3A_2525 : vector<8x1024xi32>
    %xor3A_2527 = arith.xori %or3A_2526, %add3A_2519 : vector<8x1024xi32>
    %add3A_2528 = arith.addi %add3A_2519, %xor3A_2527 : vector<8x1024xi32>
    %shift_left3A_2529 = arith.constant 29 : i32
    %shift_left3A_2530 = vector.broadcast %shift_left3A_2529 : i32 to vector<8x1024xi32>
    %shift_left3A_2531 = arith.shli %xor3A_2527, %shift_left3A_2530 : vector<8x1024xi32>
    %shift_right_logical3A_2532 = arith.constant 3 : i32
    %shift_right_logical3A_2533 = vector.broadcast %shift_right_logical3A_2532 : i32 to vector<8x1024xi32>
    %shift_right_logical3A_2534 = arith.shrui %xor3A_2527, %shift_right_logical3A_2533 : vector<8x1024xi32>
    %or3A_2535 = arith.ori %shift_left3A_2531, %shift_right_logical3A_2534 : vector<8x1024xi32>
    %xor3A_2536 = arith.xori %or3A_2535, %add3A_2528 : vector<8x1024xi32>
    %add3A_2537 = arith.addi %add3A_2528, %xor3A_2536 : vector<8x1024xi32>
    %shift_left3A_2538 = arith.constant 16 : i32
    %shift_left3A_2539 = vector.broadcast %shift_left3A_2538 : i32 to vector<8x1024xi32>
    %shift_left3A_2540 = arith.shli %xor3A_2536, %shift_left3A_2539 : vector<8x1024xi32>
    %shift_right_logical3A_2541 = arith.constant 16 : i32
    %shift_right_logical3A_2542 = vector.broadcast %shift_right_logical3A_2541 : i32 to vector<8x1024xi32>
    %shift_right_logical3A_2543 = arith.shrui %xor3A_2536, %shift_right_logical3A_2542 : vector<8x1024xi32>
    %or3A_2544 = arith.ori %shift_left3A_2540, %shift_right_logical3A_2543 : vector<8x1024xi32>
    %xor3A_2545 = arith.xori %or3A_2544, %add3A_2537 : vector<8x1024xi32>
    %add3A_2546 = arith.addi %add3A_2537, %xor3A_2545 : vector<8x1024xi32>
    %shift_left3A_2547 = arith.constant 24 : i32
    %shift_left3A_2548 = vector.broadcast %shift_left3A_2547 : i32 to vector<8x1024xi32>
    %shift_left3A_2549 = arith.shli %xor3A_2545, %shift_left3A_2548 : vector<8x1024xi32>
    %shift_right_logical3A_2550 = arith.constant 8 : i32
    %shift_right_logical3A_2551 = vector.broadcast %shift_right_logical3A_2550 : i32 to vector<8x1024xi32>
    %shift_right_logical3A_2552 = arith.shrui %xor3A_2545, %shift_right_logical3A_2551 : vector<8x1024xi32>
    %or3A_2553 = arith.ori %shift_left3A_2549, %shift_right_logical3A_2552 : vector<8x1024xi32>
    %xor3A_2554 = arith.xori %or3A_2553, %add3A_2546 : vector<8x1024xi32>
    %add3A_2555 = arith.constant 42 : i32
    %add3A_2556 = vector.broadcast %add3A_2555 : i32 to vector<8x1024xi32>
    %add3A_2557 = arith.addi %add3A_2546, %add3A_2556 : vector<8x1024xi32>
    %add3A_2558 = arith.constant 466689008 : i32
    %add3A_2559 = vector.broadcast %add3A_2558 : i32 to vector<8x1024xi32>
    %add3A_2560 = arith.addi %xor3A_2554, %add3A_2559 : vector<8x1024xi32>
    %add3A_2561 = arith.constant 4 : i32
    %add3A_2562 = vector.broadcast %add3A_2561 : i32 to vector<8x1024xi32>
    %add3A_2563 = arith.addi %add3A_2560, %add3A_2562 : vector<8x1024xi32>
    %add3A_2564 = arith.addi %add3A_2557, %add3A_2563 : vector<8x1024xi32>
    %shift_left3A_2565 = arith.constant 13 : i32
    %shift_left3A_2566 = vector.broadcast %shift_left3A_2565 : i32 to vector<8x1024xi32>
    %shift_left3A_2567 = arith.shli %add3A_2563, %shift_left3A_2566 : vector<8x1024xi32>
    %shift_right_logical3A_2568 = arith.constant 19 : i32
    %shift_right_logical3A_2569 = vector.broadcast %shift_right_logical3A_2568 : i32 to vector<8x1024xi32>
    %shift_right_logical3A_2570 = arith.shrui %add3A_2563, %shift_right_logical3A_2569 : vector<8x1024xi32>
    %or3A_2571 = arith.ori %shift_left3A_2567, %shift_right_logical3A_2570 : vector<8x1024xi32>
    %xor3A_2572 = arith.xori %or3A_2571, %add3A_2564 : vector<8x1024xi32>
    %add3A_2573 = arith.addi %add3A_2564, %xor3A_2572 : vector<8x1024xi32>
    %shift_left3A_2574 = arith.constant 15 : i32
    %shift_left3A_2575 = vector.broadcast %shift_left3A_2574 : i32 to vector<8x1024xi32>
    %shift_left3A_2576 = arith.shli %xor3A_2572, %shift_left3A_2575 : vector<8x1024xi32>
    %shift_right_logical3A_2577 = arith.constant 17 : i32
    %shift_right_logical3A_2578 = vector.broadcast %shift_right_logical3A_2577 : i32 to vector<8x1024xi32>
    %shift_right_logical3A_2579 = arith.shrui %xor3A_2572, %shift_right_logical3A_2578 : vector<8x1024xi32>
    %or3A_2580 = arith.ori %shift_left3A_2576, %shift_right_logical3A_2579 : vector<8x1024xi32>
    %xor3A_2581 = arith.xori %or3A_2580, %add3A_2573 : vector<8x1024xi32>
    %add3A_2582 = arith.addi %add3A_2573, %xor3A_2581 : vector<8x1024xi32>
    %shift_left3A_2583 = arith.constant 26 : i32
    %shift_left3A_2584 = vector.broadcast %shift_left3A_2583 : i32 to vector<8x1024xi32>
    %shift_left3A_2585 = arith.shli %xor3A_2581, %shift_left3A_2584 : vector<8x1024xi32>
    %shift_right_logical3A_2586 = arith.constant 6 : i32
    %shift_right_logical3A_2587 = vector.broadcast %shift_right_logical3A_2586 : i32 to vector<8x1024xi32>
    %shift_right_logical3A_2588 = arith.shrui %xor3A_2581, %shift_right_logical3A_2587 : vector<8x1024xi32>
    %or3A_2589 = arith.ori %shift_left3A_2585, %shift_right_logical3A_2588 : vector<8x1024xi32>
    %xor3A_2590 = arith.xori %or3A_2589, %add3A_2582 : vector<8x1024xi32>
    %add3A_2591 = arith.addi %add3A_2582, %xor3A_2590 : vector<8x1024xi32>
    %shift_left3A_2592 = arith.constant 6 : i32
    %shift_left3A_2593 = vector.broadcast %shift_left3A_2592 : i32 to vector<8x1024xi32>
    %shift_left3A_2594 = arith.shli %xor3A_2590, %shift_left3A_2593 : vector<8x1024xi32>
    %shift_right_logical3A_2595 = arith.constant 26 : i32
    %shift_right_logical3A_2596 = vector.broadcast %shift_right_logical3A_2595 : i32 to vector<8x1024xi32>
    %shift_right_logical3A_2597 = arith.shrui %xor3A_2590, %shift_right_logical3A_2596 : vector<8x1024xi32>
    %or3A_2598 = arith.ori %shift_left3A_2594, %shift_right_logical3A_2597 : vector<8x1024xi32>
    %xor3A_2599 = arith.xori %or3A_2598, %add3A_2591 : vector<8x1024xi32>
    %add3A_2600 = arith.constant 466689008 : i32
    %add3A_2601 = vector.broadcast %add3A_2600 : i32 to vector<8x1024xi32>
    %add3A_2602 = arith.addi %add3A_2591, %add3A_2601 : vector<8x1024xi32>
    %add3A_2603 = arith.constant 0 : i32
    %add3A_2604 = vector.broadcast %add3A_2603 : i32 to vector<8x1024xi32>
    %add3A_2605 = arith.addi %xor3A_2599, %add3A_2604 : vector<8x1024xi32>
    %add3A_2606 = arith.constant 5 : i32
    %add3A_2607 = vector.broadcast %add3A_2606 : i32 to vector<8x1024xi32>
    %add3A_2608 = arith.addi %add3A_2605, %add3A_2607 : vector<8x1024xi32>
    %xor3A_2609 = arith.xori %add3A_2602, %add3A_2608 : vector<8x1024xi32>
    %shift_right_logical3A_2610 = arith.constant 31 : i32
    %shift_right_logical3A_2611 = vector.broadcast %shift_right_logical3A_2610 : i32 to vector<8x1024xi32>
    %shift_right_logical3A_2612 = arith.shrui %xor3A_2609, %shift_right_logical3A_2611 : vector<8x1024xi32>
    %eq3A_2613 = arith.constant 1 : i32
    %eq3A_2614 = vector.broadcast %eq3A_2613 : i32 to vector<8x1024xi32>
    %eq3A_2615 = arith.cmpi eq, %shift_right_logical3A_2612, %eq3A_2614 : vector<8x1024xi32>
    %get3A_2616 = arith.constant 73728 : index
    %get3A_2617 = vector.load %arg1[%get3A_2616] : memref<131072xf32, #tpu.memory_space<vmem>>, vector<8192xf32>
    %reshape3A_2618 = vector.shape_cast %get3A_2617 : vector<8192xf32> to vector<8x1024xf32>
    %mul3A_2619 = arith.constant 2.000000e+00 : f32
    %mul3A_2620 = vector.broadcast %mul3A_2619 : f32 to vector<8x1024xf32>
    %mul3A_2621 = arith.mulf %reshape3A_2618, %mul3A_2620 : vector<8x1024xf32>
    %jit3A_2622 = arith.constant 0.000000e+00 : f32
    %broadcast_in_dim3A_2623 = vector.broadcast %jit3A_2622 : f32 to vector<8x1024xf32>
    %select_n3A_2624 = arith.select %eq3A_2615, %mul3A_2621, %broadcast_in_dim3A_2623 : vector<8x1024xi1>, vector<8x1024xf32>
    %reshape3A_2625 = vector.shape_cast %select_n3A_2624 : vector<8x1024xf32> to vector<8192xf32>
    %swap3A_2626 = arith.constant 73728 : index
    %swap3A_2627 = vector.load %arg2[%swap3A_2626] : memref<131072xf32, #tpu.memory_space<vmem>>, vector<8192xf32>
    tpu.vector_store %arg2[%swap3A_2626], %reshape3A_2625 {strides = array<i32>} : memref<131072xf32, #tpu.memory_space<vmem>>, vector<8192xf32>,
    %mul3A_2628 = arith.constant 131072 : i32
    %mul3A_2629 = arith.muli %add3A_0, %mul3A_2628 : i32
    %add3A_2630 = arith.constant 81920 : i32
    %add3A_2631 = arith.addi %mul3A_2629, %add3A_2630 : i32
    %iota3A_2632 = tpu.iota {dimensions = array<i32: 0>} : vector<8x1024xi32>
    %mul3A_2633 = arith.constant 1024 : i32
    %mul3A_2634 = vector.broadcast %mul3A_2633 : i32 to vector<8x1024xi32>
    %mul3A_2635 = arith.muli %iota3A_2632, %mul3A_2634 : vector<8x1024xi32>
    %add3A_2636 = vector.broadcast %add3A_2631 : i32 to vector<8x1024xi32>
    %add3A_2637 = arith.addi %add3A_2636, %mul3A_2635 : vector<8x1024xi32>
    %iota3A_2638 = tpu.iota {dimensions = array<i32: 1>} : vector<8x1024xi32>
    %add3A_2639 = arith.addi %add3A_2637, %iota3A_2638 : vector<8x1024xi32>
    %broadcast_in_dim3A_2640 = arith.constant 0 : i32
    %broadcast_in_dim3A_2641 = vector.broadcast %broadcast_in_dim3A_2640 : i32 to vector<8x1024xi32>
    %add3A_2642 = arith.constant 0 : i32
    %add3A_2643 = vector.broadcast %add3A_2642 : i32 to vector<8x1024xi32>
    %add3A_2644 = arith.addi %broadcast_in_dim3A_2641, %add3A_2643 : vector<8x1024xi32>
    %add3A_2645 = arith.constant 42 : i32
    %add3A_2646 = vector.broadcast %add3A_2645 : i32 to vector<8x1024xi32>
    %add3A_2647 = arith.addi %add3A_2639, %add3A_2646 : vector<8x1024xi32>
    %add3A_2648 = arith.addi %add3A_2644, %add3A_2647 : vector<8x1024xi32>
    %shift_left3A_2649 = arith.constant 13 : i32
    %shift_left3A_2650 = vector.broadcast %shift_left3A_2649 : i32 to vector<8x1024xi32>
    %shift_left3A_2651 = arith.shli %add3A_2647, %shift_left3A_2650 : vector<8x1024xi32>
    %shift_right_logical3A_2652 = arith.constant 19 : i32
    %shift_right_logical3A_2653 = vector.broadcast %shift_right_logical3A_2652 : i32 to vector<8x1024xi32>
    %shift_right_logical3A_2654 = arith.shrui %add3A_2647, %shift_right_logical3A_2653 : vector<8x1024xi32>
    %or3A_2655 = arith.ori %shift_left3A_2651, %shift_right_logical3A_2654 : vector<8x1024xi32>
    %xor3A_2656 = arith.xori %or3A_2655, %add3A_2648 : vector<8x1024xi32>
    %add3A_2657 = arith.addi %add3A_2648, %xor3A_2656 : vector<8x1024xi32>
    %shift_left3A_2658 = arith.constant 15 : i32
    %shift_left3A_2659 = vector.broadcast %shift_left3A_2658 : i32 to vector<8x1024xi32>
    %shift_left3A_2660 = arith.shli %xor3A_2656, %shift_left3A_2659 : vector<8x1024xi32>
    %shift_right_logical3A_2661 = arith.constant 17 : i32
    %shift_right_logical3A_2662 = vector.broadcast %shift_right_logical3A_2661 : i32 to vector<8x1024xi32>
    %shift_right_logical3A_2663 = arith.shrui %xor3A_2656, %shift_right_logical3A_2662 : vector<8x1024xi32>
    %or3A_2664 = arith.ori %shift_left3A_2660, %shift_right_logical3A_2663 : vector<8x1024xi32>
    %xor3A_2665 = arith.xori %or3A_2664, %add3A_2657 : vector<8x1024xi32>
    %add3A_2666 = arith.addi %add3A_2657, %xor3A_2665 : vector<8x1024xi32>
    %shift_left3A_2667 = arith.constant 26 : i32
    %shift_left3A_2668 = vector.broadcast %shift_left3A_2667 : i32 to vector<8x1024xi32>
    %shift_left3A_2669 = arith.shli %xor3A_2665, %shift_left3A_2668 : vector<8x1024xi32>
    %shift_right_logical3A_2670 = arith.constant 6 : i32
    %shift_right_logical3A_2671 = vector.broadcast %shift_right_logical3A_2670 : i32 to vector<8x1024xi32>
    %shift_right_logical3A_2672 = arith.shrui %xor3A_2665, %shift_right_logical3A_2671 : vector<8x1024xi32>
    %or3A_2673 = arith.ori %shift_left3A_2669, %shift_right_logical3A_2672 : vector<8x1024xi32>
    %xor3A_2674 = arith.xori %or3A_2673, %add3A_2666 : vector<8x1024xi32>
    %add3A_2675 = arith.addi %add3A_2666, %xor3A_2674 : vector<8x1024xi32>
    %shift_left3A_2676 = arith.constant 6 : i32
    %shift_left3A_2677 = vector.broadcast %shift_left3A_2676 : i32 to vector<8x1024xi32>
    %shift_left3A_2678 = arith.shli %xor3A_2674, %shift_left3A_2677 : vector<8x1024xi32>
    %shift_right_logical3A_2679 = arith.constant 26 : i32
    %shift_right_logical3A_2680 = vector.broadcast %shift_right_logical3A_2679 : i32 to vector<8x1024xi32>
    %shift_right_logical3A_2681 = arith.shrui %xor3A_2674, %shift_right_logical3A_2680 : vector<8x1024xi32>
    %or3A_2682 = arith.ori %shift_left3A_2678, %shift_right_logical3A_2681 : vector<8x1024xi32>
    %xor3A_2683 = arith.xori %or3A_2682, %add3A_2675 : vector<8x1024xi32>
    %add3A_2684 = arith.constant 42 : i32
    %add3A_2685 = vector.broadcast %add3A_2684 : i32 to vector<8x1024xi32>
    %add3A_2686 = arith.addi %add3A_2675, %add3A_2685 : vector<8x1024xi32>
    %add3A_2687 = arith.constant 466689008 : i32
    %add3A_2688 = vector.broadcast %add3A_2687 : i32 to vector<8x1024xi32>
    %add3A_2689 = arith.addi %xor3A_2683, %add3A_2688 : vector<8x1024xi32>
    %add3A_2690 = arith.constant 1 : i32
    %add3A_2691 = vector.broadcast %add3A_2690 : i32 to vector<8x1024xi32>
    %add3A_2692 = arith.addi %add3A_2689, %add3A_2691 : vector<8x1024xi32>
    %add3A_2693 = arith.addi %add3A_2686, %add3A_2692 : vector<8x1024xi32>
    %shift_left3A_2694 = arith.constant 17 : i32
    %shift_left3A_2695 = vector.broadcast %shift_left3A_2694 : i32 to vector<8x1024xi32>
    %shift_left3A_2696 = arith.shli %add3A_2692, %shift_left3A_2695 : vector<8x1024xi32>
    %shift_right_logical3A_2697 = arith.constant 15 : i32
    %shift_right_logical3A_2698 = vector.broadcast %shift_right_logical3A_2697 : i32 to vector<8x1024xi32>
    %shift_right_logical3A_2699 = arith.shrui %add3A_2692, %shift_right_logical3A_2698 : vector<8x1024xi32>
    %or3A_2700 = arith.ori %shift_left3A_2696, %shift_right_logical3A_2699 : vector<8x1024xi32>
    %xor3A_2701 = arith.xori %or3A_2700, %add3A_2693 : vector<8x1024xi32>
    %add3A_2702 = arith.addi %add3A_2693, %xor3A_2701 : vector<8x1024xi32>
    %shift_left3A_2703 = arith.constant 29 : i32
    %shift_left3A_2704 = vector.broadcast %shift_left3A_2703 : i32 to vector<8x1024xi32>
    %shift_left3A_2705 = arith.shli %xor3A_2701, %shift_left3A_2704 : vector<8x1024xi32>
    %shift_right_logical3A_2706 = arith.constant 3 : i32
    %shift_right_logical3A_2707 = vector.broadcast %shift_right_logical3A_2706 : i32 to vector<8x1024xi32>
    %shift_right_logical3A_2708 = arith.shrui %xor3A_2701, %shift_right_logical3A_2707 : vector<8x1024xi32>
    %or3A_2709 = arith.ori %shift_left3A_2705, %shift_right_logical3A_2708 : vector<8x1024xi32>
    %xor3A_2710 = arith.xori %or3A_2709, %add3A_2702 : vector<8x1024xi32>
    %add3A_2711 = arith.addi %add3A_2702, %xor3A_2710 : vector<8x1024xi32>
    %shift_left3A_2712 = arith.constant 16 : i32
    %shift_left3A_2713 = vector.broadcast %shift_left3A_2712 : i32 to vector<8x1024xi32>
    %shift_left3A_2714 = arith.shli %xor3A_2710, %shift_left3A_2713 : vector<8x1024xi32>
    %shift_right_logical3A_2715 = arith.constant 16 : i32
    %shift_right_logical3A_2716 = vector.broadcast %shift_right_logical3A_2715 : i32 to vector<8x1024xi32>
    %shift_right_logical3A_2717 = arith.shrui %xor3A_2710, %shift_right_logical3A_2716 : vector<8x1024xi32>
    %or3A_2718 = arith.ori %shift_left3A_2714, %shift_right_logical3A_2717 : vector<8x1024xi32>
    %xor3A_2719 = arith.xori %or3A_2718, %add3A_2711 : vector<8x1024xi32>
    %add3A_2720 = arith.addi %add3A_2711, %xor3A_2719 : vector<8x1024xi32>
    %shift_left3A_2721 = arith.constant 24 : i32
    %shift_left3A_2722 = vector.broadcast %shift_left3A_2721 : i32 to vector<8x1024xi32>
    %shift_left3A_2723 = arith.shli %xor3A_2719, %shift_left3A_2722 : vector<8x1024xi32>
    %shift_right_logical3A_2724 = arith.constant 8 : i32
    %shift_right_logical3A_2725 = vector.broadcast %shift_right_logical3A_2724 : i32 to vector<8x1024xi32>
    %shift_right_logical3A_2726 = arith.shrui %xor3A_2719, %shift_right_logical3A_2725 : vector<8x1024xi32>
    %or3A_2727 = arith.ori %shift_left3A_2723, %shift_right_logical3A_2726 : vector<8x1024xi32>
    %xor3A_2728 = arith.xori %or3A_2727, %add3A_2720 : vector<8x1024xi32>
    %add3A_2729 = arith.constant 466689008 : i32
    %add3A_2730 = vector.broadcast %add3A_2729 : i32 to vector<8x1024xi32>
    %add3A_2731 = arith.addi %add3A_2720, %add3A_2730 : vector<8x1024xi32>
    %add3A_2732 = arith.constant 0 : i32
    %add3A_2733 = vector.broadcast %add3A_2732 : i32 to vector<8x1024xi32>
    %add3A_2734 = arith.addi %xor3A_2728, %add3A_2733 : vector<8x1024xi32>
    %add3A_2735 = arith.constant 2 : i32
    %add3A_2736 = vector.broadcast %add3A_2735 : i32 to vector<8x1024xi32>
    %add3A_2737 = arith.addi %add3A_2734, %add3A_2736 : vector<8x1024xi32>
    %add3A_2738 = arith.addi %add3A_2731, %add3A_2737 : vector<8x1024xi32>
    %shift_left3A_2739 = arith.constant 13 : i32
    %shift_left3A_2740 = vector.broadcast %shift_left3A_2739 : i32 to vector<8x1024xi32>
    %shift_left3A_2741 = arith.shli %add3A_2737, %shift_left3A_2740 : vector<8x1024xi32>
    %shift_right_logical3A_2742 = arith.constant 19 : i32
    %shift_right_logical3A_2743 = vector.broadcast %shift_right_logical3A_2742 : i32 to vector<8x1024xi32>
    %shift_right_logical3A_2744 = arith.shrui %add3A_2737, %shift_right_logical3A_2743 : vector<8x1024xi32>
    %or3A_2745 = arith.ori %shift_left3A_2741, %shift_right_logical3A_2744 : vector<8x1024xi32>
    %xor3A_2746 = arith.xori %or3A_2745, %add3A_2738 : vector<8x1024xi32>
    %add3A_2747 = arith.addi %add3A_2738, %xor3A_2746 : vector<8x1024xi32>
    %shift_left3A_2748 = arith.constant 15 : i32
    %shift_left3A_2749 = vector.broadcast %shift_left3A_2748 : i32 to vector<8x1024xi32>
    %shift_left3A_2750 = arith.shli %xor3A_2746, %shift_left3A_2749 : vector<8x1024xi32>
    %shift_right_logical3A_2751 = arith.constant 17 : i32
    %shift_right_logical3A_2752 = vector.broadcast %shift_right_logical3A_2751 : i32 to vector<8x1024xi32>
    %shift_right_logical3A_2753 = arith.shrui %xor3A_2746, %shift_right_logical3A_2752 : vector<8x1024xi32>
    %or3A_2754 = arith.ori %shift_left3A_2750, %shift_right_logical3A_2753 : vector<8x1024xi32>
    %xor3A_2755 = arith.xori %or3A_2754, %add3A_2747 : vector<8x1024xi32>
    %add3A_2756 = arith.addi %add3A_2747, %xor3A_2755 : vector<8x1024xi32>
    %shift_left3A_2757 = arith.constant 26 : i32
    %shift_left3A_2758 = vector.broadcast %shift_left3A_2757 : i32 to vector<8x1024xi32>
    %shift_left3A_2759 = arith.shli %xor3A_2755, %shift_left3A_2758 : vector<8x1024xi32>
    %shift_right_logical3A_2760 = arith.constant 6 : i32
    %shift_right_logical3A_2761 = vector.broadcast %shift_right_logical3A_2760 : i32 to vector<8x1024xi32>
    %shift_right_logical3A_2762 = arith.shrui %xor3A_2755, %shift_right_logical3A_2761 : vector<8x1024xi32>
    %or3A_2763 = arith.ori %shift_left3A_2759, %shift_right_logical3A_2762 : vector<8x1024xi32>
    %xor3A_2764 = arith.xori %or3A_2763, %add3A_2756 : vector<8x1024xi32>
    %add3A_2765 = arith.addi %add3A_2756, %xor3A_2764 : vector<8x1024xi32>
    %shift_left3A_2766 = arith.constant 6 : i32
    %shift_left3A_2767 = vector.broadcast %shift_left3A_2766 : i32 to vector<8x1024xi32>
    %shift_left3A_2768 = arith.shli %xor3A_2764, %shift_left3A_2767 : vector<8x1024xi32>
    %shift_right_logical3A_2769 = arith.constant 26 : i32
    %shift_right_logical3A_2770 = vector.broadcast %shift_right_logical3A_2769 : i32 to vector<8x1024xi32>
    %shift_right_logical3A_2771 = arith.shrui %xor3A_2764, %shift_right_logical3A_2770 : vector<8x1024xi32>
    %or3A_2772 = arith.ori %shift_left3A_2768, %shift_right_logical3A_2771 : vector<8x1024xi32>
    %xor3A_2773 = arith.xori %or3A_2772, %add3A_2765 : vector<8x1024xi32>
    %add3A_2774 = arith.constant 0 : i32
    %add3A_2775 = vector.broadcast %add3A_2774 : i32 to vector<8x1024xi32>
    %add3A_2776 = arith.addi %add3A_2765, %add3A_2775 : vector<8x1024xi32>
    %add3A_2777 = arith.constant 42 : i32
    %add3A_2778 = vector.broadcast %add3A_2777 : i32 to vector<8x1024xi32>
    %add3A_2779 = arith.addi %xor3A_2773, %add3A_2778 : vector<8x1024xi32>
    %add3A_2780 = arith.constant 3 : i32
    %add3A_2781 = vector.broadcast %add3A_2780 : i32 to vector<8x1024xi32>
    %add3A_2782 = arith.addi %add3A_2779, %add3A_2781 : vector<8x1024xi32>
    %add3A_2783 = arith.addi %add3A_2776, %add3A_2782 : vector<8x1024xi32>
    %shift_left3A_2784 = arith.constant 17 : i32
    %shift_left3A_2785 = vector.broadcast %shift_left3A_2784 : i32 to vector<8x1024xi32>
    %shift_left3A_2786 = arith.shli %add3A_2782, %shift_left3A_2785 : vector<8x1024xi32>
    %shift_right_logical3A_2787 = arith.constant 15 : i32
    %shift_right_logical3A_2788 = vector.broadcast %shift_right_logical3A_2787 : i32 to vector<8x1024xi32>
    %shift_right_logical3A_2789 = arith.shrui %add3A_2782, %shift_right_logical3A_2788 : vector<8x1024xi32>
    %or3A_2790 = arith.ori %shift_left3A_2786, %shift_right_logical3A_2789 : vector<8x1024xi32>
    %xor3A_2791 = arith.xori %or3A_2790, %add3A_2783 : vector<8x1024xi32>
    %add3A_2792 = arith.addi %add3A_2783, %xor3A_2791 : vector<8x1024xi32>
    %shift_left3A_2793 = arith.constant 29 : i32
    %shift_left3A_2794 = vector.broadcast %shift_left3A_2793 : i32 to vector<8x1024xi32>
    %shift_left3A_2795 = arith.shli %xor3A_2791, %shift_left3A_2794 : vector<8x1024xi32>
    %shift_right_logical3A_2796 = arith.constant 3 : i32
    %shift_right_logical3A_2797 = vector.broadcast %shift_right_logical3A_2796 : i32 to vector<8x1024xi32>
    %shift_right_logical3A_2798 = arith.shrui %xor3A_2791, %shift_right_logical3A_2797 : vector<8x1024xi32>
    %or3A_2799 = arith.ori %shift_left3A_2795, %shift_right_logical3A_2798 : vector<8x1024xi32>
    %xor3A_2800 = arith.xori %or3A_2799, %add3A_2792 : vector<8x1024xi32>
    %add3A_2801 = arith.addi %add3A_2792, %xor3A_2800 : vector<8x1024xi32>
    %shift_left3A_2802 = arith.constant 16 : i32
    %shift_left3A_2803 = vector.broadcast %shift_left3A_2802 : i32 to vector<8x1024xi32>
    %shift_left3A_2804 = arith.shli %xor3A_2800, %shift_left3A_2803 : vector<8x1024xi32>
    %shift_right_logical3A_2805 = arith.constant 16 : i32
    %shift_right_logical3A_2806 = vector.broadcast %shift_right_logical3A_2805 : i32 to vector<8x1024xi32>
    %shift_right_logical3A_2807 = arith.shrui %xor3A_2800, %shift_right_logical3A_2806 : vector<8x1024xi32>
    %or3A_2808 = arith.ori %shift_left3A_2804, %shift_right_logical3A_2807 : vector<8x1024xi32>
    %xor3A_2809 = arith.xori %or3A_2808, %add3A_2801 : vector<8x1024xi32>
    %add3A_2810 = arith.addi %add3A_2801, %xor3A_2809 : vector<8x1024xi32>
    %shift_left3A_2811 = arith.constant 24 : i32
    %shift_left3A_2812 = vector.broadcast %shift_left3A_2811 : i32 to vector<8x1024xi32>
    %shift_left3A_2813 = arith.shli %xor3A_2809, %shift_left3A_2812 : vector<8x1024xi32>
    %shift_right_logical3A_2814 = arith.constant 8 : i32
    %shift_right_logical3A_2815 = vector.broadcast %shift_right_logical3A_2814 : i32 to vector<8x1024xi32>
    %shift_right_logical3A_2816 = arith.shrui %xor3A_2809, %shift_right_logical3A_2815 : vector<8x1024xi32>
    %or3A_2817 = arith.ori %shift_left3A_2813, %shift_right_logical3A_2816 : vector<8x1024xi32>
    %xor3A_2818 = arith.xori %or3A_2817, %add3A_2810 : vector<8x1024xi32>
    %add3A_2819 = arith.constant 42 : i32
    %add3A_2820 = vector.broadcast %add3A_2819 : i32 to vector<8x1024xi32>
    %add3A_2821 = arith.addi %add3A_2810, %add3A_2820 : vector<8x1024xi32>
    %add3A_2822 = arith.constant 466689008 : i32
    %add3A_2823 = vector.broadcast %add3A_2822 : i32 to vector<8x1024xi32>
    %add3A_2824 = arith.addi %xor3A_2818, %add3A_2823 : vector<8x1024xi32>
    %add3A_2825 = arith.constant 4 : i32
    %add3A_2826 = vector.broadcast %add3A_2825 : i32 to vector<8x1024xi32>
    %add3A_2827 = arith.addi %add3A_2824, %add3A_2826 : vector<8x1024xi32>
    %add3A_2828 = arith.addi %add3A_2821, %add3A_2827 : vector<8x1024xi32>
    %shift_left3A_2829 = arith.constant 13 : i32
    %shift_left3A_2830 = vector.broadcast %shift_left3A_2829 : i32 to vector<8x1024xi32>
    %shift_left3A_2831 = arith.shli %add3A_2827, %shift_left3A_2830 : vector<8x1024xi32>
    %shift_right_logical3A_2832 = arith.constant 19 : i32
    %shift_right_logical3A_2833 = vector.broadcast %shift_right_logical3A_2832 : i32 to vector<8x1024xi32>
    %shift_right_logical3A_2834 = arith.shrui %add3A_2827, %shift_right_logical3A_2833 : vector<8x1024xi32>
    %or3A_2835 = arith.ori %shift_left3A_2831, %shift_right_logical3A_2834 : vector<8x1024xi32>
    %xor3A_2836 = arith.xori %or3A_2835, %add3A_2828 : vector<8x1024xi32>
    %add3A_2837 = arith.addi %add3A_2828, %xor3A_2836 : vector<8x1024xi32>
    %shift_left3A_2838 = arith.constant 15 : i32
    %shift_left3A_2839 = vector.broadcast %shift_left3A_2838 : i32 to vector<8x1024xi32>
    %shift_left3A_2840 = arith.shli %xor3A_2836, %shift_left3A_2839 : vector<8x1024xi32>
    %shift_right_logical3A_2841 = arith.constant 17 : i32
    %shift_right_logical3A_2842 = vector.broadcast %shift_right_logical3A_2841 : i32 to vector<8x1024xi32>
    %shift_right_logical3A_2843 = arith.shrui %xor3A_2836, %shift_right_logical3A_2842 : vector<8x1024xi32>
    %or3A_2844 = arith.ori %shift_left3A_2840, %shift_right_logical3A_2843 : vector<8x1024xi32>
    %xor3A_2845 = arith.xori %or3A_2844, %add3A_2837 : vector<8x1024xi32>
    %add3A_2846 = arith.addi %add3A_2837, %xor3A_2845 : vector<8x1024xi32>
    %shift_left3A_2847 = arith.constant 26 : i32
    %shift_left3A_2848 = vector.broadcast %shift_left3A_2847 : i32 to vector<8x1024xi32>
    %shift_left3A_2849 = arith.shli %xor3A_2845, %shift_left3A_2848 : vector<8x1024xi32>
    %shift_right_logical3A_2850 = arith.constant 6 : i32
    %shift_right_logical3A_2851 = vector.broadcast %shift_right_logical3A_2850 : i32 to vector<8x1024xi32>
    %shift_right_logical3A_2852 = arith.shrui %xor3A_2845, %shift_right_logical3A_2851 : vector<8x1024xi32>
    %or3A_2853 = arith.ori %shift_left3A_2849, %shift_right_logical3A_2852 : vector<8x1024xi32>
    %xor3A_2854 = arith.xori %or3A_2853, %add3A_2846 : vector<8x1024xi32>
    %add3A_2855 = arith.addi %add3A_2846, %xor3A_2854 : vector<8x1024xi32>
    %shift_left3A_2856 = arith.constant 6 : i32
    %shift_left3A_2857 = vector.broadcast %shift_left3A_2856 : i32 to vector<8x1024xi32>
    %shift_left3A_2858 = arith.shli %xor3A_2854, %shift_left3A_2857 : vector<8x1024xi32>
    %shift_right_logical3A_2859 = arith.constant 26 : i32
    %shift_right_logical3A_2860 = vector.broadcast %shift_right_logical3A_2859 : i32 to vector<8x1024xi32>
    %shift_right_logical3A_2861 = arith.shrui %xor3A_2854, %shift_right_logical3A_2860 : vector<8x1024xi32>
    %or3A_2862 = arith.ori %shift_left3A_2858, %shift_right_logical3A_2861 : vector<8x1024xi32>
    %xor3A_2863 = arith.xori %or3A_2862, %add3A_2855 : vector<8x1024xi32>
    %add3A_2864 = arith.constant 466689008 : i32
    %add3A_2865 = vector.broadcast %add3A_2864 : i32 to vector<8x1024xi32>
    %add3A_2866 = arith.addi %add3A_2855, %add3A_2865 : vector<8x1024xi32>
    %add3A_2867 = arith.constant 0 : i32
    %add3A_2868 = vector.broadcast %add3A_2867 : i32 to vector<8x1024xi32>
    %add3A_2869 = arith.addi %xor3A_2863, %add3A_2868 : vector<8x1024xi32>
    %add3A_2870 = arith.constant 5 : i32
    %add3A_2871 = vector.broadcast %add3A_2870 : i32 to vector<8x1024xi32>
    %add3A_2872 = arith.addi %add3A_2869, %add3A_2871 : vector<8x1024xi32>
    %xor3A_2873 = arith.xori %add3A_2866, %add3A_2872 : vector<8x1024xi32>
    %shift_right_logical3A_2874 = arith.constant 31 : i32
    %shift_right_logical3A_2875 = vector.broadcast %shift_right_logical3A_2874 : i32 to vector<8x1024xi32>
    %shift_right_logical3A_2876 = arith.shrui %xor3A_2873, %shift_right_logical3A_2875 : vector<8x1024xi32>
    %eq3A_2877 = arith.constant 1 : i32
    %eq3A_2878 = vector.broadcast %eq3A_2877 : i32 to vector<8x1024xi32>
    %eq3A_2879 = arith.cmpi eq, %shift_right_logical3A_2876, %eq3A_2878 : vector<8x1024xi32>
    %get3A_2880 = arith.constant 81920 : index
    %get3A_2881 = vector.load %arg1[%get3A_2880] : memref<131072xf32, #tpu.memory_space<vmem>>, vector<8192xf32>
    %reshape3A_2882 = vector.shape_cast %get3A_2881 : vector<8192xf32> to vector<8x1024xf32>
    %mul3A_2883 = arith.constant 2.000000e+00 : f32
    %mul3A_2884 = vector.broadcast %mul3A_2883 : f32 to vector<8x1024xf32>
    %mul3A_2885 = arith.mulf %reshape3A_2882, %mul3A_2884 : vector<8x1024xf32>
    %jit3A_2886 = arith.constant 0.000000e+00 : f32
    %broadcast_in_dim3A_2887 = vector.broadcast %jit3A_2886 : f32 to vector<8x1024xf32>
    %select_n3A_2888 = arith.select %eq3A_2879, %mul3A_2885, %broadcast_in_dim3A_2887 : vector<8x1024xi1>, vector<8x1024xf32>
    %reshape3A_2889 = vector.shape_cast %select_n3A_2888 : vector<8x1024xf32> to vector<8192xf32>
    %swap3A_2890 = arith.constant 81920 : index
    %swap3A_2891 = vector.load %arg2[%swap3A_2890] : memref<131072xf32, #tpu.memory_space<vmem>>, vector<8192xf32>
    tpu.vector_store %arg2[%swap3A_2890], %reshape3A_2889 {strides = array<i32>} : memref<131072xf32, #tpu.memory_space<vmem>>, vector<8192xf32>,
    %mul3A_2892 = arith.constant 131072 : i32
    %mul3A_2893 = arith.muli %add3A_0, %mul3A_2892 : i32
    %add3A_2894 = arith.constant 90112 : i32
    %add3A_2895 = arith.addi %mul3A_2893, %add3A_2894 : i32
    %iota3A_2896 = tpu.iota {dimensions = array<i32: 0>} : vector<8x1024xi32>
    %mul3A_2897 = arith.constant 1024 : i32
    %mul3A_2898 = vector.broadcast %mul3A_2897 : i32 to vector<8x1024xi32>
    %mul3A_2899 = arith.muli %iota3A_2896, %mul3A_2898 : vector<8x1024xi32>
    %add3A_2900 = vector.broadcast %add3A_2895 : i32 to vector<8x1024xi32>
    %add3A_2901 = arith.addi %add3A_2900, %mul3A_2899 : vector<8x1024xi32>
    %iota3A_2902 = tpu.iota {dimensions = array<i32: 1>} : vector<8x1024xi32>
    %add3A_2903 = arith.addi %add3A_2901, %iota3A_2902 : vector<8x1024xi32>
    %broadcast_in_dim3A_2904 = arith.constant 0 : i32
    %broadcast_in_dim3A_2905 = vector.broadcast %broadcast_in_dim3A_2904 : i32 to vector<8x1024xi32>
    %add3A_2906 = arith.constant 0 : i32
    %add3A_2907 = vector.broadcast %add3A_2906 : i32 to vector<8x1024xi32>
    %add3A_2908 = arith.addi %broadcast_in_dim3A_2905, %add3A_2907 : vector<8x1024xi32>
    %add3A_2909 = arith.constant 42 : i32
    %add3A_2910 = vector.broadcast %add3A_2909 : i32 to vector<8x1024xi32>
    %add3A_2911 = arith.addi %add3A_2903, %add3A_2910 : vector<8x1024xi32>
    %add3A_2912 = arith.addi %add3A_2908, %add3A_2911 : vector<8x1024xi32>
    %shift_left3A_2913 = arith.constant 13 : i32
    %shift_left3A_2914 = vector.broadcast %shift_left3A_2913 : i32 to vector<8x1024xi32>
    %shift_left3A_2915 = arith.shli %add3A_2911, %shift_left3A_2914 : vector<8x1024xi32>
    %shift_right_logical3A_2916 = arith.constant 19 : i32
    %shift_right_logical3A_2917 = vector.broadcast %shift_right_logical3A_2916 : i32 to vector<8x1024xi32>
    %shift_right_logical3A_2918 = arith.shrui %add3A_2911, %shift_right_logical3A_2917 : vector<8x1024xi32>
    %or3A_2919 = arith.ori %shift_left3A_2915, %shift_right_logical3A_2918 : vector<8x1024xi32>
    %xor3A_2920 = arith.xori %or3A_2919, %add3A_2912 : vector<8x1024xi32>
    %add3A_2921 = arith.addi %add3A_2912, %xor3A_2920 : vector<8x1024xi32>
    %shift_left3A_2922 = arith.constant 15 : i32
    %shift_left3A_2923 = vector.broadcast %shift_left3A_2922 : i32 to vector<8x1024xi32>
    %shift_left3A_2924 = arith.shli %xor3A_2920, %shift_left3A_2923 : vector<8x1024xi32>
    %shift_right_logical3A_2925 = arith.constant 17 : i32
    %shift_right_logical3A_2926 = vector.broadcast %shift_right_logical3A_2925 : i32 to vector<8x1024xi32>
    %shift_right_logical3A_2927 = arith.shrui %xor3A_2920, %shift_right_logical3A_2926 : vector<8x1024xi32>
    %or3A_2928 = arith.ori %shift_left3A_2924, %shift_right_logical3A_2927 : vector<8x1024xi32>
    %xor3A_2929 = arith.xori %or3A_2928, %add3A_2921 : vector<8x1024xi32>
    %add3A_2930 = arith.addi %add3A_2921, %xor3A_2929 : vector<8x1024xi32>
    %shift_left3A_2931 = arith.constant 26 : i32
    %shift_left3A_2932 = vector.broadcast %shift_left3A_2931 : i32 to vector<8x1024xi32>
    %shift_left3A_2933 = arith.shli %xor3A_2929, %shift_left3A_2932 : vector<8x1024xi32>
    %shift_right_logical3A_2934 = arith.constant 6 : i32
    %shift_right_logical3A_2935 = vector.broadcast %shift_right_logical3A_2934 : i32 to vector<8x1024xi32>
    %shift_right_logical3A_2936 = arith.shrui %xor3A_2929, %shift_right_logical3A_2935 : vector<8x1024xi32>
    %or3A_2937 = arith.ori %shift_left3A_2933, %shift_right_logical3A_2936 : vector<8x1024xi32>
    %xor3A_2938 = arith.xori %or3A_2937, %add3A_2930 : vector<8x1024xi32>
    %add3A_2939 = arith.addi %add3A_2930, %xor3A_2938 : vector<8x1024xi32>
    %shift_left3A_2940 = arith.constant 6 : i32
    %shift_left3A_2941 = vector.broadcast %shift_left3A_2940 : i32 to vector<8x1024xi32>
    %shift_left3A_2942 = arith.shli %xor3A_2938, %shift_left3A_2941 : vector<8x1024xi32>
    %shift_right_logical3A_2943 = arith.constant 26 : i32
    %shift_right_logical3A_2944 = vector.broadcast %shift_right_logical3A_2943 : i32 to vector<8x1024xi32>
    %shift_right_logical3A_2945 = arith.shrui %xor3A_2938, %shift_right_logical3A_2944 : vector<8x1024xi32>
    %or3A_2946 = arith.ori %shift_left3A_2942, %shift_right_logical3A_2945 : vector<8x1024xi32>
    %xor3A_2947 = arith.xori %or3A_2946, %add3A_2939 : vector<8x1024xi32>
    %add3A_2948 = arith.constant 42 : i32
    %add3A_2949 = vector.broadcast %add3A_2948 : i32 to vector<8x1024xi32>
    %add3A_2950 = arith.addi %add3A_2939, %add3A_2949 : vector<8x1024xi32>
    %add3A_2951 = arith.constant 466689008 : i32
    %add3A_2952 = vector.broadcast %add3A_2951 : i32 to vector<8x1024xi32>
    %add3A_2953 = arith.addi %xor3A_2947, %add3A_2952 : vector<8x1024xi32>
    %add3A_2954 = arith.constant 1 : i32
    %add3A_2955 = vector.broadcast %add3A_2954 : i32 to vector<8x1024xi32>
    %add3A_2956 = arith.addi %add3A_2953, %add3A_2955 : vector<8x1024xi32>
    %add3A_2957 = arith.addi %add3A_2950, %add3A_2956 : vector<8x1024xi32>
    %shift_left3A_2958 = arith.constant 17 : i32
    %shift_left3A_2959 = vector.broadcast %shift_left3A_2958 : i32 to vector<8x1024xi32>
    %shift_left3A_2960 = arith.shli %add3A_2956, %shift_left3A_2959 : vector<8x1024xi32>
    %shift_right_logical3A_2961 = arith.constant 15 : i32
    %shift_right_logical3A_2962 = vector.broadcast %shift_right_logical3A_2961 : i32 to vector<8x1024xi32>
    %shift_right_logical3A_2963 = arith.shrui %add3A_2956, %shift_right_logical3A_2962 : vector<8x1024xi32>
    %or3A_2964 = arith.ori %shift_left3A_2960, %shift_right_logical3A_2963 : vector<8x1024xi32>
    %xor3A_2965 = arith.xori %or3A_2964, %add3A_2957 : vector<8x1024xi32>
    %add3A_2966 = arith.addi %add3A_2957, %xor3A_2965 : vector<8x1024xi32>
    %shift_left3A_2967 = arith.constant 29 : i32
    %shift_left3A_2968 = vector.broadcast %shift_left3A_2967 : i32 to vector<8x1024xi32>
    %shift_left3A_2969 = arith.shli %xor3A_2965, %shift_left3A_2968 : vector<8x1024xi32>
    %shift_right_logical3A_2970 = arith.constant 3 : i32
    %shift_right_logical3A_2971 = vector.broadcast %shift_right_logical3A_2970 : i32 to vector<8x1024xi32>
    %shift_right_logical3A_2972 = arith.shrui %xor3A_2965, %shift_right_logical3A_2971 : vector<8x1024xi32>
    %or3A_2973 = arith.ori %shift_left3A_2969, %shift_right_logical3A_2972 : vector<8x1024xi32>
    %xor3A_2974 = arith.xori %or3A_2973, %add3A_2966 : vector<8x1024xi32>
    %add3A_2975 = arith.addi %add3A_2966, %xor3A_2974 : vector<8x1024xi32>
    %shift_left3A_2976 = arith.constant 16 : i32
    %shift_left3A_2977 = vector.broadcast %shift_left3A_2976 : i32 to vector<8x1024xi32>
    %shift_left3A_2978 = arith.shli %xor3A_2974, %shift_left3A_2977 : vector<8x1024xi32>
    %shift_right_logical3A_2979 = arith.constant 16 : i32
    %shift_right_logical3A_2980 = vector.broadcast %shift_right_logical3A_2979 : i32 to vector<8x1024xi32>
    %shift_right_logical3A_2981 = arith.shrui %xor3A_2974, %shift_right_logical3A_2980 : vector<8x1024xi32>
    %or3A_2982 = arith.ori %shift_left3A_2978, %shift_right_logical3A_2981 : vector<8x1024xi32>
    %xor3A_2983 = arith.xori %or3A_2982, %add3A_2975 : vector<8x1024xi32>
    %add3A_2984 = arith.addi %add3A_2975, %xor3A_2983 : vector<8x1024xi32>
    %shift_left3A_2985 = arith.constant 24 : i32
    %shift_left3A_2986 = vector.broadcast %shift_left3A_2985 : i32 to vector<8x1024xi32>
    %shift_left3A_2987 = arith.shli %xor3A_2983, %shift_left3A_2986 : vector<8x1024xi32>
    %shift_right_logical3A_2988 = arith.constant 8 : i32
    %shift_right_logical3A_2989 = vector.broadcast %shift_right_logical3A_2988 : i32 to vector<8x1024xi32>
    %shift_right_logical3A_2990 = arith.shrui %xor3A_2983, %shift_right_logical3A_2989 : vector<8x1024xi32>
    %or3A_2991 = arith.ori %shift_left3A_2987, %shift_right_logical3A_2990 : vector<8x1024xi32>
    %xor3A_2992 = arith.xori %or3A_2991, %add3A_2984 : vector<8x1024xi32>
    %add3A_2993 = arith.constant 466689008 : i32
    %add3A_2994 = vector.broadcast %add3A_2993 : i32 to vector<8x1024xi32>
    %add3A_2995 = arith.addi %add3A_2984, %add3A_2994 : vector<8x1024xi32>
    %add3A_2996 = arith.constant 0 : i32
    %add3A_2997 = vector.broadcast %add3A_2996 : i32 to vector<8x1024xi32>
    %add3A_2998 = arith.addi %xor3A_2992, %add3A_2997 : vector<8x1024xi32>
    %add3A_2999 = arith.constant 2 : i32
    %add3A_3000 = vector.broadcast %add3A_2999 : i32 to vector<8x1024xi32>
    %add3A_3001 = arith.addi %add3A_2998, %add3A_3000 : vector<8x1024xi32>
    %add3A_3002 = arith.addi %add3A_2995, %add3A_3001 : vector<8x1024xi32>
    %shift_left3A_3003 = arith.constant 13 : i32
    %shift_left3A_3004 = vector.broadcast %shift_left3A_3003 : i32 to vector<8x1024xi32>
    %shift_left3A_3005 = arith.shli %add3A_3001, %shift_left3A_3004 : vector<8x1024xi32>
    %shift_right_logical3A_3006 = arith.constant 19 : i32
    %shift_right_logical3A_3007 = vector.broadcast %shift_right_logical3A_3006 : i32 to vector<8x1024xi32>
    %shift_right_logical3A_3008 = arith.shrui %add3A_3001, %shift_right_logical3A_3007 : vector<8x1024xi32>
    %or3A_3009 = arith.ori %shift_left3A_3005, %shift_right_logical3A_3008 : vector<8x1024xi32>
    %xor3A_3010 = arith.xori %or3A_3009, %add3A_3002 : vector<8x1024xi32>
    %add3A_3011 = arith.addi %add3A_3002, %xor3A_3010 : vector<8x1024xi32>
    %shift_left3A_3012 = arith.constant 15 : i32
    %shift_left3A_3013 = vector.broadcast %shift_left3A_3012 : i32 to vector<8x1024xi32>
    %shift_left3A_3014 = arith.shli %xor3A_3010, %shift_left3A_3013 : vector<8x1024xi32>
    %shift_right_logical3A_3015 = arith.constant 17 : i32
    %shift_right_logical3A_3016 = vector.broadcast %shift_right_logical3A_3015 : i32 to vector<8x1024xi32>
    %shift_right_logical3A_3017 = arith.shrui %xor3A_3010, %shift_right_logical3A_3016 : vector<8x1024xi32>
    %or3A_3018 = arith.ori %shift_left3A_3014, %shift_right_logical3A_3017 : vector<8x1024xi32>
    %xor3A_3019 = arith.xori %or3A_3018, %add3A_3011 : vector<8x1024xi32>
    %add3A_3020 = arith.addi %add3A_3011, %xor3A_3019 : vector<8x1024xi32>
    %shift_left3A_3021 = arith.constant 26 : i32
    %shift_left3A_3022 = vector.broadcast %shift_left3A_3021 : i32 to vector<8x1024xi32>
    %shift_left3A_3023 = arith.shli %xor3A_3019, %shift_left3A_3022 : vector<8x1024xi32>
    %shift_right_logical3A_3024 = arith.constant 6 : i32
    %shift_right_logical3A_3025 = vector.broadcast %shift_right_logical3A_3024 : i32 to vector<8x1024xi32>
    %shift_right_logical3A_3026 = arith.shrui %xor3A_3019, %shift_right_logical3A_3025 : vector<8x1024xi32>
    %or3A_3027 = arith.ori %shift_left3A_3023, %shift_right_logical3A_3026 : vector<8x1024xi32>
    %xor3A_3028 = arith.xori %or3A_3027, %add3A_3020 : vector<8x1024xi32>
    %add3A_3029 = arith.addi %add3A_3020, %xor3A_3028 : vector<8x1024xi32>
    %shift_left3A_3030 = arith.constant 6 : i32
    %shift_left3A_3031 = vector.broadcast %shift_left3A_3030 : i32 to vector<8x1024xi32>
    %shift_left3A_3032 = arith.shli %xor3A_3028, %shift_left3A_3031 : vector<8x1024xi32>
    %shift_right_logical3A_3033 = arith.constant 26 : i32
    %shift_right_logical3A_3034 = vector.broadcast %shift_right_logical3A_3033 : i32 to vector<8x1024xi32>
    %shift_right_logical3A_3035 = arith.shrui %xor3A_3028, %shift_right_logical3A_3034 : vector<8x1024xi32>
    %or3A_3036 = arith.ori %shift_left3A_3032, %shift_right_logical3A_3035 : vector<8x1024xi32>
    %xor3A_3037 = arith.xori %or3A_3036, %add3A_3029 : vector<8x1024xi32>
    %add3A_3038 = arith.constant 0 : i32
    %add3A_3039 = vector.broadcast %add3A_3038 : i32 to vector<8x1024xi32>
    %add3A_3040 = arith.addi %add3A_3029, %add3A_3039 : vector<8x1024xi32>
    %add3A_3041 = arith.constant 42 : i32
    %add3A_3042 = vector.broadcast %add3A_3041 : i32 to vector<8x1024xi32>
    %add3A_3043 = arith.addi %xor3A_3037, %add3A_3042 : vector<8x1024xi32>
    %add3A_3044 = arith.constant 3 : i32
    %add3A_3045 = vector.broadcast %add3A_3044 : i32 to vector<8x1024xi32>
    %add3A_3046 = arith.addi %add3A_3043, %add3A_3045 : vector<8x1024xi32>
    %add3A_3047 = arith.addi %add3A_3040, %add3A_3046 : vector<8x1024xi32>
    %shift_left3A_3048 = arith.constant 17 : i32
    %shift_left3A_3049 = vector.broadcast %shift_left3A_3048 : i32 to vector<8x1024xi32>
    %shift_left3A_3050 = arith.shli %add3A_3046, %shift_left3A_3049 : vector<8x1024xi32>
    %shift_right_logical3A_3051 = arith.constant 15 : i32
    %shift_right_logical3A_3052 = vector.broadcast %shift_right_logical3A_3051 : i32 to vector<8x1024xi32>
    %shift_right_logical3A_3053 = arith.shrui %add3A_3046, %shift_right_logical3A_3052 : vector<8x1024xi32>
    %or3A_3054 = arith.ori %shift_left3A_3050, %shift_right_logical3A_3053 : vector<8x1024xi32>
    %xor3A_3055 = arith.xori %or3A_3054, %add3A_3047 : vector<8x1024xi32>
    %add3A_3056 = arith.addi %add3A_3047, %xor3A_3055 : vector<8x1024xi32>
    %shift_left3A_3057 = arith.constant 29 : i32
    %shift_left3A_3058 = vector.broadcast %shift_left3A_3057 : i32 to vector<8x1024xi32>
    %shift_left3A_3059 = arith.shli %xor3A_3055, %shift_left3A_3058 : vector<8x1024xi32>
    %shift_right_logical3A_3060 = arith.constant 3 : i32
    %shift_right_logical3A_3061 = vector.broadcast %shift_right_logical3A_3060 : i32 to vector<8x1024xi32>
    %shift_right_logical3A_3062 = arith.shrui %xor3A_3055, %shift_right_logical3A_3061 : vector<8x1024xi32>
    %or3A_3063 = arith.ori %shift_left3A_3059, %shift_right_logical3A_3062 : vector<8x1024xi32>
    %xor3A_3064 = arith.xori %or3A_3063, %add3A_3056 : vector<8x1024xi32>
    %add3A_3065 = arith.addi %add3A_3056, %xor3A_3064 : vector<8x1024xi32>
    %shift_left3A_3066 = arith.constant 16 : i32
    %shift_left3A_3067 = vector.broadcast %shift_left3A_3066 : i32 to vector<8x1024xi32>
    %shift_left3A_3068 = arith.shli %xor3A_3064, %shift_left3A_3067 : vector<8x1024xi32>
    %shift_right_logical3A_3069 = arith.constant 16 : i32
    %shift_right_logical3A_3070 = vector.broadcast %shift_right_logical3A_3069 : i32 to vector<8x1024xi32>
    %shift_right_logical3A_3071 = arith.shrui %xor3A_3064, %shift_right_logical3A_3070 : vector<8x1024xi32>
    %or3A_3072 = arith.ori %shift_left3A_3068, %shift_right_logical3A_3071 : vector<8x1024xi32>
    %xor3A_3073 = arith.xori %or3A_3072, %add3A_3065 : vector<8x1024xi32>
    %add3A_3074 = arith.addi %add3A_3065, %xor3A_3073 : vector<8x1024xi32>
    %shift_left3A_3075 = arith.constant 24 : i32
    %shift_left3A_3076 = vector.broadcast %shift_left3A_3075 : i32 to vector<8x1024xi32>
    %shift_left3A_3077 = arith.shli %xor3A_3073, %shift_left3A_3076 : vector<8x1024xi32>
    %shift_right_logical3A_3078 = arith.constant 8 : i32
    %shift_right_logical3A_3079 = vector.broadcast %shift_right_logical3A_3078 : i32 to vector<8x1024xi32>
    %shift_right_logical3A_3080 = arith.shrui %xor3A_3073, %shift_right_logical3A_3079 : vector<8x1024xi32>
    %or3A_3081 = arith.ori %shift_left3A_3077, %shift_right_logical3A_3080 : vector<8x1024xi32>
    %xor3A_3082 = arith.xori %or3A_3081, %add3A_3074 : vector<8x1024xi32>
    %add3A_3083 = arith.constant 42 : i32
    %add3A_3084 = vector.broadcast %add3A_3083 : i32 to vector<8x1024xi32>
    %add3A_3085 = arith.addi %add3A_3074, %add3A_3084 : vector<8x1024xi32>
    %add3A_3086 = arith.constant 466689008 : i32
    %add3A_3087 = vector.broadcast %add3A_3086 : i32 to vector<8x1024xi32>
    %add3A_3088 = arith.addi %xor3A_3082, %add3A_3087 : vector<8x1024xi32>
    %add3A_3089 = arith.constant 4 : i32
    %add3A_3090 = vector.broadcast %add3A_3089 : i32 to vector<8x1024xi32>
    %add3A_3091 = arith.addi %add3A_3088, %add3A_3090 : vector<8x1024xi32>
    %add3A_3092 = arith.addi %add3A_3085, %add3A_3091 : vector<8x1024xi32>
    %shift_left3A_3093 = arith.constant 13 : i32
    %shift_left3A_3094 = vector.broadcast %shift_left3A_3093 : i32 to vector<8x1024xi32>
    %shift_left3A_3095 = arith.shli %add3A_3091, %shift_left3A_3094 : vector<8x1024xi32>
    %shift_right_logical3A_3096 = arith.constant 19 : i32
    %shift_right_logical3A_3097 = vector.broadcast %shift_right_logical3A_3096 : i32 to vector<8x1024xi32>
    %shift_right_logical3A_3098 = arith.shrui %add3A_3091, %shift_right_logical3A_3097 : vector<8x1024xi32>
    %or3A_3099 = arith.ori %shift_left3A_3095, %shift_right_logical3A_3098 : vector<8x1024xi32>
    %xor3A_3100 = arith.xori %or3A_3099, %add3A_3092 : vector<8x1024xi32>
    %add3A_3101 = arith.addi %add3A_3092, %xor3A_3100 : vector<8x1024xi32>
    %shift_left3A_3102 = arith.constant 15 : i32
    %shift_left3A_3103 = vector.broadcast %shift_left3A_3102 : i32 to vector<8x1024xi32>
    %shift_left3A_3104 = arith.shli %xor3A_3100, %shift_left3A_3103 : vector<8x1024xi32>
    %shift_right_logical3A_3105 = arith.constant 17 : i32
    %shift_right_logical3A_3106 = vector.broadcast %shift_right_logical3A_3105 : i32 to vector<8x1024xi32>
    %shift_right_logical3A_3107 = arith.shrui %xor3A_3100, %shift_right_logical3A_3106 : vector<8x1024xi32>
    %or3A_3108 = arith.ori %shift_left3A_3104, %shift_right_logical3A_3107 : vector<8x1024xi32>
    %xor3A_3109 = arith.xori %or3A_3108, %add3A_3101 : vector<8x1024xi32>
    %add3A_3110 = arith.addi %add3A_3101, %xor3A_3109 : vector<8x1024xi32>
    %shift_left3A_3111 = arith.constant 26 : i32
    %shift_left3A_3112 = vector.broadcast %shift_left3A_3111 : i32 to vector<8x1024xi32>
    %shift_left3A_3113 = arith.shli %xor3A_3109, %shift_left3A_3112 : vector<8x1024xi32>
    %shift_right_logical3A_3114 = arith.constant 6 : i32
    %shift_right_logical3A_3115 = vector.broadcast %shift_right_logical3A_3114 : i32 to vector<8x1024xi32>
    %shift_right_logical3A_3116 = arith.shrui %xor3A_3109, %shift_right_logical3A_3115 : vector<8x1024xi32>
    %or3A_3117 = arith.ori %shift_left3A_3113, %shift_right_logical3A_3116 : vector<8x1024xi32>
    %xor3A_3118 = arith.xori %or3A_3117, %add3A_3110 : vector<8x1024xi32>
    %add3A_3119 = arith.addi %add3A_3110, %xor3A_3118 : vector<8x1024xi32>
    %shift_left3A_3120 = arith.constant 6 : i32
    %shift_left3A_3121 = vector.broadcast %shift_left3A_3120 : i32 to vector<8x1024xi32>
    %shift_left3A_3122 = arith.shli %xor3A_3118, %shift_left3A_3121 : vector<8x1024xi32>
    %shift_right_logical3A_3123 = arith.constant 26 : i32
    %shift_right_logical3A_3124 = vector.broadcast %shift_right_logical3A_3123 : i32 to vector<8x1024xi32>
    %shift_right_logical3A_3125 = arith.shrui %xor3A_3118, %shift_right_logical3A_3124 : vector<8x1024xi32>
    %or3A_3126 = arith.ori %shift_left3A_3122, %shift_right_logical3A_3125 : vector<8x1024xi32>
    %xor3A_3127 = arith.xori %or3A_3126, %add3A_3119 : vector<8x1024xi32>
    %add3A_3128 = arith.constant 466689008 : i32
    %add3A_3129 = vector.broadcast %add3A_3128 : i32 to vector<8x1024xi32>
    %add3A_3130 = arith.addi %add3A_3119, %add3A_3129 : vector<8x1024xi32>
    %add3A_3131 = arith.constant 0 : i32
    %add3A_3132 = vector.broadcast %add3A_3131 : i32 to vector<8x1024xi32>
    %add3A_3133 = arith.addi %xor3A_3127, %add3A_3132 : vector<8x1024xi32>
    %add3A_3134 = arith.constant 5 : i32
    %add3A_3135 = vector.broadcast %add3A_3134 : i32 to vector<8x1024xi32>
    %add3A_3136 = arith.addi %add3A_3133, %add3A_3135 : vector<8x1024xi32>
    %xor3A_3137 = arith.xori %add3A_3130, %add3A_3136 : vector<8x1024xi32>
    %shift_right_logical3A_3138 = arith.constant 31 : i32
    %shift_right_logical3A_3139 = vector.broadcast %shift_right_logical3A_3138 : i32 to vector<8x1024xi32>
    %shift_right_logical3A_3140 = arith.shrui %xor3A_3137, %shift_right_logical3A_3139 : vector<8x1024xi32>
    %eq3A_3141 = arith.constant 1 : i32
    %eq3A_3142 = vector.broadcast %eq3A_3141 : i32 to vector<8x1024xi32>
    %eq3A_3143 = arith.cmpi eq, %shift_right_logical3A_3140, %eq3A_3142 : vector<8x1024xi32>
    %get3A_3144 = arith.constant 90112 : index
    %get3A_3145 = vector.load %arg1[%get3A_3144] : memref<131072xf32, #tpu.memory_space<vmem>>, vector<8192xf32>
    %reshape3A_3146 = vector.shape_cast %get3A_3145 : vector<8192xf32> to vector<8x1024xf32>
    %mul3A_3147 = arith.constant 2.000000e+00 : f32
    %mul3A_3148 = vector.broadcast %mul3A_3147 : f32 to vector<8x1024xf32>
    %mul3A_3149 = arith.mulf %reshape3A_3146, %mul3A_3148 : vector<8x1024xf32>
    %jit3A_3150 = arith.constant 0.000000e+00 : f32
    %broadcast_in_dim3A_3151 = vector.broadcast %jit3A_3150 : f32 to vector<8x1024xf32>
    %select_n3A_3152 = arith.select %eq3A_3143, %mul3A_3149, %broadcast_in_dim3A_3151 : vector<8x1024xi1>, vector<8x1024xf32>
    %reshape3A_3153 = vector.shape_cast %select_n3A_3152 : vector<8x1024xf32> to vector<8192xf32>
    %swap3A_3154 = arith.constant 90112 : index
    %swap3A_3155 = vector.load %arg2[%swap3A_3154] : memref<131072xf32, #tpu.memory_space<vmem>>, vector<8192xf32>
    tpu.vector_store %arg2[%swap3A_3154], %reshape3A_3153 {strides = array<i32>} : memref<131072xf32, #tpu.memory_space<vmem>>, vector<8192xf32>,
    %mul3A_3156 = arith.constant 131072 : i32
    %mul3A_3157 = arith.muli %add3A_0, %mul3A_3156 : i32
    %add3A_3158 = arith.constant 98304 : i32
    %add3A_3159 = arith.addi %mul3A_3157, %add3A_3158 : i32
    %iota3A_3160 = tpu.iota {dimensions = array<i32: 0>} : vector<8x1024xi32>
    %mul3A_3161 = arith.constant 1024 : i32
    %mul3A_3162 = vector.broadcast %mul3A_3161 : i32 to vector<8x1024xi32>
    %mul3A_3163 = arith.muli %iota3A_3160, %mul3A_3162 : vector<8x1024xi32>
    %add3A_3164 = vector.broadcast %add3A_3159 : i32 to vector<8x1024xi32>
    %add3A_3165 = arith.addi %add3A_3164, %mul3A_3163 : vector<8x1024xi32>
    %iota3A_3166 = tpu.iota {dimensions = array<i32: 1>} : vector<8x1024xi32>
    %add3A_3167 = arith.addi %add3A_3165, %iota3A_3166 : vector<8x1024xi32>
    %broadcast_in_dim3A_3168 = arith.constant 0 : i32
    %broadcast_in_dim3A_3169 = vector.broadcast %broadcast_in_dim3A_3168 : i32 to vector<8x1024xi32>
    %add3A_3170 = arith.constant 0 : i32
    %add3A_3171 = vector.broadcast %add3A_3170 : i32 to vector<8x1024xi32>
    %add3A_3172 = arith.addi %broadcast_in_dim3A_3169, %add3A_3171 : vector<8x1024xi32>
    %add3A_3173 = arith.constant 42 : i32
    %add3A_3174 = vector.broadcast %add3A_3173 : i32 to vector<8x1024xi32>
    %add3A_3175 = arith.addi %add3A_3167, %add3A_3174 : vector<8x1024xi32>
    %add3A_3176 = arith.addi %add3A_3172, %add3A_3175 : vector<8x1024xi32>
    %shift_left3A_3177 = arith.constant 13 : i32
    %shift_left3A_3178 = vector.broadcast %shift_left3A_3177 : i32 to vector<8x1024xi32>
    %shift_left3A_3179 = arith.shli %add3A_3175, %shift_left3A_3178 : vector<8x1024xi32>
    %shift_right_logical3A_3180 = arith.constant 19 : i32
    %shift_right_logical3A_3181 = vector.broadcast %shift_right_logical3A_3180 : i32 to vector<8x1024xi32>
    %shift_right_logical3A_3182 = arith.shrui %add3A_3175, %shift_right_logical3A_3181 : vector<8x1024xi32>
    %or3A_3183 = arith.ori %shift_left3A_3179, %shift_right_logical3A_3182 : vector<8x1024xi32>
    %xor3A_3184 = arith.xori %or3A_3183, %add3A_3176 : vector<8x1024xi32>
    %add3A_3185 = arith.addi %add3A_3176, %xor3A_3184 : vector<8x1024xi32>
    %shift_left3A_3186 = arith.constant 15 : i32
    %shift_left3A_3187 = vector.broadcast %shift_left3A_3186 : i32 to vector<8x1024xi32>
    %shift_left3A_3188 = arith.shli %xor3A_3184, %shift_left3A_3187 : vector<8x1024xi32>
    %shift_right_logical3A_3189 = arith.constant 17 : i32
    %shift_right_logical3A_3190 = vector.broadcast %shift_right_logical3A_3189 : i32 to vector<8x1024xi32>
    %shift_right_logical3A_3191 = arith.shrui %xor3A_3184, %shift_right_logical3A_3190 : vector<8x1024xi32>
    %or3A_3192 = arith.ori %shift_left3A_3188, %shift_right_logical3A_3191 : vector<8x1024xi32>
    %xor3A_3193 = arith.xori %or3A_3192, %add3A_3185 : vector<8x1024xi32>
    %add3A_3194 = arith.addi %add3A_3185, %xor3A_3193 : vector<8x1024xi32>
    %shift_left3A_3195 = arith.constant 26 : i32
    %shift_left3A_3196 = vector.broadcast %shift_left3A_3195 : i32 to vector<8x1024xi32>
    %shift_left3A_3197 = arith.shli %xor3A_3193, %shift_left3A_3196 : vector<8x1024xi32>
    %shift_right_logical3A_3198 = arith.constant 6 : i32
    %shift_right_logical3A_3199 = vector.broadcast %shift_right_logical3A_3198 : i32 to vector<8x1024xi32>
    %shift_right_logical3A_3200 = arith.shrui %xor3A_3193, %shift_right_logical3A_3199 : vector<8x1024xi32>
    %or3A_3201 = arith.ori %shift_left3A_3197, %shift_right_logical3A_3200 : vector<8x1024xi32>
    %xor3A_3202 = arith.xori %or3A_3201, %add3A_3194 : vector<8x1024xi32>
    %add3A_3203 = arith.addi %add3A_3194, %xor3A_3202 : vector<8x1024xi32>
    %shift_left3A_3204 = arith.constant 6 : i32
    %shift_left3A_3205 = vector.broadcast %shift_left3A_3204 : i32 to vector<8x1024xi32>
    %shift_left3A_3206 = arith.shli %xor3A_3202, %shift_left3A_3205 : vector<8x1024xi32>
    %shift_right_logical3A_3207 = arith.constant 26 : i32
    %shift_right_logical3A_3208 = vector.broadcast %shift_right_logical3A_3207 : i32 to vector<8x1024xi32>
    %shift_right_logical3A_3209 = arith.shrui %xor3A_3202, %shift_right_logical3A_3208 : vector<8x1024xi32>
    %or3A_3210 = arith.ori %shift_left3A_3206, %shift_right_logical3A_3209 : vector<8x1024xi32>
    %xor3A_3211 = arith.xori %or3A_3210, %add3A_3203 : vector<8x1024xi32>
    %add3A_3212 = arith.constant 42 : i32
    %add3A_3213 = vector.broadcast %add3A_3212 : i32 to vector<8x1024xi32>
    %add3A_3214 = arith.addi %add3A_3203, %add3A_3213 : vector<8x1024xi32>
    %add3A_3215 = arith.constant 466689008 : i32
    %add3A_3216 = vector.broadcast %add3A_3215 : i32 to vector<8x1024xi32>
    %add3A_3217 = arith.addi %xor3A_3211, %add3A_3216 : vector<8x1024xi32>
    %add3A_3218 = arith.constant 1 : i32
    %add3A_3219 = vector.broadcast %add3A_3218 : i32 to vector<8x1024xi32>
    %add3A_3220 = arith.addi %add3A_3217, %add3A_3219 : vector<8x1024xi32>
    %add3A_3221 = arith.addi %add3A_3214, %add3A_3220 : vector<8x1024xi32>
    %shift_left3A_3222 = arith.constant 17 : i32
    %shift_left3A_3223 = vector.broadcast %shift_left3A_3222 : i32 to vector<8x1024xi32>
    %shift_left3A_3224 = arith.shli %add3A_3220, %shift_left3A_3223 : vector<8x1024xi32>
    %shift_right_logical3A_3225 = arith.constant 15 : i32
    %shift_right_logical3A_3226 = vector.broadcast %shift_right_logical3A_3225 : i32 to vector<8x1024xi32>
    %shift_right_logical3A_3227 = arith.shrui %add3A_3220, %shift_right_logical3A_3226 : vector<8x1024xi32>
    %or3A_3228 = arith.ori %shift_left3A_3224, %shift_right_logical3A_3227 : vector<8x1024xi32>
    %xor3A_3229 = arith.xori %or3A_3228, %add3A_3221 : vector<8x1024xi32>
    %add3A_3230 = arith.addi %add3A_3221, %xor3A_3229 : vector<8x1024xi32>
    %shift_left3A_3231 = arith.constant 29 : i32
    %shift_left3A_3232 = vector.broadcast %shift_left3A_3231 : i32 to vector<8x1024xi32>
    %shift_left3A_3233 = arith.shli %xor3A_3229, %shift_left3A_3232 : vector<8x1024xi32>
    %shift_right_logical3A_3234 = arith.constant 3 : i32
    %shift_right_logical3A_3235 = vector.broadcast %shift_right_logical3A_3234 : i32 to vector<8x1024xi32>
    %shift_right_logical3A_3236 = arith.shrui %xor3A_3229, %shift_right_logical3A_3235 : vector<8x1024xi32>
    %or3A_3237 = arith.ori %shift_left3A_3233, %shift_right_logical3A_3236 : vector<8x1024xi32>
    %xor3A_3238 = arith.xori %or3A_3237, %add3A_3230 : vector<8x1024xi32>
    %add3A_3239 = arith.addi %add3A_3230, %xor3A_3238 : vector<8x1024xi32>
    %shift_left3A_3240 = arith.constant 16 : i32
    %shift_left3A_3241 = vector.broadcast %shift_left3A_3240 : i32 to vector<8x1024xi32>
    %shift_left3A_3242 = arith.shli %xor3A_3238, %shift_left3A_3241 : vector<8x1024xi32>
    %shift_right_logical3A_3243 = arith.constant 16 : i32
    %shift_right_logical3A_3244 = vector.broadcast %shift_right_logical3A_3243 : i32 to vector<8x1024xi32>
    %shift_right_logical3A_3245 = arith.shrui %xor3A_3238, %shift_right_logical3A_3244 : vector<8x1024xi32>
    %or3A_3246 = arith.ori %shift_left3A_3242, %shift_right_logical3A_3245 : vector<8x1024xi32>
    %xor3A_3247 = arith.xori %or3A_3246, %add3A_3239 : vector<8x1024xi32>
    %add3A_3248 = arith.addi %add3A_3239, %xor3A_3247 : vector<8x1024xi32>
    %shift_left3A_3249 = arith.constant 24 : i32
    %shift_left3A_3250 = vector.broadcast %shift_left3A_3249 : i32 to vector<8x1024xi32>
    %shift_left3A_3251 = arith.shli %xor3A_3247, %shift_left3A_3250 : vector<8x1024xi32>
    %shift_right_logical3A_3252 = arith.constant 8 : i32
    %shift_right_logical3A_3253 = vector.broadcast %shift_right_logical3A_3252 : i32 to vector<8x1024xi32>
    %shift_right_logical3A_3254 = arith.shrui %xor3A_3247, %shift_right_logical3A_3253 : vector<8x1024xi32>
    %or3A_3255 = arith.ori %shift_left3A_3251, %shift_right_logical3A_3254 : vector<8x1024xi32>
    %xor3A_3256 = arith.xori %or3A_3255, %add3A_3248 : vector<8x1024xi32>
    %add3A_3257 = arith.constant 466689008 : i32
    %add3A_3258 = vector.broadcast %add3A_3257 : i32 to vector<8x1024xi32>
    %add3A_3259 = arith.addi %add3A_3248, %add3A_3258 : vector<8x1024xi32>
    %add3A_3260 = arith.constant 0 : i32
    %add3A_3261 = vector.broadcast %add3A_3260 : i32 to vector<8x1024xi32>
    %add3A_3262 = arith.addi %xor3A_3256, %add3A_3261 : vector<8x1024xi32>
    %add3A_3263 = arith.constant 2 : i32
    %add3A_3264 = vector.broadcast %add3A_3263 : i32 to vector<8x1024xi32>
    %add3A_3265 = arith.addi %add3A_3262, %add3A_3264 : vector<8x1024xi32>
    %add3A_3266 = arith.addi %add3A_3259, %add3A_3265 : vector<8x1024xi32>
    %shift_left3A_3267 = arith.constant 13 : i32
    %shift_left3A_3268 = vector.broadcast %shift_left3A_3267 : i32 to vector<8x1024xi32>
    %shift_left3A_3269 = arith.shli %add3A_3265, %shift_left3A_3268 : vector<8x1024xi32>
    %shift_right_logical3A_3270 = arith.constant 19 : i32
    %shift_right_logical3A_3271 = vector.broadcast %shift_right_logical3A_3270 : i32 to vector<8x1024xi32>
    %shift_right_logical3A_3272 = arith.shrui %add3A_3265, %shift_right_logical3A_3271 : vector<8x1024xi32>
    %or3A_3273 = arith.ori %shift_left3A_3269, %shift_right_logical3A_3272 : vector<8x1024xi32>
    %xor3A_3274 = arith.xori %or3A_3273, %add3A_3266 : vector<8x1024xi32>
    %add3A_3275 = arith.addi %add3A_3266, %xor3A_3274 : vector<8x1024xi32>
    %shift_left3A_3276 = arith.constant 15 : i32
    %shift_left3A_3277 = vector.broadcast %shift_left3A_3276 : i32 to vector<8x1024xi32>
    %shift_left3A_3278 = arith.shli %xor3A_3274, %shift_left3A_3277 : vector<8x1024xi32>
    %shift_right_logical3A_3279 = arith.constant 17 : i32
    %shift_right_logical3A_3280 = vector.broadcast %shift_right_logical3A_3279 : i32 to vector<8x1024xi32>
    %shift_right_logical3A_3281 = arith.shrui %xor3A_3274, %shift_right_logical3A_3280 : vector<8x1024xi32>
    %or3A_3282 = arith.ori %shift_left3A_3278, %shift_right_logical3A_3281 : vector<8x1024xi32>
    %xor3A_3283 = arith.xori %or3A_3282, %add3A_3275 : vector<8x1024xi32>
    %add3A_3284 = arith.addi %add3A_3275, %xor3A_3283 : vector<8x1024xi32>
    %shift_left3A_3285 = arith.constant 26 : i32
    %shift_left3A_3286 = vector.broadcast %shift_left3A_3285 : i32 to vector<8x1024xi32>
    %shift_left3A_3287 = arith.shli %xor3A_3283, %shift_left3A_3286 : vector<8x1024xi32>
    %shift_right_logical3A_3288 = arith.constant 6 : i32
    %shift_right_logical3A_3289 = vector.broadcast %shift_right_logical3A_3288 : i32 to vector<8x1024xi32>
    %shift_right_logical3A_3290 = arith.shrui %xor3A_3283, %shift_right_logical3A_3289 : vector<8x1024xi32>
    %or3A_3291 = arith.ori %shift_left3A_3287, %shift_right_logical3A_3290 : vector<8x1024xi32>
    %xor3A_3292 = arith.xori %or3A_3291, %add3A_3284 : vector<8x1024xi32>
    %add3A_3293 = arith.addi %add3A_3284, %xor3A_3292 : vector<8x1024xi32>
    %shift_left3A_3294 = arith.constant 6 : i32
    %shift_left3A_3295 = vector.broadcast %shift_left3A_3294 : i32 to vector<8x1024xi32>
    %shift_left3A_3296 = arith.shli %xor3A_3292, %shift_left3A_3295 : vector<8x1024xi32>
    %shift_right_logical3A_3297 = arith.constant 26 : i32
    %shift_right_logical3A_3298 = vector.broadcast %shift_right_logical3A_3297 : i32 to vector<8x1024xi32>
    %shift_right_logical3A_3299 = arith.shrui %xor3A_3292, %shift_right_logical3A_3298 : vector<8x1024xi32>
    %or3A_3300 = arith.ori %shift_left3A_3296, %shift_right_logical3A_3299 : vector<8x1024xi32>
    %xor3A_3301 = arith.xori %or3A_3300, %add3A_3293 : vector<8x1024xi32>
    %add3A_3302 = arith.constant 0 : i32
    %add3A_3303 = vector.broadcast %add3A_3302 : i32 to vector<8x1024xi32>
    %add3A_3304 = arith.addi %add3A_3293, %add3A_3303 : vector<8x1024xi32>
    %add3A_3305 = arith.constant 42 : i32
    %add3A_3306 = vector.broadcast %add3A_3305 : i32 to vector<8x1024xi32>
    %add3A_3307 = arith.addi %xor3A_3301, %add3A_3306 : vector<8x1024xi32>
    %add3A_3308 = arith.constant 3 : i32
    %add3A_3309 = vector.broadcast %add3A_3308 : i32 to vector<8x1024xi32>
    %add3A_3310 = arith.addi %add3A_3307, %add3A_3309 : vector<8x1024xi32>
    %add3A_3311 = arith.addi %add3A_3304, %add3A_3310 : vector<8x1024xi32>
    %shift_left3A_3312 = arith.constant 17 : i32
    %shift_left3A_3313 = vector.broadcast %shift_left3A_3312 : i32 to vector<8x1024xi32>
    %shift_left3A_3314 = arith.shli %add3A_3310, %shift_left3A_3313 : vector<8x1024xi32>
    %shift_right_logical3A_3315 = arith.constant 15 : i32
    %shift_right_logical3A_3316 = vector.broadcast %shift_right_logical3A_3315 : i32 to vector<8x1024xi32>
    %shift_right_logical3A_3317 = arith.shrui %add3A_3310, %shift_right_logical3A_3316 : vector<8x1024xi32>
    %or3A_3318 = arith.ori %shift_left3A_3314, %shift_right_logical3A_3317 : vector<8x1024xi32>
    %xor3A_3319 = arith.xori %or3A_3318, %add3A_3311 : vector<8x1024xi32>
    %add3A_3320 = arith.addi %add3A_3311, %xor3A_3319 : vector<8x1024xi32>
    %shift_left3A_3321 = arith.constant 29 : i32
    %shift_left3A_3322 = vector.broadcast %shift_left3A_3321 : i32 to vector<8x1024xi32>
    %shift_left3A_3323 = arith.shli %xor3A_3319, %shift_left3A_3322 : vector<8x1024xi32>
    %shift_right_logical3A_3324 = arith.constant 3 : i32
    %shift_right_logical3A_3325 = vector.broadcast %shift_right_logical3A_3324 : i32 to vector<8x1024xi32>
    %shift_right_logical3A_3326 = arith.shrui %xor3A_3319, %shift_right_logical3A_3325 : vector<8x1024xi32>
    %or3A_3327 = arith.ori %shift_left3A_3323, %shift_right_logical3A_3326 : vector<8x1024xi32>
    %xor3A_3328 = arith.xori %or3A_3327, %add3A_3320 : vector<8x1024xi32>
    %add3A_3329 = arith.addi %add3A_3320, %xor3A_3328 : vector<8x1024xi32>
    %shift_left3A_3330 = arith.constant 16 : i32
    %shift_left3A_3331 = vector.broadcast %shift_left3A_3330 : i32 to vector<8x1024xi32>
    %shift_left3A_3332 = arith.shli %xor3A_3328, %shift_left3A_3331 : vector<8x1024xi32>
    %shift_right_logical3A_3333 = arith.constant 16 : i32
    %shift_right_logical3A_3334 = vector.broadcast %shift_right_logical3A_3333 : i32 to vector<8x1024xi32>
    %shift_right_logical3A_3335 = arith.shrui %xor3A_3328, %shift_right_logical3A_3334 : vector<8x1024xi32>
    %or3A_3336 = arith.ori %shift_left3A_3332, %shift_right_logical3A_3335 : vector<8x1024xi32>
    %xor3A_3337 = arith.xori %or3A_3336, %add3A_3329 : vector<8x1024xi32>
    %add3A_3338 = arith.addi %add3A_3329, %xor3A_3337 : vector<8x1024xi32>
    %shift_left3A_3339 = arith.constant 24 : i32
    %shift_left3A_3340 = vector.broadcast %shift_left3A_3339 : i32 to vector<8x1024xi32>
    %shift_left3A_3341 = arith.shli %xor3A_3337, %shift_left3A_3340 : vector<8x1024xi32>
    %shift_right_logical3A_3342 = arith.constant 8 : i32
    %shift_right_logical3A_3343 = vector.broadcast %shift_right_logical3A_3342 : i32 to vector<8x1024xi32>
    %shift_right_logical3A_3344 = arith.shrui %xor3A_3337, %shift_right_logical3A_3343 : vector<8x1024xi32>
    %or3A_3345 = arith.ori %shift_left3A_3341, %shift_right_logical3A_3344 : vector<8x1024xi32>
    %xor3A_3346 = arith.xori %or3A_3345, %add3A_3338 : vector<8x1024xi32>
    %add3A_3347 = arith.constant 42 : i32
    %add3A_3348 = vector.broadcast %add3A_3347 : i32 to vector<8x1024xi32>
    %add3A_3349 = arith.addi %add3A_3338, %add3A_3348 : vector<8x1024xi32>
    %add3A_3350 = arith.constant 466689008 : i32
    %add3A_3351 = vector.broadcast %add3A_3350 : i32 to vector<8x1024xi32>
    %add3A_3352 = arith.addi %xor3A_3346, %add3A_3351 : vector<8x1024xi32>
    %add3A_3353 = arith.constant 4 : i32
    %add3A_3354 = vector.broadcast %add3A_3353 : i32 to vector<8x1024xi32>
    %add3A_3355 = arith.addi %add3A_3352, %add3A_3354 : vector<8x1024xi32>
    %add3A_3356 = arith.addi %add3A_3349, %add3A_3355 : vector<8x1024xi32>
    %shift_left3A_3357 = arith.constant 13 : i32
    %shift_left3A_3358 = vector.broadcast %shift_left3A_3357 : i32 to vector<8x1024xi32>
    %shift_left3A_3359 = arith.shli %add3A_3355, %shift_left3A_3358 : vector<8x1024xi32>
    %shift_right_logical3A_3360 = arith.constant 19 : i32
    %shift_right_logical3A_3361 = vector.broadcast %shift_right_logical3A_3360 : i32 to vector<8x1024xi32>
    %shift_right_logical3A_3362 = arith.shrui %add3A_3355, %shift_right_logical3A_3361 : vector<8x1024xi32>
    %or3A_3363 = arith.ori %shift_left3A_3359, %shift_right_logical3A_3362 : vector<8x1024xi32>
    %xor3A_3364 = arith.xori %or3A_3363, %add3A_3356 : vector<8x1024xi32>
    %add3A_3365 = arith.addi %add3A_3356, %xor3A_3364 : vector<8x1024xi32>
    %shift_left3A_3366 = arith.constant 15 : i32
    %shift_left3A_3367 = vector.broadcast %shift_left3A_3366 : i32 to vector<8x1024xi32>
    %shift_left3A_3368 = arith.shli %xor3A_3364, %shift_left3A_3367 : vector<8x1024xi32>
    %shift_right_logical3A_3369 = arith.constant 17 : i32
    %shift_right_logical3A_3370 = vector.broadcast %shift_right_logical3A_3369 : i32 to vector<8x1024xi32>
    %shift_right_logical3A_3371 = arith.shrui %xor3A_3364, %shift_right_logical3A_3370 : vector<8x1024xi32>
    %or3A_3372 = arith.ori %shift_left3A_3368, %shift_right_logical3A_3371 : vector<8x1024xi32>
    %xor3A_3373 = arith.xori %or3A_3372, %add3A_3365 : vector<8x1024xi32>
    %add3A_3374 = arith.addi %add3A_3365, %xor3A_3373 : vector<8x1024xi32>
    %shift_left3A_3375 = arith.constant 26 : i32
    %shift_left3A_3376 = vector.broadcast %shift_left3A_3375 : i32 to vector<8x1024xi32>
    %shift_left3A_3377 = arith.shli %xor3A_3373, %shift_left3A_3376 : vector<8x1024xi32>
    %shift_right_logical3A_3378 = arith.constant 6 : i32
    %shift_right_logical3A_3379 = vector.broadcast %shift_right_logical3A_3378 : i32 to vector<8x1024xi32>
    %shift_right_logical3A_3380 = arith.shrui %xor3A_3373, %shift_right_logical3A_3379 : vector<8x1024xi32>
    %or3A_3381 = arith.ori %shift_left3A_3377, %shift_right_logical3A_3380 : vector<8x1024xi32>
    %xor3A_3382 = arith.xori %or3A_3381, %add3A_3374 : vector<8x1024xi32>
    %add3A_3383 = arith.addi %add3A_3374, %xor3A_3382 : vector<8x1024xi32>
    %shift_left3A_3384 = arith.constant 6 : i32
    %shift_left3A_3385 = vector.broadcast %shift_left3A_3384 : i32 to vector<8x1024xi32>
    %shift_left3A_3386 = arith.shli %xor3A_3382, %shift_left3A_3385 : vector<8x1024xi32>
    %shift_right_logical3A_3387 = arith.constant 26 : i32
    %shift_right_logical3A_3388 = vector.broadcast %shift_right_logical3A_3387 : i32 to vector<8x1024xi32>
    %shift_right_logical3A_3389 = arith.shrui %xor3A_3382, %shift_right_logical3A_3388 : vector<8x1024xi32>
    %or3A_3390 = arith.ori %shift_left3A_3386, %shift_right_logical3A_3389 : vector<8x1024xi32>
    %xor3A_3391 = arith.xori %or3A_3390, %add3A_3383 : vector<8x1024xi32>
    %add3A_3392 = arith.constant 466689008 : i32
    %add3A_3393 = vector.broadcast %add3A_3392 : i32 to vector<8x1024xi32>
    %add3A_3394 = arith.addi %add3A_3383, %add3A_3393 : vector<8x1024xi32>
    %add3A_3395 = arith.constant 0 : i32
    %add3A_3396 = vector.broadcast %add3A_3395 : i32 to vector<8x1024xi32>
    %add3A_3397 = arith.addi %xor3A_3391, %add3A_3396 : vector<8x1024xi32>
    %add3A_3398 = arith.constant 5 : i32
    %add3A_3399 = vector.broadcast %add3A_3398 : i32 to vector<8x1024xi32>
    %add3A_3400 = arith.addi %add3A_3397, %add3A_3399 : vector<8x1024xi32>
    %xor3A_3401 = arith.xori %add3A_3394, %add3A_3400 : vector<8x1024xi32>
    %shift_right_logical3A_3402 = arith.constant 31 : i32
    %shift_right_logical3A_3403 = vector.broadcast %shift_right_logical3A_3402 : i32 to vector<8x1024xi32>
    %shift_right_logical3A_3404 = arith.shrui %xor3A_3401, %shift_right_logical3A_3403 : vector<8x1024xi32>
    %eq3A_3405 = arith.constant 1 : i32
    %eq3A_3406 = vector.broadcast %eq3A_3405 : i32 to vector<8x1024xi32>
    %eq3A_3407 = arith.cmpi eq, %shift_right_logical3A_3404, %eq3A_3406 : vector<8x1024xi32>
    %get3A_3408 = arith.constant 98304 : index
    %get3A_3409 = vector.load %arg1[%get3A_3408] : memref<131072xf32, #tpu.memory_space<vmem>>, vector<8192xf32>
    %reshape3A_3410 = vector.shape_cast %get3A_3409 : vector<8192xf32> to vector<8x1024xf32>
    %mul3A_3411 = arith.constant 2.000000e+00 : f32
    %mul3A_3412 = vector.broadcast %mul3A_3411 : f32 to vector<8x1024xf32>
    %mul3A_3413 = arith.mulf %reshape3A_3410, %mul3A_3412 : vector<8x1024xf32>
    %jit3A_3414 = arith.constant 0.000000e+00 : f32
    %broadcast_in_dim3A_3415 = vector.broadcast %jit3A_3414 : f32 to vector<8x1024xf32>
    %select_n3A_3416 = arith.select %eq3A_3407, %mul3A_3413, %broadcast_in_dim3A_3415 : vector<8x1024xi1>, vector<8x1024xf32>
    %reshape3A_3417 = vector.shape_cast %select_n3A_3416 : vector<8x1024xf32> to vector<8192xf32>
    %swap3A_3418 = arith.constant 98304 : index
    %swap3A_3419 = vector.load %arg2[%swap3A_3418] : memref<131072xf32, #tpu.memory_space<vmem>>, vector<8192xf32>
    tpu.vector_store %arg2[%swap3A_3418], %reshape3A_3417 {strides = array<i32>} : memref<131072xf32, #tpu.memory_space<vmem>>, vector<8192xf32>,
    %mul3A_3420 = arith.constant 131072 : i32
    %mul3A_3421 = arith.muli %add3A_0, %mul3A_3420 : i32
    %add3A_3422 = arith.constant 106496 : i32
    %add3A_3423 = arith.addi %mul3A_3421, %add3A_3422 : i32
    %iota3A_3424 = tpu.iota {dimensions = array<i32: 0>} : vector<8x1024xi32>
    %mul3A_3425 = arith.constant 1024 : i32
    %mul3A_3426 = vector.broadcast %mul3A_3425 : i32 to vector<8x1024xi32>
    %mul3A_3427 = arith.muli %iota3A_3424, %mul3A_3426 : vector<8x1024xi32>
    %add3A_3428 = vector.broadcast %add3A_3423 : i32 to vector<8x1024xi32>
    %add3A_3429 = arith.addi %add3A_3428, %mul3A_3427 : vector<8x1024xi32>
    %iota3A_3430 = tpu.iota {dimensions = array<i32: 1>} : vector<8x1024xi32>
    %add3A_3431 = arith.addi %add3A_3429, %iota3A_3430 : vector<8x1024xi32>
    %broadcast_in_dim3A_3432 = arith.constant 0 : i32
    %broadcast_in_dim3A_3433 = vector.broadcast %broadcast_in_dim3A_3432 : i32 to vector<8x1024xi32>
    %add3A_3434 = arith.constant 0 : i32
    %add3A_3435 = vector.broadcast %add3A_3434 : i32 to vector<8x1024xi32>
    %add3A_3436 = arith.addi %broadcast_in_dim3A_3433, %add3A_3435 : vector<8x1024xi32>
    %add3A_3437 = arith.constant 42 : i32
    %add3A_3438 = vector.broadcast %add3A_3437 : i32 to vector<8x1024xi32>
    %add3A_3439 = arith.addi %add3A_3431, %add3A_3438 : vector<8x1024xi32>
    %add3A_3440 = arith.addi %add3A_3436, %add3A_3439 : vector<8x1024xi32>
    %shift_left3A_3441 = arith.constant 13 : i32
    %shift_left3A_3442 = vector.broadcast %shift_left3A_3441 : i32 to vector<8x1024xi32>
    %shift_left3A_3443 = arith.shli %add3A_3439, %shift_left3A_3442 : vector<8x1024xi32>
    %shift_right_logical3A_3444 = arith.constant 19 : i32
    %shift_right_logical3A_3445 = vector.broadcast %shift_right_logical3A_3444 : i32 to vector<8x1024xi32>
    %shift_right_logical3A_3446 = arith.shrui %add3A_3439, %shift_right_logical3A_3445 : vector<8x1024xi32>
    %or3A_3447 = arith.ori %shift_left3A_3443, %shift_right_logical3A_3446 : vector<8x1024xi32>
    %xor3A_3448 = arith.xori %or3A_3447, %add3A_3440 : vector<8x1024xi32>
    %add3A_3449 = arith.addi %add3A_3440, %xor3A_3448 : vector<8x1024xi32>
    %shift_left3A_3450 = arith.constant 15 : i32
    %shift_left3A_3451 = vector.broadcast %shift_left3A_3450 : i32 to vector<8x1024xi32>
    %shift_left3A_3452 = arith.shli %xor3A_3448, %shift_left3A_3451 : vector<8x1024xi32>
    %shift_right_logical3A_3453 = arith.constant 17 : i32
    %shift_right_logical3A_3454 = vector.broadcast %shift_right_logical3A_3453 : i32 to vector<8x1024xi32>
    %shift_right_logical3A_3455 = arith.shrui %xor3A_3448, %shift_right_logical3A_3454 : vector<8x1024xi32>
    %or3A_3456 = arith.ori %shift_left3A_3452, %shift_right_logical3A_3455 : vector<8x1024xi32>
    %xor3A_3457 = arith.xori %or3A_3456, %add3A_3449 : vector<8x1024xi32>
    %add3A_3458 = arith.addi %add3A_3449, %xor3A_3457 : vector<8x1024xi32>
    %shift_left3A_3459 = arith.constant 26 : i32
    %shift_left3A_3460 = vector.broadcast %shift_left3A_3459 : i32 to vector<8x1024xi32>
    %shift_left3A_3461 = arith.shli %xor3A_3457, %shift_left3A_3460 : vector<8x1024xi32>
    %shift_right_logical3A_3462 = arith.constant 6 : i32
    %shift_right_logical3A_3463 = vector.broadcast %shift_right_logical3A_3462 : i32 to vector<8x1024xi32>
    %shift_right_logical3A_3464 = arith.shrui %xor3A_3457, %shift_right_logical3A_3463 : vector<8x1024xi32>
    %or3A_3465 = arith.ori %shift_left3A_3461, %shift_right_logical3A_3464 : vector<8x1024xi32>
    %xor3A_3466 = arith.xori %or3A_3465, %add3A_3458 : vector<8x1024xi32>
    %add3A_3467 = arith.addi %add3A_3458, %xor3A_3466 : vector<8x1024xi32>
    %shift_left3A_3468 = arith.constant 6 : i32
    %shift_left3A_3469 = vector.broadcast %shift_left3A_3468 : i32 to vector<8x1024xi32>
    %shift_left3A_3470 = arith.shli %xor3A_3466, %shift_left3A_3469 : vector<8x1024xi32>
    %shift_right_logical3A_3471 = arith.constant 26 : i32
    %shift_right_logical3A_3472 = vector.broadcast %shift_right_logical3A_3471 : i32 to vector<8x1024xi32>
    %shift_right_logical3A_3473 = arith.shrui %xor3A_3466, %shift_right_logical3A_3472 : vector<8x1024xi32>
    %or3A_3474 = arith.ori %shift_left3A_3470, %shift_right_logical3A_3473 : vector<8x1024xi32>
    %xor3A_3475 = arith.xori %or3A_3474, %add3A_3467 : vector<8x1024xi32>
    %add3A_3476 = arith.constant 42 : i32
    %add3A_3477 = vector.broadcast %add3A_3476 : i32 to vector<8x1024xi32>
    %add3A_3478 = arith.addi %add3A_3467, %add3A_3477 : vector<8x1024xi32>
    %add3A_3479 = arith.constant 466689008 : i32
    %add3A_3480 = vector.broadcast %add3A_3479 : i32 to vector<8x1024xi32>
    %add3A_3481 = arith.addi %xor3A_3475, %add3A_3480 : vector<8x1024xi32>
    %add3A_3482 = arith.constant 1 : i32
    %add3A_3483 = vector.broadcast %add3A_3482 : i32 to vector<8x1024xi32>
    %add3A_3484 = arith.addi %add3A_3481, %add3A_3483 : vector<8x1024xi32>
    %add3A_3485 = arith.addi %add3A_3478, %add3A_3484 : vector<8x1024xi32>
    %shift_left3A_3486 = arith.constant 17 : i32
    %shift_left3A_3487 = vector.broadcast %shift_left3A_3486 : i32 to vector<8x1024xi32>
    %shift_left3A_3488 = arith.shli %add3A_3484, %shift_left3A_3487 : vector<8x1024xi32>
    %shift_right_logical3A_3489 = arith.constant 15 : i32
    %shift_right_logical3A_3490 = vector.broadcast %shift_right_logical3A_3489 : i32 to vector<8x1024xi32>
    %shift_right_logical3A_3491 = arith.shrui %add3A_3484, %shift_right_logical3A_3490 : vector<8x1024xi32>
    %or3A_3492 = arith.ori %shift_left3A_3488, %shift_right_logical3A_3491 : vector<8x1024xi32>
    %xor3A_3493 = arith.xori %or3A_3492, %add3A_3485 : vector<8x1024xi32>
    %add3A_3494 = arith.addi %add3A_3485, %xor3A_3493 : vector<8x1024xi32>
    %shift_left3A_3495 = arith.constant 29 : i32
    %shift_left3A_3496 = vector.broadcast %shift_left3A_3495 : i32 to vector<8x1024xi32>
    %shift_left3A_3497 = arith.shli %xor3A_3493, %shift_left3A_3496 : vector<8x1024xi32>
    %shift_right_logical3A_3498 = arith.constant 3 : i32
    %shift_right_logical3A_3499 = vector.broadcast %shift_right_logical3A_3498 : i32 to vector<8x1024xi32>
    %shift_right_logical3A_3500 = arith.shrui %xor3A_3493, %shift_right_logical3A_3499 : vector<8x1024xi32>
    %or3A_3501 = arith.ori %shift_left3A_3497, %shift_right_logical3A_3500 : vector<8x1024xi32>
    %xor3A_3502 = arith.xori %or3A_3501, %add3A_3494 : vector<8x1024xi32>
    %add3A_3503 = arith.addi %add3A_3494, %xor3A_3502 : vector<8x1024xi32>
    %shift_left3A_3504 = arith.constant 16 : i32
    %shift_left3A_3505 = vector.broadcast %shift_left3A_3504 : i32 to vector<8x1024xi32>
    %shift_left3A_3506 = arith.shli %xor3A_3502, %shift_left3A_3505 : vector<8x1024xi32>
    %shift_right_logical3A_3507 = arith.constant 16 : i32
    %shift_right_logical3A_3508 = vector.broadcast %shift_right_logical3A_3507 : i32 to vector<8x1024xi32>
    %shift_right_logical3A_3509 = arith.shrui %xor3A_3502, %shift_right_logical3A_3508 : vector<8x1024xi32>
    %or3A_3510 = arith.ori %shift_left3A_3506, %shift_right_logical3A_3509 : vector<8x1024xi32>
    %xor3A_3511 = arith.xori %or3A_3510, %add3A_3503 : vector<8x1024xi32>
    %add3A_3512 = arith.addi %add3A_3503, %xor3A_3511 : vector<8x1024xi32>
    %shift_left3A_3513 = arith.constant 24 : i32
    %shift_left3A_3514 = vector.broadcast %shift_left3A_3513 : i32 to vector<8x1024xi32>
    %shift_left3A_3515 = arith.shli %xor3A_3511, %shift_left3A_3514 : vector<8x1024xi32>
    %shift_right_logical3A_3516 = arith.constant 8 : i32
    %shift_right_logical3A_3517 = vector.broadcast %shift_right_logical3A_3516 : i32 to vector<8x1024xi32>
    %shift_right_logical3A_3518 = arith.shrui %xor3A_3511, %shift_right_logical3A_3517 : vector<8x1024xi32>
    %or3A_3519 = arith.ori %shift_left3A_3515, %shift_right_logical3A_3518 : vector<8x1024xi32>
    %xor3A_3520 = arith.xori %or3A_3519, %add3A_3512 : vector<8x1024xi32>
    %add3A_3521 = arith.constant 466689008 : i32
    %add3A_3522 = vector.broadcast %add3A_3521 : i32 to vector<8x1024xi32>
    %add3A_3523 = arith.addi %add3A_3512, %add3A_3522 : vector<8x1024xi32>
    %add3A_3524 = arith.constant 0 : i32
    %add3A_3525 = vector.broadcast %add3A_3524 : i32 to vector<8x1024xi32>
    %add3A_3526 = arith.addi %xor3A_3520, %add3A_3525 : vector<8x1024xi32>
    %add3A_3527 = arith.constant 2 : i32
    %add3A_3528 = vector.broadcast %add3A_3527 : i32 to vector<8x1024xi32>
    %add3A_3529 = arith.addi %add3A_3526, %add3A_3528 : vector<8x1024xi32>
    %add3A_3530 = arith.addi %add3A_3523, %add3A_3529 : vector<8x1024xi32>
    %shift_left3A_3531 = arith.constant 13 : i32
    %shift_left3A_3532 = vector.broadcast %shift_left3A_3531 : i32 to vector<8x1024xi32>
    %shift_left3A_3533 = arith.shli %add3A_3529, %shift_left3A_3532 : vector<8x1024xi32>
    %shift_right_logical3A_3534 = arith.constant 19 : i32
    %shift_right_logical3A_3535 = vector.broadcast %shift_right_logical3A_3534 : i32 to vector<8x1024xi32>
    %shift_right_logical3A_3536 = arith.shrui %add3A_3529, %shift_right_logical3A_3535 : vector<8x1024xi32>
    %or3A_3537 = arith.ori %shift_left3A_3533, %shift_right_logical3A_3536 : vector<8x1024xi32>
    %xor3A_3538 = arith.xori %or3A_3537, %add3A_3530 : vector<8x1024xi32>
    %add3A_3539 = arith.addi %add3A_3530, %xor3A_3538 : vector<8x1024xi32>
    %shift_left3A_3540 = arith.constant 15 : i32
    %shift_left3A_3541 = vector.broadcast %shift_left3A_3540 : i32 to vector<8x1024xi32>
    %shift_left3A_3542 = arith.shli %xor3A_3538, %shift_left3A_3541 : vector<8x1024xi32>
    %shift_right_logical3A_3543 = arith.constant 17 : i32
    %shift_right_logical3A_3544 = vector.broadcast %shift_right_logical3A_3543 : i32 to vector<8x1024xi32>
    %shift_right_logical3A_3545 = arith.shrui %xor3A_3538, %shift_right_logical3A_3544 : vector<8x1024xi32>
    %or3A_3546 = arith.ori %shift_left3A_3542, %shift_right_logical3A_3545 : vector<8x1024xi32>
    %xor3A_3547 = arith.xori %or3A_3546, %add3A_3539 : vector<8x1024xi32>
    %add3A_3548 = arith.addi %add3A_3539, %xor3A_3547 : vector<8x1024xi32>
    %shift_left3A_3549 = arith.constant 26 : i32
    %shift_left3A_3550 = vector.broadcast %shift_left3A_3549 : i32 to vector<8x1024xi32>
    %shift_left3A_3551 = arith.shli %xor3A_3547, %shift_left3A_3550 : vector<8x1024xi32>
    %shift_right_logical3A_3552 = arith.constant 6 : i32
    %shift_right_logical3A_3553 = vector.broadcast %shift_right_logical3A_3552 : i32 to vector<8x1024xi32>
    %shift_right_logical3A_3554 = arith.shrui %xor3A_3547, %shift_right_logical3A_3553 : vector<8x1024xi32>
    %or3A_3555 = arith.ori %shift_left3A_3551, %shift_right_logical3A_3554 : vector<8x1024xi32>
    %xor3A_3556 = arith.xori %or3A_3555, %add3A_3548 : vector<8x1024xi32>
    %add3A_3557 = arith.addi %add3A_3548, %xor3A_3556 : vector<8x1024xi32>
    %shift_left3A_3558 = arith.constant 6 : i32
    %shift_left3A_3559 = vector.broadcast %shift_left3A_3558 : i32 to vector<8x1024xi32>
    %shift_left3A_3560 = arith.shli %xor3A_3556, %shift_left3A_3559 : vector<8x1024xi32>
    %shift_right_logical3A_3561 = arith.constant 26 : i32
    %shift_right_logical3A_3562 = vector.broadcast %shift_right_logical3A_3561 : i32 to vector<8x1024xi32>
    %shift_right_logical3A_3563 = arith.shrui %xor3A_3556, %shift_right_logical3A_3562 : vector<8x1024xi32>
    %or3A_3564 = arith.ori %shift_left3A_3560, %shift_right_logical3A_3563 : vector<8x1024xi32>
    %xor3A_3565 = arith.xori %or3A_3564, %add3A_3557 : vector<8x1024xi32>
    %add3A_3566 = arith.constant 0 : i32
    %add3A_3567 = vector.broadcast %add3A_3566 : i32 to vector<8x1024xi32>
    %add3A_3568 = arith.addi %add3A_3557, %add3A_3567 : vector<8x1024xi32>
    %add3A_3569 = arith.constant 42 : i32
    %add3A_3570 = vector.broadcast %add3A_3569 : i32 to vector<8x1024xi32>
    %add3A_3571 = arith.addi %xor3A_3565, %add3A_3570 : vector<8x1024xi32>
    %add3A_3572 = arith.constant 3 : i32
    %add3A_3573 = vector.broadcast %add3A_3572 : i32 to vector<8x1024xi32>
    %add3A_3574 = arith.addi %add3A_3571, %add3A_3573 : vector<8x1024xi32>
    %add3A_3575 = arith.addi %add3A_3568, %add3A_3574 : vector<8x1024xi32>
    %shift_left3A_3576 = arith.constant 17 : i32
    %shift_left3A_3577 = vector.broadcast %shift_left3A_3576 : i32 to vector<8x1024xi32>
    %shift_left3A_3578 = arith.shli %add3A_3574, %shift_left3A_3577 : vector<8x1024xi32>
    %shift_right_logical3A_3579 = arith.constant 15 : i32
    %shift_right_logical3A_3580 = vector.broadcast %shift_right_logical3A_3579 : i32 to vector<8x1024xi32>
    %shift_right_logical3A_3581 = arith.shrui %add3A_3574, %shift_right_logical3A_3580 : vector<8x1024xi32>
    %or3A_3582 = arith.ori %shift_left3A_3578, %shift_right_logical3A_3581 : vector<8x1024xi32>
    %xor3A_3583 = arith.xori %or3A_3582, %add3A_3575 : vector<8x1024xi32>
    %add3A_3584 = arith.addi %add3A_3575, %xor3A_3583 : vector<8x1024xi32>
    %shift_left3A_3585 = arith.constant 29 : i32
    %shift_left3A_3586 = vector.broadcast %shift_left3A_3585 : i32 to vector<8x1024xi32>
    %shift_left3A_3587 = arith.shli %xor3A_3583, %shift_left3A_3586 : vector<8x1024xi32>
    %shift_right_logical3A_3588 = arith.constant 3 : i32
    %shift_right_logical3A_3589 = vector.broadcast %shift_right_logical3A_3588 : i32 to vector<8x1024xi32>
    %shift_right_logical3A_3590 = arith.shrui %xor3A_3583, %shift_right_logical3A_3589 : vector<8x1024xi32>
    %or3A_3591 = arith.ori %shift_left3A_3587, %shift_right_logical3A_3590 : vector<8x1024xi32>
    %xor3A_3592 = arith.xori %or3A_3591, %add3A_3584 : vector<8x1024xi32>
    %add3A_3593 = arith.addi %add3A_3584, %xor3A_3592 : vector<8x1024xi32>
    %shift_left3A_3594 = arith.constant 16 : i32
    %shift_left3A_3595 = vector.broadcast %shift_left3A_3594 : i32 to vector<8x1024xi32>
    %shift_left3A_3596 = arith.shli %xor3A_3592, %shift_left3A_3595 : vector<8x1024xi32>
    %shift_right_logical3A_3597 = arith.constant 16 : i32
    %shift_right_logical3A_3598 = vector.broadcast %shift_right_logical3A_3597 : i32 to vector<8x1024xi32>
    %shift_right_logical3A_3599 = arith.shrui %xor3A_3592, %shift_right_logical3A_3598 : vector<8x1024xi32>
    %or3A_3600 = arith.ori %shift_left3A_3596, %shift_right_logical3A_3599 : vector<8x1024xi32>
    %xor3A_3601 = arith.xori %or3A_3600, %add3A_3593 : vector<8x1024xi32>
    %add3A_3602 = arith.addi %add3A_3593, %xor3A_3601 : vector<8x1024xi32>
    %shift_left3A_3603 = arith.constant 24 : i32
    %shift_left3A_3604 = vector.broadcast %shift_left3A_3603 : i32 to vector<8x1024xi32>
    %shift_left3A_3605 = arith.shli %xor3A_3601, %shift_left3A_3604 : vector<8x1024xi32>
    %shift_right_logical3A_3606 = arith.constant 8 : i32
    %shift_right_logical3A_3607 = vector.broadcast %shift_right_logical3A_3606 : i32 to vector<8x1024xi32>
    %shift_right_logical3A_3608 = arith.shrui %xor3A_3601, %shift_right_logical3A_3607 : vector<8x1024xi32>
    %or3A_3609 = arith.ori %shift_left3A_3605, %shift_right_logical3A_3608 : vector<8x1024xi32>
    %xor3A_3610 = arith.xori %or3A_3609, %add3A_3602 : vector<8x1024xi32>
    %add3A_3611 = arith.constant 42 : i32
    %add3A_3612 = vector.broadcast %add3A_3611 : i32 to vector<8x1024xi32>
    %add3A_3613 = arith.addi %add3A_3602, %add3A_3612 : vector<8x1024xi32>
    %add3A_3614 = arith.constant 466689008 : i32
    %add3A_3615 = vector.broadcast %add3A_3614 : i32 to vector<8x1024xi32>
    %add3A_3616 = arith.addi %xor3A_3610, %add3A_3615 : vector<8x1024xi32>
    %add3A_3617 = arith.constant 4 : i32
    %add3A_3618 = vector.broadcast %add3A_3617 : i32 to vector<8x1024xi32>
    %add3A_3619 = arith.addi %add3A_3616, %add3A_3618 : vector<8x1024xi32>
    %add3A_3620 = arith.addi %add3A_3613, %add3A_3619 : vector<8x1024xi32>
    %shift_left3A_3621 = arith.constant 13 : i32
    %shift_left3A_3622 = vector.broadcast %shift_left3A_3621 : i32 to vector<8x1024xi32>
    %shift_left3A_3623 = arith.shli %add3A_3619, %shift_left3A_3622 : vector<8x1024xi32>
    %shift_right_logical3A_3624 = arith.constant 19 : i32
    %shift_right_logical3A_3625 = vector.broadcast %shift_right_logical3A_3624 : i32 to vector<8x1024xi32>
    %shift_right_logical3A_3626 = arith.shrui %add3A_3619, %shift_right_logical3A_3625 : vector<8x1024xi32>
    %or3A_3627 = arith.ori %shift_left3A_3623, %shift_right_logical3A_3626 : vector<8x1024xi32>
    %xor3A_3628 = arith.xori %or3A_3627, %add3A_3620 : vector<8x1024xi32>
    %add3A_3629 = arith.addi %add3A_3620, %xor3A_3628 : vector<8x1024xi32>
    %shift_left3A_3630 = arith.constant 15 : i32
    %shift_left3A_3631 = vector.broadcast %shift_left3A_3630 : i32 to vector<8x1024xi32>
    %shift_left3A_3632 = arith.shli %xor3A_3628, %shift_left3A_3631 : vector<8x1024xi32>
    %shift_right_logical3A_3633 = arith.constant 17 : i32
    %shift_right_logical3A_3634 = vector.broadcast %shift_right_logical3A_3633 : i32 to vector<8x1024xi32>
    %shift_right_logical3A_3635 = arith.shrui %xor3A_3628, %shift_right_logical3A_3634 : vector<8x1024xi32>
    %or3A_3636 = arith.ori %shift_left3A_3632, %shift_right_logical3A_3635 : vector<8x1024xi32>
    %xor3A_3637 = arith.xori %or3A_3636, %add3A_3629 : vector<8x1024xi32>
    %add3A_3638 = arith.addi %add3A_3629, %xor3A_3637 : vector<8x1024xi32>
    %shift_left3A_3639 = arith.constant 26 : i32
    %shift_left3A_3640 = vector.broadcast %shift_left3A_3639 : i32 to vector<8x1024xi32>
    %shift_left3A_3641 = arith.shli %xor3A_3637, %shift_left3A_3640 : vector<8x1024xi32>
    %shift_right_logical3A_3642 = arith.constant 6 : i32
    %shift_right_logical3A_3643 = vector.broadcast %shift_right_logical3A_3642 : i32 to vector<8x1024xi32>
    %shift_right_logical3A_3644 = arith.shrui %xor3A_3637, %shift_right_logical3A_3643 : vector<8x1024xi32>
    %or3A_3645 = arith.ori %shift_left3A_3641, %shift_right_logical3A_3644 : vector<8x1024xi32>
    %xor3A_3646 = arith.xori %or3A_3645, %add3A_3638 : vector<8x1024xi32>
    %add3A_3647 = arith.addi %add3A_3638, %xor3A_3646 : vector<8x1024xi32>
    %shift_left3A_3648 = arith.constant 6 : i32
    %shift_left3A_3649 = vector.broadcast %shift_left3A_3648 : i32 to vector<8x1024xi32>
    %shift_left3A_3650 = arith.shli %xor3A_3646, %shift_left3A_3649 : vector<8x1024xi32>
    %shift_right_logical3A_3651 = arith.constant 26 : i32
    %shift_right_logical3A_3652 = vector.broadcast %shift_right_logical3A_3651 : i32 to vector<8x1024xi32>
    %shift_right_logical3A_3653 = arith.shrui %xor3A_3646, %shift_right_logical3A_3652 : vector<8x1024xi32>
    %or3A_3654 = arith.ori %shift_left3A_3650, %shift_right_logical3A_3653 : vector<8x1024xi32>
    %xor3A_3655 = arith.xori %or3A_3654, %add3A_3647 : vector<8x1024xi32>
    %add3A_3656 = arith.constant 466689008 : i32
    %add3A_3657 = vector.broadcast %add3A_3656 : i32 to vector<8x1024xi32>
    %add3A_3658 = arith.addi %add3A_3647, %add3A_3657 : vector<8x1024xi32>
    %add3A_3659 = arith.constant 0 : i32
    %add3A_3660 = vector.broadcast %add3A_3659 : i32 to vector<8x1024xi32>
    %add3A_3661 = arith.addi %xor3A_3655, %add3A_3660 : vector<8x1024xi32>
    %add3A_3662 = arith.constant 5 : i32
    %add3A_3663 = vector.broadcast %add3A_3662 : i32 to vector<8x1024xi32>
    %add3A_3664 = arith.addi %add3A_3661, %add3A_3663 : vector<8x1024xi32>
    %xor3A_3665 = arith.xori %add3A_3658, %add3A_3664 : vector<8x1024xi32>
    %shift_right_logical3A_3666 = arith.constant 31 : i32
    %shift_right_logical3A_3667 = vector.broadcast %shift_right_logical3A_3666 : i32 to vector<8x1024xi32>
    %shift_right_logical3A_3668 = arith.shrui %xor3A_3665, %shift_right_logical3A_3667 : vector<8x1024xi32>
    %eq3A_3669 = arith.constant 1 : i32
    %eq3A_3670 = vector.broadcast %eq3A_3669 : i32 to vector<8x1024xi32>
    %eq3A_3671 = arith.cmpi eq, %shift_right_logical3A_3668, %eq3A_3670 : vector<8x1024xi32>
    %get3A_3672 = arith.constant 106496 : index
    %get3A_3673 = vector.load %arg1[%get3A_3672] : memref<131072xf32, #tpu.memory_space<vmem>>, vector<8192xf32>
    %reshape3A_3674 = vector.shape_cast %get3A_3673 : vector<8192xf32> to vector<8x1024xf32>
    %mul3A_3675 = arith.constant 2.000000e+00 : f32
    %mul3A_3676 = vector.broadcast %mul3A_3675 : f32 to vector<8x1024xf32>
    %mul3A_3677 = arith.mulf %reshape3A_3674, %mul3A_3676 : vector<8x1024xf32>
    %jit3A_3678 = arith.constant 0.000000e+00 : f32
    %broadcast_in_dim3A_3679 = vector.broadcast %jit3A_3678 : f32 to vector<8x1024xf32>
    %select_n3A_3680 = arith.select %eq3A_3671, %mul3A_3677, %broadcast_in_dim3A_3679 : vector<8x1024xi1>, vector<8x1024xf32>
    %reshape3A_3681 = vector.shape_cast %select_n3A_3680 : vector<8x1024xf32> to vector<8192xf32>
    %swap3A_3682 = arith.constant 106496 : index
    %swap3A_3683 = vector.load %arg2[%swap3A_3682] : memref<131072xf32, #tpu.memory_space<vmem>>, vector<8192xf32>
    tpu.vector_store %arg2[%swap3A_3682], %reshape3A_3681 {strides = array<i32>} : memref<131072xf32, #tpu.memory_space<vmem>>, vector<8192xf32>,
    %mul3A_3684 = arith.constant 131072 : i32
    %mul3A_3685 = arith.muli %add3A_0, %mul3A_3684 : i32
    %add3A_3686 = arith.constant 114688 : i32
    %add3A_3687 = arith.addi %mul3A_3685, %add3A_3686 : i32
    %iota3A_3688 = tpu.iota {dimensions = array<i32: 0>} : vector<8x1024xi32>
    %mul3A_3689 = arith.constant 1024 : i32
    %mul3A_3690 = vector.broadcast %mul3A_3689 : i32 to vector<8x1024xi32>
    %mul3A_3691 = arith.muli %iota3A_3688, %mul3A_3690 : vector<8x1024xi32>
    %add3A_3692 = vector.broadcast %add3A_3687 : i32 to vector<8x1024xi32>
    %add3A_3693 = arith.addi %add3A_3692, %mul3A_3691 : vector<8x1024xi32>
    %iota3A_3694 = tpu.iota {dimensions = array<i32: 1>} : vector<8x1024xi32>
    %add3A_3695 = arith.addi %add3A_3693, %iota3A_3694 : vector<8x1024xi32>
    %broadcast_in_dim3A_3696 = arith.constant 0 : i32
    %broadcast_in_dim3A_3697 = vector.broadcast %broadcast_in_dim3A_3696 : i32 to vector<8x1024xi32>
    %add3A_3698 = arith.constant 0 : i32
    %add3A_3699 = vector.broadcast %add3A_3698 : i32 to vector<8x1024xi32>
    %add3A_3700 = arith.addi %broadcast_in_dim3A_3697, %add3A_3699 : vector<8x1024xi32>
    %add3A_3701 = arith.constant 42 : i32
    %add3A_3702 = vector.broadcast %add3A_3701 : i32 to vector<8x1024xi32>
    %add3A_3703 = arith.addi %add3A_3695, %add3A_3702 : vector<8x1024xi32>
    %add3A_3704 = arith.addi %add3A_3700, %add3A_3703 : vector<8x1024xi32>
    %shift_left3A_3705 = arith.constant 13 : i32
    %shift_left3A_3706 = vector.broadcast %shift_left3A_3705 : i32 to vector<8x1024xi32>
    %shift_left3A_3707 = arith.shli %add3A_3703, %shift_left3A_3706 : vector<8x1024xi32>
    %shift_right_logical3A_3708 = arith.constant 19 : i32
    %shift_right_logical3A_3709 = vector.broadcast %shift_right_logical3A_3708 : i32 to vector<8x1024xi32>
    %shift_right_logical3A_3710 = arith.shrui %add3A_3703, %shift_right_logical3A_3709 : vector<8x1024xi32>
    %or3A_3711 = arith.ori %shift_left3A_3707, %shift_right_logical3A_3710 : vector<8x1024xi32>
    %xor3A_3712 = arith.xori %or3A_3711, %add3A_3704 : vector<8x1024xi32>
    %add3A_3713 = arith.addi %add3A_3704, %xor3A_3712 : vector<8x1024xi32>
    %shift_left3A_3714 = arith.constant 15 : i32
    %shift_left3A_3715 = vector.broadcast %shift_left3A_3714 : i32 to vector<8x1024xi32>
    %shift_left3A_3716 = arith.shli %xor3A_3712, %shift_left3A_3715 : vector<8x1024xi32>
    %shift_right_logical3A_3717 = arith.constant 17 : i32
    %shift_right_logical3A_3718 = vector.broadcast %shift_right_logical3A_3717 : i32 to vector<8x1024xi32>
    %shift_right_logical3A_3719 = arith.shrui %xor3A_3712, %shift_right_logical3A_3718 : vector<8x1024xi32>
    %or3A_3720 = arith.ori %shift_left3A_3716, %shift_right_logical3A_3719 : vector<8x1024xi32>
    %xor3A_3721 = arith.xori %or3A_3720, %add3A_3713 : vector<8x1024xi32>
    %add3A_3722 = arith.addi %add3A_3713, %xor3A_3721 : vector<8x1024xi32>
    %shift_left3A_3723 = arith.constant 26 : i32
    %shift_left3A_3724 = vector.broadcast %shift_left3A_3723 : i32 to vector<8x1024xi32>
    %shift_left3A_3725 = arith.shli %xor3A_3721, %shift_left3A_3724 : vector<8x1024xi32>
    %shift_right_logical3A_3726 = arith.constant 6 : i32
    %shift_right_logical3A_3727 = vector.broadcast %shift_right_logical3A_3726 : i32 to vector<8x1024xi32>
    %shift_right_logical3A_3728 = arith.shrui %xor3A_3721, %shift_right_logical3A_3727 : vector<8x1024xi32>
    %or3A_3729 = arith.ori %shift_left3A_3725, %shift_right_logical3A_3728 : vector<8x1024xi32>
    %xor3A_3730 = arith.xori %or3A_3729, %add3A_3722 : vector<8x1024xi32>
    %add3A_3731 = arith.addi %add3A_3722, %xor3A_3730 : vector<8x1024xi32>
    %shift_left3A_3732 = arith.constant 6 : i32
    %shift_left3A_3733 = vector.broadcast %shift_left3A_3732 : i32 to vector<8x1024xi32>
    %shift_left3A_3734 = arith.shli %xor3A_3730, %shift_left3A_3733 : vector<8x1024xi32>
    %shift_right_logical3A_3735 = arith.constant 26 : i32
    %shift_right_logical3A_3736 = vector.broadcast %shift_right_logical3A_3735 : i32 to vector<8x1024xi32>
    %shift_right_logical3A_3737 = arith.shrui %xor3A_3730, %shift_right_logical3A_3736 : vector<8x1024xi32>
    %or3A_3738 = arith.ori %shift_left3A_3734, %shift_right_logical3A_3737 : vector<8x1024xi32>
    %xor3A_3739 = arith.xori %or3A_3738, %add3A_3731 : vector<8x1024xi32>
    %add3A_3740 = arith.constant 42 : i32
    %add3A_3741 = vector.broadcast %add3A_3740 : i32 to vector<8x1024xi32>
    %add3A_3742 = arith.addi %add3A_3731, %add3A_3741 : vector<8x1024xi32>
    %add3A_3743 = arith.constant 466689008 : i32
    %add3A_3744 = vector.broadcast %add3A_3743 : i32 to vector<8x1024xi32>
    %add3A_3745 = arith.addi %xor3A_3739, %add3A_3744 : vector<8x1024xi32>
    %add3A_3746 = arith.constant 1 : i32
    %add3A_3747 = vector.broadcast %add3A_3746 : i32 to vector<8x1024xi32>
    %add3A_3748 = arith.addi %add3A_3745, %add3A_3747 : vector<8x1024xi32>
    %add3A_3749 = arith.addi %add3A_3742, %add3A_3748 : vector<8x1024xi32>
    %shift_left3A_3750 = arith.constant 17 : i32
    %shift_left3A_3751 = vector.broadcast %shift_left3A_3750 : i32 to vector<8x1024xi32>
    %shift_left3A_3752 = arith.shli %add3A_3748, %shift_left3A_3751 : vector<8x1024xi32>
    %shift_right_logical3A_3753 = arith.constant 15 : i32
    %shift_right_logical3A_3754 = vector.broadcast %shift_right_logical3A_3753 : i32 to vector<8x1024xi32>
    %shift_right_logical3A_3755 = arith.shrui %add3A_3748, %shift_right_logical3A_3754 : vector<8x1024xi32>
    %or3A_3756 = arith.ori %shift_left3A_3752, %shift_right_logical3A_3755 : vector<8x1024xi32>
    %xor3A_3757 = arith.xori %or3A_3756, %add3A_3749 : vector<8x1024xi32>
    %add3A_3758 = arith.addi %add3A_3749, %xor3A_3757 : vector<8x1024xi32>
    %shift_left3A_3759 = arith.constant 29 : i32
    %shift_left3A_3760 = vector.broadcast %shift_left3A_3759 : i32 to vector<8x1024xi32>
    %shift_left3A_3761 = arith.shli %xor3A_3757, %shift_left3A_3760 : vector<8x1024xi32>
    %shift_right_logical3A_3762 = arith.constant 3 : i32
    %shift_right_logical3A_3763 = vector.broadcast %shift_right_logical3A_3762 : i32 to vector<8x1024xi32>
    %shift_right_logical3A_3764 = arith.shrui %xor3A_3757, %shift_right_logical3A_3763 : vector<8x1024xi32>
    %or3A_3765 = arith.ori %shift_left3A_3761, %shift_right_logical3A_3764 : vector<8x1024xi32>
    %xor3A_3766 = arith.xori %or3A_3765, %add3A_3758 : vector<8x1024xi32>
    %add3A_3767 = arith.addi %add3A_3758, %xor3A_3766 : vector<8x1024xi32>
    %shift_left3A_3768 = arith.constant 16 : i32
    %shift_left3A_3769 = vector.broadcast %shift_left3A_3768 : i32 to vector<8x1024xi32>
    %shift_left3A_3770 = arith.shli %xor3A_3766, %shift_left3A_3769 : vector<8x1024xi32>
    %shift_right_logical3A_3771 = arith.constant 16 : i32
    %shift_right_logical3A_3772 = vector.broadcast %shift_right_logical3A_3771 : i32 to vector<8x1024xi32>
    %shift_right_logical3A_3773 = arith.shrui %xor3A_3766, %shift_right_logical3A_3772 : vector<8x1024xi32>
    %or3A_3774 = arith.ori %shift_left3A_3770, %shift_right_logical3A_3773 : vector<8x1024xi32>
    %xor3A_3775 = arith.xori %or3A_3774, %add3A_3767 : vector<8x1024xi32>
    %add3A_3776 = arith.addi %add3A_3767, %xor3A_3775 : vector<8x1024xi32>
    %shift_left3A_3777 = arith.constant 24 : i32
    %shift_left3A_3778 = vector.broadcast %shift_left3A_3777 : i32 to vector<8x1024xi32>
    %shift_left3A_3779 = arith.shli %xor3A_3775, %shift_left3A_3778 : vector<8x1024xi32>
    %shift_right_logical3A_3780 = arith.constant 8 : i32
    %shift_right_logical3A_3781 = vector.broadcast %shift_right_logical3A_3780 : i32 to vector<8x1024xi32>
    %shift_right_logical3A_3782 = arith.shrui %xor3A_3775, %shift_right_logical3A_3781 : vector<8x1024xi32>
    %or3A_3783 = arith.ori %shift_left3A_3779, %shift_right_logical3A_3782 : vector<8x1024xi32>
    %xor3A_3784 = arith.xori %or3A_3783, %add3A_3776 : vector<8x1024xi32>
    %add3A_3785 = arith.constant 466689008 : i32
    %add3A_3786 = vector.broadcast %add3A_3785 : i32 to vector<8x1024xi32>
    %add3A_3787 = arith.addi %add3A_3776, %add3A_3786 : vector<8x1024xi32>
    %add3A_3788 = arith.constant 0 : i32
    %add3A_3789 = vector.broadcast %add3A_3788 : i32 to vector<8x1024xi32>
    %add3A_3790 = arith.addi %xor3A_3784, %add3A_3789 : vector<8x1024xi32>
    %add3A_3791 = arith.constant 2 : i32
    %add3A_3792 = vector.broadcast %add3A_3791 : i32 to vector<8x1024xi32>
    %add3A_3793 = arith.addi %add3A_3790, %add3A_3792 : vector<8x1024xi32>
    %add3A_3794 = arith.addi %add3A_3787, %add3A_3793 : vector<8x1024xi32>
    %shift_left3A_3795 = arith.constant 13 : i32
    %shift_left3A_3796 = vector.broadcast %shift_left3A_3795 : i32 to vector<8x1024xi32>
    %shift_left3A_3797 = arith.shli %add3A_3793, %shift_left3A_3796 : vector<8x1024xi32>
    %shift_right_logical3A_3798 = arith.constant 19 : i32
    %shift_right_logical3A_3799 = vector.broadcast %shift_right_logical3A_3798 : i32 to vector<8x1024xi32>
    %shift_right_logical3A_3800 = arith.shrui %add3A_3793, %shift_right_logical3A_3799 : vector<8x1024xi32>
    %or3A_3801 = arith.ori %shift_left3A_3797, %shift_right_logical3A_3800 : vector<8x1024xi32>
    %xor3A_3802 = arith.xori %or3A_3801, %add3A_3794 : vector<8x1024xi32>
    %add3A_3803 = arith.addi %add3A_3794, %xor3A_3802 : vector<8x1024xi32>
    %shift_left3A_3804 = arith.constant 15 : i32
    %shift_left3A_3805 = vector.broadcast %shift_left3A_3804 : i32 to vector<8x1024xi32>
    %shift_left3A_3806 = arith.shli %xor3A_3802, %shift_left3A_3805 : vector<8x1024xi32>
    %shift_right_logical3A_3807 = arith.constant 17 : i32
    %shift_right_logical3A_3808 = vector.broadcast %shift_right_logical3A_3807 : i32 to vector<8x1024xi32>
    %shift_right_logical3A_3809 = arith.shrui %xor3A_3802, %shift_right_logical3A_3808 : vector<8x1024xi32>
    %or3A_3810 = arith.ori %shift_left3A_3806, %shift_right_logical3A_3809 : vector<8x1024xi32>
    %xor3A_3811 = arith.xori %or3A_3810, %add3A_3803 : vector<8x1024xi32>
    %add3A_3812 = arith.addi %add3A_3803, %xor3A_3811 : vector<8x1024xi32>
    %shift_left3A_3813 = arith.constant 26 : i32
    %shift_left3A_3814 = vector.broadcast %shift_left3A_3813 : i32 to vector<8x1024xi32>
    %shift_left3A_3815 = arith.shli %xor3A_3811, %shift_left3A_3814 : vector<8x1024xi32>
    %shift_right_logical3A_3816 = arith.constant 6 : i32
    %shift_right_logical3A_3817 = vector.broadcast %shift_right_logical3A_3816 : i32 to vector<8x1024xi32>
    %shift_right_logical3A_3818 = arith.shrui %xor3A_3811, %shift_right_logical3A_3817 : vector<8x1024xi32>
    %or3A_3819 = arith.ori %shift_left3A_3815, %shift_right_logical3A_3818 : vector<8x1024xi32>
    %xor3A_3820 = arith.xori %or3A_3819, %add3A_3812 : vector<8x1024xi32>
    %add3A_3821 = arith.addi %add3A_3812, %xor3A_3820 : vector<8x1024xi32>
    %shift_left3A_3822 = arith.constant 6 : i32
    %shift_left3A_3823 = vector.broadcast %shift_left3A_3822 : i32 to vector<8x1024xi32>
    %shift_left3A_3824 = arith.shli %xor3A_3820, %shift_left3A_3823 : vector<8x1024xi32>
    %shift_right_logical3A_3825 = arith.constant 26 : i32
    %shift_right_logical3A_3826 = vector.broadcast %shift_right_logical3A_3825 : i32 to vector<8x1024xi32>
    %shift_right_logical3A_3827 = arith.shrui %xor3A_3820, %shift_right_logical3A_3826 : vector<8x1024xi32>
    %or3A_3828 = arith.ori %shift_left3A_3824, %shift_right_logical3A_3827 : vector<8x1024xi32>
    %xor3A_3829 = arith.xori %or3A_3828, %add3A_3821 : vector<8x1024xi32>
    %add3A_3830 = arith.constant 0 : i32
    %add3A_3831 = vector.broadcast %add3A_3830 : i32 to vector<8x1024xi32>
    %add3A_3832 = arith.addi %add3A_3821, %add3A_3831 : vector<8x1024xi32>
    %add3A_3833 = arith.constant 42 : i32
    %add3A_3834 = vector.broadcast %add3A_3833 : i32 to vector<8x1024xi32>
    %add3A_3835 = arith.addi %xor3A_3829, %add3A_3834 : vector<8x1024xi32>
    %add3A_3836 = arith.constant 3 : i32
    %add3A_3837 = vector.broadcast %add3A_3836 : i32 to vector<8x1024xi32>
    %add3A_3838 = arith.addi %add3A_3835, %add3A_3837 : vector<8x1024xi32>
    %add3A_3839 = arith.addi %add3A_3832, %add3A_3838 : vector<8x1024xi32>
    %shift_left3A_3840 = arith.constant 17 : i32
    %shift_left3A_3841 = vector.broadcast %shift_left3A_3840 : i32 to vector<8x1024xi32>
    %shift_left3A_3842 = arith.shli %add3A_3838, %shift_left3A_3841 : vector<8x1024xi32>
    %shift_right_logical3A_3843 = arith.constant 15 : i32
    %shift_right_logical3A_3844 = vector.broadcast %shift_right_logical3A_3843 : i32 to vector<8x1024xi32>
    %shift_right_logical3A_3845 = arith.shrui %add3A_3838, %shift_right_logical3A_3844 : vector<8x1024xi32>
    %or3A_3846 = arith.ori %shift_left3A_3842, %shift_right_logical3A_3845 : vector<8x1024xi32>
    %xor3A_3847 = arith.xori %or3A_3846, %add3A_3839 : vector<8x1024xi32>
    %add3A_3848 = arith.addi %add3A_3839, %xor3A_3847 : vector<8x1024xi32>
    %shift_left3A_3849 = arith.constant 29 : i32
    %shift_left3A_3850 = vector.broadcast %shift_left3A_3849 : i32 to vector<8x1024xi32>
    %shift_left3A_3851 = arith.shli %xor3A_3847, %shift_left3A_3850 : vector<8x1024xi32>
    %shift_right_logical3A_3852 = arith.constant 3 : i32
    %shift_right_logical3A_3853 = vector.broadcast %shift_right_logical3A_3852 : i32 to vector<8x1024xi32>
    %shift_right_logical3A_3854 = arith.shrui %xor3A_3847, %shift_right_logical3A_3853 : vector<8x1024xi32>
    %or3A_3855 = arith.ori %shift_left3A_3851, %shift_right_logical3A_3854 : vector<8x1024xi32>
    %xor3A_3856 = arith.xori %or3A_3855, %add3A_3848 : vector<8x1024xi32>
    %add3A_3857 = arith.addi %add3A_3848, %xor3A_3856 : vector<8x1024xi32>
    %shift_left3A_3858 = arith.constant 16 : i32
    %shift_left3A_3859 = vector.broadcast %shift_left3A_3858 : i32 to vector<8x1024xi32>
    %shift_left3A_3860 = arith.shli %xor3A_3856, %shift_left3A_3859 : vector<8x1024xi32>
    %shift_right_logical3A_3861 = arith.constant 16 : i32
    %shift_right_logical3A_3862 = vector.broadcast %shift_right_logical3A_3861 : i32 to vector<8x1024xi32>
    %shift_right_logical3A_3863 = arith.shrui %xor3A_3856, %shift_right_logical3A_3862 : vector<8x1024xi32>
    %or3A_3864 = arith.ori %shift_left3A_3860, %shift_right_logical3A_3863 : vector<8x1024xi32>
    %xor3A_3865 = arith.xori %or3A_3864, %add3A_3857 : vector<8x1024xi32>
    %add3A_3866 = arith.addi %add3A_3857, %xor3A_3865 : vector<8x1024xi32>
    %shift_left3A_3867 = arith.constant 24 : i32
    %shift_left3A_3868 = vector.broadcast %shift_left3A_3867 : i32 to vector<8x1024xi32>
    %shift_left3A_3869 = arith.shli %xor3A_3865, %shift_left3A_3868 : vector<8x1024xi32>
    %shift_right_logical3A_3870 = arith.constant 8 : i32
    %shift_right_logical3A_3871 = vector.broadcast %shift_right_logical3A_3870 : i32 to vector<8x1024xi32>
    %shift_right_logical3A_3872 = arith.shrui %xor3A_3865, %shift_right_logical3A_3871 : vector<8x1024xi32>
    %or3A_3873 = arith.ori %shift_left3A_3869, %shift_right_logical3A_3872 : vector<8x1024xi32>
    %xor3A_3874 = arith.xori %or3A_3873, %add3A_3866 : vector<8x1024xi32>
    %add3A_3875 = arith.constant 42 : i32
    %add3A_3876 = vector.broadcast %add3A_3875 : i32 to vector<8x1024xi32>
    %add3A_3877 = arith.addi %add3A_3866, %add3A_3876 : vector<8x1024xi32>
    %add3A_3878 = arith.constant 466689008 : i32
    %add3A_3879 = vector.broadcast %add3A_3878 : i32 to vector<8x1024xi32>
    %add3A_3880 = arith.addi %xor3A_3874, %add3A_3879 : vector<8x1024xi32>
    %add3A_3881 = arith.constant 4 : i32
    %add3A_3882 = vector.broadcast %add3A_3881 : i32 to vector<8x1024xi32>
    %add3A_3883 = arith.addi %add3A_3880, %add3A_3882 : vector<8x1024xi32>
    %add3A_3884 = arith.addi %add3A_3877, %add3A_3883 : vector<8x1024xi32>
    %shift_left3A_3885 = arith.constant 13 : i32
    %shift_left3A_3886 = vector.broadcast %shift_left3A_3885 : i32 to vector<8x1024xi32>
    %shift_left3A_3887 = arith.shli %add3A_3883, %shift_left3A_3886 : vector<8x1024xi32>
    %shift_right_logical3A_3888 = arith.constant 19 : i32
    %shift_right_logical3A_3889 = vector.broadcast %shift_right_logical3A_3888 : i32 to vector<8x1024xi32>
    %shift_right_logical3A_3890 = arith.shrui %add3A_3883, %shift_right_logical3A_3889 : vector<8x1024xi32>
    %or3A_3891 = arith.ori %shift_left3A_3887, %shift_right_logical3A_3890 : vector<8x1024xi32>
    %xor3A_3892 = arith.xori %or3A_3891, %add3A_3884 : vector<8x1024xi32>
    %add3A_3893 = arith.addi %add3A_3884, %xor3A_3892 : vector<8x1024xi32>
    %shift_left3A_3894 = arith.constant 15 : i32
    %shift_left3A_3895 = vector.broadcast %shift_left3A_3894 : i32 to vector<8x1024xi32>
    %shift_left3A_3896 = arith.shli %xor3A_3892, %shift_left3A_3895 : vector<8x1024xi32>
    %shift_right_logical3A_3897 = arith.constant 17 : i32
    %shift_right_logical3A_3898 = vector.broadcast %shift_right_logical3A_3897 : i32 to vector<8x1024xi32>
    %shift_right_logical3A_3899 = arith.shrui %xor3A_3892, %shift_right_logical3A_3898 : vector<8x1024xi32>
    %or3A_3900 = arith.ori %shift_left3A_3896, %shift_right_logical3A_3899 : vector<8x1024xi32>
    %xor3A_3901 = arith.xori %or3A_3900, %add3A_3893 : vector<8x1024xi32>
    %add3A_3902 = arith.addi %add3A_3893, %xor3A_3901 : vector<8x1024xi32>
    %shift_left3A_3903 = arith.constant 26 : i32
    %shift_left3A_3904 = vector.broadcast %shift_left3A_3903 : i32 to vector<8x1024xi32>
    %shift_left3A_3905 = arith.shli %xor3A_3901, %shift_left3A_3904 : vector<8x1024xi32>
    %shift_right_logical3A_3906 = arith.constant 6 : i32
    %shift_right_logical3A_3907 = vector.broadcast %shift_right_logical3A_3906 : i32 to vector<8x1024xi32>
    %shift_right_logical3A_3908 = arith.shrui %xor3A_3901, %shift_right_logical3A_3907 : vector<8x1024xi32>
    %or3A_3909 = arith.ori %shift_left3A_3905, %shift_right_logical3A_3908 : vector<8x1024xi32>
    %xor3A_3910 = arith.xori %or3A_3909, %add3A_3902 : vector<8x1024xi32>
    %add3A_3911 = arith.addi %add3A_3902, %xor3A_3910 : vector<8x1024xi32>
    %shift_left3A_3912 = arith.constant 6 : i32
    %shift_left3A_3913 = vector.broadcast %shift_left3A_3912 : i32 to vector<8x1024xi32>
    %shift_left3A_3914 = arith.shli %xor3A_3910, %shift_left3A_3913 : vector<8x1024xi32>
    %shift_right_logical3A_3915 = arith.constant 26 : i32
    %shift_right_logical3A_3916 = vector.broadcast %shift_right_logical3A_3915 : i32 to vector<8x1024xi32>
    %shift_right_logical3A_3917 = arith.shrui %xor3A_3910, %shift_right_logical3A_3916 : vector<8x1024xi32>
    %or3A_3918 = arith.ori %shift_left3A_3914, %shift_right_logical3A_3917 : vector<8x1024xi32>
    %xor3A_3919 = arith.xori %or3A_3918, %add3A_3911 : vector<8x1024xi32>
    %add3A_3920 = arith.constant 466689008 : i32
    %add3A_3921 = vector.broadcast %add3A_3920 : i32 to vector<8x1024xi32>
    %add3A_3922 = arith.addi %add3A_3911, %add3A_3921 : vector<8x1024xi32>
    %add3A_3923 = arith.constant 0 : i32
    %add3A_3924 = vector.broadcast %add3A_3923 : i32 to vector<8x1024xi32>
    %add3A_3925 = arith.addi %xor3A_3919, %add3A_3924 : vector<8x1024xi32>
    %add3A_3926 = arith.constant 5 : i32
    %add3A_3927 = vector.broadcast %add3A_3926 : i32 to vector<8x1024xi32>
    %add3A_3928 = arith.addi %add3A_3925, %add3A_3927 : vector<8x1024xi32>
    %xor3A_3929 = arith.xori %add3A_3922, %add3A_3928 : vector<8x1024xi32>
    %shift_right_logical3A_3930 = arith.constant 31 : i32
    %shift_right_logical3A_3931 = vector.broadcast %shift_right_logical3A_3930 : i32 to vector<8x1024xi32>
    %shift_right_logical3A_3932 = arith.shrui %xor3A_3929, %shift_right_logical3A_3931 : vector<8x1024xi32>
    %eq3A_3933 = arith.constant 1 : i32
    %eq3A_3934 = vector.broadcast %eq3A_3933 : i32 to vector<8x1024xi32>
    %eq3A_3935 = arith.cmpi eq, %shift_right_logical3A_3932, %eq3A_3934 : vector<8x1024xi32>
    %get3A_3936 = arith.constant 114688 : index
    %get3A_3937 = vector.load %arg1[%get3A_3936] : memref<131072xf32, #tpu.memory_space<vmem>>, vector<8192xf32>
    %reshape3A_3938 = vector.shape_cast %get3A_3937 : vector<8192xf32> to vector<8x1024xf32>
    %mul3A_3939 = arith.constant 2.000000e+00 : f32
    %mul3A_3940 = vector.broadcast %mul3A_3939 : f32 to vector<8x1024xf32>
    %mul3A_3941 = arith.mulf %reshape3A_3938, %mul3A_3940 : vector<8x1024xf32>
    %jit3A_3942 = arith.constant 0.000000e+00 : f32
    %broadcast_in_dim3A_3943 = vector.broadcast %jit3A_3942 : f32 to vector<8x1024xf32>
    %select_n3A_3944 = arith.select %eq3A_3935, %mul3A_3941, %broadcast_in_dim3A_3943 : vector<8x1024xi1>, vector<8x1024xf32>
    %reshape3A_3945 = vector.shape_cast %select_n3A_3944 : vector<8x1024xf32> to vector<8192xf32>
    %swap3A_3946 = arith.constant 114688 : index
    %swap3A_3947 = vector.load %arg2[%swap3A_3946] : memref<131072xf32, #tpu.memory_space<vmem>>, vector<8192xf32>
    tpu.vector_store %arg2[%swap3A_3946], %reshape3A_3945 {strides = array<i32>} : memref<131072xf32, #tpu.memory_space<vmem>>, vector<8192xf32>,
    %mul3A_3948 = arith.constant 131072 : i32
    %mul3A_3949 = arith.muli %add3A_0, %mul3A_3948 : i32
    %add3A_3950 = arith.constant 122880 : i32
    %add3A_3951 = arith.addi %mul3A_3949, %add3A_3950 : i32
    %iota3A_3952 = tpu.iota {dimensions = array<i32: 0>} : vector<8x1024xi32>
    %mul3A_3953 = arith.constant 1024 : i32
    %mul3A_3954 = vector.broadcast %mul3A_3953 : i32 to vector<8x1024xi32>
    %mul3A_3955 = arith.muli %iota3A_3952, %mul3A_3954 : vector<8x1024xi32>
    %add3A_3956 = vector.broadcast %add3A_3951 : i32 to vector<8x1024xi32>
    %add3A_3957 = arith.addi %add3A_3956, %mul3A_3955 : vector<8x1024xi32>
    %iota3A_3958 = tpu.iota {dimensions = array<i32: 1>} : vector<8x1024xi32>
    %add3A_3959 = arith.addi %add3A_3957, %iota3A_3958 : vector<8x1024xi32>
    %broadcast_in_dim3A_3960 = arith.constant 0 : i32
    %broadcast_in_dim3A_3961 = vector.broadcast %broadcast_in_dim3A_3960 : i32 to vector<8x1024xi32>
    %add3A_3962 = arith.constant 0 : i32
    %add3A_3963 = vector.broadcast %add3A_3962 : i32 to vector<8x1024xi32>
    %add3A_3964 = arith.addi %broadcast_in_dim3A_3961, %add3A_3963 : vector<8x1024xi32>
    %add3A_3965 = arith.constant 42 : i32
    %add3A_3966 = vector.broadcast %add3A_3965 : i32 to vector<8x1024xi32>
    %add3A_3967 = arith.addi %add3A_3959, %add3A_3966 : vector<8x1024xi32>
    %add3A_3968 = arith.addi %add3A_3964, %add3A_3967 : vector<8x1024xi32>
    %shift_left3A_3969 = arith.constant 13 : i32
    %shift_left3A_3970 = vector.broadcast %shift_left3A_3969 : i32 to vector<8x1024xi32>
    %shift_left3A_3971 = arith.shli %add3A_3967, %shift_left3A_3970 : vector<8x1024xi32>
    %shift_right_logical3A_3972 = arith.constant 19 : i32
    %shift_right_logical3A_3973 = vector.broadcast %shift_right_logical3A_3972 : i32 to vector<8x1024xi32>
    %shift_right_logical3A_3974 = arith.shrui %add3A_3967, %shift_right_logical3A_3973 : vector<8x1024xi32>
    %or3A_3975 = arith.ori %shift_left3A_3971, %shift_right_logical3A_3974 : vector<8x1024xi32>
    %xor3A_3976 = arith.xori %or3A_3975, %add3A_3968 : vector<8x1024xi32>
    %add3A_3977 = arith.addi %add3A_3968, %xor3A_3976 : vector<8x1024xi32>
    %shift_left3A_3978 = arith.constant 15 : i32
    %shift_left3A_3979 = vector.broadcast %shift_left3A_3978 : i32 to vector<8x1024xi32>
    %shift_left3A_3980 = arith.shli %xor3A_3976, %shift_left3A_3979 : vector<8x1024xi32>
    %shift_right_logical3A_3981 = arith.constant 17 : i32
    %shift_right_logical3A_3982 = vector.broadcast %shift_right_logical3A_3981 : i32 to vector<8x1024xi32>
    %shift_right_logical3A_3983 = arith.shrui %xor3A_3976, %shift_right_logical3A_3982 : vector<8x1024xi32>
    %or3A_3984 = arith.ori %shift_left3A_3980, %shift_right_logical3A_3983 : vector<8x1024xi32>
    %xor3A_3985 = arith.xori %or3A_3984, %add3A_3977 : vector<8x1024xi32>
    %add3A_3986 = arith.addi %add3A_3977, %xor3A_3985 : vector<8x1024xi32>
    %shift_left3A_3987 = arith.constant 26 : i32
    %shift_left3A_3988 = vector.broadcast %shift_left3A_3987 : i32 to vector<8x1024xi32>
    %shift_left3A_3989 = arith.shli %xor3A_3985, %shift_left3A_3988 : vector<8x1024xi32>
    %shift_right_logical3A_3990 = arith.constant 6 : i32
    %shift_right_logical3A_3991 = vector.broadcast %shift_right_logical3A_3990 : i32 to vector<8x1024xi32>
    %shift_right_logical3A_3992 = arith.shrui %xor3A_3985, %shift_right_logical3A_3991 : vector<8x1024xi32>
    %or3A_3993 = arith.ori %shift_left3A_3989, %shift_right_logical3A_3992 : vector<8x1024xi32>
    %xor3A_3994 = arith.xori %or3A_3993, %add3A_3986 : vector<8x1024xi32>
    %add3A_3995 = arith.addi %add3A_3986, %xor3A_3994 : vector<8x1024xi32>
    %shift_left3A_3996 = arith.constant 6 : i32
    %shift_left3A_3997 = vector.broadcast %shift_left3A_3996 : i32 to vector<8x1024xi32>
    %shift_left3A_3998 = arith.shli %xor3A_3994, %shift_left3A_3997 : vector<8x1024xi32>
    %shift_right_logical3A_3999 = arith.constant 26 : i32
    %shift_right_logical3A_4000 = vector.broadcast %shift_right_logical3A_3999 : i32 to vector<8x1024xi32>
    %shift_right_logical3A_4001 = arith.shrui %xor3A_3994, %shift_right_logical3A_4000 : vector<8x1024xi32>
    %or3A_4002 = arith.ori %shift_left3A_3998, %shift_right_logical3A_4001 : vector<8x1024xi32>
    %xor3A_4003 = arith.xori %or3A_4002, %add3A_3995 : vector<8x1024xi32>
    %add3A_4004 = arith.constant 42 : i32
    %add3A_4005 = vector.broadcast %add3A_4004 : i32 to vector<8x1024xi32>
    %add3A_4006 = arith.addi %add3A_3995, %add3A_4005 : vector<8x1024xi32>
    %add3A_4007 = arith.constant 466689008 : i32
    %add3A_4008 = vector.broadcast %add3A_4007 : i32 to vector<8x1024xi32>
    %add3A_4009 = arith.addi %xor3A_4003, %add3A_4008 : vector<8x1024xi32>
    %add3A_4010 = arith.constant 1 : i32
    %add3A_4011 = vector.broadcast %add3A_4010 : i32 to vector<8x1024xi32>
    %add3A_4012 = arith.addi %add3A_4009, %add3A_4011 : vector<8x1024xi32>
    %add3A_4013 = arith.addi %add3A_4006, %add3A_4012 : vector<8x1024xi32>
    %shift_left3A_4014 = arith.constant 17 : i32
    %shift_left3A_4015 = vector.broadcast %shift_left3A_4014 : i32 to vector<8x1024xi32>
    %shift_left3A_4016 = arith.shli %add3A_4012, %shift_left3A_4015 : vector<8x1024xi32>
    %shift_right_logical3A_4017 = arith.constant 15 : i32
    %shift_right_logical3A_4018 = vector.broadcast %shift_right_logical3A_4017 : i32 to vector<8x1024xi32>
    %shift_right_logical3A_4019 = arith.shrui %add3A_4012, %shift_right_logical3A_4018 : vector<8x1024xi32>
    %or3A_4020 = arith.ori %shift_left3A_4016, %shift_right_logical3A_4019 : vector<8x1024xi32>
    %xor3A_4021 = arith.xori %or3A_4020, %add3A_4013 : vector<8x1024xi32>
    %add3A_4022 = arith.addi %add3A_4013, %xor3A_4021 : vector<8x1024xi32>
    %shift_left3A_4023 = arith.constant 29 : i32
    %shift_left3A_4024 = vector.broadcast %shift_left3A_4023 : i32 to vector<8x1024xi32>
    %shift_left3A_4025 = arith.shli %xor3A_4021, %shift_left3A_4024 : vector<8x1024xi32>
    %shift_right_logical3A_4026 = arith.constant 3 : i32
    %shift_right_logical3A_4027 = vector.broadcast %shift_right_logical3A_4026 : i32 to vector<8x1024xi32>
    %shift_right_logical3A_4028 = arith.shrui %xor3A_4021, %shift_right_logical3A_4027 : vector<8x1024xi32>
    %or3A_4029 = arith.ori %shift_left3A_4025, %shift_right_logical3A_4028 : vector<8x1024xi32>
    %xor3A_4030 = arith.xori %or3A_4029, %add3A_4022 : vector<8x1024xi32>
    %add3A_4031 = arith.addi %add3A_4022, %xor3A_4030 : vector<8x1024xi32>
    %shift_left3A_4032 = arith.constant 16 : i32
    %shift_left3A_4033 = vector.broadcast %shift_left3A_4032 : i32 to vector<8x1024xi32>
    %shift_left3A_4034 = arith.shli %xor3A_4030, %shift_left3A_4033 : vector<8x1024xi32>
    %shift_right_logical3A_4035 = arith.constant 16 : i32
    %shift_right_logical3A_4036 = vector.broadcast %shift_right_logical3A_4035 : i32 to vector<8x1024xi32>
    %shift_right_logical3A_4037 = arith.shrui %xor3A_4030, %shift_right_logical3A_4036 : vector<8x1024xi32>
    %or3A_4038 = arith.ori %shift_left3A_4034, %shift_right_logical3A_4037 : vector<8x1024xi32>
    %xor3A_4039 = arith.xori %or3A_4038, %add3A_4031 : vector<8x1024xi32>
    %add3A_4040 = arith.addi %add3A_4031, %xor3A_4039 : vector<8x1024xi32>
    %shift_left3A_4041 = arith.constant 24 : i32
    %shift_left3A_4042 = vector.broadcast %shift_left3A_4041 : i32 to vector<8x1024xi32>
    %shift_left3A_4043 = arith.shli %xor3A_4039, %shift_left3A_4042 : vector<8x1024xi32>
    %shift_right_logical3A_4044 = arith.constant 8 : i32
    %shift_right_logical3A_4045 = vector.broadcast %shift_right_logical3A_4044 : i32 to vector<8x1024xi32>
    %shift_right_logical3A_4046 = arith.shrui %xor3A_4039, %shift_right_logical3A_4045 : vector<8x1024xi32>
    %or3A_4047 = arith.ori %shift_left3A_4043, %shift_right_logical3A_4046 : vector<8x1024xi32>
    %xor3A_4048 = arith.xori %or3A_4047, %add3A_4040 : vector<8x1024xi32>
    %add3A_4049 = arith.constant 466689008 : i32
    %add3A_4050 = vector.broadcast %add3A_4049 : i32 to vector<8x1024xi32>
    %add3A_4051 = arith.addi %add3A_4040, %add3A_4050 : vector<8x1024xi32>
    %add3A_4052 = arith.constant 0 : i32
    %add3A_4053 = vector.broadcast %add3A_4052 : i32 to vector<8x1024xi32>
    %add3A_4054 = arith.addi %xor3A_4048, %add3A_4053 : vector<8x1024xi32>
    %add3A_4055 = arith.constant 2 : i32
    %add3A_4056 = vector.broadcast %add3A_4055 : i32 to vector<8x1024xi32>
    %add3A_4057 = arith.addi %add3A_4054, %add3A_4056 : vector<8x1024xi32>
    %add3A_4058 = arith.addi %add3A_4051, %add3A_4057 : vector<8x1024xi32>
    %shift_left3A_4059 = arith.constant 13 : i32
    %shift_left3A_4060 = vector.broadcast %shift_left3A_4059 : i32 to vector<8x1024xi32>
    %shift_left3A_4061 = arith.shli %add3A_4057, %shift_left3A_4060 : vector<8x1024xi32>
    %shift_right_logical3A_4062 = arith.constant 19 : i32
    %shift_right_logical3A_4063 = vector.broadcast %shift_right_logical3A_4062 : i32 to vector<8x1024xi32>
    %shift_right_logical3A_4064 = arith.shrui %add3A_4057, %shift_right_logical3A_4063 : vector<8x1024xi32>
    %or3A_4065 = arith.ori %shift_left3A_4061, %shift_right_logical3A_4064 : vector<8x1024xi32>
    %xor3A_4066 = arith.xori %or3A_4065, %add3A_4058 : vector<8x1024xi32>
    %add3A_4067 = arith.addi %add3A_4058, %xor3A_4066 : vector<8x1024xi32>
    %shift_left3A_4068 = arith.constant 15 : i32
    %shift_left3A_4069 = vector.broadcast %shift_left3A_4068 : i32 to vector<8x1024xi32>
    %shift_left3A_4070 = arith.shli %xor3A_4066, %shift_left3A_4069 : vector<8x1024xi32>
    %shift_right_logical3A_4071 = arith.constant 17 : i32
    %shift_right_logical3A_4072 = vector.broadcast %shift_right_logical3A_4071 : i32 to vector<8x1024xi32>
    %shift_right_logical3A_4073 = arith.shrui %xor3A_4066, %shift_right_logical3A_4072 : vector<8x1024xi32>
    %or3A_4074 = arith.ori %shift_left3A_4070, %shift_right_logical3A_4073 : vector<8x1024xi32>
    %xor3A_4075 = arith.xori %or3A_4074, %add3A_4067 : vector<8x1024xi32>
    %add3A_4076 = arith.addi %add3A_4067, %xor3A_4075 : vector<8x1024xi32>
    %shift_left3A_4077 = arith.constant 26 : i32
    %shift_left3A_4078 = vector.broadcast %shift_left3A_4077 : i32 to vector<8x1024xi32>
    %shift_left3A_4079 = arith.shli %xor3A_4075, %shift_left3A_4078 : vector<8x1024xi32>
    %shift_right_logical3A_4080 = arith.constant 6 : i32
    %shift_right_logical3A_4081 = vector.broadcast %shift_right_logical3A_4080 : i32 to vector<8x1024xi32>
    %shift_right_logical3A_4082 = arith.shrui %xor3A_4075, %shift_right_logical3A_4081 : vector<8x1024xi32>
    %or3A_4083 = arith.ori %shift_left3A_4079, %shift_right_logical3A_4082 : vector<8x1024xi32>
    %xor3A_4084 = arith.xori %or3A_4083, %add3A_4076 : vector<8x1024xi32>
    %add3A_4085 = arith.addi %add3A_4076, %xor3A_4084 : vector<8x1024xi32>
    %shift_left3A_4086 = arith.constant 6 : i32
    %shift_left3A_4087 = vector.broadcast %shift_left3A_4086 : i32 to vector<8x1024xi32>
    %shift_left3A_4088 = arith.shli %xor3A_4084, %shift_left3A_4087 : vector<8x1024xi32>
    %shift_right_logical3A_4089 = arith.constant 26 : i32
    %shift_right_logical3A_4090 = vector.broadcast %shift_right_logical3A_4089 : i32 to vector<8x1024xi32>
    %shift_right_logical3A_4091 = arith.shrui %xor3A_4084, %shift_right_logical3A_4090 : vector<8x1024xi32>
    %or3A_4092 = arith.ori %shift_left3A_4088, %shift_right_logical3A_4091 : vector<8x1024xi32>
    %xor3A_4093 = arith.xori %or3A_4092, %add3A_4085 : vector<8x1024xi32>
    %add3A_4094 = arith.constant 0 : i32
    %add3A_4095 = vector.broadcast %add3A_4094 : i32 to vector<8x1024xi32>
    %add3A_4096 = arith.addi %add3A_4085, %add3A_4095 : vector<8x1024xi32>
    %add3A_4097 = arith.constant 42 : i32
    %add3A_4098 = vector.broadcast %add3A_4097 : i32 to vector<8x1024xi32>
    %add3A_4099 = arith.addi %xor3A_4093, %add3A_4098 : vector<8x1024xi32>
    %add3A_4100 = arith.constant 3 : i32
    %add3A_4101 = vector.broadcast %add3A_4100 : i32 to vector<8x1024xi32>
    %add3A_4102 = arith.addi %add3A_4099, %add3A_4101 : vector<8x1024xi32>
    %add3A_4103 = arith.addi %add3A_4096, %add3A_4102 : vector<8x1024xi32>
    %shift_left3A_4104 = arith.constant 17 : i32
    %shift_left3A_4105 = vector.broadcast %shift_left3A_4104 : i32 to vector<8x1024xi32>
    %shift_left3A_4106 = arith.shli %add3A_4102, %shift_left3A_4105 : vector<8x1024xi32>
    %shift_right_logical3A_4107 = arith.constant 15 : i32
    %shift_right_logical3A_4108 = vector.broadcast %shift_right_logical3A_4107 : i32 to vector<8x1024xi32>
    %shift_right_logical3A_4109 = arith.shrui %add3A_4102, %shift_right_logical3A_4108 : vector<8x1024xi32>
    %or3A_4110 = arith.ori %shift_left3A_4106, %shift_right_logical3A_4109 : vector<8x1024xi32>
    %xor3A_4111 = arith.xori %or3A_4110, %add3A_4103 : vector<8x1024xi32>
    %add3A_4112 = arith.addi %add3A_4103, %xor3A_4111 : vector<8x1024xi32>
    %shift_left3A_4113 = arith.constant 29 : i32
    %shift_left3A_4114 = vector.broadcast %shift_left3A_4113 : i32 to vector<8x1024xi32>
    %shift_left3A_4115 = arith.shli %xor3A_4111, %shift_left3A_4114 : vector<8x1024xi32>
    %shift_right_logical3A_4116 = arith.constant 3 : i32
    %shift_right_logical3A_4117 = vector.broadcast %shift_right_logical3A_4116 : i32 to vector<8x1024xi32>
    %shift_right_logical3A_4118 = arith.shrui %xor3A_4111, %shift_right_logical3A_4117 : vector<8x1024xi32>
    %or3A_4119 = arith.ori %shift_left3A_4115, %shift_right_logical3A_4118 : vector<8x1024xi32>
    %xor3A_4120 = arith.xori %or3A_4119, %add3A_4112 : vector<8x1024xi32>
    %add3A_4121 = arith.addi %add3A_4112, %xor3A_4120 : vector<8x1024xi32>
    %shift_left3A_4122 = arith.constant 16 : i32
    %shift_left3A_4123 = vector.broadcast %shift_left3A_4122 : i32 to vector<8x1024xi32>
    %shift_left3A_4124 = arith.shli %xor3A_4120, %shift_left3A_4123 : vector<8x1024xi32>
    %shift_right_logical3A_4125 = arith.constant 16 : i32
    %shift_right_logical3A_4126 = vector.broadcast %shift_right_logical3A_4125 : i32 to vector<8x1024xi32>
    %shift_right_logical3A_4127 = arith.shrui %xor3A_4120, %shift_right_logical3A_4126 : vector<8x1024xi32>
    %or3A_4128 = arith.ori %shift_left3A_4124, %shift_right_logical3A_4127 : vector<8x1024xi32>
    %xor3A_4129 = arith.xori %or3A_4128, %add3A_4121 : vector<8x1024xi32>
    %add3A_4130 = arith.addi %add3A_4121, %xor3A_4129 : vector<8x1024xi32>
    %shift_left3A_4131 = arith.constant 24 : i32
    %shift_left3A_4132 = vector.broadcast %shift_left3A_4131 : i32 to vector<8x1024xi32>
    %shift_left3A_4133 = arith.shli %xor3A_4129, %shift_left3A_4132 : vector<8x1024xi32>
    %shift_right_logical3A_4134 = arith.constant 8 : i32
    %shift_right_logical3A_4135 = vector.broadcast %shift_right_logical3A_4134 : i32 to vector<8x1024xi32>
    %shift_right_logical3A_4136 = arith.shrui %xor3A_4129, %shift_right_logical3A_4135 : vector<8x1024xi32>
    %or3A_4137 = arith.ori %shift_left3A_4133, %shift_right_logical3A_4136 : vector<8x1024xi32>
    %xor3A_4138 = arith.xori %or3A_4137, %add3A_4130 : vector<8x1024xi32>
    %add3A_4139 = arith.constant 42 : i32
    %add3A_4140 = vector.broadcast %add3A_4139 : i32 to vector<8x1024xi32>
    %add3A_4141 = arith.addi %add3A_4130, %add3A_4140 : vector<8x1024xi32>
    %add3A_4142 = arith.constant 466689008 : i32
    %add3A_4143 = vector.broadcast %add3A_4142 : i32 to vector<8x1024xi32>
    %add3A_4144 = arith.addi %xor3A_4138, %add3A_4143 : vector<8x1024xi32>
    %add3A_4145 = arith.constant 4 : i32
    %add3A_4146 = vector.broadcast %add3A_4145 : i32 to vector<8x1024xi32>
    %add3A_4147 = arith.addi %add3A_4144, %add3A_4146 : vector<8x1024xi32>
    %add3A_4148 = arith.addi %add3A_4141, %add3A_4147 : vector<8x1024xi32>
    %shift_left3A_4149 = arith.constant 13 : i32
    %shift_left3A_4150 = vector.broadcast %shift_left3A_4149 : i32 to vector<8x1024xi32>
    %shift_left3A_4151 = arith.shli %add3A_4147, %shift_left3A_4150 : vector<8x1024xi32>
    %shift_right_logical3A_4152 = arith.constant 19 : i32
    %shift_right_logical3A_4153 = vector.broadcast %shift_right_logical3A_4152 : i32 to vector<8x1024xi32>
    %shift_right_logical3A_4154 = arith.shrui %add3A_4147, %shift_right_logical3A_4153 : vector<8x1024xi32>
    %or3A_4155 = arith.ori %shift_left3A_4151, %shift_right_logical3A_4154 : vector<8x1024xi32>
    %xor3A_4156 = arith.xori %or3A_4155, %add3A_4148 : vector<8x1024xi32>
    %add3A_4157 = arith.addi %add3A_4148, %xor3A_4156 : vector<8x1024xi32>
    %shift_left3A_4158 = arith.constant 15 : i32
    %shift_left3A_4159 = vector.broadcast %shift_left3A_4158 : i32 to vector<8x1024xi32>
    %shift_left3A_4160 = arith.shli %xor3A_4156, %shift_left3A_4159 : vector<8x1024xi32>
    %shift_right_logical3A_4161 = arith.constant 17 : i32
    %shift_right_logical3A_4162 = vector.broadcast %shift_right_logical3A_4161 : i32 to vector<8x1024xi32>
    %shift_right_logical3A_4163 = arith.shrui %xor3A_4156, %shift_right_logical3A_4162 : vector<8x1024xi32>
    %or3A_4164 = arith.ori %shift_left3A_4160, %shift_right_logical3A_4163 : vector<8x1024xi32>
    %xor3A_4165 = arith.xori %or3A_4164, %add3A_4157 : vector<8x1024xi32>
    %add3A_4166 = arith.addi %add3A_4157, %xor3A_4165 : vector<8x1024xi32>
    %shift_left3A_4167 = arith.constant 26 : i32
    %shift_left3A_4168 = vector.broadcast %shift_left3A_4167 : i32 to vector<8x1024xi32>
    %shift_left3A_4169 = arith.shli %xor3A_4165, %shift_left3A_4168 : vector<8x1024xi32>
    %shift_right_logical3A_4170 = arith.constant 6 : i32
    %shift_right_logical3A_4171 = vector.broadcast %shift_right_logical3A_4170 : i32 to vector<8x1024xi32>
    %shift_right_logical3A_4172 = arith.shrui %xor3A_4165, %shift_right_logical3A_4171 : vector<8x1024xi32>
    %or3A_4173 = arith.ori %shift_left3A_4169, %shift_right_logical3A_4172 : vector<8x1024xi32>
    %xor3A_4174 = arith.xori %or3A_4173, %add3A_4166 : vector<8x1024xi32>
    %add3A_4175 = arith.addi %add3A_4166, %xor3A_4174 : vector<8x1024xi32>
    %shift_left3A_4176 = arith.constant 6 : i32
    %shift_left3A_4177 = vector.broadcast %shift_left3A_4176 : i32 to vector<8x1024xi32>
    %shift_left3A_4178 = arith.shli %xor3A_4174, %shift_left3A_4177 : vector<8x1024xi32>
    %shift_right_logical3A_4179 = arith.constant 26 : i32
    %shift_right_logical3A_4180 = vector.broadcast %shift_right_logical3A_4179 : i32 to vector<8x1024xi32>
    %shift_right_logical3A_4181 = arith.shrui %xor3A_4174, %shift_right_logical3A_4180 : vector<8x1024xi32>
    %or3A_4182 = arith.ori %shift_left3A_4178, %shift_right_logical3A_4181 : vector<8x1024xi32>
    %xor3A_4183 = arith.xori %or3A_4182, %add3A_4175 : vector<8x1024xi32>
    %add3A_4184 = arith.constant 466689008 : i32
    %add3A_4185 = vector.broadcast %add3A_4184 : i32 to vector<8x1024xi32>
    %add3A_4186 = arith.addi %add3A_4175, %add3A_4185 : vector<8x1024xi32>
    %add3A_4187 = arith.constant 0 : i32
    %add3A_4188 = vector.broadcast %add3A_4187 : i32 to vector<8x1024xi32>
    %add3A_4189 = arith.addi %xor3A_4183, %add3A_4188 : vector<8x1024xi32>
    %add3A_4190 = arith.constant 5 : i32
    %add3A_4191 = vector.broadcast %add3A_4190 : i32 to vector<8x1024xi32>
    %add3A_4192 = arith.addi %add3A_4189, %add3A_4191 : vector<8x1024xi32>
    %xor3A_4193 = arith.xori %add3A_4186, %add3A_4192 : vector<8x1024xi32>
    %shift_right_logical3A_4194 = arith.constant 31 : i32
    %shift_right_logical3A_4195 = vector.broadcast %shift_right_logical3A_4194 : i32 to vector<8x1024xi32>
    %shift_right_logical3A_4196 = arith.shrui %xor3A_4193, %shift_right_logical3A_4195 : vector<8x1024xi32>
    %eq3A_4197 = arith.constant 1 : i32
    %eq3A_4198 = vector.broadcast %eq3A_4197 : i32 to vector<8x1024xi32>
    %eq3A_4199 = arith.cmpi eq, %shift_right_logical3A_4196, %eq3A_4198 : vector<8x1024xi32>
    %get3A_4200 = arith.constant 122880 : index
    %get3A_4201 = vector.load %arg1[%get3A_4200] : memref<131072xf32, #tpu.memory_space<vmem>>, vector<8192xf32>
    %reshape3A_4202 = vector.shape_cast %get3A_4201 : vector<8192xf32> to vector<8x1024xf32>
    %mul3A_4203 = arith.constant 2.000000e+00 : f32
    %mul3A_4204 = vector.broadcast %mul3A_4203 : f32 to vector<8x1024xf32>
    %mul3A_4205 = arith.mulf %reshape3A_4202, %mul3A_4204 : vector<8x1024xf32>
    %jit3A_4206 = arith.constant 0.000000e+00 : f32
    %broadcast_in_dim3A_4207 = vector.broadcast %jit3A_4206 : f32 to vector<8x1024xf32>
    %select_n3A_4208 = arith.select %eq3A_4199, %mul3A_4205, %broadcast_in_dim3A_4207 : vector<8x1024xi1>, vector<8x1024xf32>
    %reshape3A_4209 = vector.shape_cast %select_n3A_4208 : vector<8x1024xf32> to vector<8192xf32>
    %swap3A_4210 = arith.constant 122880 : index
    %swap3A_4211 = vector.load %arg2[%swap3A_4210] : memref<131072xf32, #tpu.memory_space<vmem>>, vector<8192xf32>
    tpu.vector_store %arg2[%swap3A_4210], %reshape3A_4209 {strides = array<i32>} : memref<131072xf32, #tpu.memory_space<vmem>>, vector<8192xf32>,
    return
  }
  func.func @transform_0(%arg0: i32) -> i32 {
    %add3A = arith.constant 6 : i32
    %add3A_0 = arith.addi %arg0, %add3A : i32
    %c0_i32 = arith.constant 0 : i32
    return %add3A_0 : i32
  }
  func.func @transform_1(%arg0: i32) -> i32 {
    %c0_i32 = arith.constant 0 : i32
    return %arg0 : i32
  }
}

</mosaic_0001>

<sc_bundles>
// kernel: _sparse_dropout.4.cloned.1.call-start
scs
__scs_entry_jumppad:
0x0: {  	(pc) =	sbr.rel $0x88, $3  }
0x1: {  	(tag) =	ssettag $0x0;
	lr =	simm.s32 $0x1  }
0x2: {  	[smem:$0x3FA0] =	sst lr;
	_ =	strace $0xD0000000  }
0x3: {  	_ = 	snop  }
0x4: {  	_ = 	snop  }
0x5: {  	_ = 	snop  }
0x6: {  	_ = 	snop  }
0x7: {  	_ = 	snop  }
__scs_overlays_trampoline_lowered:
0x8: {  	[smem:$0x3FAF] =	sst s0  }
0x9: {  	[smem:$0x3FB0] =	sst s1  }
0xa: {  	[smem:$0x3FB1] =	sst s2  }
0xb: {  	[smem:$0x3FB2] =	sst s3  }
0xc: {  	[smem:$0x3FB3] =	sst s4  }
0xd: {  	[smem:$0x3FB4] =	sst s5  }
0xe: {  	[smem:$0x3FB5] =	sst s6  }
0xf: {  	[smem:$0x3FB6] =	sst s7  }
0x10: {  	[smem:$0x3FB7] =	sst s8  }
0x11: {  	[smem:$0x3FB8] =	sst s9;
	s0 =	simm.s32 @!p0 $0x0  }
0x12: {  	s1 =	sld [smem:$0x3F9E];
	s0 =	simm.s32 @p0 $0x1  }
0x13: {  	[smem:$0x3FB9] =	sst s0;
	s0 =	simm.s32 @!p1 $0x0  }
0x14: {  	s2 =	sld [smem:$0x3F9D];
	s0 =	simm.s32 @p1 $0x1  }
0x15: {  	[smem:$0x3FBA] =	sst s0;
	s0 =	simm.s32 @!p2 $0x0  }
0x16: {  	s3 =	sld [smem:$0x3FDB];
	s0 =	simm.s32 @p2 $0x1  }
0x17: {  	s4 =	simm.s32 $0x1BF5;
	[smem:$0x3FBC] =	sst s0  }
0x18: {  	s0 =	sld [smem:$0x3F9F];
	_ =	swait.ge [sflag:s4], $0x0  }
0x19: {  	s7 =	sld [smem:$0x3FA0]  }
0x1a: {  	s8 =	sadd.s32 $0xFFFFE003, lr  }
0x1b: {  	s9 =	sadd.s32 $0xFFFFFEF7, lr;
	s5 =	simm.s32 $0xFFFFFFFF;
	p2 =	slt.u32 s8, $0xFFFFF086  }
0x1c: {  	p1 =	slt.u32 s9, $0xF7A;
	s5 =	simm.s32 @!p2 $0x0  }
0x1d: {  	s5 =	simm.s32 @p1 $0x1;
	p0 =	seq.s32 s7, s2  }
0x1e: {  	s7 =	smul.u32 @!p0 $0xF7A, s2;
	p2 =	seq.s32 @!p0 s5, $0x0  }
0x1f: {  	s9 =	smul.u32 $0xF7A, s1;
	s8 =	simm.s32 @!p0 $0x1BF5;
	p2 =	por !p2, p0  }
0x20: {  	[sflag:s8] =	ssyncset.s32 @!p0 $0xFFFFF086;
	s6 =	sadd.s32 @!p0 s3, s7;
	s7 =	simm.s32 @!p0 $0x108  }
0x21: {  	s3 =	sadd.s32 s3, s9;
	s6 =	sadd.s32 @!p0 $0x88, s6;
	s7 =	simm.s32 @p2 $0x1082  }
0x22: {  	[simem:s7], [sflag:s8] =	dma.local @!p0 [hbm:s6], $0xF7A  }
0x23: {  	s9 =	sor.u32 $0xD0000000, s2;
	s6 =	simm.s32 $0x108;
	_ =	swait.ge @!p0 [sflag:s8], $0x0  }
0x24: {  	s3 =	sadd.s32 $0x88, s3;
	s6 =	simm.s32 @!p1 $0x1082;
	[sflag:s4] =	ssyncset.s32 $0xFFFFF086  }
0x25: {  	[simem:s6], [sflag:s4] =	dma.local [hbm:s3], $0xF7A  }
0x26: {  	[smem:$0x3FA0] =	sst s1;
	(tag) =	ssettag s2;
	_ =	strace s9  }
0x27: {  	s1 =	sld [smem:$0x3FB0]  }
0x28: {  	s2 =	sld [smem:$0x3FB1]  }
0x29: {  	s4 =	sld [smem:$0x3FB3]  }
0x2a: {  	p0 =	seq.s32 s5, $0x0;
	s5 =	sld [smem:$0x3FB4]  }
0x2b: {  	s6 =	sld [smem:$0x3FB5]  }
0x2c: {  	s7 =	sld [smem:$0x3FB6]  }
0x2d: {  	s3 =	simm.s32 $0x108;
	s8 =	sld [smem:$0x3FB7]  }
0x2e: {  	s3 =	simm.s32 @!p0 $0x1082;
	s9 =	sld [smem:$0x3FB8]  }
0x2f: {  	lr =	sadd.s32 s0, s3;
	s0 =	sld [smem:$0x3FAF]  }
0x30: {  	s3 =	sld [smem:$0x3FB2]  }
0x31: {  	[smem:$0x3FBB] =	sst s10  }
0x32: {  	s10 =	sld [smem:$0x3FB9];
	_ =	sdelay $0x3  }
0x33: {  	p0 =	seq.s32 s10, $0x1;
	s10 =	sld [smem:$0x3FBB];
	_ =	sdelay $0x3  }
0x34: {  	[smem:$0x3FBB] =	sst s10  }
0x35: {  	s10 =	sld [smem:$0x3FBA];
	_ =	sdelay $0x3  }
0x36: {  	p1 =	seq.s32 s10, $0x1;
	s10 =	sld [smem:$0x3FBB];
	_ =	sdelay $0x3  }
0x37: {  	[smem:$0x3FBB] =	sst s10  }
0x38: {  	s10 =	sld [smem:$0x3FBC]  }
0x39: {  	_ = 	snop;
	(pc) =	sbr.ind lr, $3  }
0x3a: {  	_ = 	snop  }
0x3b: {  	_ = 	snop  }
0x3c: {  	p2 =	seq.s32 s10, $0x1;
	s10 =	sld [smem:$0x3FBB]  }
0x3d: {  	_ =	shalt  }
0x3e: {  	_ =	shalt  }
0x3f: {  	_ =	shalt  }
0x40: {  	_ =	shalt  }
0x41: {  	_ =	shalt  }
0x42: {  	_ =	shalt  }
0x43: {  	_ =	shalt  }
0x44: {  	_ =	shalt  }
0x45: {  	_ =	shalt  }
0x46: {  	_ =	shalt  }
0x47: {  	_ =	shalt  }
0x48: {  	_ =	shalt  }
0x49: {  	_ =	shalt  }
0x4a: {  	_ =	shalt  }
0x4b: {  	_ =	shalt  }
0x4c: {  	_ =	shalt  }
0x4d: {  	_ =	shalt  }
0x4e: {  	_ =	shalt  }
0x4f: {  	_ =	shalt  }
0x50: {  	_ =	shalt  }
0x51: {  	_ =	shalt  }
0x52: {  	_ =	shalt  }
0x53: {  	_ =	shalt  }
0x54: {  	_ =	shalt  }
0x55: {  	_ =	shalt  }
0x56: {  	_ =	shalt  }
0x57: {  	_ =	shalt  }
0x58: {  	_ =	shalt  }
0x59: {  	_ =	shalt  }
0x5a: {  	_ =	shalt  }
0x5b: {  	_ =	shalt  }
0x5c: {  	_ =	shalt  }
0x5d: {  	_ =	shalt  }
0x5e: {  	_ =	shalt  }
0x5f: {  	_ =	shalt  }
0x60: {  	_ =	shalt  }
0x61: {  	_ =	shalt  }
0x62: {  	_ =	shalt  }
0x63: {  	_ =	shalt  }
0x64: {  	_ =	shalt  }
0x65: {  	_ =	shalt  }
0x66: {  	_ =	shalt  }
0x67: {  	_ =	shalt  }
0x68: {  	_ =	shalt  }
0x69: {  	_ =	shalt  }
0x6a: {  	_ =	shalt  }
0x6b: {  	_ =	shalt  }
0x6c: {  	_ =	shalt  }
0x6d: {  	_ =	shalt  }
0x6e: {  	_ =	shalt  }
0x6f: {  	_ =	shalt  }
0x70: {  	_ =	shalt  }
0x71: {  	_ =	shalt  }
0x72: {  	_ =	shalt  }
0x73: {  	_ =	shalt  }
0x74: {  	_ =	shalt  }
0x75: {  	_ =	shalt  }
0x76: {  	_ =	shalt  }
0x77: {  	_ =	shalt  }
0x78: {  	_ =	shalt  }
0x79: {  	_ =	shalt  }
0x7a: {  	_ =	shalt  }
0x7b: {  	_ =	shalt  }
0x7c: {  	_ =	shalt  }
0x7d: {  	_ =	shalt  }
0x7e: {  	_ =	shalt  }
0x7f: {  	_ =	shalt  }
0x80: {  	_ =	shalt  }
0x81: {  	_ =	shalt  }
0x82: {  	_ =	shalt  }
0x83: {  	_ =	shalt  }
0x84: {  	_ =	shalt  }
0x85: {  	_ =	shalt  }
0x86: {  	_ =	shalt  }
0x87: {  	_ =	shalt  }
.Lfunc_end0:
.L_simem_size_0:
called_computation_lowered:
.L_overlay_start_0:
0x88: {  	s2 =	sld [smem:$0x3FD9]  }
0x89: {  	s3 =	sld [smem:$0x3FFE];
	_ =	sdelay $0x1  }
0x8a: {  	s1 =	srdreg.scid  }
0x8b: {  	s0 =	sand.u32 $0x1, s1  }
0x8c: {  	s17 =	sshll.u32 s0, $0xA;
	s2 =	sadd.s32 s3, s2  }
0x8d: {  	s2 =	sadd.s32 s2, s17  }
0x8e: {  	[smem:$0x3FC7] =	sst s2  }
0x8f: {  	_ = 	snop  }
0x90: {  	s2 =	sld [smem:$0x3FC9];
	(tm) =	ssettm $0x1  }
0x91: {  	s18 =	sld [smem:$0x3FFB];
	_ =	sdelay $0x3  }
0x92: {  	_ =	strace s18  }
0x93: {  	s3 =	sld [smem:$0x3FFC];
	_ =	sdelay $0x3  }
0x94: {  	_ =	strace s3  }
0x95: {  	s3 =	sld [smem:$0x3FFD];
	_ =	sdelay $0x3  }
0x96: {  	_ =	strace s3  }
0x97: {  	_ =	strace $0x8FFFFFFF  }
0x98: {  	s19 =	sld [smem:$0x3FDB];
	_ =	sdelay $0x1  }
0x99: {  	s4 =	simm.s32 $_scs_section_size  }
0x9a: {  	s5 =	simm.s32 $_size__tile_overlayer_lowered;
	s6 =	simm.s32 $_tile_overlayer_lowered  }
0x9b: {  	s22 =	simm.s32 $0x1BFF;
	s21 =	sshll.u32 s6, $0x1;
	s3 =	sadd.s32 s4, s19  }
0x9c: {  	s7 =	simm.s32 $0x0;
	s20 =	sshll.u32 s5, $0x1;
	s5 =	sadd.s32 s21, s3  }
0x9d: {  	[timem:s7], [sflag:s22] =	dma.local [hbm:s5], s20  }
0x9e: {  	_ =	swait.ge [sflag:s22], s20  }
0x9f: {  	s4 =	ssub.s32 $0x0, s20;
	[sflag:s22] =	ssyncset.done $0x0  }
0xa0: {  	[sflag:s22] =	ssyncadd.s32 s4;
	_ =	sdelay $0x1  }
0xa1: {  	s23 =	simm.s32 $0x1B8B  }
0xa2: {  	_ =	swait.ge [sflag:s23], $0x1  }
0xa3: {  	[sflag:s23] =	ssyncset.done $0x0  }
0xa4: {  	s25 =	simm.s32 $0x1B8E;
	s24 =	sld [smem:$0x3FFE];
	[sflag:s23] =	ssyncadd.s32 $0xFFFFFFFF  }
0xa5: {  	s26 =	simm.s32 $execute0_lowered;
	[smem:$0x3FD2] =	sst s25  }
0xa6: {  	s5 =	sshll.u32 s26, $0x1;
	_ =	strace $0x80000046;
	[dreg:$0x1] =	wrdreg $0xFFFFFFFF  }
0xa7: {  	s28 =	simm.s32 $_size_execute0_lowered;
	s3 =	sadd.s32 s3, s5;
	[dreg:$0x0] =	wrdreg $0x0  }
0xa8: {  	s5 =	sshll.u32 s28, $0x1;
	[dreg:$0x2] =	wrdreg s3  }
0xa9: {  	[dreg:$0x3] =	wrdreg s5  }
0xaa: {  	[dreg:$0x4] =	wrdreg $0xC0  }
0xab: {  	_ =	task [dreg:s7], $0x5FFFF  }
0xac: {  	[dreg:$0x1] =	wrdreg $0xFFFFFFFF  }
0xad: {  	[dreg:$0x0] =	wrdreg $0x60  }
0xae: {  	[dreg:$0x2] =	wrdreg s2  }
0xaf: {  	[dreg:$0x3] =	wrdreg s24  }
0xb0: {  	[dreg:$0x4] =	wrdreg $0x9  }
0xb1: {  	_ =	task.clear_ibuf [dreg:s7], $0x5FFFF;
	_ =	strace $0x90000046  }
0xb2: {  	s29 =	simm.s32 $0x9;
	_ =	strace $0x80000048  }
0xb3: {  	_ =	swait.ge [sflag:s29], $0x1  }
0xb4: {  	[sflag:s29] =	ssyncadd.s32 $0xFFFFFFFF  }
0xb5: {  	_ =	strace $0x90000048  }
0xb6: {  	_ =	sfence  }
0xb7: {  	s30 =	sld [smem:$0x0];
	_ =	sdelay $0x2  }
0xb8: {  	s31 =	sshll.u32 s1, $0xD;
	s1 =	sshrl.u32 s1, $0x2  }
0xb9: {  	s3 =	sand.u32 $0x4000, s31;
	s1 =	sadd.s32 s1, s30  }
0xba: {  	s0 =	sor.u32 s3, s0;
	s1 =	sshll.u32 s1, $0x11  }
0xbb: {  	s0 =	sor.u32 s1, s0  }
0xbc: {  	s0 =	sadd.s32 $0x8F2B, s0  }
0xbd: {  	[sflag:s0] =	ssyncadd.remote.s32 $0x1  }
0xbe: {  	_ =	sfence.sel $0xFFFF  }
0xbf: {  	[dreg:$0x0] =	wrdreg $0xFFFFFFFF;
	(pc) =	sbr.abs _section_cstart, $3  }
0xc0: {  	[dreg:$0x1] =	wrdreg $0xFFFFFFFF  }
0xc1: {  	_ =	task.clear_ibuf [dreg:s7], $0x2FFFF;
	_ =	strace $0x9FFFFFFF  }
0xc2: {  	(tm) =	ssettm $0x7FFFFFFF  }
0xc3: {  	_ =	shalt  }
tec
execute0_lowered:
.L_overlay_start_1:
0x0: {  	(tag) =	ssettag $0x1  }
0x1: {  	s2 =	rddreg [dreg:$0x0];
	s1 =	srdreg.scid  }
0x2: {  	s0 =	stileid.u32;
	s5 =	rddreg [dreg:$0x1]  }
0x3: {  	s3 =	simm.s32 $0x0;
	s13 =	simm.s32 $0x2;
	s14 =	simm.s32 $0x3  }
0x4: {  	s8 =	sand.u32 $0x1, s1;
	s4 =	sshll.u32 s0, $0x1;
	s11 =	smul.u32 $0xC000, s0  }
0x5: {  	s15 =	simm.s32 $0x4;
	s4 =	sor.u32 s8, s4;
	s12 =	smul.u32 $0x6000, s8  }
0x6: {  	s16 =	simm.s32 $0x0;
	s1 =	rddreg [dreg:$0x2];
	s4 =	smul.u32 $0x6000, s4  }
.Ltmp0:
0x7: {  	[smem:$0x7FF] =	sst s3;
	s7 =	ssub.s32 $0x2, s8;
	(pc) =	sbr.rel .LBB2_1-.Ltmp0, $4  }
0x8: {  	s5 =	sadd.s32 $0x600, s5;
	_ =	strace $0x80000047;
	s9 =	sshrl.u32 s7, $0x1  }
0x9: {  	s10 =	ssub.s32 s7, s9;
	s11 =	sadd.s32 s12, s11;
	s6 =	sshrl.u32 s4, $0x3  }
0xa: {  	v0 =	vlaneseq.u32;
	s12 =	simm.s32 $0x1;
	s8 =	sadd.s32 $0x2000, s4;
	s6 =	sadd.s32 s2, s6  }
0xb: {  	v0 =	vadd.s32 $0x2A, v0;
	s9 =	sadd.s32 $0x3000, s4;
	s10 =	smax.u32 s10, $0x1;
	s7 =	sadd.s32 $0x200, s6  }
.LBB2_22:
0xc: {  	s16 =	sadd.s32 $0x1, s16  }
0xd: {  	_ =	swait.ge [sflag:s14], $0x1000;
	p0 =	sne.s32 s16, s10  }
.Ltmp1:
0xe: {  	[sflag:s14] =	ssyncset.done $0x0;
	(pc) =	sbr.rel @!p0 .LBB2_23-.Ltmp1, $4  }
0xf: {  	[sflag:s14] =	ssyncadd.s32 $0xFFFFF000  }
0x10: {  	_ =	swait.ge [sflag:s15], $0x1000  }
0x11: {  	[sflag:s15] =	ssyncset.done $0x0  }
0x12: {  	[sflag:s15] =	ssyncadd.s32 $0xFFFFF000  }
.LBB2_1:
0x13: {  	s17 =	simm.s32 $0x10  }
0x14: {  	s20 =	sadd.s32 $0x0, s6;
	s18 =	simm.s32 $0x100;
	s19 =	simm.s32 $0x0  }
.LBB2_2:
0x15: {  	[tilespmem:s19], [sflag:$0x1] =	stream.linear.gather [hbm4b:s20+s3], $0x80, $0x38;
	[tilespmem:$0x4000] =	vst v63  }
0x16: {  	s20 =	smov.u32 s17;
	s19 =	smov.u32 s18;
	p0 =	sne.s32 s17, $0x1F0  }
.Ltmp2:
0x17: {  	s17 =	sadd.s32 $0x10, s17;
	(pc) =	sbr.rel @p0 .LBB2_2-.Ltmp2, $2  }
0x18: {  	_ =	sdelay $0x2  }
0x19: {  	s18 =	sadd.s32 $0x100, s18;
	s20 =	sadd.s32 s20, s6  }
0x1a: {  	[tilespmem:s19], [sflag:$0x1] =	stream.linear.gather [hbm4b:s20+s3], $0x80, $0x38;
	[tilespmem:$0x4000] =	vst v63  }
0x1b: {  	s17 =	simm.s32 $0x0;
	s18 =	simm.s32 $0x80  }
0x1c: {  	s19 =	simm.s32 $0x10;
	s21 =	sadd.s32 $0x0, s7;
	s20 =	simm.s32 $0x180  }
.LBB2_4:
0x1d: {  	[tilespmem:s18], [sflag:$0x2] =	stream.linear.gather [hbm4b:s21+s17], $0x80, $0x38;
	[tilespmem:$0x4000] =	vst v63  }
0x1e: {  	s21 =	smov.u32 s19;
	s18 =	smov.u32 s20;
	p0 =	sne.s32 s19, $0x1F0  }
.Ltmp3:
0x1f: {  	s19 =	sadd.s32 $0x10, s19;
	(pc) =	sbr.rel @p0 .LBB2_4-.Ltmp3, $2  }
0x20: {  	_ =	sdelay $0x2  }
0x21: {  	s20 =	sadd.s32 $0x100, s20;
	s21 =	sadd.s32 s21, s7  }
0x22: {  	[tilespmem:s18], [sflag:$0x2] =	stream.linear.gather [hbm4b:s21+s17], $0x80, $0x38;
	[tilespmem:$0x4000] =	vst v63  }
0x23: {  	s18 =	smov.u32 s11  }
.LBB2_6:
0x24: {  	s19 =	sadd.s32 $0x0, s18  }
0x25: {  	v1 =	vadd.s32 s19, v0;
	s19 =	sadd.s32 $0x10, s19  }
0x26: {  	v2 =	vadd.s32 s19, v0;
	v3 =	vshrl.u32 v1, $0x13  }
0x27: {  	v4 =	vshll.u32 v1, $0xD;
	v5 =	vshrl.u32 v2, $0x13;
	v6 =	vshll.u32 v2, $0xD  }
0x28: {  	v3 =	vor.u32 v3, v4;
	v4 =	vor.u32 v5, v6  }
0x29: {  	v3 =	vxor.u32 v1, v3;
	v4 =	vxor.u32 v2, v4  }
0x2a: {  	v1 =	vadd.s32 v1, v3;
	v5 =	vshrl.u32 v3, $0x11;
	v3 =	vshll.u32 v3, $0xF  }
0x2b: {  	v6 =	vshrl.u32 v4, $0x11;
	v7 =	vshll.u32 v4, $0xF;
	v3 =	vor.u32 v5, v3  }
0x2c: {  	v2 =	vadd.s32 v2, v4;
	v3 =	vxor.u32 v1, v3;
	v4 =	vor.u32 v6, v7  }
0x2d: {  	v4 =	vxor.u32 v2, v4;
	v1 =	vadd.s32 v1, v3;
	v5 =	vshrl.u32 v3, $0x6  }
0x2e: {  	v3 =	vshll.u32 v3, $0x1A;
	v6 =	vshrl.u32 v4, $0x6;
	v7 =	vshll.u32 v4, $0x1A  }
0x2f: {  	v3 =	vor.u32 v5, v3;
	v2 =	vadd.s32 v2, v4;
	v4 =	vor.u32 v6, v7  }
0x30: {  	v3 =	vxor.u32 v1, v3;
	v4 =	vxor.u32 v2, v4  }
0x31: {  	v1 =	vadd.s32 v1, v3;
	v5 =	vshrl.u32 v3, $0x1A;
	v3 =	vshll.u32 v3, $0x6  }
0x32: {  	v3 =	vor.u32 v5, v3;
	v5 =	vshrl.u32 v4, $0x1A;
	v6 =	vshll.u32 v4, $0x6  }
0x33: {  	v2 =	vadd.s32 v2, v4;
	v3 =	vxor.u32 v1, v3;
	v4 =	vor.u32 v5, v6  }
0x34: {  	v3 =	vadd.s32 $0x1BD11BF1, v3;
	v4 =	vxor.u32 v2, v4  }
0x35: {  	v1 =	vadd.s32 v3, v1;
	v4 =	vadd.s32 $0x1BD11BF1, v4  }
0x36: {  	v5 =	vshrl.u32 v3, $0xF;
	v3 =	vshll.u32 v3, $0x11;
	v2 =	vadd.s32 v4, v2  }
0x37: {  	v1 =	vadd.s32 $0x2A, v1;
	v6 =	vshrl.u32 v4, $0xF;
	v4 =	vshll.u32 v4, $0x11  }
0x38: {  	s29 =	sadd.s32 $0x20, s18;
	v3 =	vor.u32 v5, v3;
	v5 =	vadd.s32 $0x2A, v2;
	v4 =	vor.u32 v6, v4  }
0x39: {  	v2 =	vadd.s32 s29, v0;
	v3 =	vxor.u32 v1, v3;
	v4 =	vxor.u32 v5, v4  }
0x3a: {  	v1 =	vadd.s32 v1, v3;
	v6 =	vshrl.u32 v3, $0x3;
	v3 =	vshll.u32 v3, $0x1D  }
0x3b: {  	v3 =	vor.u32 v6, v3;
	v6 =	vshrl.u32 v4, $0x3;
	v7 =	vshll.u32 v4, $0x1D  }
0x3c: {  	v4 =	vadd.s32 v5, v4;
	v3 =	vxor.u32 v1, v3;
	v5 =	vor.u32 v6, v7  }
0x3d: {  	v24 =	vshll.u32 v2, $0xD;
	v6 =	vadd.s32 v1, v3;
	v5 =	vxor.u32 v4, v5  }
0x3e: {  	v1 =	vshrl.u32 v3, $0x10;
	v3 =	vshll.u32 v3, $0x10;
	v7 =	vshrl.u32 v5, $0x10  }
0x3f: {  	s19 =	sadd.s32 $0x10, s29;
	v8 =	vshll.u32 v5, $0x10;
	v3 =	vor.u32 v1, v3;
	v4 =	vadd.s32 v4, v5  }
0x40: {  	v1 =	vadd.s32 s19, v0;
	v5 =	vor.u32 v7, v8;
	v3 =	vxor.u32 v6, v3  }
0x41: {  	v25 =	vshrl.u32 v1, $0x13;
	v30 =	vshll.u32 v1, $0xD;
	v5 =	vxor.u32 v4, v5  }
0x42: {  	v6 =	vadd.s32 v6, v3;
	v7 =	vshrl.u32 v3, $0x8;
	v3 =	vshll.u32 v3, $0x18  }
0x43: {  	v3 =	vor.u32 v7, v3;
	v7 =	vshrl.u32 v5, $0x8;
	v23 =	vshll.u32 v5, $0x18  }
0x44: {  	v4 =	vadd.s32 v4, v5;
	v3 =	vxor.u32 v6, v3;
	v5 =	vor.u32 v7, v23  }
0x45: {  	v42 =	vor.u32 v25, v30;
	v3 =	vadd.s32 $0x2, v3;
	v5 =	vxor.u32 v4, v5  }
0x46: {  	v6 =	vadd.s32 v3, v6;
	v5 =	vadd.s32 $0x2, v5;
	v9 =	vshrl.u32 v3, $0x13  }
0x47: {  	v3 =	vshll.u32 v3, $0xD;
	v4 =	vadd.s32 v5, v4;
	v6 =	vadd.s32 $0x1BD11BF0, v6  }
0x48: {  	v10 =	vshrl.u32 v5, $0x13;
	v5 =	vshll.u32 v5, $0xD;
	v3 =	vor.u32 v9, v3  }
0x49: {  	v4 =	vadd.s32 $0x1BD11BF0, v4;
	v5 =	vor.u32 v10, v5;
	v3 =	vxor.u32 v6, v3  }
0x4a: {  	v6 =	vadd.s32 v6, v3;
	v26 =	vshrl.u32 v3, $0x11;
	v3 =	vshll.u32 v3, $0xF  }
0x4b: {  	v8 =	vxor.u32 v1, v42;
	v5 =	vxor.u32 v4, v5;
	v3 =	vor.u32 v26, v3  }
0x4c: {  	v27 =	vshrl.u32 v5, $0x11;
	v11 =	vshll.u32 v5, $0xF;
	v3 =	vxor.u32 v6, v3  }
0x4d: {  	v4 =	vadd.s32 v4, v5;
	v5 =	vor.u32 v27, v11;
	v6 =	vadd.s32 v6, v3  }
0x4e: {  	v28 =	vshrl.u32 v3, $0x6;
	v5 =	vxor.u32 v4, v5;
	v3 =	vshll.u32 v3, $0x1A  }
0x4f: {  	v29 =	vshrl.u32 v5, $0x6;
	v12 =	vshll.u32 v5, $0x1A;
	v3 =	vor.u32 v28, v3  }
0x50: {  	v4 =	vadd.s32 v4, v5;
	v5 =	vor.u32 v29, v12;
	v3 =	vxor.u32 v6, v3  }
0x51: {  	v6 =	vadd.s32 v6, v3;
	v31 =	vshrl.u32 v3, $0x1A;
	v3 =	vshll.u32 v3, $0x6  }
0x52: {  	v7 =	vshrl.u32 v2, $0x13;
	v5 =	vxor.u32 v4, v5;
	v3 =	vor.u32 v31, v3  }
0x53: {  	v32 =	vshrl.u32 v5, $0x1A;
	v33 =	vshll.u32 v5, $0x6;
	v3 =	vxor.u32 v6, v3  }
0x54: {  	v4 =	vadd.s32 v4, v5;
	v5 =	vor.u32 v32, v33;
	v3 =	vadd.s32 $0x2D, v3  }
0x55: {  	v5 =	vxor.u32 v4, v5;
	v34 =	vshrl.u32 v3, $0xF;
	v35 =	vshll.u32 v3, $0x11  }
0x56: {  	v5 =	vadd.s32 $0x2D, v5;
	v3 =	vadd.s32 v6, v3;
	v6 =	vor.u32 v34, v35  }
0x57: {  	v4 =	vadd.s32 v4, v5;
	v36 =	vshrl.u32 v5, $0xF;
	v5 =	vshll.u32 v5, $0x11  }
0x58: {  	v1 =	vadd.s32 v1, v8;
	v6 =	vxor.u32 v3, v6;
	v5 =	vor.u32 v36, v5  }
0x59: {  	v37 =	vshrl.u32 v6, $0x3;
	v38 =	vshll.u32 v6, $0x1D;
	v5 =	vxor.u32 v4, v5  }
0x5a: {  	v3 =	vadd.s32 v3, v6;
	v6 =	vor.u32 v37, v38;
	v4 =	vadd.s32 v4, v5  }
0x5b: {  	v39 =	vshrl.u32 v5, $0x3;
	v5 =	vshll.u32 v5, $0x1D;
	v6 =	vxor.u32 v3, v6  }
0x5c: {  	v5 =	vor.u32 v39, v5;
	v40 =	vshrl.u32 v6, $0x10;
	v41 =	vshll.u32 v6, $0x10  }
0x5d: {  	v3 =	vadd.s32 v3, v6;
	v5 =	vxor.u32 v4, v5;
	v6 =	vor.u32 v40, v41  }
0x5e: {  	v45 =	vshrl.u32 v5, $0x10;
	v46 =	vshll.u32 v5, $0x10;
	v6 =	vxor.u32 v3, v6  }
0x5f: {  	v4 =	vadd.s32 v4, v5;
	v43 =	vshrl.u32 v6, $0x8;
	v44 =	vshll.u32 v6, $0x18  }
0x60: {  	v5 =	vor.u32 v45, v46;
	v3 =	vadd.s32 v3, v6;
	v6 =	vor.u32 v43, v44  }
0x61: {  	v7 =	vor.u32 v7, v24;
	v5 =	vxor.u32 v4, v5;
	v6 =	vxor.u32 v3, v6  }
0x62: {  	v4 =	vadd.s32 v4, v5;
	v48 =	vshrl.u32 v5, $0x8;
	v6 =	vadd.s32 $0x1BD11BF4, v6  }
0x63: {  	v3 =	vadd.s32 v6, v3;
	v47 =	vshrl.u32 v6, $0x13;
	v6 =	vshll.u32 v6, $0xD  }
0x64: {  	v5 =	vshll.u32 v5, $0x18;
	v3 =	vadd.s32 $0x2A, v3;
	v6 =	vor.u32 v47, v6  }
0x65: {  	_ =	swait.ge [sflag:s12], $0x1000;
	v7 =	vxor.u32 v2, v7;
	v5 =	vor.u32 v48, v5;
	v6 =	vxor.u32 v3, v6  }
0x66: {  	p0 =	seq.s32 s17, $0x0;
	[sflag:s12] =	ssyncset.done $0x0;
	v5 =	vxor.u32 v4, v5;
	v49 =	vshrl.u32 v6, $0x11;
	v50 =	vshll.u32 v6, $0xF  }
0x67: {  	[sflag:s12] =	ssyncadd.s32 $0xFFFFF000;
	s19 =	simm.s32 @!p0 $0x3;
	v5 =	vadd.s32 $0x1BD11BF4, v5;
	v3 =	vadd.s32 v3, v6;
	v6 =	vor.u32 v49, v50  }
0x68: {  	s20 =	simm.s32 $0x0;
	_ =	swait.ge @!p0 [sflag:s19], $0x1000;
	v59 =	vshrl.u32 v7, $0x11;
	v4 =	vadd.s32 v5, v4;
	v6 =	vxor.u32 v3, v6  }
0x69: {  	s21 =	sand.u32 $0x60, s20;
	s22 =	sand.u32 $0x1F00, s20;
	[sflag:s19] =	ssyncset.done @!p0 $0x0;
	v53 =	vshrl.u32 v5, $0x13;
	v51 =	vshrl.u32 v6, $0x6;
	v52 =	vshll.u32 v6, $0x1A  }
0x6a: {  	s30 =	sor.u32 s21, s22;
	[sflag:s19] =	ssyncadd.s32 @!p0 $0xFFFFF000;
	v5 =	vshll.u32 v5, $0xD;
	v3 =	vadd.s32 v3, v6;
	v6 =	vor.u32 v51, v52  }
0x6b: {  	v54 =	vld [tilespmem:s30+$0x0];
	v4 =	vadd.s32 $0x2A, v4;
	v5 =	vor.u32 v53, v5;
	v6 =	vxor.u32 v3, v6  }
0x6c: {  	v5 =	vxor.u32 v4, v5;
	v55 =	vshrl.u32 v6, $0x1A;
	v56 =	vshll.u32 v6, $0x6  }
0x6d: {  	v57 =	vshrl.u32 v5, $0x11;
	v3 =	vadd.s32 v3, v6;
	v6 =	vor.u32 v55, v56  }
0x6e: {  	v58 =	vshll.u32 v5, $0xF;
	v4 =	vadd.s32 v4, v5;
	v6 =	vxor.u32 v3, v6  }
0x6f: {  	v5 =	vor.u32 v57, v58;
	v3 =	vadd.s32 $0x1BD11BF0, v3;
	v6 =	vadd.s32 $0x5, v6  }
0x70: {  	v5 =	vxor.u32 v4, v5;
	v3 =	vxor.u32 v3, v6;
	v6 =	vadd.f32 v54, v54  }
0x71: {  	s31 =	simm.s32 $0x10;
	v60 =	vshll.u32 v5, $0x1A;
	v4 =	vadd.s32 v4, v5;
	vm0 =	vgt.s32 v3, $0xFFFFFFFF  }
0x72: {  	s21 =	sand.u32 $0x70, s31;
	v3 =	vshrl.u32 v5, $0x6;
	v5 =	vshll.u32 v7, $0xF;
	v6 =	vsel vm0, $0x0, v6  }
0x73: {  	s24 =	sor.u32 s22, s21;
	v2 =	vadd.s32 v2, v7;
	v3 =	vor.u32 v3, v60;
	v5 =	vor.u32 v59, v5;
	[tilespmem:s30+$0x2000] =	vst v6  }
0x74: {  	v3 =	vxor.u32 v4, v3;
	v6 =	vshrl.u32 v8, $0x11;
	v8 =	vshll.u32 v8, $0xF;
	v7 =	vld [tilespmem:s24+$0x0]  }
0x75: {  	v5 =	vxor.u32 v2, v5;
	v61 =	vshrl.u32 v3, $0x1A;
	v62 =	vshll.u32 v3, $0x6  }
0x76: {  	v3 =	vadd.s32 v4, v3;
	v6 =	vor.u32 v6, v8;
	v4 =	vor.u32 v61, v62  }
0x77: {  	v2 =	vadd.s32 v2, v5;
	v6 =	vxor.u32 v1, v6;
	v4 =	vxor.u32 v3, v4  }
0x78: {  	v3 =	vadd.s32 $0x1BD11BF0, v3;
	v63 =	vshll.u32 v6, $0x1A;
	v4 =	vadd.s32 $0x5, v4  }
0x79: {  	v3 =	vxor.u32 v3, v4;
	v4 =	vadd.f32 v7, v7;
	v7 =	vshrl.u32 v5, $0x6  }
0x7a: {  	v5 =	vshll.u32 v5, $0x1A;
	vm15 =	vgt.s32 v3, $0xFFFFFFFF;
	v3 =	vshrl.u32 v6, $0x6  }
0x7b: {  	v6 =	vadd.s32 v1, v6;
	v5 =	vor.u32 v7, v5;
	v1 =	vor.u32 v3, v63  }
0x7c: {  	v3 =	vsel vm15, $0x0, v4;
	v4 =	vxor.u32 v2, v5;
	v5 =	vxor.u32 v6, v1  }
0x7d: {  	v1 =	vadd.s32 v2, v4;
	v2 =	vshrl.u32 v4, $0x1A;
	v4 =	vshll.u32 v4, $0x6  }
0x7e: {  	s23 =	simm.s32 $0x2;
	s19 =	sshll.u32 s17, $0xD;
	v7 =	vshll.u32 v5, $0x6;
	v2 =	vor.u32 v2, v4;
	v4 =	vshrl.u32 v5, $0x1A  }
0x7f: {  	s22 =	simm.s32 $0x20;
	s21 =	sadd.s32 s4, s19;
	[tilespmem:s24+$0x2000] =	vst v3;
	v3 =	vadd.s32 v6, v5;
	s24 =	simm.s32 $0x40;
	v2 =	vxor.u32 v1, v2;
	v4 =	vor.u32 v4, v7  }
.LBB2_7:
0x80: {  	s25 =	sadd.s32 s24, s18;
	v5 =	vadd.s32 $0x1BD11BF1, v2;
	v4 =	vxor.u32 v3, v4  }
0x81: {  	v2 =	vadd.s32 s25, v0;
	v1 =	vadd.s32 v5, v1;
	v4 =	vadd.s32 $0x1BD11BF1, v4  }
0x82: {  	v6 =	vshrl.u32 v5, $0xF;
	v5 =	vshll.u32 v5, $0x11;
	v3 =	vadd.s32 v4, v3  }
0x83: {  	v7 =	vadd.s32 $0x2A, v1;
	v1 =	vshrl.u32 v4, $0xF;
	v4 =	vshll.u32 v4, $0x11  }
0x84: {  	s25 =	sadd.s32 $0x10, s25;
	v5 =	vor.u32 v6, v5;
	v3 =	vadd.s32 $0x2A, v3;
	v4 =	vor.u32 v1, v4  }
0x85: {  	v1 =	vadd.s32 s25, v0;
	v5 =	vxor.u32 v7, v5;
	v4 =	vxor.u32 v3, v4  }
0x86: {  	v6 =	vadd.s32 v7, v5;
	v7 =	vshrl.u32 v5, $0x3;
	v5 =	vshll.u32 v5, $0x1D  }
0x87: {  	v5 =	vor.u32 v7, v5;
	v7 =	vshrl.u32 v4, $0x3;
	v8 =	vshll.u32 v4, $0x1D  }
0x88: {  	v3 =	vadd.s32 v3, v4;
	v5 =	vxor.u32 v6, v5;
	v4 =	vor.u32 v7, v8  }
0x89: {  	v6 =	vadd.s32 v6, v5;
	v7 =	vshrl.u32 v5, $0x10;
	v4 =	vxor.u32 v3, v4  }
0x8a: {  	v5 =	vshll.u32 v5, $0x10;
	v8 =	vshrl.u32 v4, $0x10;
	v9 =	vshll.u32 v4, $0x10  }
0x8b: {  	v5 =	vor.u32 v7, v5;
	v3 =	vadd.s32 v3, v4;
	v4 =	vor.u32 v8, v9  }
0x8c: {  	v7 =	vshrl.u32 v2, $0x13;
	v5 =	vxor.u32 v6, v5;
	v4 =	vxor.u32 v3, v4  }
0x8d: {  	v6 =	vadd.s32 v6, v5;
	v8 =	vshrl.u32 v5, $0x8;
	v5 =	vshll.u32 v5, $0x18  }
0x8e: {  	v5 =	vor.u32 v8, v5;
	v8 =	vshrl.u32 v4, $0x8;
	v9 =	vshll.u32 v4, $0x18  }
0x8f: {  	v3 =	vadd.s32 v3, v4;
	v5 =	vxor.u32 v6, v5;
	v4 =	vor.u32 v8, v9  }
0x90: {  	v8 =	vshll.u32 v2, $0xD;
	v5 =	vadd.s32 $0x2, v5;
	v4 =	vxor.u32 v3, v4  }
0x91: {  	v9 =	vshrl.u32 v1, $0x13;
	v6 =	vadd.s32 v5, v6;
	v4 =	vadd.s32 $0x2, v4  }
0x92: {  	v10 =	vshrl.u32 v5, $0x13;
	v5 =	vshll.u32 v5, $0xD;
	v3 =	vadd.s32 v4, v3  }
0x93: {  	v6 =	vadd.s32 $0x1BD11BF0, v6;
	v11 =	vshrl.u32 v4, $0x13;
	v4 =	vshll.u32 v4, $0xD  }
0x94: {  	v5 =	vor.u32 v10, v5;
	v3 =	vadd.s32 $0x1BD11BF0, v3;
	v4 =	vor.u32 v11, v4  }
0x95: {  	v10 =	vshll.u32 v1, $0xD;
	v5 =	vxor.u32 v6, v5;
	v4 =	vxor.u32 v3, v4  }
0x96: {  	v6 =	vadd.s32 v6, v5;
	v11 =	vshrl.u32 v5, $0x11;
	v5 =	vshll.u32 v5, $0xF  }
0x97: {  	v5 =	vor.u32 v11, v5;
	v11 =	vshrl.u32 v4, $0x11;
	v12 =	vshll.u32 v4, $0xF  }
0x98: {  	v3 =	vadd.s32 v3, v4;
	v5 =	vxor.u32 v6, v5;
	v4 =	vor.u32 v11, v12  }
0x99: {  	v6 =	vadd.s32 v6, v5;
	v11 =	vshrl.u32 v5, $0x6;
	v4 =	vxor.u32 v3, v4  }
0x9a: {  	v5 =	vshll.u32 v5, $0x1A;
	v12 =	vshrl.u32 v4, $0x6;
	v13 =	vshll.u32 v4, $0x1A  }
0x9b: {  	v5 =	vor.u32 v11, v5;
	v3 =	vadd.s32 v3, v4;
	v4 =	vor.u32 v12, v13  }
0x9c: {  	v7 =	vor.u32 v7, v8;
	v5 =	vxor.u32 v6, v5;
	v4 =	vxor.u32 v3, v4  }
0x9d: {  	v6 =	vadd.s32 v6, v5;
	v8 =	vshrl.u32 v5, $0x1A;
	v5 =	vshll.u32 v5, $0x6  }
0x9e: {  	v5 =	vor.u32 v8, v5;
	v8 =	vshrl.u32 v4, $0x1A;
	v11 =	vshll.u32 v4, $0x6  }
0x9f: {  	v3 =	vadd.s32 v3, v4;
	v5 =	vxor.u32 v6, v5;
	v4 =	vor.u32 v8, v11  }
0xa0: {  	v8 =	vor.u32 v9, v10;
	v5 =	vadd.s32 $0x2D, v5;
	v4 =	vxor.u32 v3, v4  }
0xa1: {  	v9 =	vshrl.u32 v5, $0xF;
	v10 =	vshll.u32 v5, $0x11;
	v4 =	vadd.s32 $0x2D, v4  }
0xa2: {  	v5 =	vadd.s32 v6, v5;
	v6 =	vor.u32 v9, v10;
	v3 =	vadd.s32 v3, v4  }
0xa3: {  	v9 =	vshrl.u32 v4, $0xF;
	v4 =	vshll.u32 v4, $0x11;
	v6 =	vxor.u32 v5, v6  }
0xa4: {  	v4 =	vor.u32 v9, v4;
	v10 =	vshrl.u32 v6, $0x3;
	v11 =	vshll.u32 v6, $0x1D  }
0xa5: {  	v5 =	vadd.s32 v5, v6;
	v4 =	vxor.u32 v3, v4;
	v6 =	vor.u32 v10, v11  }
0xa6: {  	v3 =	vadd.s32 v3, v4;
	v9 =	vshrl.u32 v4, $0x3;
	v6 =	vxor.u32 v5, v6  }
0xa7: {  	v4 =	vshll.u32 v4, $0x1D;
	v10 =	vshrl.u32 v6, $0x10;
	v11 =	vshll.u32 v6, $0x10  }
0xa8: {  	v4 =	vor.u32 v9, v4;
	v5 =	vadd.s32 v5, v6;
	v6 =	vor.u32 v10, v11  }
0xa9: {  	v7 =	vxor.u32 v2, v7;
	v4 =	vxor.u32 v3, v4;
	v6 =	vxor.u32 v5, v6  }
0xaa: {  	v11 =	vshrl.u32 v4, $0x10;
	v9 =	vshrl.u32 v6, $0x8;
	v10 =	vshll.u32 v6, $0x18  }
0xab: {  	v5 =	vadd.s32 v5, v6;
	v6 =	vor.u32 v9, v10;
	v9 =	vshll.u32 v4, $0x10  }
0xac: {  	v3 =	vadd.s32 v3, v4;
	v6 =	vxor.u32 v5, v6;
	v4 =	vor.u32 v11, v9  }
0xad: {  	v8 =	vxor.u32 v1, v8;
	v6 =	vadd.s32 $0x1BD11BF4, v6;
	v4 =	vxor.u32 v3, v4  }
0xae: {  	v5 =	vadd.s32 v6, v5;
	v9 =	vshrl.u32 v6, $0x13;
	v6 =	vshll.u32 v6, $0xD  }
0xaf: {  	v3 =	vadd.s32 v3, v4;
	v5 =	vadd.s32 $0x2A, v5;
	v6 =	vor.u32 v9, v6  }
0xb0: {  	v9 =	vshrl.u32 v4, $0x8;
	v4 =	vshll.u32 v4, $0x18;
	v6 =	vxor.u32 v5, v6  }
0xb1: {  	v4 =	vor.u32 v9, v4;
	v10 =	vshrl.u32 v6, $0x11;
	v11 =	vshll.u32 v6, $0xF  }
0xb2: {  	v5 =	vadd.s32 v5, v6;
	v4 =	vxor.u32 v3, v4;
	v6 =	vor.u32 v10, v11  }
0xb3: {  	s20 =	sadd.s32 $0x40, s20;
	v2 =	vadd.s32 v2, v7;
	v4 =	vadd.s32 $0x1BD11BF4, v4;
	v6 =	vxor.u32 v5, v6  }
0xb4: {  	s26 =	sand.u32 $0x1F00, s20;
	s25 =	sand.u32 $0x60, s22;
	v3 =	vadd.s32 v4, v3;
	v9 =	vshrl.u32 v6, $0x6;
	v10 =	vshll.u32 v6, $0x1A  }
0xb5: {  	s25 =	sor.u32 s25, s26;
	v5 =	vadd.s32 v5, v6;
	v6 =	vor.u32 v9, v10;
	v9 =	vshrl.u32 v4, $0x13  }
0xb6: {  	v3 =	vadd.s32 $0x2A, v3;
	v4 =	vshll.u32 v4, $0xD;
	v6 =	vxor.u32 v5, v6;
	v10 =	vld [tilespmem:s25+$0x0]  }
0xb7: {  	v4 =	vor.u32 v9, v4;
	v11 =	vshrl.u32 v6, $0x1A;
	v12 =	vshll.u32 v6, $0x6  }
0xb8: {  	v5 =	vadd.s32 v5, v6;
	v4 =	vxor.u32 v3, v4;
	v6 =	vor.u32 v11, v12  }
0xb9: {  	v3 =	vadd.s32 v3, v4;
	v9 =	vshrl.u32 v4, $0x11;
	v6 =	vxor.u32 v5, v6  }
0xba: {  	v4 =	vshll.u32 v4, $0xF;
	v5 =	vadd.s32 $0x1BD11BF0, v5;
	v6 =	vadd.s32 $0x5, v6  }
0xbb: {  	v4 =	vor.u32 v9, v4;
	v5 =	vxor.u32 v5, v6;
	v6 =	vadd.f32 v10, v10  }
0xbc: {  	s28 =	sadd.s32 $0x10, s22;
	s22 =	smov.u32 s24;
	v9 =	vshrl.u32 v7, $0x11;
	v4 =	vxor.u32 v3, v4;
	vm0 =	vgt.s32 v5, $0xFFFFFFFF  }
0xbd: {  	s28 =	sand.u32 $0x70, s28;
	v10 =	vshll.u32 v4, $0x1A;
	v5 =	vsel vm0, $0x0, v6;
	v6 =	vshrl.u32 v4, $0x6  }
0xbe: {  	v7 =	vshll.u32 v7, $0xF;
	v3 =	vadd.s32 v3, v4;
	[tilespmem:s25+$0x2000] =	vst v5;
	v4 =	vor.u32 v6, v10;
	s25 =	sor.u32 s26, s28  }
0xbf: {  	v1 =	vadd.s32 v1, v8;
	v5 =	vshrl.u32 v8, $0x11;
	v4 =	vxor.u32 v3, v4;
	v6 =	vld [tilespmem:s25+$0x0]  }
0xc0: {  	v8 =	vshll.u32 v8, $0xF;
	v10 =	vshrl.u32 v4, $0x1A;
	v11 =	vshll.u32 v4, $0x6  }
0xc1: {  	v7 =	vor.u32 v9, v7;
	v3 =	vadd.s32 v3, v4;
	v4 =	vor.u32 v10, v11  }
0xc2: {  	v7 =	vxor.u32 v2, v7;
	v5 =	vor.u32 v5, v8;
	v4 =	vxor.u32 v3, v4  }
0xc3: {  	v5 =	vxor.u32 v1, v5;
	v3 =	vadd.s32 $0x1BD11BF0, v3;
	v4 =	vadd.s32 $0x5, v4  }
0xc4: {  	s23 =	sadd.s32 $0x2, s23;
	v2 =	vadd.s32 v2, v7;
	v3 =	vxor.u32 v3, v4;
	v4 =	vadd.f32 v6, v6  }
0xc5: {  	p1 =	slt.u32 s23, $0xFE;
	v6 =	vshrl.u32 v7, $0x6;
	v7 =	vshll.u32 v7, $0x1A;
	vm0 =	vgt.s32 v3, $0xFFFFFFFF  }
0xc6: {  	v8 =	vshll.u32 v5, $0x1A;
	v3 =	vshrl.u32 v5, $0x6;
	v4 =	vsel vm0, $0x0, v4  }
.Ltmp4:
0xc7: {  	v6 =	vor.u32 v6, v7;
	v5 =	vadd.s32 v1, v5;
	v1 =	vor.u32 v3, v8;
	[tilespmem:s25+$0x2000] =	vst v4;
	(pc) =	sbr.rel @p1 .LBB2_7-.Ltmp4, $4  }
0xc8: {  	v3 =	vxor.u32 v2, v6;
	v4 =	vxor.u32 v5, v1  }
0xc9: {  	v1 =	vadd.s32 v2, v3;
	v2 =	vshrl.u32 v3, $0x1A;
	v3 =	vshll.u32 v3, $0x6  }
0xca: {  	v2 =	vor.u32 v2, v3;
	v6 =	vshrl.u32 v4, $0x1A;
	v7 =	vshll.u32 v4, $0x6  }
0xcb: {  	s24 =	sadd.s32 $0x20, s24;
	v3 =	vadd.s32 v5, v4;
	v2 =	vxor.u32 v1, v2;
	v4 =	vor.u32 v6, v7  }
0xcc: {  	v2 =	vadd.s32 $0x1BD11BF1, v2;
	v4 =	vxor.u32 v3, v4  }
0xcd: {  	v1 =	vadd.s32 v2, v1;
	v4 =	vadd.s32 $0x1BD11BF1, v4  }
0xce: {  	v5 =	vshrl.u32 v2, $0xF;
	v2 =	vshll.u32 v2, $0x11;
	v3 =	vadd.s32 v4, v3  }
0xcf: {  	v1 =	vadd.s32 $0x2A, v1;
	v6 =	vshrl.u32 v4, $0xF;
	v4 =	vshll.u32 v4, $0x11  }
0xd0: {  	v2 =	vor.u32 v5, v2;
	v3 =	vadd.s32 $0x2A, v3;
	v4 =	vor.u32 v6, v4  }
0xd1: {  	v2 =	vxor.u32 v1, v2;
	v4 =	vxor.u32 v3, v4  }
0xd2: {  	v1 =	vadd.s32 v1, v2;
	v13 =	vshrl.u32 v2, $0x3;
	v2 =	vshll.u32 v2, $0x1D  }
0xd3: {  	v2 =	vor.u32 v13, v2;
	v14 =	vshrl.u32 v4, $0x3;
	v15 =	vshll.u32 v4, $0x1D  }
0xd4: {  	v3 =	vadd.s32 v3, v4;
	v2 =	vxor.u32 v1, v2;
	v16 =	vor.u32 v14, v15  }
0xd5: {  	v1 =	vadd.s32 v1, v2;
	v17 =	vshrl.u32 v2, $0x10;
	v4 =	vxor.u32 v3, v16  }
0xd6: {  	v2 =	vshll.u32 v2, $0x10;
	v18 =	vshrl.u32 v4, $0x10;
	v7 =	vshll.u32 v4, $0x10  }
0xd7: {  	v2 =	vor.u32 v17, v2;
	v3 =	vadd.s32 v3, v4;
	v19 =	vor.u32 v18, v7  }
0xd8: {  	v2 =	vxor.u32 v1, v2;
	v4 =	vxor.u32 v3, v19  }
0xd9: {  	v1 =	vadd.s32 v1, v2;
	v20 =	vshrl.u32 v2, $0x8;
	v2 =	vshll.u32 v2, $0x18  }
0xda: {  	v2 =	vor.u32 v20, v2;
	v21 =	vshrl.u32 v4, $0x8;
	v22 =	vshll.u32 v4, $0x18  }
0xdb: {  	v3 =	vadd.s32 v3, v4;
	v2 =	vxor.u32 v1, v2;
	v23 =	vor.u32 v21, v22  }
0xdc: {  	v2 =	vadd.s32 $0x2, v2;
	v4 =	vxor.u32 v3, v23  }
0xdd: {  	v1 =	vadd.s32 v2, v1;
	v4 =	vadd.s32 $0x2, v4  }
0xde: {  	v24 =	vshrl.u32 v2, $0x13;
	v2 =	vshll.u32 v2, $0xD;
	v3 =	vadd.s32 v4, v3  }
0xdf: {  	v1 =	vadd.s32 $0x1BD11BF0, v1;
	v25 =	vshrl.u32 v4, $0x13;
	v4 =	vshll.u32 v4, $0xD  }
0xe0: {  	v2 =	vor.u32 v24, v2;
	v3 =	vadd.s32 $0x1BD11BF0, v3;
	v4 =	vor.u32 v25, v4  }
0xe1: {  	v2 =	vxor.u32 v1, v2;
	v4 =	vxor.u32 v3, v4  }
0xe2: {  	v1 =	vadd.s32 v1, v2;
	v26 =	vshrl.u32 v2, $0x11;
	v2 =	vshll.u32 v2, $0xF  }
0xe3: {  	v2 =	vor.u32 v26, v2;
	v27 =	vshrl.u32 v4, $0x11;
	v28 =	vshll.u32 v4, $0xF  }
0xe4: {  	v3 =	vadd.s32 v3, v4;
	v2 =	vxor.u32 v1, v2;
	v29 =	vor.u32 v27, v28  }
0xe5: {  	v1 =	vadd.s32 v1, v2;
	v30 =	vshrl.u32 v2, $0x6;
	v4 =	vxor.u32 v3, v29  }
0xe6: {  	v2 =	vshll.u32 v2, $0x1A;
	v31 =	vshrl.u32 v4, $0x6;
	v32 =	vshll.u32 v4, $0x1A  }
0xe7: {  	v2 =	vor.u32 v30, v2;
	v3 =	vadd.s32 v3, v4;
	v33 =	vor.u32 v31, v32  }
0xe8: {  	v2 =	vxor.u32 v1, v2;
	v4 =	vxor.u32 v3, v33  }
0xe9: {  	v1 =	vadd.s32 v1, v2;
	v34 =	vshrl.u32 v2, $0x1A;
	v2 =	vshll.u32 v2, $0x6  }
0xea: {  	v2 =	vor.u32 v34, v2;
	v35 =	vshrl.u32 v4, $0x1A;
	v36 =	vshll.u32 v4, $0x6  }
0xeb: {  	v3 =	vadd.s32 v3, v4;
	v2 =	vxor.u32 v1, v2;
	v37 =	vor.u32 v35, v36  }
0xec: {  	v2 =	vadd.s32 $0x2D, v2;
	v4 =	vxor.u32 v3, v37  }
0xed: {  	v38 =	vshrl.u32 v2, $0xF;
	v39 =	vshll.u32 v2, $0x11;
	v4 =	vadd.s32 $0x2D, v4  }
0xee: {  	v1 =	vadd.s32 v1, v2;
	v2 =	vor.u32 v38, v39;
	v3 =	vadd.s32 v3, v4  }
0xef: {  	v40 =	vshrl.u32 v4, $0xF;
	v4 =	vshll.u32 v4, $0x11;
	v2 =	vxor.u32 v1, v2  }
0xf0: {  	v4 =	vor.u32 v40, v4;
	v41 =	vshrl.u32 v2, $0x3;
	v42 =	vshll.u32 v2, $0x1D  }
0xf1: {  	v1 =	vadd.s32 v1, v2;
	v4 =	vxor.u32 v3, v4;
	v2 =	vor.u32 v41, v42  }
0xf2: {  	v3 =	vadd.s32 v3, v4;
	v43 =	vshrl.u32 v4, $0x3;
	v2 =	vxor.u32 v1, v2  }
0xf3: {  	v4 =	vshll.u32 v4, $0x1D;
	v44 =	vshrl.u32 v2, $0x10;
	v45 =	vshll.u32 v2, $0x10  }
0xf4: {  	v4 =	vor.u32 v43, v4;
	v1 =	vadd.s32 v1, v2;
	v2 =	vor.u32 v44, v45  }
0xf5: {  	v4 =	vxor.u32 v3, v4;
	v2 =	vxor.u32 v1, v2  }
0xf6: {  	v48 =	vshrl.u32 v4, $0x10;
	v46 =	vshrl.u32 v2, $0x8;
	v47 =	vshll.u32 v2, $0x18  }
0xf7: {  	v49 =	vshll.u32 v4, $0x10;
	v1 =	vadd.s32 v1, v2;
	v2 =	vor.u32 v46, v47  }
0xf8: {  	v3 =	vadd.s32 v3, v4;
	v50 =	vor.u32 v48, v49;
	v2 =	vxor.u32 v1, v2  }
0xf9: {  	v4 =	vxor.u32 v3, v50;
	v2 =	vadd.s32 $0x1BD11BF4, v2  }
0xfa: {  	v1 =	vadd.s32 v2, v1;
	v51 =	vshrl.u32 v2, $0x13;
	v2 =	vshll.u32 v2, $0xD  }
0xfb: {  	v3 =	vadd.s32 v3, v4;
	v1 =	vadd.s32 $0x2A, v1;
	v2 =	vor.u32 v51, v2  }
0xfc: {  	v52 =	vshrl.u32 v4, $0x8;
	v4 =	vshll.u32 v4, $0x18;
	v2 =	vxor.u32 v1, v2  }
0xfd: {  	v4 =	vor.u32 v52, v4;
	v53 =	vshrl.u32 v2, $0x11;
	v54 =	vshll.u32 v2, $0xF  }
0xfe: {  	v4 =	vxor.u32 v3, v4;
	v1 =	vadd.s32 v1, v2;
	v2 =	vor.u32 v53, v54  }
0xff: {  	s20 =	sadd.s32 $0x40, s20;
	v4 =	vadd.s32 $0x1BD11BF4, v4;
	v2 =	vxor.u32 v1, v2  }
0x100: {  	s23 =	sand.u32 $0x60, s22;
	s20 =	sand.u32 $0x1F00, s20;
	v3 =	vadd.s32 v4, v3;
	v55 =	vshrl.u32 v2, $0x6;
	v56 =	vshll.u32 v2, $0x1A  }
0x101: {  	s23 =	sor.u32 s23, s20;
	v57 =	vshrl.u32 v4, $0x13;
	v1 =	vadd.s32 v1, v2;
	v2 =	vor.u32 v55, v56  }
0x102: {  	v58 =	vld [tilespmem:s23+$0x0];
	v4 =	vshll.u32 v4, $0xD;
	v3 =	vadd.s32 $0x2A, v3;
	v2 =	vxor.u32 v1, v2  }
0x103: {  	v4 =	vor.u32 v57, v4;
	v59 =	vshrl.u32 v2, $0x1A;
	v8 =	vshll.u32 v2, $0x6  }
0x104: {  	v4 =	vxor.u32 v3, v4;
	v1 =	vadd.s32 v1, v2;
	v2 =	vor.u32 v59, v8  }
0x105: {  	v3 =	vadd.s32 v3, v4;
	v60 =	vshrl.u32 v4, $0x11;
	v2 =	vxor.u32 v1, v2  }
0x106: {  	v4 =	vshll.u32 v4, $0xF;
	v1 =	vadd.s32 $0x1BD11BF0, v1;
	v2 =	vadd.s32 $0x5, v2  }
0x107: {  	v4 =	vor.u32 v60, v4;
	v1 =	vxor.u32 v1, v2;
	v2 =	vadd.f32 v58, v58  }
0x108: {  	s30 =	sadd.s32 $0x10, s22;
	vm0 =	vgt.s32 v1, $0xFFFFFFFF;
	v1 =	vxor.u32 v3, v4  }
0x109: {  	s22 =	sand.u32 $0x70, s30;
	v2 =	vsel vm0, $0x0, v2;
	v4 =	vshrl.u32 v1, $0x6;
	v61 =	vshll.u32 v1, $0x1A  }
0x10a: {  	s22 =	sor.u32 s20, s22;
	v1 =	vadd.s32 v3, v1;
	[tilespmem:s23+$0x2000] =	vst v2;
	v2 =	vor.u32 v4, v61  }
0x10b: {  	v2 =	vxor.u32 v1, v2;
	v3 =	vld [tilespmem:s22+$0x0]  }
0x10c: {  	v62 =	vshrl.u32 v2, $0x1A;
	v63 =	vshll.u32 v2, $0x6  }
0x10d: {  	v1 =	vadd.s32 v1, v2;
	v2 =	vor.u32 v62, v63  }
0x10e: {  	v2 =	vxor.u32 v1, v2  }
0x10f: {  	v1 =	vadd.s32 $0x1BD11BF0, v1;
	v2 =	vadd.s32 $0x5, v2  }
0x110: {  	v1 =	vxor.u32 v1, v2;
	v2 =	vadd.f32 v3, v3  }
0x111: {  	s31 =	sshrl.u32 s21, $0x3;
	vm15 =	vgt.s32 v1, $0xFFFFFFFF  }
0x112: {  	s21 =	simm.s32 $0x2000;
	s20 =	sadd.s32 s5, s31;
	v1 =	vsel vm15, $0x0, v2  }
0x113: {  	s24 =	sadd.s32 $0x0, s20;
	s23 =	simm.s32 $0x2100;
	[tilespmem:s22+$0x2000] =	vst v1;
	s22 =	simm.s32 $0x10  }
.LBB2_9:
0x114: {  	[hbm4b:s24+s3] =	stream.linear.scatter [tilespmem:s21], [sflag:$0x3], $0x80, $0x38;
	[tilespmem:$0x4000] =	vst v63  }
0x115: {  	s24 =	smov.u32 s22;
	s21 =	smov.u32 s23;
	p1 =	sne.s32 s22, $0x1F0  }
.Ltmp5:
0x116: {  	s22 =	sadd.s32 $0x10, s22;
	(pc) =	sbr.rel @p1 .LBB2_9-.Ltmp5, $2  }
0x117: {  	_ =	sdelay $0x2  }
0x118: {  	s23 =	sadd.s32 $0x100, s23;
	s24 =	sadd.s32 s24, s20  }
0x119: {  	p1 =	seq.s32 s17, $0x2  }
.Ltmp6:
0x11a: {  	_ = 	snop;
	(pc) =	sbr.rel @p1 .LBB2_14-.Ltmp6, $2  }
0x11b: {  	_ =	sdelay $0x2  }
0x11c: {  	[hbm4b:s24+s3] =	stream.linear.scatter [tilespmem:s21], [sflag:$0x3], $0x80, $0x38;
	[tilespmem:$0x4000] =	vst v63  }
0x11d: {  	s20 =	sadd.s32 s19, s8  }
0x11e: {  	s20 =	sshrl.u32 s20, $0x3  }
0x11f: {  	s21 =	simm.s32 $0x0;
	s20 =	sadd.s32 s2, s20  }
0x120: {  	s22 =	simm.s32 $0x10;
	s23 =	simm.s32 $0x100;
	s24 =	sadd.s32 $0x0, s20  }
.LBB2_12:
0x121: {  	[tilespmem:s21], [sflag:$0x1] =	stream.linear.gather [hbm4b:s24+s3], $0x80, $0x38;
	[tilespmem:$0x4000] =	vst v63  }
0x122: {  	s24 =	smov.u32 s22;
	s21 =	smov.u32 s23;
	p2 =	sne.s32 s22, $0x1F0  }
.Ltmp7:
0x123: {  	s22 =	sadd.s32 $0x10, s22;
	(pc) =	sbr.rel @p2 .LBB2_12-.Ltmp7, $2  }
0x124: {  	_ =	sdelay $0x2  }
0x125: {  	s23 =	sadd.s32 $0x100, s23;
	s24 =	sadd.s32 s24, s20  }
0x126: {  	[tilespmem:s21], [sflag:$0x1] =	stream.linear.gather [hbm4b:s24+s3], $0x80, $0x38;
	[tilespmem:$0x4000] =	vst v63  }
.LBB2_14:
0x127: {  	s20 =	sadd.s32 $0x0, s18  }
0x128: {  	s21 =	sadd.s32 $0x1010, s20  }
0x129: {  	s20 =	sadd.s32 $0x1000, s20;
	v1 =	vadd.s32 s21, v0  }
0x12a: {  	v2 =	vadd.s32 s20, v0;
	v3 =	vshrl.u32 v1, $0x13  }
0x12b: {  	v4 =	vshll.u32 v1, $0xD;
	v5 =	vshrl.u32 v2, $0x13;
	v6 =	vshll.u32 v2, $0xD  }
0x12c: {  	v3 =	vor.u32 v3, v4;
	v4 =	vor.u32 v5, v6  }
0x12d: {  	v3 =	vxor.u32 v1, v3;
	v4 =	vxor.u32 v2, v4  }
0x12e: {  	v1 =	vadd.s32 v1, v3;
	v5 =	vshrl.u32 v3, $0x11;
	v3 =	vshll.u32 v3, $0xF  }
0x12f: {  	v6 =	vshrl.u32 v4, $0x11;
	v7 =	vshll.u32 v4, $0xF;
	v3 =	vor.u32 v5, v3  }
0x130: {  	v2 =	vadd.s32 v2, v4;
	v4 =	vor.u32 v6, v7;
	v3 =	vxor.u32 v1, v3  }
0x131: {  	v4 =	vxor.u32 v2, v4;
	v1 =	vadd.s32 v1, v3;
	v5 =	vshrl.u32 v3, $0x6  }
0x132: {  	v3 =	vshll.u32 v3, $0x1A;
	v6 =	vshrl.u32 v4, $0x6;
	v7 =	vshll.u32 v4, $0x1A  }
0x133: {  	v2 =	vadd.s32 v2, v4;
	v4 =	vor.u32 v6, v7;
	v3 =	vor.u32 v5, v3  }
0x134: {  	v4 =	vxor.u32 v2, v4;
	v3 =	vxor.u32 v1, v3  }
0x135: {  	v1 =	vadd.s32 v1, v3;
	v5 =	vshrl.u32 v3, $0x1A;
	v3 =	vshll.u32 v3, $0x6  }
0x136: {  	v6 =	vshrl.u32 v4, $0x1A;
	v7 =	vshll.u32 v4, $0x6;
	v3 =	vor.u32 v5, v3  }
0x137: {  	v2 =	vadd.s32 v2, v4;
	v4 =	vor.u32 v6, v7;
	v3 =	vxor.u32 v1, v3  }
0x138: {  	v4 =	vxor.u32 v2, v4;
	v3 =	vadd.s32 $0x1BD11BF1, v3  }
0x139: {  	v4 =	vadd.s32 $0x1BD11BF1, v4;
	v1 =	vadd.s32 v3, v1  }
0x13a: {  	v2 =	vadd.s32 v4, v2;
	v5 =	vshrl.u32 v3, $0xF;
	v3 =	vshll.u32 v3, $0x11  }
0x13b: {  	s26 =	sadd.s32 $0x20, s18;
	v6 =	vshrl.u32 v4, $0xF;
	v4 =	vshll.u32 v4, $0x11;
	v1 =	vadd.s32 $0x2A, v1  }
0x13c: {  	s28 =	sadd.s32 $0x1010, s26;
	v7 =	vadd.s32 $0x2A, v2;
	v4 =	vor.u32 v6, v4;
	v3 =	vor.u32 v5, v3  }
0x13d: {  	v2 =	vadd.s32 s28, v0;
	v4 =	vxor.u32 v7, v4;
	v3 =	vxor.u32 v1, v3  }
0x13e: {  	v1 =	vadd.s32 v1, v3;
	v5 =	vshrl.u32 v3, $0x3;
	v3 =	vshll.u32 v3, $0x1D  }
0x13f: {  	v6 =	vshrl.u32 v4, $0x3;
	v8 =	vshll.u32 v4, $0x1D;
	v3 =	vor.u32 v5, v3  }
0x140: {  	v4 =	vadd.s32 v7, v4;
	v5 =	vor.u32 v6, v8;
	v3 =	vxor.u32 v1, v3  }
0x141: {  	v5 =	vxor.u32 v4, v5;
	v6 =	vadd.s32 v1, v3;
	v1 =	vshrl.u32 v3, $0x10  }
0x142: {  	v7 =	vshrl.u32 v5, $0x10;
	v8 =	vshll.u32 v5, $0x10;
	v3 =	vshll.u32 v3, $0x10  }
0x143: {  	s20 =	sadd.s32 $0x1000, s26;
	v4 =	vadd.s32 v4, v5;
	v5 =	vor.u32 v7, v8;
	v3 =	vor.u32 v1, v3  }
0x144: {  	v1 =	vadd.s32 s20, v0;
	v5 =	vxor.u32 v4, v5;
	v3 =	vxor.u32 v6, v3  }
0x145: {  	v6 =	vadd.s32 v6, v3;
	v7 =	vshrl.u32 v3, $0x8;
	v3 =	vshll.u32 v3, $0x18  }
0x146: {  	v8 =	vshrl.u32 v5, $0x8;
	v9 =	vshll.u32 v5, $0x18;
	v3 =	vor.u32 v7, v3  }
0x147: {  	v4 =	vadd.s32 v4, v5;
	v5 =	vor.u32 v8, v9;
	v3 =	vxor.u32 v6, v3  }
0x148: {  	v30 =	vshrl.u32 v1, $0x13;
	v5 =	vxor.u32 v4, v5;
	v3 =	vadd.s32 $0x2, v3  }
0x149: {  	v35 =	vshll.u32 v1, $0xD;
	v5 =	vadd.s32 $0x2, v5;
	v6 =	vadd.s32 v3, v6  }
0x14a: {  	v4 =	vadd.s32 v5, v4;
	v29 =	vshrl.u32 v3, $0x13;
	v3 =	vshll.u32 v3, $0xD  }
0x14b: {  	v10 =	vshrl.u32 v5, $0x13;
	v5 =	vshll.u32 v5, $0xD;
	v6 =	vadd.s32 $0x1BD11BF0, v6  }
0x14c: {  	v4 =	vadd.s32 $0x1BD11BF0, v4;
	v5 =	vor.u32 v10, v5;
	v3 =	vor.u32 v29, v3  }
0x14d: {  	v7 =	vshrl.u32 v2, $0x13;
	v5 =	vxor.u32 v4, v5;
	v3 =	vxor.u32 v6, v3  }
0x14e: {  	v6 =	vadd.s32 v6, v3;
	v31 =	vshrl.u32 v3, $0x11;
	v3 =	vshll.u32 v3, $0xF  }
0x14f: {  	v11 =	vshrl.u32 v5, $0x11;
	v12 =	vshll.u32 v5, $0xF;
	v3 =	vor.u32 v31, v3  }
0x150: {  	v4 =	vadd.s32 v4, v5;
	v5 =	vor.u32 v11, v12;
	v3 =	vxor.u32 v6, v3  }
0x151: {  	v5 =	vxor.u32 v4, v5;
	v6 =	vadd.s32 v6, v3;
	v32 =	vshrl.u32 v3, $0x6  }
0x152: {  	v33 =	vshrl.u32 v5, $0x6;
	v34 =	vshll.u32 v5, $0x1A;
	v3 =	vshll.u32 v3, $0x1A  }
0x153: {  	v4 =	vadd.s32 v4, v5;
	v5 =	vor.u32 v33, v34;
	v3 =	vor.u32 v32, v3  }
0x154: {  	v8 =	vshll.u32 v2, $0xD;
	v5 =	vxor.u32 v4, v5;
	v3 =	vxor.u32 v6, v3  }
0x155: {  	v36 =	vshrl.u32 v5, $0x1A;
	v37 =	vshll.u32 v5, $0x6;
	v13 =	vshrl.u32 v3, $0x1A  }
0x156: {  	v4 =	vadd.s32 v4, v5;
	v38 =	vshll.u32 v3, $0x6;
	v5 =	vor.u32 v36, v37  }
0x157: {  	v3 =	vadd.s32 v6, v3;
	v6 =	vor.u32 v13, v38;
	v5 =	vxor.u32 v4, v5  }
0x158: {  	v7 =	vor.u32 v7, v8;
	v6 =	vxor.u32 v3, v6;
	v5 =	vadd.s32 $0x2D, v5  }
0x159: {  	v6 =	vadd.s32 $0x2D, v6;
	v8 =	vshrl.u32 v5, $0xF;
	v39 =	vshll.u32 v5, $0x11  }
0x15a: {  	v4 =	vadd.s32 v4, v5;
	v3 =	vadd.s32 v3, v6;
	v5 =	vor.u32 v8, v39  }
0x15b: {  	v8 =	vshrl.u32 v6, $0xF;
	v6 =	vshll.u32 v6, $0x11;
	v5 =	vxor.u32 v4, v5  }
0x15c: {  	v6 =	vor.u32 v8, v6;
	v40 =	vshrl.u32 v5, $0x3;
	v41 =	vshll.u32 v5, $0x1D  }
0x15d: {  	v4 =	vadd.s32 v4, v5;
	v6 =	vxor.u32 v3, v6;
	v5 =	vor.u32 v40, v41  }
0x15e: {  	v3 =	vadd.s32 v3, v6;
	v8 =	vshrl.u32 v6, $0x3;
	v5 =	vxor.u32 v4, v5  }
0x15f: {  	v6 =	vshll.u32 v6, $0x1D;
	v42 =	vshrl.u32 v5, $0x10;
	v43 =	vshll.u32 v5, $0x10  }
0x160: {  	v6 =	vor.u32 v8, v6;
	v4 =	vadd.s32 v4, v5;
	v5 =	vor.u32 v42, v43  }
0x161: {  	v7 =	vxor.u32 v2, v7;
	v6 =	vxor.u32 v3, v6;
	v5 =	vxor.u32 v4, v5  }
0x162: {  	v46 =	vshrl.u32 v6, $0x10;
	v44 =	vshrl.u32 v5, $0x8;
	v45 =	vshll.u32 v5, $0x18  }
0x163: {  	v47 =	vshll.u32 v6, $0x10;
	v4 =	vadd.s32 v4, v5;
	v5 =	vor.u32 v44, v45  }
0x164: {  	v3 =	vadd.s32 v3, v6;
	v6 =	vor.u32 v46, v47;
	v5 =	vxor.u32 v4, v5  }
0x165: {  	v2 =	vadd.s32 v2, v7;
	v6 =	vxor.u32 v3, v6;
	v5 =	vadd.s32 $0x1BD11BF4, v5  }
0x166: {  	v4 =	vadd.s32 v5, v4;
	v48 =	vshrl.u32 v5, $0x13;
	v5 =	vshll.u32 v5, $0xD  }
0x167: {  	v3 =	vadd.s32 v3, v6;
	v4 =	vadd.s32 $0x2A, v4;
	v5 =	vor.u32 v48, v5  }
0x168: {  	v49 =	vshrl.u32 v6, $0x8;
	v6 =	vshll.u32 v6, $0x18;
	v5 =	vxor.u32 v4, v5  }
0x169: {  	_ =	swait.ge [sflag:s13], $0x1000;
	v6 =	vor.u32 v49, v6;
	v50 =	vshrl.u32 v5, $0x11;
	v51 =	vshll.u32 v5, $0xF  }
0x16a: {  	[sflag:s13] =	ssyncset.done $0x0;
	v6 =	vxor.u32 v3, v6;
	v4 =	vadd.s32 v4, v5;
	v5 =	vor.u32 v50, v51  }
0x16b: {  	[sflag:s13] =	ssyncadd.s32 $0xFFFFF000;
	s21 =	simm.s32 @!p0 $0x4;
	v60 =	vshrl.u32 v7, $0x11;
	v6 =	vadd.s32 $0x1BD11BF4, v6;
	v5 =	vxor.u32 v4, v5  }
0x16c: {  	_ =	swait.ge @!p0 [sflag:s21], $0x1000;
	s20 =	simm.s32 $0x0;
	v3 =	vadd.s32 v6, v3;
	v52 =	vshrl.u32 v5, $0x6;
	v53 =	vshll.u32 v5, $0x1A  }
0x16d: {  	[sflag:s21] =	ssyncset.done @!p0 $0x0;
	s22 =	sand.u32 $0x60, s20;
	s23 =	sand.u32 $0x1F00, s20;
	v54 =	vshrl.u32 v6, $0x13;
	v4 =	vadd.s32 v4, v5;
	v5 =	vor.u32 v52, v53  }
0x16e: {  	[sflag:s21] =	ssyncadd.s32 @!p0 $0xFFFFF000;
	s29 =	sor.u32 s22, s23;
	v6 =	vshll.u32 v6, $0xD;
	v3 =	vadd.s32 $0x2A, v3;
	v5 =	vxor.u32 v4, v5  }
0x16f: {  	v55 =	vld [tilespmem:s29+$0x80];
	v6 =	vor.u32 v54, v6;
	v56 =	vshrl.u32 v5, $0x1A;
	v57 =	vshll.u32 v5, $0x6  }
0x170: {  	v6 =	vxor.u32 v3, v6;
	v4 =	vadd.s32 v4, v5;
	v5 =	vor.u32 v56, v57  }
0x171: {  	v8 =	vor.u32 v30, v35;
	v58 =	vshrl.u32 v6, $0x11;
	v5 =	vxor.u32 v4, v5  }
0x172: {  	v59 =	vshll.u32 v6, $0xF;
	v4 =	vadd.s32 $0x1BD11BF0, v4;
	v5 =	vadd.s32 $0x5, v5  }
0x173: {  	v3 =	vadd.s32 v3, v6;
	v4 =	vxor.u32 v4, v5;
	v5 =	vor.u32 v58, v59  }
0x174: {  	v8 =	vxor.u32 v1, v8;
	v6 =	vadd.f32 v55, v55;
	v5 =	vxor.u32 v3, v5  }
0x175: {  	s30 =	simm.s32 $0x10;
	vm0 =	vgt.s32 v4, $0xFFFFFFFF;
	v4 =	vshrl.u32 v5, $0x6;
	v61 =	vshll.u32 v5, $0x1A  }
0x176: {  	s22 =	sand.u32 $0x70, s30;
	v6 =	vsel vm0, $0x0, v6;
	v3 =	vadd.s32 v3, v5;
	v4 =	vor.u32 v4, v61  }
0x177: {  	s24 =	sor.u32 s22, s23;
	v1 =	vadd.s32 v1, v8;
	v5 =	vshll.u32 v7, $0xF;
	[tilespmem:s29+$0x2080] =	vst v6;
	v4 =	vxor.u32 v3, v4  }
0x178: {  	v6 =	vshrl.u32 v8, $0x11;
	v7 =	vld [tilespmem:s24+$0x80];
	v62 =	vshrl.u32 v4, $0x1A;
	v63 =	vshll.u32 v4, $0x6  }
0x179: {  	v8 =	vshll.u32 v8, $0xF;
	v3 =	vadd.s32 v3, v4;
	v4 =	vor.u32 v62, v63  }
0x17a: {  	v5 =	vor.u32 v60, v5;
	v6 =	vor.u32 v6, v8;
	v4 =	vxor.u32 v3, v4  }
0x17b: {  	v5 =	vxor.u32 v2, v5;
	v3 =	vadd.s32 $0x1BD11BF0, v3;
	v4 =	vadd.s32 $0x5, v4  }
0x17c: {  	v6 =	vxor.u32 v1, v6;
	v8 =	vadd.s32 v2, v5;
	v2 =	vxor.u32 v3, v4  }
0x17d: {  	v3 =	vadd.f32 v7, v7;
	v4 =	vshrl.u32 v5, $0x6;
	v5 =	vshll.u32 v5, $0x1A  }
0x17e: {  	v7 =	vshll.u32 v6, $0x1A;
	vm15 =	vgt.s32 v2, $0xFFFFFFFF;
	v2 =	vshrl.u32 v6, $0x6  }
0x17f: {  	v1 =	vadd.s32 v1, v6;
	v4 =	vor.u32 v4, v5;
	v2 =	vor.u32 v2, v7  }
0x180: {  	s31 =	sadd.s32 s19, s4;
	v5 =	vsel vm15, $0x0, v3;
	v4 =	vxor.u32 v8, v4;
	v2 =	vxor.u32 v1, v2  }
0x181: {  	s21 =	sadd.s32 $0x1000, s31;
	v3 =	vadd.s32 v8, v4;
	v6 =	vshrl.u32 v4, $0x1A;
	v7 =	vshll.u32 v4, $0x6  }
0x182: {  	s22 =	simm.s32 $0x20;
	s23 =	simm.s32 $0x2;
	[tilespmem:s24+$0x2080] =	vst v5;
	s24 =	simm.s32 $0x40;
	v4 =	vshrl.u32 v2, $0x1A;
	v5 =	vshll.u32 v2, $0x6;
	v6 =	vor.u32 v6, v7  }
.LBB2_15:
0x183: {  	s25 =	sadd.s32 s24, s18;
	v1 =	vadd.s32 v1, v2;
	v2 =	vor.u32 v4, v5;
	v4 =	vxor.u32 v3, v6  }
0x184: {  	s26 =	sadd.s32 $0x1010, s25;
	v5 =	vxor.u32 v1, v2;
	v4 =	vadd.s32 $0x1BD11BF1, v4  }
0x185: {  	v2 =	vadd.s32 s26, v0;
	v5 =	vadd.s32 $0x1BD11BF1, v5;
	v3 =	vadd.s32 v4, v3  }
0x186: {  	v6 =	vshrl.u32 v4, $0xF;
	v4 =	vshll.u32 v4, $0x11;
	v1 =	vadd.s32 v5, v1  }
0x187: {  	v7 =	vshrl.u32 v5, $0xF;
	v5 =	vshll.u32 v5, $0x11;
	v3 =	vadd.s32 $0x2A, v3  }
0x188: {  	s25 =	sadd.s32 $0x1000, s25;
	v4 =	vor.u32 v6, v4;
	v8 =	vadd.s32 $0x2A, v1;
	v5 =	vor.u32 v7, v5  }
0x189: {  	v1 =	vadd.s32 s25, v0;
	v4 =	vxor.u32 v3, v4;
	v5 =	vxor.u32 v8, v5  }
0x18a: {  	v3 =	vadd.s32 v3, v4;
	v6 =	vshrl.u32 v4, $0x3;
	v4 =	vshll.u32 v4, $0x1D  }
0x18b: {  	v7 =	vshrl.u32 v5, $0x3;
	v9 =	vshll.u32 v5, $0x1D;
	v4 =	vor.u32 v6, v4  }
0x18c: {  	v5 =	vadd.s32 v8, v5;
	v6 =	vor.u32 v7, v9;
	v4 =	vxor.u32 v3, v4  }
0x18d: {  	v6 =	vxor.u32 v5, v6;
	v3 =	vadd.s32 v3, v4;
	v7 =	vshrl.u32 v4, $0x10  }
0x18e: {  	v4 =	vshll.u32 v4, $0x10;
	v8 =	vshrl.u32 v6, $0x10;
	v9 =	vshll.u32 v6, $0x10  }
0x18f: {  	v5 =	vadd.s32 v5, v6;
	v4 =	vor.u32 v7, v4;
	v6 =	vor.u32 v8, v9  }
0x190: {  	v7 =	vshrl.u32 v2, $0x13;
	v4 =	vxor.u32 v3, v4;
	v6 =	vxor.u32 v5, v6  }
0x191: {  	v3 =	vadd.s32 v3, v4;
	v8 =	vshrl.u32 v4, $0x8;
	v4 =	vshll.u32 v4, $0x18  }
0x192: {  	v9 =	vshrl.u32 v6, $0x8;
	v10 =	vshll.u32 v6, $0x18;
	v4 =	vor.u32 v8, v4  }
0x193: {  	v5 =	vadd.s32 v5, v6;
	v6 =	vor.u32 v9, v10;
	v4 =	vxor.u32 v3, v4  }
0x194: {  	v8 =	vshll.u32 v2, $0xD;
	v6 =	vxor.u32 v5, v6;
	v4 =	vadd.s32 $0x2, v4  }
0x195: {  	v9 =	vshrl.u32 v1, $0x13;
	v6 =	vadd.s32 $0x2, v6;
	v3 =	vadd.s32 v4, v3  }
0x196: {  	v10 =	vshrl.u32 v4, $0x13;
	v4 =	vshll.u32 v4, $0xD;
	v5 =	vadd.s32 v6, v5  }
0x197: {  	v11 =	vshrl.u32 v6, $0x13;
	v6 =	vshll.u32 v6, $0xD;
	v3 =	vadd.s32 $0x1BD11BF0, v3  }
0x198: {  	v4 =	vor.u32 v10, v4;
	v5 =	vadd.s32 $0x1BD11BF0, v5;
	v6 =	vor.u32 v11, v6  }
0x199: {  	v10 =	vshll.u32 v1, $0xD;
	v4 =	vxor.u32 v3, v4;
	v6 =	vxor.u32 v5, v6  }
0x19a: {  	v3 =	vadd.s32 v3, v4;
	v11 =	vshrl.u32 v4, $0x11;
	v4 =	vshll.u32 v4, $0xF  }
0x19b: {  	v12 =	vshrl.u32 v6, $0x11;
	v13 =	vshll.u32 v6, $0xF;
	v4 =	vor.u32 v11, v4  }
0x19c: {  	v5 =	vadd.s32 v5, v6;
	v6 =	vor.u32 v12, v13;
	v4 =	vxor.u32 v3, v4  }
0x19d: {  	v6 =	vxor.u32 v5, v6;
	v3 =	vadd.s32 v3, v4;
	v11 =	vshrl.u32 v4, $0x6  }
0x19e: {  	v4 =	vshll.u32 v4, $0x1A;
	v12 =	vshrl.u32 v6, $0x6;
	v13 =	vshll.u32 v6, $0x1A  }
0x19f: {  	v5 =	vadd.s32 v5, v6;
	v4 =	vor.u32 v11, v4;
	v6 =	vor.u32 v12, v13  }
0x1a0: {  	v7 =	vor.u32 v7, v8;
	v4 =	vxor.u32 v3, v4;
	v6 =	vxor.u32 v5, v6  }
0x1a1: {  	v12 =	vshrl.u32 v4, $0x1A;
	v8 =	vshrl.u32 v6, $0x1A;
	v11 =	vshll.u32 v6, $0x6  }
0x1a2: {  	v5 =	vadd.s32 v5, v6;
	v6 =	vor.u32 v8, v11;
	v8 =	vshll.u32 v4, $0x6  }
0x1a3: {  	v3 =	vadd.s32 v3, v4;
	v6 =	vxor.u32 v5, v6;
	v4 =	vor.u32 v12, v8  }
0x1a4: {  	v8 =	vor.u32 v9, v10;
	v6 =	vadd.s32 $0x2D, v6;
	v4 =	vxor.u32 v3, v4  }
0x1a5: {  	v9 =	vshrl.u32 v6, $0xF;
	v10 =	vshll.u32 v6, $0x11;
	v4 =	vadd.s32 $0x2D, v4  }
0x1a6: {  	v5 =	vadd.s32 v5, v6;
	v6 =	vor.u32 v9, v10;
	v3 =	vadd.s32 v3, v4  }
0x1a7: {  	v9 =	vshrl.u32 v4, $0xF;
	v4 =	vshll.u32 v4, $0x11;
	v6 =	vxor.u32 v5, v6  }
0x1a8: {  	v4 =	vor.u32 v9, v4;
	v10 =	vshrl.u32 v6, $0x3;
	v11 =	vshll.u32 v6, $0x1D  }
0x1a9: {  	v5 =	vadd.s32 v5, v6;
	v4 =	vxor.u32 v3, v4;
	v6 =	vor.u32 v10, v11  }
0x1aa: {  	v3 =	vadd.s32 v3, v4;
	v9 =	vshrl.u32 v4, $0x3;
	v6 =	vxor.u32 v5, v6  }
0x1ab: {  	v4 =	vshll.u32 v4, $0x1D;
	v10 =	vshrl.u32 v6, $0x10;
	v11 =	vshll.u32 v6, $0x10  }
0x1ac: {  	v4 =	vor.u32 v9, v4;
	v5 =	vadd.s32 v5, v6;
	v6 =	vor.u32 v10, v11  }
0x1ad: {  	v7 =	vxor.u32 v2, v7;
	v4 =	vxor.u32 v3, v4;
	v6 =	vxor.u32 v5, v6  }
0x1ae: {  	v11 =	vshrl.u32 v4, $0x10;
	v9 =	vshrl.u32 v6, $0x8;
	v10 =	vshll.u32 v6, $0x18  }
0x1af: {  	v5 =	vadd.s32 v5, v6;
	v6 =	vor.u32 v9, v10;
	v9 =	vshll.u32 v4, $0x10  }
0x1b0: {  	v3 =	vadd.s32 v3, v4;
	v6 =	vxor.u32 v5, v6;
	v4 =	vor.u32 v11, v9  }
0x1b1: {  	v8 =	vxor.u32 v1, v8;
	v6 =	vadd.s32 $0x1BD11BF4, v6;
	v4 =	vxor.u32 v3, v4  }
0x1b2: {  	v5 =	vadd.s32 v6, v5;
	v9 =	vshrl.u32 v6, $0x13;
	v6 =	vshll.u32 v6, $0xD  }
0x1b3: {  	v3 =	vadd.s32 v3, v4;
	v5 =	vadd.s32 $0x2A, v5;
	v6 =	vor.u32 v9, v6  }
0x1b4: {  	v9 =	vshrl.u32 v4, $0x8;
	v4 =	vshll.u32 v4, $0x18;
	v6 =	vxor.u32 v5, v6  }
0x1b5: {  	v4 =	vor.u32 v9, v4;
	v10 =	vshrl.u32 v6, $0x11;
	v11 =	vshll.u32 v6, $0xF  }
0x1b6: {  	v5 =	vadd.s32 v5, v6;
	v4 =	vxor.u32 v3, v4;
	v6 =	vor.u32 v10, v11  }
0x1b7: {  	s20 =	sadd.s32 $0x40, s20;
	v2 =	vadd.s32 v2, v7;
	v4 =	vadd.s32 $0x1BD11BF4, v4;
	v6 =	vxor.u32 v5, v6  }
0x1b8: {  	s26 =	sand.u32 $0x1F00, s20;
	s25 =	sand.u32 $0x60, s22;
	v3 =	vadd.s32 v4, v3;
	v9 =	vshrl.u32 v6, $0x6;
	v10 =	vshll.u32 v6, $0x1A  }
0x1b9: {  	s25 =	sor.u32 s25, s26;
	v5 =	vadd.s32 v5, v6;
	v6 =	vor.u32 v9, v10;
	v9 =	vshrl.u32 v4, $0x13  }
0x1ba: {  	v3 =	vadd.s32 $0x2A, v3;
	v4 =	vshll.u32 v4, $0xD;
	v6 =	vxor.u32 v5, v6;
	v10 =	vld [tilespmem:s25+$0x80]  }
0x1bb: {  	v4 =	vor.u32 v9, v4;
	v11 =	vshrl.u32 v6, $0x1A;
	v12 =	vshll.u32 v6, $0x6  }
0x1bc: {  	v5 =	vadd.s32 v5, v6;
	v4 =	vxor.u32 v3, v4;
	v6 =	vor.u32 v11, v12  }
0x1bd: {  	v3 =	vadd.s32 v3, v4;
	v9 =	vshrl.u32 v4, $0x11;
	v6 =	vxor.u32 v5, v6  }
0x1be: {  	v4 =	vshll.u32 v4, $0xF;
	v5 =	vadd.s32 $0x1BD11BF0, v5;
	v6 =	vadd.s32 $0x5, v6  }
0x1bf: {  	v4 =	vor.u32 v9, v4;
	v5 =	vxor.u32 v5, v6;
	v6 =	vadd.f32 v10, v10  }
0x1c0: {  	s28 =	sadd.s32 $0x10, s22;
	s22 =	smov.u32 s24;
	v9 =	vshrl.u32 v7, $0x11;
	v4 =	vxor.u32 v3, v4;
	vm0 =	vgt.s32 v5, $0xFFFFFFFF  }
0x1c1: {  	s28 =	sand.u32 $0x70, s28;
	v10 =	vshll.u32 v4, $0x1A;
	v5 =	vsel vm0, $0x0, v6;
	v6 =	vshrl.u32 v4, $0x6  }
0x1c2: {  	v7 =	vshll.u32 v7, $0xF;
	v3 =	vadd.s32 v3, v4;
	[tilespmem:s25+$0x2080] =	vst v5;
	v4 =	vor.u32 v6, v10;
	s25 =	sor.u32 s28, s26  }
0x1c3: {  	v1 =	vadd.s32 v1, v8;
	v5 =	vshrl.u32 v8, $0x11;
	v4 =	vxor.u32 v3, v4;
	v6 =	vld [tilespmem:s25+$0x80]  }
0x1c4: {  	v8 =	vshll.u32 v8, $0xF;
	v10 =	vshrl.u32 v4, $0x1A;
	v11 =	vshll.u32 v4, $0x6  }
0x1c5: {  	v7 =	vor.u32 v9, v7;
	v3 =	vadd.s32 v3, v4;
	v4 =	vor.u32 v10, v11  }
0x1c6: {  	v7 =	vxor.u32 v2, v7;
	v5 =	vor.u32 v5, v8;
	v4 =	vxor.u32 v3, v4  }
0x1c7: {  	s23 =	sadd.s32 $0x2, s23;
	v5 =	vxor.u32 v1, v5;
	v3 =	vadd.s32 $0x1BD11BF0, v3;
	v4 =	vadd.s32 $0x5, v4  }
0x1c8: {  	p0 =	slt.u32 s23, $0xFE;
	v8 =	vadd.s32 v2, v7;
	v2 =	vxor.u32 v3, v4;
	v3 =	vadd.f32 v6, v6  }
0x1c9: {  	v4 =	vshrl.u32 v7, $0x6;
	v6 =	vshll.u32 v7, $0x1A;
	vm0 =	vgt.s32 v2, $0xFFFFFFFF  }
.Ltmp8:
0x1ca: {  	v7 =	vshll.u32 v5, $0x1A;
	v2 =	vshrl.u32 v5, $0x6;
	v3 =	vsel vm0, $0x0, v3;
	(pc) =	sbr.rel @p0 .LBB2_15-.Ltmp8, $4  }
0x1cb: {  	v1 =	vadd.s32 v1, v5;
	v4 =	vor.u32 v4, v6;
	v2 =	vor.u32 v2, v7;
	[tilespmem:s25+$0x2080] =	vst v3  }
0x1cc: {  	v4 =	vxor.u32 v8, v4;
	v2 =	vxor.u32 v1, v2  }
0x1cd: {  	v3 =	vadd.s32 v8, v4;
	v6 =	vshrl.u32 v4, $0x1A;
	v7 =	vshll.u32 v4, $0x6  }
0x1ce: {  	s24 =	sadd.s32 $0x20, s24;
	v4 =	vshrl.u32 v2, $0x1A;
	v5 =	vshll.u32 v2, $0x6;
	v6 =	vor.u32 v6, v7  }
0x1cf: {  	v1 =	vadd.s32 v1, v2;
	v2 =	vor.u32 v4, v5;
	v14 =	vxor.u32 v3, v6  }
0x1d0: {  	v2 =	vxor.u32 v1, v2;
	v4 =	vadd.s32 $0x1BD11BF1, v14  }
0x1d1: {  	v2 =	vadd.s32 $0x1BD11BF1, v2;
	v3 =	vadd.s32 v4, v3  }
0x1d2: {  	v15 =	vshrl.u32 v4, $0xF;
	v4 =	vshll.u32 v4, $0x11;
	v1 =	vadd.s32 v2, v1  }
0x1d3: {  	v16 =	vshrl.u32 v2, $0xF;
	v2 =	vshll.u32 v2, $0x11;
	v3 =	vadd.s32 $0x2A, v3  }
0x1d4: {  	v4 =	vor.u32 v15, v4;
	v1 =	vadd.s32 $0x2A, v1;
	v2 =	vor.u32 v16, v2  }
0x1d5: {  	v4 =	vxor.u32 v3, v4;
	v2 =	vxor.u32 v1, v2  }
0x1d6: {  	v3 =	vadd.s32 v3, v4;
	v17 =	vshrl.u32 v4, $0x3;
	v4 =	vshll.u32 v4, $0x1D  }
0x1d7: {  	v18 =	vshrl.u32 v2, $0x3;
	v7 =	vshll.u32 v2, $0x1D;
	v4 =	vor.u32 v17, v4  }
0x1d8: {  	v1 =	vadd.s32 v1, v2;
	v2 =	vor.u32 v18, v7;
	v4 =	vxor.u32 v3, v4  }
0x1d9: {  	v2 =	vxor.u32 v1, v2;
	v3 =	vadd.s32 v3, v4;
	v19 =	vshrl.u32 v4, $0x10  }
0x1da: {  	v4 =	vshll.u32 v4, $0x10;
	v20 =	vshrl.u32 v2, $0x10;
	v21 =	vshll.u32 v2, $0x10  }
0x1db: {  	v1 =	vadd.s32 v1, v2;
	v4 =	vor.u32 v19, v4;
	v2 =	vor.u32 v20, v21  }
0x1dc: {  	v4 =	vxor.u32 v3, v4;
	v2 =	vxor.u32 v1, v2  }
0x1dd: {  	v3 =	vadd.s32 v3, v4;
	v22 =	vshrl.u32 v4, $0x8;
	v4 =	vshll.u32 v4, $0x18  }
0x1de: {  	v23 =	vshrl.u32 v2, $0x8;
	v24 =	vshll.u32 v2, $0x18;
	v4 =	vor.u32 v22, v4  }
0x1df: {  	v1 =	vadd.s32 v1, v2;
	v2 =	vor.u32 v23, v24;
	v4 =	vxor.u32 v3, v4  }
0x1e0: {  	v2 =	vxor.u32 v1, v2;
	v4 =	vadd.s32 $0x2, v4  }
0x1e1: {  	v2 =	vadd.s32 $0x2, v2;
	v3 =	vadd.s32 v4, v3  }
0x1e2: {  	v25 =	vshrl.u32 v4, $0x13;
	v4 =	vshll.u32 v4, $0xD;
	v1 =	vadd.s32 v2, v1  }
0x1e3: {  	v26 =	vshrl.u32 v2, $0x13;
	v2 =	vshll.u32 v2, $0xD;
	v3 =	vadd.s32 $0x1BD11BF0, v3  }
0x1e4: {  	v4 =	vor.u32 v25, v4;
	v1 =	vadd.s32 $0x1BD11BF0, v1;
	v2 =	vor.u32 v26, v2  }
0x1e5: {  	v4 =	vxor.u32 v3, v4;
	v2 =	vxor.u32 v1, v2  }
0x1e6: {  	v3 =	vadd.s32 v3, v4;
	v27 =	vshrl.u32 v4, $0x11;
	v4 =	vshll.u32 v4, $0xF  }
0x1e7: {  	v28 =	vshrl.u32 v2, $0x11;
	v29 =	vshll.u32 v2, $0xF;
	v4 =	vor.u32 v27, v4  }
0x1e8: {  	v1 =	vadd.s32 v1, v2;
	v2 =	vor.u32 v28, v29;
	v4 =	vxor.u32 v3, v4  }
0x1e9: {  	v2 =	vxor.u32 v1, v2;
	v3 =	vadd.s32 v3, v4;
	v30 =	vshrl.u32 v4, $0x6  }
0x1ea: {  	v4 =	vshll.u32 v4, $0x1A;
	v31 =	vshrl.u32 v2, $0x6;
	v32 =	vshll.u32 v2, $0x1A  }
0x1eb: {  	v1 =	vadd.s32 v1, v2;
	v4 =	vor.u32 v30, v4;
	v2 =	vor.u32 v31, v32  }
0x1ec: {  	v4 =	vxor.u32 v3, v4;
	v2 =	vxor.u32 v1, v2  }
0x1ed: {  	v35 =	vshrl.u32 v4, $0x1A;
	v33 =	vshrl.u32 v2, $0x1A;
	v34 =	vshll.u32 v2, $0x6  }
0x1ee: {  	v36 =	vshll.u32 v4, $0x6;
	v1 =	vadd.s32 v1, v2;
	v2 =	vor.u32 v33, v34  }
0x1ef: {  	v3 =	vadd.s32 v3, v4;
	v37 =	vor.u32 v35, v36;
	v2 =	vxor.u32 v1, v2  }
0x1f0: {  	v4 =	vxor.u32 v3, v37;
	v2 =	vadd.s32 $0x2D, v2  }
0x1f1: {  	v4 =	vadd.s32 $0x2D, v4;
	v38 =	vshrl.u32 v2, $0xF;
	v39 =	vshll.u32 v2, $0x11  }
0x1f2: {  	v3 =	vadd.s32 v3, v4;
	v1 =	vadd.s32 v1, v2;
	v2 =	vor.u32 v38, v39  }
0x1f3: {  	v40 =	vshrl.u32 v4, $0xF;
	v4 =	vshll.u32 v4, $0x11;
	v2 =	vxor.u32 v1, v2  }
0x1f4: {  	v4 =	vor.u32 v40, v4;
	v41 =	vshrl.u32 v2, $0x3;
	v42 =	vshll.u32 v2, $0x1D  }
0x1f5: {  	v4 =	vxor.u32 v3, v4;
	v1 =	vadd.s32 v1, v2;
	v2 =	vor.u32 v41, v42  }
0x1f6: {  	v3 =	vadd.s32 v3, v4;
	v43 =	vshrl.u32 v4, $0x3;
	v2 =	vxor.u32 v1, v2  }
0x1f7: {  	v4 =	vshll.u32 v4, $0x1D;
	v44 =	vshrl.u32 v2, $0x10;
	v45 =	vshll.u32 v2, $0x10  }
0x1f8: {  	v4 =	vor.u32 v43, v4;
	v1 =	vadd.s32 v1, v2;
	v2 =	vor.u32 v44, v45  }
0x1f9: {  	v4 =	vxor.u32 v3, v4;
	v2 =	vxor.u32 v1, v2  }
0x1fa: {  	v48 =	vshrl.u32 v4, $0x10;
	v46 =	vshrl.u32 v2, $0x8;
	v47 =	vshll.u32 v2, $0x18  }
0x1fb: {  	v49 =	vshll.u32 v4, $0x10;
	v1 =	vadd.s32 v1, v2;
	v2 =	vor.u32 v46, v47  }
0x1fc: {  	v3 =	vadd.s32 v3, v4;
	v50 =	vor.u32 v48, v49;
	v2 =	vxor.u32 v1, v2  }
0x1fd: {  	v4 =	vxor.u32 v3, v50;
	v2 =	vadd.s32 $0x1BD11BF4, v2  }
0x1fe: {  	v1 =	vadd.s32 v2, v1;
	v51 =	vshrl.u32 v2, $0x13;
	v2 =	vshll.u32 v2, $0xD  }
0x1ff: {  	v3 =	vadd.s32 v3, v4;
	v1 =	vadd.s32 $0x2A, v1;
	v2 =	vor.u32 v51, v2  }
0x200: {  	v52 =	vshrl.u32 v4, $0x8;
	v4 =	vshll.u32 v4, $0x18;
	v2 =	vxor.u32 v1, v2  }
0x201: {  	v4 =	vor.u32 v52, v4;
	v53 =	vshrl.u32 v2, $0x11;
	v54 =	vshll.u32 v2, $0xF  }
0x202: {  	v4 =	vxor.u32 v3, v4;
	v1 =	vadd.s32 v1, v2;
	v2 =	vor.u32 v53, v54  }
0x203: {  	s20 =	sadd.s32 $0x40, s20;
	v4 =	vadd.s32 $0x1BD11BF4, v4;
	v2 =	vxor.u32 v1, v2  }
0x204: {  	s23 =	sand.u32 $0x60, s22;
	s20 =	sand.u32 $0x1F00, s20;
	v3 =	vadd.s32 v4, v3;
	v55 =	vshrl.u32 v2, $0x6;
	v56 =	vshll.u32 v2, $0x1A  }
0x205: {  	s23 =	sor.u32 s23, s20;
	v57 =	vshrl.u32 v4, $0x13;
	v1 =	vadd.s32 v1, v2;
	v2 =	vor.u32 v55, v56  }
0x206: {  	v58 =	vld [tilespmem:s23+$0x80];
	v4 =	vshll.u32 v4, $0xD;
	v3 =	vadd.s32 $0x2A, v3;
	v2 =	vxor.u32 v1, v2  }
0x207: {  	v4 =	vor.u32 v57, v4;
	v59 =	vshrl.u32 v2, $0x1A;
	v8 =	vshll.u32 v2, $0x6  }
0x208: {  	v4 =	vxor.u32 v3, v4;
	v1 =	vadd.s32 v1, v2;
	v2 =	vor.u32 v59, v8  }
0x209: {  	v3 =	vadd.s32 v3, v4;
	v60 =	vshrl.u32 v4, $0x11;
	v2 =	vxor.u32 v1, v2  }
0x20a: {  	v4 =	vshll.u32 v4, $0xF;
	v1 =	vadd.s32 $0x1BD11BF0, v1;
	v2 =	vadd.s32 $0x5, v2  }
0x20b: {  	v4 =	vor.u32 v60, v4;
	v1 =	vxor.u32 v1, v2;
	v2 =	vadd.f32 v58, v58  }
0x20c: {  	s30 =	sadd.s32 $0x10, s22;
	vm0 =	vgt.s32 v1, $0xFFFFFFFF;
	v1 =	vxor.u32 v3, v4  }
0x20d: {  	s22 =	sand.u32 $0x70, s30;
	v2 =	vsel vm0, $0x0, v2;
	v4 =	vshrl.u32 v1, $0x6;
	v61 =	vshll.u32 v1, $0x1A  }
0x20e: {  	s22 =	sor.u32 s22, s20;
	v1 =	vadd.s32 v3, v1;
	[tilespmem:s23+$0x2080] =	vst v2;
	v2 =	vor.u32 v4, v61  }
0x20f: {  	v2 =	vxor.u32 v1, v2;
	v3 =	vld [tilespmem:s22+$0x80]  }
0x210: {  	v62 =	vshrl.u32 v2, $0x1A;
	v63 =	vshll.u32 v2, $0x6  }
0x211: {  	v1 =	vadd.s32 v1, v2;
	v2 =	vor.u32 v62, v63  }
0x212: {  	v2 =	vxor.u32 v1, v2  }
0x213: {  	v1 =	vadd.s32 $0x1BD11BF0, v1;
	v2 =	vadd.s32 $0x5, v2  }
0x214: {  	v1 =	vxor.u32 v1, v2;
	v2 =	vadd.f32 v3, v3  }
0x215: {  	s31 =	sshrl.u32 s21, $0x3;
	vm15 =	vgt.s32 v1, $0xFFFFFFFF  }
0x216: {  	s21 =	simm.s32 $0x2080;
	s20 =	sadd.s32 s5, s31;
	v1 =	vsel vm15, $0x0, v2  }
0x217: {  	s24 =	sadd.s32 $0x0, s20;
	s23 =	simm.s32 $0x2180;
	[tilespmem:s22+$0x2080] =	vst v1;
	s22 =	simm.s32 $0x10  }
.LBB2_17:
0x218: {  	[hbm4b:s24+s3] =	stream.linear.scatter [tilespmem:s21], [sflag:$0x4], $0x80, $0x38;
	[tilespmem:$0x4000] =	vst v63  }
0x219: {  	s24 =	smov.u32 s22;
	s21 =	smov.u32 s23;
	p0 =	sne.s32 s22, $0x1F0  }
.Ltmp9:
0x21a: {  	s22 =	sadd.s32 $0x10, s22;
	(pc) =	sbr.rel @p0 .LBB2_17-.Ltmp9, $2  }
0x21b: {  	_ =	sdelay $0x2  }
0x21c: {  	s23 =	sadd.s32 $0x100, s23;
	s24 =	sadd.s32 s24, s20  }
.Ltmp10:
0x21d: {  	(pc) =	sbr.rel @p1 .LBB2_22-.Ltmp10, $2  }
0x21e: {  	_ =	sdelay $0x2  }
0x21f: {  	[hbm4b:s24+s3] =	stream.linear.scatter [tilespmem:s21], [sflag:$0x4], $0x80, $0x38;
	[tilespmem:$0x4000] =	vst v63  }
0x220: {  	s19 =	sadd.s32 s19, s9  }
0x221: {  	s19 =	sshrl.u32 s19, $0x3  }
0x222: {  	s20 =	simm.s32 $0x80;
	s19 =	sadd.s32 s2, s19  }
0x223: {  	s21 =	simm.s32 $0x10;
	s22 =	simm.s32 $0x180;
	s23 =	sadd.s32 $0x0, s19  }
.LBB2_20:
0x224: {  	[tilespmem:s20], [sflag:$0x2] =	stream.linear.gather [hbm4b:s23+s3], $0x80, $0x38;
	[tilespmem:$0x4000] =	vst v63  }
0x225: {  	s23 =	smov.u32 s21;
	s20 =	smov.u32 s22;
	p0 =	sne.s32 s21, $0x1F0  }
.Ltmp11:
0x226: {  	s21 =	sadd.s32 $0x10, s21;
	(pc) =	sbr.rel @p0 .LBB2_20-.Ltmp11, $2  }
0x227: {  	_ =	sdelay $0x2  }
0x228: {  	s22 =	sadd.s32 $0x100, s22;
	s23 =	sadd.s32 s23, s19  }
.Ltmp12:
0x229: {  	(pc) =	sbr.rel .LBB2_6-.Ltmp12, $3  }
0x22a: {  	_ =	sdelay $0x1  }
0x22b: {  	[tilespmem:s20], [sflag:$0x2] =	stream.linear.gather [hbm4b:s23+s3], $0x80, $0x38;
	[tilespmem:$0x4000] =	vst v63  }
0x22c: {  	s17 =	sadd.s32 $0x1, s17;
	s18 =	sadd.s32 $0x2000, s18  }
.LBB2_23:
0x22d: {  	_ =	sfence.sel $0x180000  }
0x22e: {  	[bflag:$0x0] =	sbarrier.arrive $0xFFFF  }
0x22f: {  	p0 =	sne.s32 s0, $0x0;
	_ =	strace $0x90000047  }
0x230: {  	s0 =	sadd.s32 @!p0 $0x100000, s1;
	[bflag:$0x2] =	sbarrier.arrive $0xFFFF  }
0x231: {  	[sflag:s0] =	ssyncadd.tile.s32 @!p0 $0x1;
	_ =	shalt  }
.Lfunc_end2:
_tile_overlayer_lowered:
.L_overlay_start_2:
0x232: {  	(tag) =	ssettag $0x2  }
0x233: {  	s0 =	rddreg [dreg:$0x0];
	s2 =	stileid.u32  }
0x234: {  	s1 =	rddreg [dreg:$0x1];
	p0 =	sne.s32 s2, $0x0  }
0x235: {  	s3 =	rddreg [dreg:$0x2];
	[bflag:$0x3] =	sbarrier.arrive $0xFFFF;
	s2 =	simm.s32 @!p0 $0x1C05  }
0x236: {  	[timem:s3], [sflag:s2] =	dma.local @!p0 [hbm:s0], s1  }
0x237: {  	s0 =	simm.s32 @!p0 $0x5  }
0x238: {  	_ =	swait.ge @!p0 [sflag:s0], s1  }
0x239: {  	s1 =	ssub.s32 @!p0 $0x0, s1;
	[sflag:s0] =	ssyncset.done @!p0 $0x0  }
0x23a: {  	[sflag:s0] =	ssyncadd.s32 @!p0 s1  }
0x23b: {  	[bflag:$0x3] =	sbarrier.arrive $0xFFFF  }
0x23c: {  	_ =	shalt  }

</sc_bundles>
